<compile_context>
chip_gen: v7x
topology: tpu7x:2x2x1
jax: 0.10.2.dev20260603
libtpu: 0.0.44.dev20260713+nightly
codegen_flags: <defaults>
</compile_context>

<pallas_src>
import functools

import jax
import jax.numpy as jnp
from jax import lax
from jax.experimental import pallas as pl
from jax.experimental.pallas import tpu as pltpu
from jax.experimental.pallas import tpu_sc as plsc

_NUM_USERS = 500000
_B = 16384
_EMB = 64

_NW = 32
_ROWS_PER_W = _B // _NW
_CHUNK = 128
_NCHUNK = _ROWS_PER_W // _CHUNK
_NBUF = 6
_DEPTH = 3


def _body(mu_uv, sigma_uv, mu_g, sigma_g, users_i, items_i, negs_i,
          o_u_mu, o_u_sigma, o_v_mu, o_v_sigma, o_u_mu_g, o_u_sigma_g,
          o_n_mu, o_n_sigma,
          idx_u, idx_i, idx_n, bufs, gsems, wsems):
    nc = plsc.get_sparse_core_info().num_cores
    wid = lax.axis_index("s") * nc + lax.axis_index("c")
    base = wid * _ROWS_PER_W

    pltpu.sync_copy(users_i.at[wid], idx_u)
    pltpu.sync_copy(items_i.at[wid], idx_i)
    pltpu.sync_copy(negs_i.at[wid], idx_n)

    tasks = [
        (mu_uv, idx_u, o_u_mu),
        (sigma_uv, idx_u, o_u_sigma),
        (mu_uv, idx_i, o_v_mu),
        (sigma_uv, idx_i, o_v_sigma),
        (mu_g, idx_u, o_u_mu_g),
        (sigma_g, idx_u, o_u_sigma_g),
        (mu_uv, idx_n, o_n_mu),
        (sigma_uv, idx_n, o_n_sigma),
    ]
    jobs = [(tbl, idx, c, out) for (tbl, idx, out) in tasks
            for c in range(_NCHUNK)]

    n = len(jobs)
    g_h = [None] * n
    w_h = [None] * n
    for j in range(n + _DEPTH):
        if j < n:
            tbl, idx, c, out = jobs[j]
            b = j % _NBUF
            if j >= _NBUF:
                w_h[j - _NBUF].wait()
            g_h[j] = pltpu.make_async_copy(tbl.at[idx.at[c]],
                                           bufs.at[b], gsems.at[b])
            g_h[j].start()
        i = j - _DEPTH
        if i >= 0:
            tbl, idx, c, out = jobs[i]
            b = i % _NBUF
            g_h[i].wait()
            w_h[i] = pltpu.make_async_copy(
                bufs.at[b], out.at[pl.ds(base + c * _CHUNK, _CHUNK)],
                wsems.at[b])
            w_h[i].start()
    for i in range(n - _NBUF, n):
        w_h[i].wait()


@jax.jit
def _run(mu_uv, sigma_uv, mu_g, sigma_g, users_i, items_i, negs_i):
    out = jax.ShapeDtypeStruct((_B, _EMB), jnp.float32)
    kfn = pl.kernel(
        _body,
        out_type=(out,) * 8,
        mesh=plsc.VectorSubcoreMesh(core_axis_name="c", subcore_axis_name="s"),
        scratch_types=[
            pltpu.VMEM((_NCHUNK, _CHUNK), jnp.int32),
            pltpu.VMEM((_NCHUNK, _CHUNK), jnp.int32),
            pltpu.VMEM((_NCHUNK, _CHUNK), jnp.int32),
            pltpu.VMEM((_NBUF, _CHUNK, _EMB), jnp.float32),
            pltpu.SemaphoreType.DMA((_NBUF,)),
            pltpu.SemaphoreType.DMA((_NBUF,)),
        ],
        compiler_params=pltpu.CompilerParams(use_tc_tiling_on_sc=False),
    )
    return kfn(mu_uv, sigma_uv, mu_g, sigma_g, users_i, items_i, negs_i)


def kernel(users, items, neg_items, U_mu_g, U_sigma_g, U_and_V_mu,
           U_and_V_sigma):
    users_i = users.astype(jnp.int32).reshape(_NW, _NCHUNK, _CHUNK)
    items_i = (items.astype(jnp.int32) + _NUM_USERS).reshape(
        _NW, _NCHUNK, _CHUNK)
    negs_i = (neg_items.astype(jnp.int32) + _NUM_USERS).reshape(
        _NW, _NCHUNK, _CHUNK)
    return _run(U_and_V_mu, U_and_V_sigma, U_mu_g, U_sigma_g,
                users_i, items_i, negs_i)

# --- scband reference (transcript-rebuilt; emitter-appended) ---
"""Pipeline reference for scband-ppdm-6665789243908 (READ-ONLY COPY).

The authoritative reference and input builder live on the scoring server;
editing this copy changes nothing except your own understanding.
"""

import jax, jax.numpy as jnp
import numpy as np

NUM_USERS = 500000
NUM_ITEMS = 500000
EMB = 64
B = 16384


def setup_inputs(seed: int = 0) -> dict:
    key = jax.random.key(seed)
    ks = jax.random.split(key, 7)
    users = jax.random.randint(ks[0], (B,), 0, NUM_USERS)
    items = jax.random.randint(ks[1], (B,), 0, NUM_ITEMS)
    neg_items = jax.random.randint(ks[2], (B,), 0, NUM_ITEMS)
    U_and_V_mu = jax.random.normal(ks[3], (NUM_USERS + NUM_ITEMS, EMB), dtype=jnp.float32)
    U_and_V_sigma = jax.random.uniform(ks[4], (NUM_USERS + NUM_ITEMS, EMB), dtype=jnp.float32)
    U_mu_g = jax.random.normal(ks[5], (NUM_USERS, EMB), dtype=jnp.float32)
    U_sigma_g = jax.random.uniform(ks[6], (NUM_USERS, EMB), dtype=jnp.float32)
    return {
        'users': users,
        'items': items,
        'neg_items': neg_items,
        'U_mu_g': U_mu_g,
        'U_sigma_g': U_sigma_g,
        'U_and_V_mu': U_and_V_mu,
        'U_and_V_sigma': U_and_V_sigma,
    }


def _sel(memory, index):
    # my_index_select: flatten index, gather rows, reshape back with trailing feature dim
    tmp = list(index.shape) + [-1]
    flat = index.reshape(-1)
    ans = jnp.take(memory, flat, axis=0)
    return ans.reshape(tmp)


def reference(users, items, neg_items, U_mu_g, U_sigma_g, U_and_V_mu, U_and_V_sigma):
    # training-mode forward of PPDM
    u_mu = _sel(U_and_V_mu, users)
    u_sigma = _sel(U_and_V_sigma, users)
    u_mu_g = _sel(U_mu_g, users)
    u_sigma_g = _sel(U_sigma_g, users)
    v_mu = _sel(U_and_V_mu, items + NUM_USERS)
    v_sigma = _sel(U_and_V_sigma, items + NUM_USERS)
    neg_v_mu = _sel(U_and_V_mu, neg_items + NUM_USERS)
    neg_v_sigma = _sel(U_and_V_sigma, neg_items + NUM_USERS)
    return (u_mu, u_sigma, v_mu, v_sigma, u_mu_g, u_sigma_g, neg_v_mu, neg_v_sigma)

if __name__ == "__main__":
    import jax
    _d = setup_inputs()
    print(jax.jit(kernel)(*tuple(_d.values())))

</pallas_src>

<mosaic_0001>
#map = affine_map<(d0, d1) -> (0, 0)>
#map1 = affine_map<(d0, d1) -> (0, 0, 0)>
module attributes {stable_mosaic.version = 14 : i64} {
  func.func @_body(%arg0: i32, %arg1: i32, %arg2: memref<1000000x64xf32, #tpu.memory_space<hbm>>, %arg3: memref<1000000x64xf32, #tpu.memory_space<hbm>>, %arg4: memref<500000x64xf32, #tpu.memory_space<hbm>>, %arg5: memref<500000x64xf32, #tpu.memory_space<hbm>>, %arg6: memref<32x4x128xi32, #tpu.memory_space<hbm>>, %arg7: memref<32x4x128xi32, #tpu.memory_space<hbm>>, %arg8: memref<32x4x128xi32, #tpu.memory_space<hbm>>, %arg9: memref<16384x64xf32, #tpu.memory_space<hbm>>, %arg10: memref<16384x64xf32, #tpu.memory_space<hbm>>, %arg11: memref<16384x64xf32, #tpu.memory_space<hbm>>, %arg12: memref<16384x64xf32, #tpu.memory_space<hbm>>, %arg13: memref<16384x64xf32, #tpu.memory_space<hbm>>, %arg14: memref<16384x64xf32, #tpu.memory_space<hbm>>, %arg15: memref<16384x64xf32, #tpu.memory_space<hbm>>, %arg16: memref<16384x64xf32, #tpu.memory_space<hbm>>, %arg17: memref<4x128xi32, #tpu.memory_space<vmem>>, %arg18: memref<4x128xi32, #tpu.memory_space<vmem>>, %arg19: memref<4x128xi32, #tpu.memory_space<vmem>>, %arg20: memref<6x128x64xf32, #tpu.memory_space<vmem>>, %arg21: memref<6x!tpu.dma_semaphore, #tpu.memory_space<semaphore_mem>>, %arg22: memref<6x!tpu.dma_semaphore, #tpu.memory_space<semaphore_mem>>) attributes {dimension_semantics = [#tpu.dimension_semantics<core_parallel>, #tpu.dimension_semantics<subcore_parallel>], iteration_bounds = array<i64: 2, 16>, scalar_prefetch = 0 : i64, scratch_operands = 6 : i64, tpu.core_type = #tpu.core_type<sc_vector_subcore>, window_params = [{transform_indices = #map}, {transform_indices = #map}, {transform_indices = #map}, {transform_indices = #map}, {transform_indices = #map1}, {transform_indices = #map1}, {transform_indices = #map1}, {transform_indices = #map}, {transform_indices = #map}, {transform_indices = #map}, {transform_indices = #map}, {transform_indices = #map}, {transform_indices = #map}, {transform_indices = #map}, {transform_indices = #map}]} {
    %mul3A = arith.constant 2 : i32
    %mul3A_0 = arith.muli %arg1, %mul3A : i32
    %add3A = arith.addi %mul3A_0, %arg0 : i32
    %mul3A_1 = arith.constant 512 : i32
    %mul3A_2 = arith.muli %add3A, %mul3A_1 : i32
    "tpu.region"() ({
      %run_scoped3A = tpu.sem_alloc : memref<!tpu.dma_semaphore, #tpu.memory_space<semaphore_mem>>
      %dma_start3A_2049 = arith.constant 0 : i32
      %dma_start3A_2050 = arith.constant 0 : i32
      %dma_start3A_2051 = tpu.memref_slice %arg6[%add3A, %dma_start3A_2049, %dma_start3A_2050] : memref<32x4x128xi32, #tpu.memory_space<hbm>> -> memref<1x4x128xi32, #tpu.memory_space<hbm>>
      %dma_start3A_2052 = tpu.memref_squeeze %dma_start3A_2051 : memref<1x4x128xi32, #tpu.memory_space<hbm>> -> memref<4x128xi32, #tpu.memory_space<hbm>>
      %dma_start3A_2053 = arith.constant 0 : i32
      %dma_start3A_2054 = arith.constant 0 : i32
      %dma_start3A_2055 = tpu.memref_slice %arg6[%add3A, %dma_start3A_2053, %dma_start3A_2054] : memref<32x4x128xi32, #tpu.memory_space<hbm>> -> memref<1x4x128xi32, #tpu.memory_space<hbm>>
      %dma_start3A_2056 = tpu.memref_squeeze %dma_start3A_2055 : memref<1x4x128xi32, #tpu.memory_space<hbm>> -> memref<4x128xi32, #tpu.memory_space<hbm>>
      tpu.enqueue_dma source(%dma_start3A_2056 : memref<4x128xi32, #tpu.memory_space<hbm>>) target(%arg17 : memref<4x128xi32, #tpu.memory_space<vmem>>) target_semaphore(%run_scoped3A : memref<!tpu.dma_semaphore, #tpu.memory_space<semaphore_mem>>)
      %dma_wait3A_2057 = arith.constant 0 : i32
      %dma_wait3A_2058 = arith.constant 0 : i32
      %dma_wait3A_2059 = tpu.memref_slice %arg6[%add3A, %dma_wait3A_2057, %dma_wait3A_2058] : memref<32x4x128xi32, #tpu.memory_space<hbm>> -> memref<1x4x128xi32, #tpu.memory_space<hbm>>
      %dma_wait3A_2060 = tpu.memref_squeeze %dma_wait3A_2059 : memref<1x4x128xi32, #tpu.memory_space<hbm>> -> memref<4x128xi32, #tpu.memory_space<hbm>>
      %dma_wait3A_2061 = arith.constant 0 : i32
      %dma_wait3A_2062 = arith.constant 0 : i32
      %dma_wait3A_2063 = tpu.memref_slice %arg6[%add3A, %dma_wait3A_2061, %dma_wait3A_2062] : memref<32x4x128xi32, #tpu.memory_space<hbm>> -> memref<1x4x128xi32, #tpu.memory_space<hbm>>
      %dma_wait3A_2064 = tpu.memref_squeeze %dma_wait3A_2063 : memref<1x4x128xi32, #tpu.memory_space<hbm>> -> memref<4x128xi32, #tpu.memory_space<hbm>>
      tpu.wait_dma2 semaphore(%run_scoped3A : memref<!tpu.dma_semaphore, #tpu.memory_space<semaphore_mem>>) src(%dma_wait3A_2064 : memref<4x128xi32, #tpu.memory_space<hbm>>) dst(%arg17 : memref<4x128xi32, #tpu.memory_space<vmem>>)
      tpu.yield
    }) : () -> ()
    "tpu.region"() ({
      %run_scoped3A = tpu.sem_alloc : memref<!tpu.dma_semaphore, #tpu.memory_space<semaphore_mem>>
      %dma_start3A_2049 = arith.constant 0 : i32
      %dma_start3A_2050 = arith.constant 0 : i32
      %dma_start3A_2051 = tpu.memref_slice %arg7[%add3A, %dma_start3A_2049, %dma_start3A_2050] : memref<32x4x128xi32, #tpu.memory_space<hbm>> -> memref<1x4x128xi32, #tpu.memory_space<hbm>>
      %dma_start3A_2052 = tpu.memref_squeeze %dma_start3A_2051 : memref<1x4x128xi32, #tpu.memory_space<hbm>> -> memref<4x128xi32, #tpu.memory_space<hbm>>
      %dma_start3A_2053 = arith.constant 0 : i32
      %dma_start3A_2054 = arith.constant 0 : i32
      %dma_start3A_2055 = tpu.memref_slice %arg7[%add3A, %dma_start3A_2053, %dma_start3A_2054] : memref<32x4x128xi32, #tpu.memory_space<hbm>> -> memref<1x4x128xi32, #tpu.memory_space<hbm>>
      %dma_start3A_2056 = tpu.memref_squeeze %dma_start3A_2055 : memref<1x4x128xi32, #tpu.memory_space<hbm>> -> memref<4x128xi32, #tpu.memory_space<hbm>>
      tpu.enqueue_dma source(%dma_start3A_2056 : memref<4x128xi32, #tpu.memory_space<hbm>>) target(%arg18 : memref<4x128xi32, #tpu.memory_space<vmem>>) target_semaphore(%run_scoped3A : memref<!tpu.dma_semaphore, #tpu.memory_space<semaphore_mem>>)
      %dma_wait3A_2057 = arith.constant 0 : i32
      %dma_wait3A_2058 = arith.constant 0 : i32
      %dma_wait3A_2059 = tpu.memref_slice %arg7[%add3A, %dma_wait3A_2057, %dma_wait3A_2058] : memref<32x4x128xi32, #tpu.memory_space<hbm>> -> memref<1x4x128xi32, #tpu.memory_space<hbm>>
      %dma_wait3A_2060 = tpu.memref_squeeze %dma_wait3A_2059 : memref<1x4x128xi32, #tpu.memory_space<hbm>> -> memref<4x128xi32, #tpu.memory_space<hbm>>
      %dma_wait3A_2061 = arith.constant 0 : i32
      %dma_wait3A_2062 = arith.constant 0 : i32
      %dma_wait3A_2063 = tpu.memref_slice %arg7[%add3A, %dma_wait3A_2061, %dma_wait3A_2062] : memref<32x4x128xi32, #tpu.memory_space<hbm>> -> memref<1x4x128xi32, #tpu.memory_space<hbm>>
      %dma_wait3A_2064 = tpu.memref_squeeze %dma_wait3A_2063 : memref<1x4x128xi32, #tpu.memory_space<hbm>> -> memref<4x128xi32, #tpu.memory_space<hbm>>
      tpu.wait_dma2 semaphore(%run_scoped3A : memref<!tpu.dma_semaphore, #tpu.memory_space<semaphore_mem>>) src(%dma_wait3A_2064 : memref<4x128xi32, #tpu.memory_space<hbm>>) dst(%arg18 : memref<4x128xi32, #tpu.memory_space<vmem>>)
      tpu.yield
    }) : () -> ()
    "tpu.region"() ({
      %run_scoped3A = tpu.sem_alloc : memref<!tpu.dma_semaphore, #tpu.memory_space<semaphore_mem>>
      %dma_start3A_2049 = arith.constant 0 : i32
      %dma_start3A_2050 = arith.constant 0 : i32
      %dma_start3A_2051 = tpu.memref_slice %arg8[%add3A, %dma_start3A_2049, %dma_start3A_2050] : memref<32x4x128xi32, #tpu.memory_space<hbm>> -> memref<1x4x128xi32, #tpu.memory_space<hbm>>
      %dma_start3A_2052 = tpu.memref_squeeze %dma_start3A_2051 : memref<1x4x128xi32, #tpu.memory_space<hbm>> -> memref<4x128xi32, #tpu.memory_space<hbm>>
      %dma_start3A_2053 = arith.constant 0 : i32
      %dma_start3A_2054 = arith.constant 0 : i32
      %dma_start3A_2055 = tpu.memref_slice %arg8[%add3A, %dma_start3A_2053, %dma_start3A_2054] : memref<32x4x128xi32, #tpu.memory_space<hbm>> -> memref<1x4x128xi32, #tpu.memory_space<hbm>>
      %dma_start3A_2056 = tpu.memref_squeeze %dma_start3A_2055 : memref<1x4x128xi32, #tpu.memory_space<hbm>> -> memref<4x128xi32, #tpu.memory_space<hbm>>
      tpu.enqueue_dma source(%dma_start3A_2056 : memref<4x128xi32, #tpu.memory_space<hbm>>) target(%arg19 : memref<4x128xi32, #tpu.memory_space<vmem>>) target_semaphore(%run_scoped3A : memref<!tpu.dma_semaphore, #tpu.memory_space<semaphore_mem>>)
      %dma_wait3A_2057 = arith.constant 0 : i32
      %dma_wait3A_2058 = arith.constant 0 : i32
      %dma_wait3A_2059 = tpu.memref_slice %arg8[%add3A, %dma_wait3A_2057, %dma_wait3A_2058] : memref<32x4x128xi32, #tpu.memory_space<hbm>> -> memref<1x4x128xi32, #tpu.memory_space<hbm>>
      %dma_wait3A_2060 = tpu.memref_squeeze %dma_wait3A_2059 : memref<1x4x128xi32, #tpu.memory_space<hbm>> -> memref<4x128xi32, #tpu.memory_space<hbm>>
      %dma_wait3A_2061 = arith.constant 0 : i32
      %dma_wait3A_2062 = arith.constant 0 : i32
      %dma_wait3A_2063 = tpu.memref_slice %arg8[%add3A, %dma_wait3A_2061, %dma_wait3A_2062] : memref<32x4x128xi32, #tpu.memory_space<hbm>> -> memref<1x4x128xi32, #tpu.memory_space<hbm>>
      %dma_wait3A_2064 = tpu.memref_squeeze %dma_wait3A_2063 : memref<1x4x128xi32, #tpu.memory_space<hbm>> -> memref<4x128xi32, #tpu.memory_space<hbm>>
      tpu.wait_dma2 semaphore(%run_scoped3A : memref<!tpu.dma_semaphore, #tpu.memory_space<semaphore_mem>>) src(%dma_wait3A_2064 : memref<4x128xi32, #tpu.memory_space<hbm>>) dst(%arg19 : memref<4x128xi32, #tpu.memory_space<vmem>>)
      tpu.yield
    }) : () -> ()
    %dma_start3A = arith.constant 0 : i32
    %dma_start3A_3 = arith.constant 0 : i32
    %dma_start3A_4 = arith.constant 0 : i32
    %dma_start3A_5 = arith.constant 0 : i32
    %dma_start3A_6 = arith.constant 0 : i32
    %dma_start3A_7 = tpu.memref_slice %arg20[%dma_start3A_3, %dma_start3A_5, %dma_start3A_6] : memref<6x128x64xf32, #tpu.memory_space<vmem>> -> memref<1x128x64xf32, #tpu.memory_space<vmem>>
    %dma_start3A_8 = tpu.memref_squeeze %dma_start3A_7 : memref<1x128x64xf32, #tpu.memory_space<vmem>> -> memref<128x64xf32, #tpu.memory_space<vmem>>
    %dma_start3A_9 = arith.constant 0 : i32
    %dma_start3A_10 = tpu.memref_slice %arg17[%dma_start3A, %dma_start3A_9] : memref<4x128xi32, #tpu.memory_space<vmem>> -> memref<1x128xi32, #tpu.memory_space<vmem>>
    %dma_start3A_11 = tpu.memref_squeeze %dma_start3A_10 : memref<1x128xi32, #tpu.memory_space<vmem>> -> memref<128xi32, #tpu.memory_space<vmem>>
    %dma_start3A_12 = arith.constant 0 : i32
    %dma_start3A_13 = arith.constant 0 : i32
    %dma_start3A_14 = tpu.memref_slice %arg2[%dma_start3A_12, %dma_start3A_13] : memref<1000000x64xf32, #tpu.memory_space<hbm>> -> memref<1000000x64xf32, #tpu.memory_space<hbm>>
    %dma_start3A_15 = tpu.memref_slice %arg21[%dma_start3A_4] : memref<6x!tpu.dma_semaphore, #tpu.memory_space<semaphore_mem>> -> memref<1x!tpu.dma_semaphore, #tpu.memory_space<semaphore_mem>>
    %dma_start3A_16 = tpu.memref_squeeze %dma_start3A_15 : memref<1x!tpu.dma_semaphore, #tpu.memory_space<semaphore_mem>> -> memref<!tpu.dma_semaphore, #tpu.memory_space<semaphore_mem>>
    tpu.enqueue_indirect_dma source(%dma_start3A_14 : memref<1000000x64xf32, #tpu.memory_space<hbm>>) target(%dma_start3A_8 : memref<128x64xf32, #tpu.memory_space<vmem>>) offsets(%dma_start3A_11 : memref<128xi32, #tpu.memory_space<vmem>>) semaphore(%dma_start3A_16 : memref<!tpu.dma_semaphore, #tpu.memory_space<semaphore_mem>>)
    %dma_start3A_17 = arith.constant 1 : i32
    %dma_start3A_18 = arith.constant 1 : i32
    %dma_start3A_19 = arith.constant 1 : i32
    %dma_start3A_20 = arith.constant 0 : i32
    %dma_start3A_21 = arith.constant 0 : i32
    %dma_start3A_22 = tpu.memref_slice %arg20[%dma_start3A_18, %dma_start3A_20, %dma_start3A_21] : memref<6x128x64xf32, #tpu.memory_space<vmem>> -> memref<1x128x64xf32, #tpu.memory_space<vmem>>
    %dma_start3A_23 = tpu.memref_squeeze %dma_start3A_22 : memref<1x128x64xf32, #tpu.memory_space<vmem>> -> memref<128x64xf32, #tpu.memory_space<vmem>>
    %dma_start3A_24 = arith.constant 0 : i32
    %dma_start3A_25 = tpu.memref_slice %arg17[%dma_start3A_17, %dma_start3A_24] : memref<4x128xi32, #tpu.memory_space<vmem>> -> memref<1x128xi32, #tpu.memory_space<vmem>>
    %dma_start3A_26 = tpu.memref_squeeze %dma_start3A_25 : memref<1x128xi32, #tpu.memory_space<vmem>> -> memref<128xi32, #tpu.memory_space<vmem>>
    %dma_start3A_27 = arith.constant 0 : i32
    %dma_start3A_28 = arith.constant 0 : i32
    %dma_start3A_29 = tpu.memref_slice %arg2[%dma_start3A_27, %dma_start3A_28] : memref<1000000x64xf32, #tpu.memory_space<hbm>> -> memref<1000000x64xf32, #tpu.memory_space<hbm>>
    %dma_start3A_30 = tpu.memref_slice %arg21[%dma_start3A_19] : memref<6x!tpu.dma_semaphore, #tpu.memory_space<semaphore_mem>> -> memref<1x!tpu.dma_semaphore, #tpu.memory_space<semaphore_mem>>
    %dma_start3A_31 = tpu.memref_squeeze %dma_start3A_30 : memref<1x!tpu.dma_semaphore, #tpu.memory_space<semaphore_mem>> -> memref<!tpu.dma_semaphore, #tpu.memory_space<semaphore_mem>>
    tpu.enqueue_indirect_dma source(%dma_start3A_29 : memref<1000000x64xf32, #tpu.memory_space<hbm>>) target(%dma_start3A_23 : memref<128x64xf32, #tpu.memory_space<vmem>>) offsets(%dma_start3A_26 : memref<128xi32, #tpu.memory_space<vmem>>) semaphore(%dma_start3A_31 : memref<!tpu.dma_semaphore, #tpu.memory_space<semaphore_mem>>)
    %dma_start3A_32 = arith.constant 2 : i32
    %dma_start3A_33 = arith.constant 2 : i32
    %dma_start3A_34 = arith.constant 2 : i32
    %dma_start3A_35 = arith.constant 0 : i32
    %dma_start3A_36 = arith.constant 0 : i32
    %dma_start3A_37 = tpu.memref_slice %arg20[%dma_start3A_33, %dma_start3A_35, %dma_start3A_36] : memref<6x128x64xf32, #tpu.memory_space<vmem>> -> memref<1x128x64xf32, #tpu.memory_space<vmem>>
    %dma_start3A_38 = tpu.memref_squeeze %dma_start3A_37 : memref<1x128x64xf32, #tpu.memory_space<vmem>> -> memref<128x64xf32, #tpu.memory_space<vmem>>
    %dma_start3A_39 = arith.constant 0 : i32
    %dma_start3A_40 = tpu.memref_slice %arg17[%dma_start3A_32, %dma_start3A_39] : memref<4x128xi32, #tpu.memory_space<vmem>> -> memref<1x128xi32, #tpu.memory_space<vmem>>
    %dma_start3A_41 = tpu.memref_squeeze %dma_start3A_40 : memref<1x128xi32, #tpu.memory_space<vmem>> -> memref<128xi32, #tpu.memory_space<vmem>>
    %dma_start3A_42 = arith.constant 0 : i32
    %dma_start3A_43 = arith.constant 0 : i32
    %dma_start3A_44 = tpu.memref_slice %arg2[%dma_start3A_42, %dma_start3A_43] : memref<1000000x64xf32, #tpu.memory_space<hbm>> -> memref<1000000x64xf32, #tpu.memory_space<hbm>>
    %dma_start3A_45 = tpu.memref_slice %arg21[%dma_start3A_34] : memref<6x!tpu.dma_semaphore, #tpu.memory_space<semaphore_mem>> -> memref<1x!tpu.dma_semaphore, #tpu.memory_space<semaphore_mem>>
    %dma_start3A_46 = tpu.memref_squeeze %dma_start3A_45 : memref<1x!tpu.dma_semaphore, #tpu.memory_space<semaphore_mem>> -> memref<!tpu.dma_semaphore, #tpu.memory_space<semaphore_mem>>
    tpu.enqueue_indirect_dma source(%dma_start3A_44 : memref<1000000x64xf32, #tpu.memory_space<hbm>>) target(%dma_start3A_38 : memref<128x64xf32, #tpu.memory_space<vmem>>) offsets(%dma_start3A_41 : memref<128xi32, #tpu.memory_space<vmem>>) semaphore(%dma_start3A_46 : memref<!tpu.dma_semaphore, #tpu.memory_space<semaphore_mem>>)
    %dma_start3A_47 = arith.constant 3 : i32
    %dma_start3A_48 = arith.constant 3 : i32
    %dma_start3A_49 = arith.constant 3 : i32
    %dma_start3A_50 = arith.constant 0 : i32
    %dma_start3A_51 = arith.constant 0 : i32
    %dma_start3A_52 = tpu.memref_slice %arg20[%dma_start3A_48, %dma_start3A_50, %dma_start3A_51] : memref<6x128x64xf32, #tpu.memory_space<vmem>> -> memref<1x128x64xf32, #tpu.memory_space<vmem>>
    %dma_start3A_53 = tpu.memref_squeeze %dma_start3A_52 : memref<1x128x64xf32, #tpu.memory_space<vmem>> -> memref<128x64xf32, #tpu.memory_space<vmem>>
    %dma_start3A_54 = arith.constant 0 : i32
    %dma_start3A_55 = tpu.memref_slice %arg17[%dma_start3A_47, %dma_start3A_54] : memref<4x128xi32, #tpu.memory_space<vmem>> -> memref<1x128xi32, #tpu.memory_space<vmem>>
    %dma_start3A_56 = tpu.memref_squeeze %dma_start3A_55 : memref<1x128xi32, #tpu.memory_space<vmem>> -> memref<128xi32, #tpu.memory_space<vmem>>
    %dma_start3A_57 = arith.constant 0 : i32
    %dma_start3A_58 = arith.constant 0 : i32
    %dma_start3A_59 = tpu.memref_slice %arg2[%dma_start3A_57, %dma_start3A_58] : memref<1000000x64xf32, #tpu.memory_space<hbm>> -> memref<1000000x64xf32, #tpu.memory_space<hbm>>
    %dma_start3A_60 = tpu.memref_slice %arg21[%dma_start3A_49] : memref<6x!tpu.dma_semaphore, #tpu.memory_space<semaphore_mem>> -> memref<1x!tpu.dma_semaphore, #tpu.memory_space<semaphore_mem>>
    %dma_start3A_61 = tpu.memref_squeeze %dma_start3A_60 : memref<1x!tpu.dma_semaphore, #tpu.memory_space<semaphore_mem>> -> memref<!tpu.dma_semaphore, #tpu.memory_space<semaphore_mem>>
    tpu.enqueue_indirect_dma source(%dma_start3A_59 : memref<1000000x64xf32, #tpu.memory_space<hbm>>) target(%dma_start3A_53 : memref<128x64xf32, #tpu.memory_space<vmem>>) offsets(%dma_start3A_56 : memref<128xi32, #tpu.memory_space<vmem>>) semaphore(%dma_start3A_61 : memref<!tpu.dma_semaphore, #tpu.memory_space<semaphore_mem>>)
    %dma_wait3A = arith.constant 0 : i32
    %dma_wait3A_62 = arith.constant 0 : i32
    %dma_wait3A_63 = arith.constant 0 : i32
    %dma_wait3A_64 = arith.constant 0 : i32
    %dma_wait3A_65 = arith.constant 0 : i32
    %dma_wait3A_66 = tpu.memref_slice %arg20[%dma_wait3A_62, %dma_wait3A_64, %dma_wait3A_65] : memref<6x128x64xf32, #tpu.memory_space<vmem>> -> memref<1x128x64xf32, #tpu.memory_space<vmem>>
    %dma_wait3A_67 = tpu.memref_squeeze %dma_wait3A_66 : memref<1x128x64xf32, #tpu.memory_space<vmem>> -> memref<128x64xf32, #tpu.memory_space<vmem>>
    %dma_wait3A_68 = arith.constant 0 : i32
    %dma_wait3A_69 = tpu.memref_slice %arg17[%dma_wait3A, %dma_wait3A_68] : memref<4x128xi32, #tpu.memory_space<vmem>> -> memref<1x128xi32, #tpu.memory_space<vmem>>
    %dma_wait3A_70 = tpu.memref_squeeze %dma_wait3A_69 : memref<1x128xi32, #tpu.memory_space<vmem>> -> memref<128xi32, #tpu.memory_space<vmem>>
    %dma_wait3A_71 = arith.constant 0 : i32
    %dma_wait3A_72 = arith.constant 0 : i32
    %dma_wait3A_73 = tpu.memref_slice %arg2[%dma_wait3A_71, %dma_wait3A_72] : memref<1000000x64xf32, #tpu.memory_space<hbm>> -> memref<1000000x64xf32, #tpu.memory_space<hbm>>
    %dma_wait3A_74 = tpu.memref_slice %arg21[%dma_wait3A_63] : memref<6x!tpu.dma_semaphore, #tpu.memory_space<semaphore_mem>> -> memref<1x!tpu.dma_semaphore, #tpu.memory_space<semaphore_mem>>
    %dma_wait3A_75 = tpu.memref_squeeze %dma_wait3A_74 : memref<1x!tpu.dma_semaphore, #tpu.memory_space<semaphore_mem>> -> memref<!tpu.dma_semaphore, #tpu.memory_space<semaphore_mem>>
    tpu.wait_indirect_dma semaphore(%dma_wait3A_75 : memref<!tpu.dma_semaphore, #tpu.memory_space<semaphore_mem>>) src(%dma_wait3A_73 : memref<1000000x64xf32, #tpu.memory_space<hbm>>) dst(%dma_wait3A_67 : memref<128x64xf32, #tpu.memory_space<vmem>>)
    %add3A_76 = arith.constant 0 : i32
    %add3A_77 = arith.addi %mul3A_2, %add3A_76 : i32
    %dma_start3A_78 = arith.constant 0 : i32
    %dma_start3A_79 = arith.constant 0 : i32
    %dma_start3A_80 = arith.constant 0 : i32
    %dma_start3A_81 = arith.constant 0 : i32
    %dma_start3A_82 = tpu.memref_slice %arg20[%dma_start3A_78, %dma_start3A_80, %dma_start3A_81] : memref<6x128x64xf32, #tpu.memory_space<vmem>> -> memref<1x128x64xf32, #tpu.memory_space<vmem>>
    %dma_start3A_83 = tpu.memref_squeeze %dma_start3A_82 : memref<1x128x64xf32, #tpu.memory_space<vmem>> -> memref<128x64xf32, #tpu.memory_space<vmem>>
    %dma_start3A_84 = arith.constant 0 : i32
    %dma_start3A_85 = tpu.memref_slice %arg9[%add3A_77, %dma_start3A_84] : memref<16384x64xf32, #tpu.memory_space<hbm>> -> memref<128x64xf32, #tpu.memory_space<hbm>>
    %dma_start3A_86 = tpu.memref_slice %arg22[%dma_start3A_79] : memref<6x!tpu.dma_semaphore, #tpu.memory_space<semaphore_mem>> -> memref<1x!tpu.dma_semaphore, #tpu.memory_space<semaphore_mem>>
    %dma_start3A_87 = tpu.memref_squeeze %dma_start3A_86 : memref<1x!tpu.dma_semaphore, #tpu.memory_space<semaphore_mem>> -> memref<!tpu.dma_semaphore, #tpu.memory_space<semaphore_mem>>
    %dma_start3A_88 = arith.constant 0 : i32
    %dma_start3A_89 = tpu.memref_slice %arg9[%add3A_77, %dma_start3A_88] : memref<16384x64xf32, #tpu.memory_space<hbm>> -> memref<128x64xf32, #tpu.memory_space<hbm>>
    %dma_start3A_90 = arith.constant 0 : i32
    %dma_start3A_91 = arith.constant 0 : i32
    %dma_start3A_92 = tpu.memref_slice %arg20[%dma_start3A_78, %dma_start3A_90, %dma_start3A_91] : memref<6x128x64xf32, #tpu.memory_space<vmem>> -> memref<1x128x64xf32, #tpu.memory_space<vmem>>
    %dma_start3A_93 = tpu.memref_squeeze %dma_start3A_92 : memref<1x128x64xf32, #tpu.memory_space<vmem>> -> memref<128x64xf32, #tpu.memory_space<vmem>>
    tpu.enqueue_dma source(%dma_start3A_93 : memref<128x64xf32, #tpu.memory_space<vmem>>) target(%dma_start3A_89 : memref<128x64xf32, #tpu.memory_space<hbm>>) target_semaphore(%dma_start3A_87 : memref<!tpu.dma_semaphore, #tpu.memory_space<semaphore_mem>>)
    %dma_start3A_94 = arith.constant 0 : i32
    %dma_start3A_95 = arith.constant 4 : i32
    %dma_start3A_96 = arith.constant 4 : i32
    %dma_start3A_97 = arith.constant 0 : i32
    %dma_start3A_98 = arith.constant 0 : i32
    %dma_start3A_99 = tpu.memref_slice %arg20[%dma_start3A_95, %dma_start3A_97, %dma_start3A_98] : memref<6x128x64xf32, #tpu.memory_space<vmem>> -> memref<1x128x64xf32, #tpu.memory_space<vmem>>
    %dma_start3A_100 = tpu.memref_squeeze %dma_start3A_99 : memref<1x128x64xf32, #tpu.memory_space<vmem>> -> memref<128x64xf32, #tpu.memory_space<vmem>>
    %dma_start3A_101 = arith.constant 0 : i32
    %dma_start3A_102 = tpu.memref_slice %arg17[%dma_start3A_94, %dma_start3A_101] : memref<4x128xi32, #tpu.memory_space<vmem>> -> memref<1x128xi32, #tpu.memory_space<vmem>>
    %dma_start3A_103 = tpu.memref_squeeze %dma_start3A_102 : memref<1x128xi32, #tpu.memory_space<vmem>> -> memref<128xi32, #tpu.memory_space<vmem>>
    %dma_start3A_104 = arith.constant 0 : i32
    %dma_start3A_105 = arith.constant 0 : i32
    %dma_start3A_106 = tpu.memref_slice %arg3[%dma_start3A_104, %dma_start3A_105] : memref<1000000x64xf32, #tpu.memory_space<hbm>> -> memref<1000000x64xf32, #tpu.memory_space<hbm>>
    %dma_start3A_107 = tpu.memref_slice %arg21[%dma_start3A_96] : memref<6x!tpu.dma_semaphore, #tpu.memory_space<semaphore_mem>> -> memref<1x!tpu.dma_semaphore, #tpu.memory_space<semaphore_mem>>
    %dma_start3A_108 = tpu.memref_squeeze %dma_start3A_107 : memref<1x!tpu.dma_semaphore, #tpu.memory_space<semaphore_mem>> -> memref<!tpu.dma_semaphore, #tpu.memory_space<semaphore_mem>>
    tpu.enqueue_indirect_dma source(%dma_start3A_106 : memref<1000000x64xf32, #tpu.memory_space<hbm>>) target(%dma_start3A_100 : memref<128x64xf32, #tpu.memory_space<vmem>>) offsets(%dma_start3A_103 : memref<128xi32, #tpu.memory_space<vmem>>) semaphore(%dma_start3A_108 : memref<!tpu.dma_semaphore, #tpu.memory_space<semaphore_mem>>)
    %dma_wait3A_109 = arith.constant 1 : i32
    %dma_wait3A_110 = arith.constant 1 : i32
    %dma_wait3A_111 = arith.constant 1 : i32
    %dma_wait3A_112 = arith.constant 0 : i32
    %dma_wait3A_113 = arith.constant 0 : i32
    %dma_wait3A_114 = tpu.memref_slice %arg20[%dma_wait3A_110, %dma_wait3A_112, %dma_wait3A_113] : memref<6x128x64xf32, #tpu.memory_space<vmem>> -> memref<1x128x64xf32, #tpu.memory_space<vmem>>
    %dma_wait3A_115 = tpu.memref_squeeze %dma_wait3A_114 : memref<1x128x64xf32, #tpu.memory_space<vmem>> -> memref<128x64xf32, #tpu.memory_space<vmem>>
    %dma_wait3A_116 = arith.constant 0 : i32
    %dma_wait3A_117 = tpu.memref_slice %arg17[%dma_wait3A_109, %dma_wait3A_116] : memref<4x128xi32, #tpu.memory_space<vmem>> -> memref<1x128xi32, #tpu.memory_space<vmem>>
    %dma_wait3A_118 = tpu.memref_squeeze %dma_wait3A_117 : memref<1x128xi32, #tpu.memory_space<vmem>> -> memref<128xi32, #tpu.memory_space<vmem>>
    %dma_wait3A_119 = arith.constant 0 : i32
    %dma_wait3A_120 = arith.constant 0 : i32
    %dma_wait3A_121 = tpu.memref_slice %arg2[%dma_wait3A_119, %dma_wait3A_120] : memref<1000000x64xf32, #tpu.memory_space<hbm>> -> memref<1000000x64xf32, #tpu.memory_space<hbm>>
    %dma_wait3A_122 = tpu.memref_slice %arg21[%dma_wait3A_111] : memref<6x!tpu.dma_semaphore, #tpu.memory_space<semaphore_mem>> -> memref<1x!tpu.dma_semaphore, #tpu.memory_space<semaphore_mem>>
    %dma_wait3A_123 = tpu.memref_squeeze %dma_wait3A_122 : memref<1x!tpu.dma_semaphore, #tpu.memory_space<semaphore_mem>> -> memref<!tpu.dma_semaphore, #tpu.memory_space<semaphore_mem>>
    tpu.wait_indirect_dma semaphore(%dma_wait3A_123 : memref<!tpu.dma_semaphore, #tpu.memory_space<semaphore_mem>>) src(%dma_wait3A_121 : memref<1000000x64xf32, #tpu.memory_space<hbm>>) dst(%dma_wait3A_115 : memref<128x64xf32, #tpu.memory_space<vmem>>)
    %add3A_124 = arith.constant 128 : i32
    %add3A_125 = arith.addi %mul3A_2, %add3A_124 : i32
    %dma_start3A_126 = arith.constant 1 : i32
    %dma_start3A_127 = arith.constant 1 : i32
    %dma_start3A_128 = arith.constant 0 : i32
    %dma_start3A_129 = arith.constant 0 : i32
    %dma_start3A_130 = tpu.memref_slice %arg20[%dma_start3A_126, %dma_start3A_128, %dma_start3A_129] : memref<6x128x64xf32, #tpu.memory_space<vmem>> -> memref<1x128x64xf32, #tpu.memory_space<vmem>>
    %dma_start3A_131 = tpu.memref_squeeze %dma_start3A_130 : memref<1x128x64xf32, #tpu.memory_space<vmem>> -> memref<128x64xf32, #tpu.memory_space<vmem>>
    %dma_start3A_132 = arith.constant 0 : i32
    %dma_start3A_133 = tpu.memref_slice %arg9[%add3A_125, %dma_start3A_132] : memref<16384x64xf32, #tpu.memory_space<hbm>> -> memref<128x64xf32, #tpu.memory_space<hbm>>
    %dma_start3A_134 = tpu.memref_slice %arg22[%dma_start3A_127] : memref<6x!tpu.dma_semaphore, #tpu.memory_space<semaphore_mem>> -> memref<1x!tpu.dma_semaphore, #tpu.memory_space<semaphore_mem>>
    %dma_start3A_135 = tpu.memref_squeeze %dma_start3A_134 : memref<1x!tpu.dma_semaphore, #tpu.memory_space<semaphore_mem>> -> memref<!tpu.dma_semaphore, #tpu.memory_space<semaphore_mem>>
    %dma_start3A_136 = arith.constant 0 : i32
    %dma_start3A_137 = tpu.memref_slice %arg9[%add3A_125, %dma_start3A_136] : memref<16384x64xf32, #tpu.memory_space<hbm>> -> memref<128x64xf32, #tpu.memory_space<hbm>>
    %dma_start3A_138 = arith.constant 0 : i32
    %dma_start3A_139 = arith.constant 0 : i32
    %dma_start3A_140 = tpu.memref_slice %arg20[%dma_start3A_126, %dma_start3A_138, %dma_start3A_139] : memref<6x128x64xf32, #tpu.memory_space<vmem>> -> memref<1x128x64xf32, #tpu.memory_space<vmem>>
    %dma_start3A_141 = tpu.memref_squeeze %dma_start3A_140 : memref<1x128x64xf32, #tpu.memory_space<vmem>> -> memref<128x64xf32, #tpu.memory_space<vmem>>
    tpu.enqueue_dma source(%dma_start3A_141 : memref<128x64xf32, #tpu.memory_space<vmem>>) target(%dma_start3A_137 : memref<128x64xf32, #tpu.memory_space<hbm>>) target_semaphore(%dma_start3A_135 : memref<!tpu.dma_semaphore, #tpu.memory_space<semaphore_mem>>)
    %dma_start3A_142 = arith.constant 1 : i32
    %dma_start3A_143 = arith.constant 5 : i32
    %dma_start3A_144 = arith.constant 5 : i32
    %dma_start3A_145 = arith.constant 0 : i32
    %dma_start3A_146 = arith.constant 0 : i32
    %dma_start3A_147 = tpu.memref_slice %arg20[%dma_start3A_143, %dma_start3A_145, %dma_start3A_146] : memref<6x128x64xf32, #tpu.memory_space<vmem>> -> memref<1x128x64xf32, #tpu.memory_space<vmem>>
    %dma_start3A_148 = tpu.memref_squeeze %dma_start3A_147 : memref<1x128x64xf32, #tpu.memory_space<vmem>> -> memref<128x64xf32, #tpu.memory_space<vmem>>
    %dma_start3A_149 = arith.constant 0 : i32
    %dma_start3A_150 = tpu.memref_slice %arg17[%dma_start3A_142, %dma_start3A_149] : memref<4x128xi32, #tpu.memory_space<vmem>> -> memref<1x128xi32, #tpu.memory_space<vmem>>
    %dma_start3A_151 = tpu.memref_squeeze %dma_start3A_150 : memref<1x128xi32, #tpu.memory_space<vmem>> -> memref<128xi32, #tpu.memory_space<vmem>>
    %dma_start3A_152 = arith.constant 0 : i32
    %dma_start3A_153 = arith.constant 0 : i32
    %dma_start3A_154 = tpu.memref_slice %arg3[%dma_start3A_152, %dma_start3A_153] : memref<1000000x64xf32, #tpu.memory_space<hbm>> -> memref<1000000x64xf32, #tpu.memory_space<hbm>>
    %dma_start3A_155 = tpu.memref_slice %arg21[%dma_start3A_144] : memref<6x!tpu.dma_semaphore, #tpu.memory_space<semaphore_mem>> -> memref<1x!tpu.dma_semaphore, #tpu.memory_space<semaphore_mem>>
    %dma_start3A_156 = tpu.memref_squeeze %dma_start3A_155 : memref<1x!tpu.dma_semaphore, #tpu.memory_space<semaphore_mem>> -> memref<!tpu.dma_semaphore, #tpu.memory_space<semaphore_mem>>
    tpu.enqueue_indirect_dma source(%dma_start3A_154 : memref<1000000x64xf32, #tpu.memory_space<hbm>>) target(%dma_start3A_148 : memref<128x64xf32, #tpu.memory_space<vmem>>) offsets(%dma_start3A_151 : memref<128xi32, #tpu.memory_space<vmem>>) semaphore(%dma_start3A_156 : memref<!tpu.dma_semaphore, #tpu.memory_space<semaphore_mem>>)
    %dma_wait3A_157 = arith.constant 2 : i32
    %dma_wait3A_158 = arith.constant 2 : i32
    %dma_wait3A_159 = arith.constant 2 : i32
    %dma_wait3A_160 = arith.constant 0 : i32
    %dma_wait3A_161 = arith.constant 0 : i32
    %dma_wait3A_162 = tpu.memref_slice %arg20[%dma_wait3A_158, %dma_wait3A_160, %dma_wait3A_161] : memref<6x128x64xf32, #tpu.memory_space<vmem>> -> memref<1x128x64xf32, #tpu.memory_space<vmem>>
    %dma_wait3A_163 = tpu.memref_squeeze %dma_wait3A_162 : memref<1x128x64xf32, #tpu.memory_space<vmem>> -> memref<128x64xf32, #tpu.memory_space<vmem>>
    %dma_wait3A_164 = arith.constant 0 : i32
    %dma_wait3A_165 = tpu.memref_slice %arg17[%dma_wait3A_157, %dma_wait3A_164] : memref<4x128xi32, #tpu.memory_space<vmem>> -> memref<1x128xi32, #tpu.memory_space<vmem>>
    %dma_wait3A_166 = tpu.memref_squeeze %dma_wait3A_165 : memref<1x128xi32, #tpu.memory_space<vmem>> -> memref<128xi32, #tpu.memory_space<vmem>>
    %dma_wait3A_167 = arith.constant 0 : i32
    %dma_wait3A_168 = arith.constant 0 : i32
    %dma_wait3A_169 = tpu.memref_slice %arg2[%dma_wait3A_167, %dma_wait3A_168] : memref<1000000x64xf32, #tpu.memory_space<hbm>> -> memref<1000000x64xf32, #tpu.memory_space<hbm>>
    %dma_wait3A_170 = tpu.memref_slice %arg21[%dma_wait3A_159] : memref<6x!tpu.dma_semaphore, #tpu.memory_space<semaphore_mem>> -> memref<1x!tpu.dma_semaphore, #tpu.memory_space<semaphore_mem>>
    %dma_wait3A_171 = tpu.memref_squeeze %dma_wait3A_170 : memref<1x!tpu.dma_semaphore, #tpu.memory_space<semaphore_mem>> -> memref<!tpu.dma_semaphore, #tpu.memory_space<semaphore_mem>>
    tpu.wait_indirect_dma semaphore(%dma_wait3A_171 : memref<!tpu.dma_semaphore, #tpu.memory_space<semaphore_mem>>) src(%dma_wait3A_169 : memref<1000000x64xf32, #tpu.memory_space<hbm>>) dst(%dma_wait3A_163 : memref<128x64xf32, #tpu.memory_space<vmem>>)
    %add3A_172 = arith.constant 256 : i32
    %add3A_173 = arith.addi %mul3A_2, %add3A_172 : i32
    %dma_start3A_174 = arith.constant 2 : i32
    %dma_start3A_175 = arith.constant 2 : i32
    %dma_start3A_176 = arith.constant 0 : i32
    %dma_start3A_177 = arith.constant 0 : i32
    %dma_start3A_178 = tpu.memref_slice %arg20[%dma_start3A_174, %dma_start3A_176, %dma_start3A_177] : memref<6x128x64xf32, #tpu.memory_space<vmem>> -> memref<1x128x64xf32, #tpu.memory_space<vmem>>
    %dma_start3A_179 = tpu.memref_squeeze %dma_start3A_178 : memref<1x128x64xf32, #tpu.memory_space<vmem>> -> memref<128x64xf32, #tpu.memory_space<vmem>>
    %dma_start3A_180 = arith.constant 0 : i32
    %dma_start3A_181 = tpu.memref_slice %arg9[%add3A_173, %dma_start3A_180] : memref<16384x64xf32, #tpu.memory_space<hbm>> -> memref<128x64xf32, #tpu.memory_space<hbm>>
    %dma_start3A_182 = tpu.memref_slice %arg22[%dma_start3A_175] : memref<6x!tpu.dma_semaphore, #tpu.memory_space<semaphore_mem>> -> memref<1x!tpu.dma_semaphore, #tpu.memory_space<semaphore_mem>>
    %dma_start3A_183 = tpu.memref_squeeze %dma_start3A_182 : memref<1x!tpu.dma_semaphore, #tpu.memory_space<semaphore_mem>> -> memref<!tpu.dma_semaphore, #tpu.memory_space<semaphore_mem>>
    %dma_start3A_184 = arith.constant 0 : i32
    %dma_start3A_185 = tpu.memref_slice %arg9[%add3A_173, %dma_start3A_184] : memref<16384x64xf32, #tpu.memory_space<hbm>> -> memref<128x64xf32, #tpu.memory_space<hbm>>
    %dma_start3A_186 = arith.constant 0 : i32
    %dma_start3A_187 = arith.constant 0 : i32
    %dma_start3A_188 = tpu.memref_slice %arg20[%dma_start3A_174, %dma_start3A_186, %dma_start3A_187] : memref<6x128x64xf32, #tpu.memory_space<vmem>> -> memref<1x128x64xf32, #tpu.memory_space<vmem>>
    %dma_start3A_189 = tpu.memref_squeeze %dma_start3A_188 : memref<1x128x64xf32, #tpu.memory_space<vmem>> -> memref<128x64xf32, #tpu.memory_space<vmem>>
    tpu.enqueue_dma source(%dma_start3A_189 : memref<128x64xf32, #tpu.memory_space<vmem>>) target(%dma_start3A_185 : memref<128x64xf32, #tpu.memory_space<hbm>>) target_semaphore(%dma_start3A_183 : memref<!tpu.dma_semaphore, #tpu.memory_space<semaphore_mem>>)
    %dma_wait3A_190 = arith.constant 0 : i32
    %dma_wait3A_191 = arith.constant 0 : i32
    %dma_wait3A_192 = arith.constant 0 : i32
    %dma_wait3A_193 = arith.constant 0 : i32
    %dma_wait3A_194 = tpu.memref_slice %arg20[%dma_wait3A_190, %dma_wait3A_192, %dma_wait3A_193] : memref<6x128x64xf32, #tpu.memory_space<vmem>> -> memref<1x128x64xf32, #tpu.memory_space<vmem>>
    %dma_wait3A_195 = tpu.memref_squeeze %dma_wait3A_194 : memref<1x128x64xf32, #tpu.memory_space<vmem>> -> memref<128x64xf32, #tpu.memory_space<vmem>>
    %dma_wait3A_196 = arith.constant 0 : i32
    %dma_wait3A_197 = tpu.memref_slice %arg9[%add3A_77, %dma_wait3A_196] : memref<16384x64xf32, #tpu.memory_space<hbm>> -> memref<128x64xf32, #tpu.memory_space<hbm>>
    %dma_wait3A_198 = tpu.memref_slice %arg22[%dma_wait3A_191] : memref<6x!tpu.dma_semaphore, #tpu.memory_space<semaphore_mem>> -> memref<1x!tpu.dma_semaphore, #tpu.memory_space<semaphore_mem>>
    %dma_wait3A_199 = tpu.memref_squeeze %dma_wait3A_198 : memref<1x!tpu.dma_semaphore, #tpu.memory_space<semaphore_mem>> -> memref<!tpu.dma_semaphore, #tpu.memory_space<semaphore_mem>>
    %dma_wait3A_200 = arith.constant 0 : i32
    %dma_wait3A_201 = tpu.memref_slice %arg9[%add3A_77, %dma_wait3A_200] : memref<16384x64xf32, #tpu.memory_space<hbm>> -> memref<128x64xf32, #tpu.memory_space<hbm>>
    %dma_wait3A_202 = arith.constant 0 : i32
    %dma_wait3A_203 = arith.constant 0 : i32
    %dma_wait3A_204 = tpu.memref_slice %arg20[%dma_wait3A_190, %dma_wait3A_202, %dma_wait3A_203] : memref<6x128x64xf32, #tpu.memory_space<vmem>> -> memref<1x128x64xf32, #tpu.memory_space<vmem>>
    %dma_wait3A_205 = tpu.memref_squeeze %dma_wait3A_204 : memref<1x128x64xf32, #tpu.memory_space<vmem>> -> memref<128x64xf32, #tpu.memory_space<vmem>>
    tpu.wait_dma2 semaphore(%dma_wait3A_199 : memref<!tpu.dma_semaphore, #tpu.memory_space<semaphore_mem>>) src(%dma_wait3A_205 : memref<128x64xf32, #tpu.memory_space<vmem>>) dst(%dma_wait3A_201 : memref<128x64xf32, #tpu.memory_space<hbm>>)
    %dma_start3A_206 = arith.constant 2 : i32
    %dma_start3A_207 = arith.constant 0 : i32
    %dma_start3A_208 = arith.constant 0 : i32
    %dma_start3A_209 = arith.constant 0 : i32
    %dma_start3A_210 = arith.constant 0 : i32
    %dma_start3A_211 = tpu.memref_slice %arg20[%dma_start3A_207, %dma_start3A_209, %dma_start3A_210] : memref<6x128x64xf32, #tpu.memory_space<vmem>> -> memref<1x128x64xf32, #tpu.memory_space<vmem>>
    %dma_start3A_212 = tpu.memref_squeeze %dma_start3A_211 : memref<1x128x64xf32, #tpu.memory_space<vmem>> -> memref<128x64xf32, #tpu.memory_space<vmem>>
    %dma_start3A_213 = arith.constant 0 : i32
    %dma_start3A_214 = tpu.memref_slice %arg17[%dma_start3A_206, %dma_start3A_213] : memref<4x128xi32, #tpu.memory_space<vmem>> -> memref<1x128xi32, #tpu.memory_space<vmem>>
    %dma_start3A_215 = tpu.memref_squeeze %dma_start3A_214 : memref<1x128xi32, #tpu.memory_space<vmem>> -> memref<128xi32, #tpu.memory_space<vmem>>
    %dma_start3A_216 = arith.constant 0 : i32
    %dma_start3A_217 = arith.constant 0 : i32
    %dma_start3A_218 = tpu.memref_slice %arg3[%dma_start3A_216, %dma_start3A_217] : memref<1000000x64xf32, #tpu.memory_space<hbm>> -> memref<1000000x64xf32, #tpu.memory_space<hbm>>
    %dma_start3A_219 = tpu.memref_slice %arg21[%dma_start3A_208] : memref<6x!tpu.dma_semaphore, #tpu.memory_space<semaphore_mem>> -> memref<1x!tpu.dma_semaphore, #tpu.memory_space<semaphore_mem>>
    %dma_start3A_220 = tpu.memref_squeeze %dma_start3A_219 : memref<1x!tpu.dma_semaphore, #tpu.memory_space<semaphore_mem>> -> memref<!tpu.dma_semaphore, #tpu.memory_space<semaphore_mem>>
    tpu.enqueue_indirect_dma source(%dma_start3A_218 : memref<1000000x64xf32, #tpu.memory_space<hbm>>) target(%dma_start3A_212 : memref<128x64xf32, #tpu.memory_space<vmem>>) offsets(%dma_start3A_215 : memref<128xi32, #tpu.memory_space<vmem>>) semaphore(%dma_start3A_220 : memref<!tpu.dma_semaphore, #tpu.memory_space<semaphore_mem>>)
    %dma_wait3A_221 = arith.constant 3 : i32
    %dma_wait3A_222 = arith.constant 3 : i32
    %dma_wait3A_223 = arith.constant 3 : i32
    %dma_wait3A_224 = arith.constant 0 : i32
    %dma_wait3A_225 = arith.constant 0 : i32
    %dma_wait3A_226 = tpu.memref_slice %arg20[%dma_wait3A_222, %dma_wait3A_224, %dma_wait3A_225] : memref<6x128x64xf32, #tpu.memory_space<vmem>> -> memref<1x128x64xf32, #tpu.memory_space<vmem>>
    %dma_wait3A_227 = tpu.memref_squeeze %dma_wait3A_226 : memref<1x128x64xf32, #tpu.memory_space<vmem>> -> memref<128x64xf32, #tpu.memory_space<vmem>>
    %dma_wait3A_228 = arith.constant 0 : i32
    %dma_wait3A_229 = tpu.memref_slice %arg17[%dma_wait3A_221, %dma_wait3A_228] : memref<4x128xi32, #tpu.memory_space<vmem>> -> memref<1x128xi32, #tpu.memory_space<vmem>>
    %dma_wait3A_230 = tpu.memref_squeeze %dma_wait3A_229 : memref<1x128xi32, #tpu.memory_space<vmem>> -> memref<128xi32, #tpu.memory_space<vmem>>
    %dma_wait3A_231 = arith.constant 0 : i32
    %dma_wait3A_232 = arith.constant 0 : i32
    %dma_wait3A_233 = tpu.memref_slice %arg2[%dma_wait3A_231, %dma_wait3A_232] : memref<1000000x64xf32, #tpu.memory_space<hbm>> -> memref<1000000x64xf32, #tpu.memory_space<hbm>>
    %dma_wait3A_234 = tpu.memref_slice %arg21[%dma_wait3A_223] : memref<6x!tpu.dma_semaphore, #tpu.memory_space<semaphore_mem>> -> memref<1x!tpu.dma_semaphore, #tpu.memory_space<semaphore_mem>>
    %dma_wait3A_235 = tpu.memref_squeeze %dma_wait3A_234 : memref<1x!tpu.dma_semaphore, #tpu.memory_space<semaphore_mem>> -> memref<!tpu.dma_semaphore, #tpu.memory_space<semaphore_mem>>
    tpu.wait_indirect_dma semaphore(%dma_wait3A_235 : memref<!tpu.dma_semaphore, #tpu.memory_space<semaphore_mem>>) src(%dma_wait3A_233 : memref<1000000x64xf32, #tpu.memory_space<hbm>>) dst(%dma_wait3A_227 : memref<128x64xf32, #tpu.memory_space<vmem>>)
    %add3A_236 = arith.constant 384 : i32
    %add3A_237 = arith.addi %mul3A_2, %add3A_236 : i32
    %dma_start3A_238 = arith.constant 3 : i32
    %dma_start3A_239 = arith.constant 3 : i32
    %dma_start3A_240 = arith.constant 0 : i32
    %dma_start3A_241 = arith.constant 0 : i32
    %dma_start3A_242 = tpu.memref_slice %arg20[%dma_start3A_238, %dma_start3A_240, %dma_start3A_241] : memref<6x128x64xf32, #tpu.memory_space<vmem>> -> memref<1x128x64xf32, #tpu.memory_space<vmem>>
    %dma_start3A_243 = tpu.memref_squeeze %dma_start3A_242 : memref<1x128x64xf32, #tpu.memory_space<vmem>> -> memref<128x64xf32, #tpu.memory_space<vmem>>
    %dma_start3A_244 = arith.constant 0 : i32
    %dma_start3A_245 = tpu.memref_slice %arg9[%add3A_237, %dma_start3A_244] : memref<16384x64xf32, #tpu.memory_space<hbm>> -> memref<128x64xf32, #tpu.memory_space<hbm>>
    %dma_start3A_246 = tpu.memref_slice %arg22[%dma_start3A_239] : memref<6x!tpu.dma_semaphore, #tpu.memory_space<semaphore_mem>> -> memref<1x!tpu.dma_semaphore, #tpu.memory_space<semaphore_mem>>
    %dma_start3A_247 = tpu.memref_squeeze %dma_start3A_246 : memref<1x!tpu.dma_semaphore, #tpu.memory_space<semaphore_mem>> -> memref<!tpu.dma_semaphore, #tpu.memory_space<semaphore_mem>>
    %dma_start3A_248 = arith.constant 0 : i32
    %dma_start3A_249 = tpu.memref_slice %arg9[%add3A_237, %dma_start3A_248] : memref<16384x64xf32, #tpu.memory_space<hbm>> -> memref<128x64xf32, #tpu.memory_space<hbm>>
    %dma_start3A_250 = arith.constant 0 : i32
    %dma_start3A_251 = arith.constant 0 : i32
    %dma_start3A_252 = tpu.memref_slice %arg20[%dma_start3A_238, %dma_start3A_250, %dma_start3A_251] : memref<6x128x64xf32, #tpu.memory_space<vmem>> -> memref<1x128x64xf32, #tpu.memory_space<vmem>>
    %dma_start3A_253 = tpu.memref_squeeze %dma_start3A_252 : memref<1x128x64xf32, #tpu.memory_space<vmem>> -> memref<128x64xf32, #tpu.memory_space<vmem>>
    tpu.enqueue_dma source(%dma_start3A_253 : memref<128x64xf32, #tpu.memory_space<vmem>>) target(%dma_start3A_249 : memref<128x64xf32, #tpu.memory_space<hbm>>) target_semaphore(%dma_start3A_247 : memref<!tpu.dma_semaphore, #tpu.memory_space<semaphore_mem>>)
    %dma_wait3A_254 = arith.constant 1 : i32
    %dma_wait3A_255 = arith.constant 1 : i32
    %dma_wait3A_256 = arith.constant 0 : i32
    %dma_wait3A_257 = arith.constant 0 : i32
    %dma_wait3A_258 = tpu.memref_slice %arg20[%dma_wait3A_254, %dma_wait3A_256, %dma_wait3A_257] : memref<6x128x64xf32, #tpu.memory_space<vmem>> -> memref<1x128x64xf32, #tpu.memory_space<vmem>>
    %dma_wait3A_259 = tpu.memref_squeeze %dma_wait3A_258 : memref<1x128x64xf32, #tpu.memory_space<vmem>> -> memref<128x64xf32, #tpu.memory_space<vmem>>
    %dma_wait3A_260 = arith.constant 0 : i32
    %dma_wait3A_261 = tpu.memref_slice %arg9[%add3A_125, %dma_wait3A_260] : memref<16384x64xf32, #tpu.memory_space<hbm>> -> memref<128x64xf32, #tpu.memory_space<hbm>>
    %dma_wait3A_262 = tpu.memref_slice %arg22[%dma_wait3A_255] : memref<6x!tpu.dma_semaphore, #tpu.memory_space<semaphore_mem>> -> memref<1x!tpu.dma_semaphore, #tpu.memory_space<semaphore_mem>>
    %dma_wait3A_263 = tpu.memref_squeeze %dma_wait3A_262 : memref<1x!tpu.dma_semaphore, #tpu.memory_space<semaphore_mem>> -> memref<!tpu.dma_semaphore, #tpu.memory_space<semaphore_mem>>
    %dma_wait3A_264 = arith.constant 0 : i32
    %dma_wait3A_265 = tpu.memref_slice %arg9[%add3A_125, %dma_wait3A_264] : memref<16384x64xf32, #tpu.memory_space<hbm>> -> memref<128x64xf32, #tpu.memory_space<hbm>>
    %dma_wait3A_266 = arith.constant 0 : i32
    %dma_wait3A_267 = arith.constant 0 : i32
    %dma_wait3A_268 = tpu.memref_slice %arg20[%dma_wait3A_254, %dma_wait3A_266, %dma_wait3A_267] : memref<6x128x64xf32, #tpu.memory_space<vmem>> -> memref<1x128x64xf32, #tpu.memory_space<vmem>>
    %dma_wait3A_269 = tpu.memref_squeeze %dma_wait3A_268 : memref<1x128x64xf32, #tpu.memory_space<vmem>> -> memref<128x64xf32, #tpu.memory_space<vmem>>
    tpu.wait_dma2 semaphore(%dma_wait3A_263 : memref<!tpu.dma_semaphore, #tpu.memory_space<semaphore_mem>>) src(%dma_wait3A_269 : memref<128x64xf32, #tpu.memory_space<vmem>>) dst(%dma_wait3A_265 : memref<128x64xf32, #tpu.memory_space<hbm>>)
    %dma_start3A_270 = arith.constant 3 : i32
    %dma_start3A_271 = arith.constant 1 : i32
    %dma_start3A_272 = arith.constant 1 : i32
    %dma_start3A_273 = arith.constant 0 : i32
    %dma_start3A_274 = arith.constant 0 : i32
    %dma_start3A_275 = tpu.memref_slice %arg20[%dma_start3A_271, %dma_start3A_273, %dma_start3A_274] : memref<6x128x64xf32, #tpu.memory_space<vmem>> -> memref<1x128x64xf32, #tpu.memory_space<vmem>>
    %dma_start3A_276 = tpu.memref_squeeze %dma_start3A_275 : memref<1x128x64xf32, #tpu.memory_space<vmem>> -> memref<128x64xf32, #tpu.memory_space<vmem>>
    %dma_start3A_277 = arith.constant 0 : i32
    %dma_start3A_278 = tpu.memref_slice %arg17[%dma_start3A_270, %dma_start3A_277] : memref<4x128xi32, #tpu.memory_space<vmem>> -> memref<1x128xi32, #tpu.memory_space<vmem>>
    %dma_start3A_279 = tpu.memref_squeeze %dma_start3A_278 : memref<1x128xi32, #tpu.memory_space<vmem>> -> memref<128xi32, #tpu.memory_space<vmem>>
    %dma_start3A_280 = arith.constant 0 : i32
    %dma_start3A_281 = arith.constant 0 : i32
    %dma_start3A_282 = tpu.memref_slice %arg3[%dma_start3A_280, %dma_start3A_281] : memref<1000000x64xf32, #tpu.memory_space<hbm>> -> memref<1000000x64xf32, #tpu.memory_space<hbm>>
    %dma_start3A_283 = tpu.memref_slice %arg21[%dma_start3A_272] : memref<6x!tpu.dma_semaphore, #tpu.memory_space<semaphore_mem>> -> memref<1x!tpu.dma_semaphore, #tpu.memory_space<semaphore_mem>>
    %dma_start3A_284 = tpu.memref_squeeze %dma_start3A_283 : memref<1x!tpu.dma_semaphore, #tpu.memory_space<semaphore_mem>> -> memref<!tpu.dma_semaphore, #tpu.memory_space<semaphore_mem>>
    tpu.enqueue_indirect_dma source(%dma_start3A_282 : memref<1000000x64xf32, #tpu.memory_space<hbm>>) target(%dma_start3A_276 : memref<128x64xf32, #tpu.memory_space<vmem>>) offsets(%dma_start3A_279 : memref<128xi32, #tpu.memory_space<vmem>>) semaphore(%dma_start3A_284 : memref<!tpu.dma_semaphore, #tpu.memory_space<semaphore_mem>>)
    %dma_wait3A_285 = arith.constant 0 : i32
    %dma_wait3A_286 = arith.constant 4 : i32
    %dma_wait3A_287 = arith.constant 4 : i32
    %dma_wait3A_288 = arith.constant 0 : i32
    %dma_wait3A_289 = arith.constant 0 : i32
    %dma_wait3A_290 = tpu.memref_slice %arg20[%dma_wait3A_286, %dma_wait3A_288, %dma_wait3A_289] : memref<6x128x64xf32, #tpu.memory_space<vmem>> -> memref<1x128x64xf32, #tpu.memory_space<vmem>>
    %dma_wait3A_291 = tpu.memref_squeeze %dma_wait3A_290 : memref<1x128x64xf32, #tpu.memory_space<vmem>> -> memref<128x64xf32, #tpu.memory_space<vmem>>
    %dma_wait3A_292 = arith.constant 0 : i32
    %dma_wait3A_293 = tpu.memref_slice %arg17[%dma_wait3A_285, %dma_wait3A_292] : memref<4x128xi32, #tpu.memory_space<vmem>> -> memref<1x128xi32, #tpu.memory_space<vmem>>
    %dma_wait3A_294 = tpu.memref_squeeze %dma_wait3A_293 : memref<1x128xi32, #tpu.memory_space<vmem>> -> memref<128xi32, #tpu.memory_space<vmem>>
    %dma_wait3A_295 = arith.constant 0 : i32
    %dma_wait3A_296 = arith.constant 0 : i32
    %dma_wait3A_297 = tpu.memref_slice %arg3[%dma_wait3A_295, %dma_wait3A_296] : memref<1000000x64xf32, #tpu.memory_space<hbm>> -> memref<1000000x64xf32, #tpu.memory_space<hbm>>
    %dma_wait3A_298 = tpu.memref_slice %arg21[%dma_wait3A_287] : memref<6x!tpu.dma_semaphore, #tpu.memory_space<semaphore_mem>> -> memref<1x!tpu.dma_semaphore, #tpu.memory_space<semaphore_mem>>
    %dma_wait3A_299 = tpu.memref_squeeze %dma_wait3A_298 : memref<1x!tpu.dma_semaphore, #tpu.memory_space<semaphore_mem>> -> memref<!tpu.dma_semaphore, #tpu.memory_space<semaphore_mem>>
    tpu.wait_indirect_dma semaphore(%dma_wait3A_299 : memref<!tpu.dma_semaphore, #tpu.memory_space<semaphore_mem>>) src(%dma_wait3A_297 : memref<1000000x64xf32, #tpu.memory_space<hbm>>) dst(%dma_wait3A_291 : memref<128x64xf32, #tpu.memory_space<vmem>>)
    %add3A_300 = arith.constant 0 : i32
    %add3A_301 = arith.addi %mul3A_2, %add3A_300 : i32
    %dma_start3A_302 = arith.constant 4 : i32
    %dma_start3A_303 = arith.constant 4 : i32
    %dma_start3A_304 = arith.constant 0 : i32
    %dma_start3A_305 = arith.constant 0 : i32
    %dma_start3A_306 = tpu.memref_slice %arg20[%dma_start3A_302, %dma_start3A_304, %dma_start3A_305] : memref<6x128x64xf32, #tpu.memory_space<vmem>> -> memref<1x128x64xf32, #tpu.memory_space<vmem>>
    %dma_start3A_307 = tpu.memref_squeeze %dma_start3A_306 : memref<1x128x64xf32, #tpu.memory_space<vmem>> -> memref<128x64xf32, #tpu.memory_space<vmem>>
    %dma_start3A_308 = arith.constant 0 : i32
    %dma_start3A_309 = tpu.memref_slice %arg10[%add3A_301, %dma_start3A_308] : memref<16384x64xf32, #tpu.memory_space<hbm>> -> memref<128x64xf32, #tpu.memory_space<hbm>>
    %dma_start3A_310 = tpu.memref_slice %arg22[%dma_start3A_303] : memref<6x!tpu.dma_semaphore, #tpu.memory_space<semaphore_mem>> -> memref<1x!tpu.dma_semaphore, #tpu.memory_space<semaphore_mem>>
    %dma_start3A_311 = tpu.memref_squeeze %dma_start3A_310 : memref<1x!tpu.dma_semaphore, #tpu.memory_space<semaphore_mem>> -> memref<!tpu.dma_semaphore, #tpu.memory_space<semaphore_mem>>
    %dma_start3A_312 = arith.constant 0 : i32
    %dma_start3A_313 = tpu.memref_slice %arg10[%add3A_301, %dma_start3A_312] : memref<16384x64xf32, #tpu.memory_space<hbm>> -> memref<128x64xf32, #tpu.memory_space<hbm>>
    %dma_start3A_314 = arith.constant 0 : i32
    %dma_start3A_315 = arith.constant 0 : i32
    %dma_start3A_316 = tpu.memref_slice %arg20[%dma_start3A_302, %dma_start3A_314, %dma_start3A_315] : memref<6x128x64xf32, #tpu.memory_space<vmem>> -> memref<1x128x64xf32, #tpu.memory_space<vmem>>
    %dma_start3A_317 = tpu.memref_squeeze %dma_start3A_316 : memref<1x128x64xf32, #tpu.memory_space<vmem>> -> memref<128x64xf32, #tpu.memory_space<vmem>>
    tpu.enqueue_dma source(%dma_start3A_317 : memref<128x64xf32, #tpu.memory_space<vmem>>) target(%dma_start3A_313 : memref<128x64xf32, #tpu.memory_space<hbm>>) target_semaphore(%dma_start3A_311 : memref<!tpu.dma_semaphore, #tpu.memory_space<semaphore_mem>>)
    %dma_wait3A_318 = arith.constant 2 : i32
    %dma_wait3A_319 = arith.constant 2 : i32
    %dma_wait3A_320 = arith.constant 0 : i32
    %dma_wait3A_321 = arith.constant 0 : i32
    %dma_wait3A_322 = tpu.memref_slice %arg20[%dma_wait3A_318, %dma_wait3A_320, %dma_wait3A_321] : memref<6x128x64xf32, #tpu.memory_space<vmem>> -> memref<1x128x64xf32, #tpu.memory_space<vmem>>
    %dma_wait3A_323 = tpu.memref_squeeze %dma_wait3A_322 : memref<1x128x64xf32, #tpu.memory_space<vmem>> -> memref<128x64xf32, #tpu.memory_space<vmem>>
    %dma_wait3A_324 = arith.constant 0 : i32
    %dma_wait3A_325 = tpu.memref_slice %arg9[%add3A_173, %dma_wait3A_324] : memref<16384x64xf32, #tpu.memory_space<hbm>> -> memref<128x64xf32, #tpu.memory_space<hbm>>
    %dma_wait3A_326 = tpu.memref_slice %arg22[%dma_wait3A_319] : memref<6x!tpu.dma_semaphore, #tpu.memory_space<semaphore_mem>> -> memref<1x!tpu.dma_semaphore, #tpu.memory_space<semaphore_mem>>
    %dma_wait3A_327 = tpu.memref_squeeze %dma_wait3A_326 : memref<1x!tpu.dma_semaphore, #tpu.memory_space<semaphore_mem>> -> memref<!tpu.dma_semaphore, #tpu.memory_space<semaphore_mem>>
    %dma_wait3A_328 = arith.constant 0 : i32
    %dma_wait3A_329 = tpu.memref_slice %arg9[%add3A_173, %dma_wait3A_328] : memref<16384x64xf32, #tpu.memory_space<hbm>> -> memref<128x64xf32, #tpu.memory_space<hbm>>
    %dma_wait3A_330 = arith.constant 0 : i32
    %dma_wait3A_331 = arith.constant 0 : i32
    %dma_wait3A_332 = tpu.memref_slice %arg20[%dma_wait3A_318, %dma_wait3A_330, %dma_wait3A_331] : memref<6x128x64xf32, #tpu.memory_space<vmem>> -> memref<1x128x64xf32, #tpu.memory_space<vmem>>
    %dma_wait3A_333 = tpu.memref_squeeze %dma_wait3A_332 : memref<1x128x64xf32, #tpu.memory_space<vmem>> -> memref<128x64xf32, #tpu.memory_space<vmem>>
    tpu.wait_dma2 semaphore(%dma_wait3A_327 : memref<!tpu.dma_semaphore, #tpu.memory_space<semaphore_mem>>) src(%dma_wait3A_333 : memref<128x64xf32, #tpu.memory_space<vmem>>) dst(%dma_wait3A_329 : memref<128x64xf32, #tpu.memory_space<hbm>>)
    %dma_start3A_334 = arith.constant 0 : i32
    %dma_start3A_335 = arith.constant 2 : i32
    %dma_start3A_336 = arith.constant 2 : i32
    %dma_start3A_337 = arith.constant 0 : i32
    %dma_start3A_338 = arith.constant 0 : i32
    %dma_start3A_339 = tpu.memref_slice %arg20[%dma_start3A_335, %dma_start3A_337, %dma_start3A_338] : memref<6x128x64xf32, #tpu.memory_space<vmem>> -> memref<1x128x64xf32, #tpu.memory_space<vmem>>
    %dma_start3A_340 = tpu.memref_squeeze %dma_start3A_339 : memref<1x128x64xf32, #tpu.memory_space<vmem>> -> memref<128x64xf32, #tpu.memory_space<vmem>>
    %dma_start3A_341 = arith.constant 0 : i32
    %dma_start3A_342 = tpu.memref_slice %arg18[%dma_start3A_334, %dma_start3A_341] : memref<4x128xi32, #tpu.memory_space<vmem>> -> memref<1x128xi32, #tpu.memory_space<vmem>>
    %dma_start3A_343 = tpu.memref_squeeze %dma_start3A_342 : memref<1x128xi32, #tpu.memory_space<vmem>> -> memref<128xi32, #tpu.memory_space<vmem>>
    %dma_start3A_344 = arith.constant 0 : i32
    %dma_start3A_345 = arith.constant 0 : i32
    %dma_start3A_346 = tpu.memref_slice %arg2[%dma_start3A_344, %dma_start3A_345] : memref<1000000x64xf32, #tpu.memory_space<hbm>> -> memref<1000000x64xf32, #tpu.memory_space<hbm>>
    %dma_start3A_347 = tpu.memref_slice %arg21[%dma_start3A_336] : memref<6x!tpu.dma_semaphore, #tpu.memory_space<semaphore_mem>> -> memref<1x!tpu.dma_semaphore, #tpu.memory_space<semaphore_mem>>
    %dma_start3A_348 = tpu.memref_squeeze %dma_start3A_347 : memref<1x!tpu.dma_semaphore, #tpu.memory_space<semaphore_mem>> -> memref<!tpu.dma_semaphore, #tpu.memory_space<semaphore_mem>>
    tpu.enqueue_indirect_dma source(%dma_start3A_346 : memref<1000000x64xf32, #tpu.memory_space<hbm>>) target(%dma_start3A_340 : memref<128x64xf32, #tpu.memory_space<vmem>>) offsets(%dma_start3A_343 : memref<128xi32, #tpu.memory_space<vmem>>) semaphore(%dma_start3A_348 : memref<!tpu.dma_semaphore, #tpu.memory_space<semaphore_mem>>)
    %dma_wait3A_349 = arith.constant 1 : i32
    %dma_wait3A_350 = arith.constant 5 : i32
    %dma_wait3A_351 = arith.constant 5 : i32
    %dma_wait3A_352 = arith.constant 0 : i32
    %dma_wait3A_353 = arith.constant 0 : i32
    %dma_wait3A_354 = tpu.memref_slice %arg20[%dma_wait3A_350, %dma_wait3A_352, %dma_wait3A_353] : memref<6x128x64xf32, #tpu.memory_space<vmem>> -> memref<1x128x64xf32, #tpu.memory_space<vmem>>
    %dma_wait3A_355 = tpu.memref_squeeze %dma_wait3A_354 : memref<1x128x64xf32, #tpu.memory_space<vmem>> -> memref<128x64xf32, #tpu.memory_space<vmem>>
    %dma_wait3A_356 = arith.constant 0 : i32
    %dma_wait3A_357 = tpu.memref_slice %arg17[%dma_wait3A_349, %dma_wait3A_356] : memref<4x128xi32, #tpu.memory_space<vmem>> -> memref<1x128xi32, #tpu.memory_space<vmem>>
    %dma_wait3A_358 = tpu.memref_squeeze %dma_wait3A_357 : memref<1x128xi32, #tpu.memory_space<vmem>> -> memref<128xi32, #tpu.memory_space<vmem>>
    %dma_wait3A_359 = arith.constant 0 : i32
    %dma_wait3A_360 = arith.constant 0 : i32
    %dma_wait3A_361 = tpu.memref_slice %arg3[%dma_wait3A_359, %dma_wait3A_360] : memref<1000000x64xf32, #tpu.memory_space<hbm>> -> memref<1000000x64xf32, #tpu.memory_space<hbm>>
    %dma_wait3A_362 = tpu.memref_slice %arg21[%dma_wait3A_351] : memref<6x!tpu.dma_semaphore, #tpu.memory_space<semaphore_mem>> -> memref<1x!tpu.dma_semaphore, #tpu.memory_space<semaphore_mem>>
    %dma_wait3A_363 = tpu.memref_squeeze %dma_wait3A_362 : memref<1x!tpu.dma_semaphore, #tpu.memory_space<semaphore_mem>> -> memref<!tpu.dma_semaphore, #tpu.memory_space<semaphore_mem>>
    tpu.wait_indirect_dma semaphore(%dma_wait3A_363 : memref<!tpu.dma_semaphore, #tpu.memory_space<semaphore_mem>>) src(%dma_wait3A_361 : memref<1000000x64xf32, #tpu.memory_space<hbm>>) dst(%dma_wait3A_355 : memref<128x64xf32, #tpu.memory_space<vmem>>)
    %add3A_364 = arith.constant 128 : i32
    %add3A_365 = arith.addi %mul3A_2, %add3A_364 : i32
    %dma_start3A_366 = arith.constant 5 : i32
    %dma_start3A_367 = arith.constant 5 : i32
    %dma_start3A_368 = arith.constant 0 : i32
    %dma_start3A_369 = arith.constant 0 : i32
    %dma_start3A_370 = tpu.memref_slice %arg20[%dma_start3A_366, %dma_start3A_368, %dma_start3A_369] : memref<6x128x64xf32, #tpu.memory_space<vmem>> -> memref<1x128x64xf32, #tpu.memory_space<vmem>>
    %dma_start3A_371 = tpu.memref_squeeze %dma_start3A_370 : memref<1x128x64xf32, #tpu.memory_space<vmem>> -> memref<128x64xf32, #tpu.memory_space<vmem>>
    %dma_start3A_372 = arith.constant 0 : i32
    %dma_start3A_373 = tpu.memref_slice %arg10[%add3A_365, %dma_start3A_372] : memref<16384x64xf32, #tpu.memory_space<hbm>> -> memref<128x64xf32, #tpu.memory_space<hbm>>
    %dma_start3A_374 = tpu.memref_slice %arg22[%dma_start3A_367] : memref<6x!tpu.dma_semaphore, #tpu.memory_space<semaphore_mem>> -> memref<1x!tpu.dma_semaphore, #tpu.memory_space<semaphore_mem>>
    %dma_start3A_375 = tpu.memref_squeeze %dma_start3A_374 : memref<1x!tpu.dma_semaphore, #tpu.memory_space<semaphore_mem>> -> memref<!tpu.dma_semaphore, #tpu.memory_space<semaphore_mem>>
    %dma_start3A_376 = arith.constant 0 : i32
    %dma_start3A_377 = tpu.memref_slice %arg10[%add3A_365, %dma_start3A_376] : memref<16384x64xf32, #tpu.memory_space<hbm>> -> memref<128x64xf32, #tpu.memory_space<hbm>>
    %dma_start3A_378 = arith.constant 0 : i32
    %dma_start3A_379 = arith.constant 0 : i32
    %dma_start3A_380 = tpu.memref_slice %arg20[%dma_start3A_366, %dma_start3A_378, %dma_start3A_379] : memref<6x128x64xf32, #tpu.memory_space<vmem>> -> memref<1x128x64xf32, #tpu.memory_space<vmem>>
    %dma_start3A_381 = tpu.memref_squeeze %dma_start3A_380 : memref<1x128x64xf32, #tpu.memory_space<vmem>> -> memref<128x64xf32, #tpu.memory_space<vmem>>
    tpu.enqueue_dma source(%dma_start3A_381 : memref<128x64xf32, #tpu.memory_space<vmem>>) target(%dma_start3A_377 : memref<128x64xf32, #tpu.memory_space<hbm>>) target_semaphore(%dma_start3A_375 : memref<!tpu.dma_semaphore, #tpu.memory_space<semaphore_mem>>)
    %dma_wait3A_382 = arith.constant 3 : i32
    %dma_wait3A_383 = arith.constant 3 : i32
    %dma_wait3A_384 = arith.constant 0 : i32
    %dma_wait3A_385 = arith.constant 0 : i32
    %dma_wait3A_386 = tpu.memref_slice %arg20[%dma_wait3A_382, %dma_wait3A_384, %dma_wait3A_385] : memref<6x128x64xf32, #tpu.memory_space<vmem>> -> memref<1x128x64xf32, #tpu.memory_space<vmem>>
    %dma_wait3A_387 = tpu.memref_squeeze %dma_wait3A_386 : memref<1x128x64xf32, #tpu.memory_space<vmem>> -> memref<128x64xf32, #tpu.memory_space<vmem>>
    %dma_wait3A_388 = arith.constant 0 : i32
    %dma_wait3A_389 = tpu.memref_slice %arg9[%add3A_237, %dma_wait3A_388] : memref<16384x64xf32, #tpu.memory_space<hbm>> -> memref<128x64xf32, #tpu.memory_space<hbm>>
    %dma_wait3A_390 = tpu.memref_slice %arg22[%dma_wait3A_383] : memref<6x!tpu.dma_semaphore, #tpu.memory_space<semaphore_mem>> -> memref<1x!tpu.dma_semaphore, #tpu.memory_space<semaphore_mem>>
    %dma_wait3A_391 = tpu.memref_squeeze %dma_wait3A_390 : memref<1x!tpu.dma_semaphore, #tpu.memory_space<semaphore_mem>> -> memref<!tpu.dma_semaphore, #tpu.memory_space<semaphore_mem>>
    %dma_wait3A_392 = arith.constant 0 : i32
    %dma_wait3A_393 = tpu.memref_slice %arg9[%add3A_237, %dma_wait3A_392] : memref<16384x64xf32, #tpu.memory_space<hbm>> -> memref<128x64xf32, #tpu.memory_space<hbm>>
    %dma_wait3A_394 = arith.constant 0 : i32
    %dma_wait3A_395 = arith.constant 0 : i32
    %dma_wait3A_396 = tpu.memref_slice %arg20[%dma_wait3A_382, %dma_wait3A_394, %dma_wait3A_395] : memref<6x128x64xf32, #tpu.memory_space<vmem>> -> memref<1x128x64xf32, #tpu.memory_space<vmem>>
    %dma_wait3A_397 = tpu.memref_squeeze %dma_wait3A_396 : memref<1x128x64xf32, #tpu.memory_space<vmem>> -> memref<128x64xf32, #tpu.memory_space<vmem>>
    tpu.wait_dma2 semaphore(%dma_wait3A_391 : memref<!tpu.dma_semaphore, #tpu.memory_space<semaphore_mem>>) src(%dma_wait3A_397 : memref<128x64xf32, #tpu.memory_space<vmem>>) dst(%dma_wait3A_393 : memref<128x64xf32, #tpu.memory_space<hbm>>)
    %dma_start3A_398 = arith.constant 1 : i32
    %dma_start3A_399 = arith.constant 3 : i32
    %dma_start3A_400 = arith.constant 3 : i32
    %dma_start3A_401 = arith.constant 0 : i32
    %dma_start3A_402 = arith.constant 0 : i32
    %dma_start3A_403 = tpu.memref_slice %arg20[%dma_start3A_399, %dma_start3A_401, %dma_start3A_402] : memref<6x128x64xf32, #tpu.memory_space<vmem>> -> memref<1x128x64xf32, #tpu.memory_space<vmem>>
    %dma_start3A_404 = tpu.memref_squeeze %dma_start3A_403 : memref<1x128x64xf32, #tpu.memory_space<vmem>> -> memref<128x64xf32, #tpu.memory_space<vmem>>
    %dma_start3A_405 = arith.constant 0 : i32
    %dma_start3A_406 = tpu.memref_slice %arg18[%dma_start3A_398, %dma_start3A_405] : memref<4x128xi32, #tpu.memory_space<vmem>> -> memref<1x128xi32, #tpu.memory_space<vmem>>
    %dma_start3A_407 = tpu.memref_squeeze %dma_start3A_406 : memref<1x128xi32, #tpu.memory_space<vmem>> -> memref<128xi32, #tpu.memory_space<vmem>>
    %dma_start3A_408 = arith.constant 0 : i32
    %dma_start3A_409 = arith.constant 0 : i32
    %dma_start3A_410 = tpu.memref_slice %arg2[%dma_start3A_408, %dma_start3A_409] : memref<1000000x64xf32, #tpu.memory_space<hbm>> -> memref<1000000x64xf32, #tpu.memory_space<hbm>>
    %dma_start3A_411 = tpu.memref_slice %arg21[%dma_start3A_400] : memref<6x!tpu.dma_semaphore, #tpu.memory_space<semaphore_mem>> -> memref<1x!tpu.dma_semaphore, #tpu.memory_space<semaphore_mem>>
    %dma_start3A_412 = tpu.memref_squeeze %dma_start3A_411 : memref<1x!tpu.dma_semaphore, #tpu.memory_space<semaphore_mem>> -> memref<!tpu.dma_semaphore, #tpu.memory_space<semaphore_mem>>
    tpu.enqueue_indirect_dma source(%dma_start3A_410 : memref<1000000x64xf32, #tpu.memory_space<hbm>>) target(%dma_start3A_404 : memref<128x64xf32, #tpu.memory_space<vmem>>) offsets(%dma_start3A_407 : memref<128xi32, #tpu.memory_space<vmem>>) semaphore(%dma_start3A_412 : memref<!tpu.dma_semaphore, #tpu.memory_space<semaphore_mem>>)
    %dma_wait3A_413 = arith.constant 2 : i32
    %dma_wait3A_414 = arith.constant 0 : i32
    %dma_wait3A_415 = arith.constant 0 : i32
    %dma_wait3A_416 = arith.constant 0 : i32
    %dma_wait3A_417 = arith.constant 0 : i32
    %dma_wait3A_418 = tpu.memref_slice %arg20[%dma_wait3A_414, %dma_wait3A_416, %dma_wait3A_417] : memref<6x128x64xf32, #tpu.memory_space<vmem>> -> memref<1x128x64xf32, #tpu.memory_space<vmem>>
    %dma_wait3A_419 = tpu.memref_squeeze %dma_wait3A_418 : memref<1x128x64xf32, #tpu.memory_space<vmem>> -> memref<128x64xf32, #tpu.memory_space<vmem>>
    %dma_wait3A_420 = arith.constant 0 : i32
    %dma_wait3A_421 = tpu.memref_slice %arg17[%dma_wait3A_413, %dma_wait3A_420] : memref<4x128xi32, #tpu.memory_space<vmem>> -> memref<1x128xi32, #tpu.memory_space<vmem>>
    %dma_wait3A_422 = tpu.memref_squeeze %dma_wait3A_421 : memref<1x128xi32, #tpu.memory_space<vmem>> -> memref<128xi32, #tpu.memory_space<vmem>>
    %dma_wait3A_423 = arith.constant 0 : i32
    %dma_wait3A_424 = arith.constant 0 : i32
    %dma_wait3A_425 = tpu.memref_slice %arg3[%dma_wait3A_423, %dma_wait3A_424] : memref<1000000x64xf32, #tpu.memory_space<hbm>> -> memref<1000000x64xf32, #tpu.memory_space<hbm>>
    %dma_wait3A_426 = tpu.memref_slice %arg21[%dma_wait3A_415] : memref<6x!tpu.dma_semaphore, #tpu.memory_space<semaphore_mem>> -> memref<1x!tpu.dma_semaphore, #tpu.memory_space<semaphore_mem>>
    %dma_wait3A_427 = tpu.memref_squeeze %dma_wait3A_426 : memref<1x!tpu.dma_semaphore, #tpu.memory_space<semaphore_mem>> -> memref<!tpu.dma_semaphore, #tpu.memory_space<semaphore_mem>>
    tpu.wait_indirect_dma semaphore(%dma_wait3A_427 : memref<!tpu.dma_semaphore, #tpu.memory_space<semaphore_mem>>) src(%dma_wait3A_425 : memref<1000000x64xf32, #tpu.memory_space<hbm>>) dst(%dma_wait3A_419 : memref<128x64xf32, #tpu.memory_space<vmem>>)
    %add3A_428 = arith.constant 256 : i32
    %add3A_429 = arith.addi %mul3A_2, %add3A_428 : i32
    %dma_start3A_430 = arith.constant 0 : i32
    %dma_start3A_431 = arith.constant 0 : i32
    %dma_start3A_432 = arith.constant 0 : i32
    %dma_start3A_433 = arith.constant 0 : i32
    %dma_start3A_434 = tpu.memref_slice %arg20[%dma_start3A_430, %dma_start3A_432, %dma_start3A_433] : memref<6x128x64xf32, #tpu.memory_space<vmem>> -> memref<1x128x64xf32, #tpu.memory_space<vmem>>
    %dma_start3A_435 = tpu.memref_squeeze %dma_start3A_434 : memref<1x128x64xf32, #tpu.memory_space<vmem>> -> memref<128x64xf32, #tpu.memory_space<vmem>>
    %dma_start3A_436 = arith.constant 0 : i32
    %dma_start3A_437 = tpu.memref_slice %arg10[%add3A_429, %dma_start3A_436] : memref<16384x64xf32, #tpu.memory_space<hbm>> -> memref<128x64xf32, #tpu.memory_space<hbm>>
    %dma_start3A_438 = tpu.memref_slice %arg22[%dma_start3A_431] : memref<6x!tpu.dma_semaphore, #tpu.memory_space<semaphore_mem>> -> memref<1x!tpu.dma_semaphore, #tpu.memory_space<semaphore_mem>>
    %dma_start3A_439 = tpu.memref_squeeze %dma_start3A_438 : memref<1x!tpu.dma_semaphore, #tpu.memory_space<semaphore_mem>> -> memref<!tpu.dma_semaphore, #tpu.memory_space<semaphore_mem>>
    %dma_start3A_440 = arith.constant 0 : i32
    %dma_start3A_441 = tpu.memref_slice %arg10[%add3A_429, %dma_start3A_440] : memref<16384x64xf32, #tpu.memory_space<hbm>> -> memref<128x64xf32, #tpu.memory_space<hbm>>
    %dma_start3A_442 = arith.constant 0 : i32
    %dma_start3A_443 = arith.constant 0 : i32
    %dma_start3A_444 = tpu.memref_slice %arg20[%dma_start3A_430, %dma_start3A_442, %dma_start3A_443] : memref<6x128x64xf32, #tpu.memory_space<vmem>> -> memref<1x128x64xf32, #tpu.memory_space<vmem>>
    %dma_start3A_445 = tpu.memref_squeeze %dma_start3A_444 : memref<1x128x64xf32, #tpu.memory_space<vmem>> -> memref<128x64xf32, #tpu.memory_space<vmem>>
    tpu.enqueue_dma source(%dma_start3A_445 : memref<128x64xf32, #tpu.memory_space<vmem>>) target(%dma_start3A_441 : memref<128x64xf32, #tpu.memory_space<hbm>>) target_semaphore(%dma_start3A_439 : memref<!tpu.dma_semaphore, #tpu.memory_space<semaphore_mem>>)
    %dma_wait3A_446 = arith.constant 4 : i32
    %dma_wait3A_447 = arith.constant 4 : i32
    %dma_wait3A_448 = arith.constant 0 : i32
    %dma_wait3A_449 = arith.constant 0 : i32
    %dma_wait3A_450 = tpu.memref_slice %arg20[%dma_wait3A_446, %dma_wait3A_448, %dma_wait3A_449] : memref<6x128x64xf32, #tpu.memory_space<vmem>> -> memref<1x128x64xf32, #tpu.memory_space<vmem>>
    %dma_wait3A_451 = tpu.memref_squeeze %dma_wait3A_450 : memref<1x128x64xf32, #tpu.memory_space<vmem>> -> memref<128x64xf32, #tpu.memory_space<vmem>>
    %dma_wait3A_452 = arith.constant 0 : i32
    %dma_wait3A_453 = tpu.memref_slice %arg10[%add3A_301, %dma_wait3A_452] : memref<16384x64xf32, #tpu.memory_space<hbm>> -> memref<128x64xf32, #tpu.memory_space<hbm>>
    %dma_wait3A_454 = tpu.memref_slice %arg22[%dma_wait3A_447] : memref<6x!tpu.dma_semaphore, #tpu.memory_space<semaphore_mem>> -> memref<1x!tpu.dma_semaphore, #tpu.memory_space<semaphore_mem>>
    %dma_wait3A_455 = tpu.memref_squeeze %dma_wait3A_454 : memref<1x!tpu.dma_semaphore, #tpu.memory_space<semaphore_mem>> -> memref<!tpu.dma_semaphore, #tpu.memory_space<semaphore_mem>>
    %dma_wait3A_456 = arith.constant 0 : i32
    %dma_wait3A_457 = tpu.memref_slice %arg10[%add3A_301, %dma_wait3A_456] : memref<16384x64xf32, #tpu.memory_space<hbm>> -> memref<128x64xf32, #tpu.memory_space<hbm>>
    %dma_wait3A_458 = arith.constant 0 : i32
    %dma_wait3A_459 = arith.constant 0 : i32
    %dma_wait3A_460 = tpu.memref_slice %arg20[%dma_wait3A_446, %dma_wait3A_458, %dma_wait3A_459] : memref<6x128x64xf32, #tpu.memory_space<vmem>> -> memref<1x128x64xf32, #tpu.memory_space<vmem>>
    %dma_wait3A_461 = tpu.memref_squeeze %dma_wait3A_460 : memref<1x128x64xf32, #tpu.memory_space<vmem>> -> memref<128x64xf32, #tpu.memory_space<vmem>>
    tpu.wait_dma2 semaphore(%dma_wait3A_455 : memref<!tpu.dma_semaphore, #tpu.memory_space<semaphore_mem>>) src(%dma_wait3A_461 : memref<128x64xf32, #tpu.memory_space<vmem>>) dst(%dma_wait3A_457 : memref<128x64xf32, #tpu.memory_space<hbm>>)
    %dma_start3A_462 = arith.constant 2 : i32
    %dma_start3A_463 = arith.constant 4 : i32
    %dma_start3A_464 = arith.constant 4 : i32
    %dma_start3A_465 = arith.constant 0 : i32
    %dma_start3A_466 = arith.constant 0 : i32
    %dma_start3A_467 = tpu.memref_slice %arg20[%dma_start3A_463, %dma_start3A_465, %dma_start3A_466] : memref<6x128x64xf32, #tpu.memory_space<vmem>> -> memref<1x128x64xf32, #tpu.memory_space<vmem>>
    %dma_start3A_468 = tpu.memref_squeeze %dma_start3A_467 : memref<1x128x64xf32, #tpu.memory_space<vmem>> -> memref<128x64xf32, #tpu.memory_space<vmem>>
    %dma_start3A_469 = arith.constant 0 : i32
    %dma_start3A_470 = tpu.memref_slice %arg18[%dma_start3A_462, %dma_start3A_469] : memref<4x128xi32, #tpu.memory_space<vmem>> -> memref<1x128xi32, #tpu.memory_space<vmem>>
    %dma_start3A_471 = tpu.memref_squeeze %dma_start3A_470 : memref<1x128xi32, #tpu.memory_space<vmem>> -> memref<128xi32, #tpu.memory_space<vmem>>
    %dma_start3A_472 = arith.constant 0 : i32
    %dma_start3A_473 = arith.constant 0 : i32
    %dma_start3A_474 = tpu.memref_slice %arg2[%dma_start3A_472, %dma_start3A_473] : memref<1000000x64xf32, #tpu.memory_space<hbm>> -> memref<1000000x64xf32, #tpu.memory_space<hbm>>
    %dma_start3A_475 = tpu.memref_slice %arg21[%dma_start3A_464] : memref<6x!tpu.dma_semaphore, #tpu.memory_space<semaphore_mem>> -> memref<1x!tpu.dma_semaphore, #tpu.memory_space<semaphore_mem>>
    %dma_start3A_476 = tpu.memref_squeeze %dma_start3A_475 : memref<1x!tpu.dma_semaphore, #tpu.memory_space<semaphore_mem>> -> memref<!tpu.dma_semaphore, #tpu.memory_space<semaphore_mem>>
    tpu.enqueue_indirect_dma source(%dma_start3A_474 : memref<1000000x64xf32, #tpu.memory_space<hbm>>) target(%dma_start3A_468 : memref<128x64xf32, #tpu.memory_space<vmem>>) offsets(%dma_start3A_471 : memref<128xi32, #tpu.memory_space<vmem>>) semaphore(%dma_start3A_476 : memref<!tpu.dma_semaphore, #tpu.memory_space<semaphore_mem>>)
    %dma_wait3A_477 = arith.constant 3 : i32
    %dma_wait3A_478 = arith.constant 1 : i32
    %dma_wait3A_479 = arith.constant 1 : i32
    %dma_wait3A_480 = arith.constant 0 : i32
    %dma_wait3A_481 = arith.constant 0 : i32
    %dma_wait3A_482 = tpu.memref_slice %arg20[%dma_wait3A_478, %dma_wait3A_480, %dma_wait3A_481] : memref<6x128x64xf32, #tpu.memory_space<vmem>> -> memref<1x128x64xf32, #tpu.memory_space<vmem>>
    %dma_wait3A_483 = tpu.memref_squeeze %dma_wait3A_482 : memref<1x128x64xf32, #tpu.memory_space<vmem>> -> memref<128x64xf32, #tpu.memory_space<vmem>>
    %dma_wait3A_484 = arith.constant 0 : i32
    %dma_wait3A_485 = tpu.memref_slice %arg17[%dma_wait3A_477, %dma_wait3A_484] : memref<4x128xi32, #tpu.memory_space<vmem>> -> memref<1x128xi32, #tpu.memory_space<vmem>>
    %dma_wait3A_486 = tpu.memref_squeeze %dma_wait3A_485 : memref<1x128xi32, #tpu.memory_space<vmem>> -> memref<128xi32, #tpu.memory_space<vmem>>
    %dma_wait3A_487 = arith.constant 0 : i32
    %dma_wait3A_488 = arith.constant 0 : i32
    %dma_wait3A_489 = tpu.memref_slice %arg3[%dma_wait3A_487, %dma_wait3A_488] : memref<1000000x64xf32, #tpu.memory_space<hbm>> -> memref<1000000x64xf32, #tpu.memory_space<hbm>>
    %dma_wait3A_490 = tpu.memref_slice %arg21[%dma_wait3A_479] : memref<6x!tpu.dma_semaphore, #tpu.memory_space<semaphore_mem>> -> memref<1x!tpu.dma_semaphore, #tpu.memory_space<semaphore_mem>>
    %dma_wait3A_491 = tpu.memref_squeeze %dma_wait3A_490 : memref<1x!tpu.dma_semaphore, #tpu.memory_space<semaphore_mem>> -> memref<!tpu.dma_semaphore, #tpu.memory_space<semaphore_mem>>
    tpu.wait_indirect_dma semaphore(%dma_wait3A_491 : memref<!tpu.dma_semaphore, #tpu.memory_space<semaphore_mem>>) src(%dma_wait3A_489 : memref<1000000x64xf32, #tpu.memory_space<hbm>>) dst(%dma_wait3A_483 : memref<128x64xf32, #tpu.memory_space<vmem>>)
    %add3A_492 = arith.constant 384 : i32
    %add3A_493 = arith.addi %mul3A_2, %add3A_492 : i32
    %dma_start3A_494 = arith.constant 1 : i32
    %dma_start3A_495 = arith.constant 1 : i32
    %dma_start3A_496 = arith.constant 0 : i32
    %dma_start3A_497 = arith.constant 0 : i32
    %dma_start3A_498 = tpu.memref_slice %arg20[%dma_start3A_494, %dma_start3A_496, %dma_start3A_497] : memref<6x128x64xf32, #tpu.memory_space<vmem>> -> memref<1x128x64xf32, #tpu.memory_space<vmem>>
    %dma_start3A_499 = tpu.memref_squeeze %dma_start3A_498 : memref<1x128x64xf32, #tpu.memory_space<vmem>> -> memref<128x64xf32, #tpu.memory_space<vmem>>
    %dma_start3A_500 = arith.constant 0 : i32
    %dma_start3A_501 = tpu.memref_slice %arg10[%add3A_493, %dma_start3A_500] : memref<16384x64xf32, #tpu.memory_space<hbm>> -> memref<128x64xf32, #tpu.memory_space<hbm>>
    %dma_start3A_502 = tpu.memref_slice %arg22[%dma_start3A_495] : memref<6x!tpu.dma_semaphore, #tpu.memory_space<semaphore_mem>> -> memref<1x!tpu.dma_semaphore, #tpu.memory_space<semaphore_mem>>
    %dma_start3A_503 = tpu.memref_squeeze %dma_start3A_502 : memref<1x!tpu.dma_semaphore, #tpu.memory_space<semaphore_mem>> -> memref<!tpu.dma_semaphore, #tpu.memory_space<semaphore_mem>>
    %dma_start3A_504 = arith.constant 0 : i32
    %dma_start3A_505 = tpu.memref_slice %arg10[%add3A_493, %dma_start3A_504] : memref<16384x64xf32, #tpu.memory_space<hbm>> -> memref<128x64xf32, #tpu.memory_space<hbm>>
    %dma_start3A_506 = arith.constant 0 : i32
    %dma_start3A_507 = arith.constant 0 : i32
    %dma_start3A_508 = tpu.memref_slice %arg20[%dma_start3A_494, %dma_start3A_506, %dma_start3A_507] : memref<6x128x64xf32, #tpu.memory_space<vmem>> -> memref<1x128x64xf32, #tpu.memory_space<vmem>>
    %dma_start3A_509 = tpu.memref_squeeze %dma_start3A_508 : memref<1x128x64xf32, #tpu.memory_space<vmem>> -> memref<128x64xf32, #tpu.memory_space<vmem>>
    tpu.enqueue_dma source(%dma_start3A_509 : memref<128x64xf32, #tpu.memory_space<vmem>>) target(%dma_start3A_505 : memref<128x64xf32, #tpu.memory_space<hbm>>) target_semaphore(%dma_start3A_503 : memref<!tpu.dma_semaphore, #tpu.memory_space<semaphore_mem>>)
    %dma_wait3A_510 = arith.constant 5 : i32
    %dma_wait3A_511 = arith.constant 5 : i32
    %dma_wait3A_512 = arith.constant 0 : i32
    %dma_wait3A_513 = arith.constant 0 : i32
    %dma_wait3A_514 = tpu.memref_slice %arg20[%dma_wait3A_510, %dma_wait3A_512, %dma_wait3A_513] : memref<6x128x64xf32, #tpu.memory_space<vmem>> -> memref<1x128x64xf32, #tpu.memory_space<vmem>>
    %dma_wait3A_515 = tpu.memref_squeeze %dma_wait3A_514 : memref<1x128x64xf32, #tpu.memory_space<vmem>> -> memref<128x64xf32, #tpu.memory_space<vmem>>
    %dma_wait3A_516 = arith.constant 0 : i32
    %dma_wait3A_517 = tpu.memref_slice %arg10[%add3A_365, %dma_wait3A_516] : memref<16384x64xf32, #tpu.memory_space<hbm>> -> memref<128x64xf32, #tpu.memory_space<hbm>>
    %dma_wait3A_518 = tpu.memref_slice %arg22[%dma_wait3A_511] : memref<6x!tpu.dma_semaphore, #tpu.memory_space<semaphore_mem>> -> memref<1x!tpu.dma_semaphore, #tpu.memory_space<semaphore_mem>>
    %dma_wait3A_519 = tpu.memref_squeeze %dma_wait3A_518 : memref<1x!tpu.dma_semaphore, #tpu.memory_space<semaphore_mem>> -> memref<!tpu.dma_semaphore, #tpu.memory_space<semaphore_mem>>
    %dma_wait3A_520 = arith.constant 0 : i32
    %dma_wait3A_521 = tpu.memref_slice %arg10[%add3A_365, %dma_wait3A_520] : memref<16384x64xf32, #tpu.memory_space<hbm>> -> memref<128x64xf32, #tpu.memory_space<hbm>>
    %dma_wait3A_522 = arith.constant 0 : i32
    %dma_wait3A_523 = arith.constant 0 : i32
    %dma_wait3A_524 = tpu.memref_slice %arg20[%dma_wait3A_510, %dma_wait3A_522, %dma_wait3A_523] : memref<6x128x64xf32, #tpu.memory_space<vmem>> -> memref<1x128x64xf32, #tpu.memory_space<vmem>>
    %dma_wait3A_525 = tpu.memref_squeeze %dma_wait3A_524 : memref<1x128x64xf32, #tpu.memory_space<vmem>> -> memref<128x64xf32, #tpu.memory_space<vmem>>
    tpu.wait_dma2 semaphore(%dma_wait3A_519 : memref<!tpu.dma_semaphore, #tpu.memory_space<semaphore_mem>>) src(%dma_wait3A_525 : memref<128x64xf32, #tpu.memory_space<vmem>>) dst(%dma_wait3A_521 : memref<128x64xf32, #tpu.memory_space<hbm>>)
    %dma_start3A_526 = arith.constant 3 : i32
    %dma_start3A_527 = arith.constant 5 : i32
    %dma_start3A_528 = arith.constant 5 : i32
    %dma_start3A_529 = arith.constant 0 : i32
    %dma_start3A_530 = arith.constant 0 : i32
    %dma_start3A_531 = tpu.memref_slice %arg20[%dma_start3A_527, %dma_start3A_529, %dma_start3A_530] : memref<6x128x64xf32, #tpu.memory_space<vmem>> -> memref<1x128x64xf32, #tpu.memory_space<vmem>>
    %dma_start3A_532 = tpu.memref_squeeze %dma_start3A_531 : memref<1x128x64xf32, #tpu.memory_space<vmem>> -> memref<128x64xf32, #tpu.memory_space<vmem>>
    %dma_start3A_533 = arith.constant 0 : i32
    %dma_start3A_534 = tpu.memref_slice %arg18[%dma_start3A_526, %dma_start3A_533] : memref<4x128xi32, #tpu.memory_space<vmem>> -> memref<1x128xi32, #tpu.memory_space<vmem>>
    %dma_start3A_535 = tpu.memref_squeeze %dma_start3A_534 : memref<1x128xi32, #tpu.memory_space<vmem>> -> memref<128xi32, #tpu.memory_space<vmem>>
    %dma_start3A_536 = arith.constant 0 : i32
    %dma_start3A_537 = arith.constant 0 : i32
    %dma_start3A_538 = tpu.memref_slice %arg2[%dma_start3A_536, %dma_start3A_537] : memref<1000000x64xf32, #tpu.memory_space<hbm>> -> memref<1000000x64xf32, #tpu.memory_space<hbm>>
    %dma_start3A_539 = tpu.memref_slice %arg21[%dma_start3A_528] : memref<6x!tpu.dma_semaphore, #tpu.memory_space<semaphore_mem>> -> memref<1x!tpu.dma_semaphore, #tpu.memory_space<semaphore_mem>>
    %dma_start3A_540 = tpu.memref_squeeze %dma_start3A_539 : memref<1x!tpu.dma_semaphore, #tpu.memory_space<semaphore_mem>> -> memref<!tpu.dma_semaphore, #tpu.memory_space<semaphore_mem>>
    tpu.enqueue_indirect_dma source(%dma_start3A_538 : memref<1000000x64xf32, #tpu.memory_space<hbm>>) target(%dma_start3A_532 : memref<128x64xf32, #tpu.memory_space<vmem>>) offsets(%dma_start3A_535 : memref<128xi32, #tpu.memory_space<vmem>>) semaphore(%dma_start3A_540 : memref<!tpu.dma_semaphore, #tpu.memory_space<semaphore_mem>>)
    %dma_wait3A_541 = arith.constant 0 : i32
    %dma_wait3A_542 = arith.constant 2 : i32
    %dma_wait3A_543 = arith.constant 2 : i32
    %dma_wait3A_544 = arith.constant 0 : i32
    %dma_wait3A_545 = arith.constant 0 : i32
    %dma_wait3A_546 = tpu.memref_slice %arg20[%dma_wait3A_542, %dma_wait3A_544, %dma_wait3A_545] : memref<6x128x64xf32, #tpu.memory_space<vmem>> -> memref<1x128x64xf32, #tpu.memory_space<vmem>>
    %dma_wait3A_547 = tpu.memref_squeeze %dma_wait3A_546 : memref<1x128x64xf32, #tpu.memory_space<vmem>> -> memref<128x64xf32, #tpu.memory_space<vmem>>
    %dma_wait3A_548 = arith.constant 0 : i32
    %dma_wait3A_549 = tpu.memref_slice %arg18[%dma_wait3A_541, %dma_wait3A_548] : memref<4x128xi32, #tpu.memory_space<vmem>> -> memref<1x128xi32, #tpu.memory_space<vmem>>
    %dma_wait3A_550 = tpu.memref_squeeze %dma_wait3A_549 : memref<1x128xi32, #tpu.memory_space<vmem>> -> memref<128xi32, #tpu.memory_space<vmem>>
    %dma_wait3A_551 = arith.constant 0 : i32
    %dma_wait3A_552 = arith.constant 0 : i32
    %dma_wait3A_553 = tpu.memref_slice %arg2[%dma_wait3A_551, %dma_wait3A_552] : memref<1000000x64xf32, #tpu.memory_space<hbm>> -> memref<1000000x64xf32, #tpu.memory_space<hbm>>
    %dma_wait3A_554 = tpu.memref_slice %arg21[%dma_wait3A_543] : memref<6x!tpu.dma_semaphore, #tpu.memory_space<semaphore_mem>> -> memref<1x!tpu.dma_semaphore, #tpu.memory_space<semaphore_mem>>
    %dma_wait3A_555 = tpu.memref_squeeze %dma_wait3A_554 : memref<1x!tpu.dma_semaphore, #tpu.memory_space<semaphore_mem>> -> memref<!tpu.dma_semaphore, #tpu.memory_space<semaphore_mem>>
    tpu.wait_indirect_dma semaphore(%dma_wait3A_555 : memref<!tpu.dma_semaphore, #tpu.memory_space<semaphore_mem>>) src(%dma_wait3A_553 : memref<1000000x64xf32, #tpu.memory_space<hbm>>) dst(%dma_wait3A_547 : memref<128x64xf32, #tpu.memory_space<vmem>>)
    %add3A_556 = arith.constant 0 : i32
    %add3A_557 = arith.addi %mul3A_2, %add3A_556 : i32
    %dma_start3A_558 = arith.constant 2 : i32
    %dma_start3A_559 = arith.constant 2 : i32
    %dma_start3A_560 = arith.constant 0 : i32
    %dma_start3A_561 = arith.constant 0 : i32
    %dma_start3A_562 = tpu.memref_slice %arg20[%dma_start3A_558, %dma_start3A_560, %dma_start3A_561] : memref<6x128x64xf32, #tpu.memory_space<vmem>> -> memref<1x128x64xf32, #tpu.memory_space<vmem>>
    %dma_start3A_563 = tpu.memref_squeeze %dma_start3A_562 : memref<1x128x64xf32, #tpu.memory_space<vmem>> -> memref<128x64xf32, #tpu.memory_space<vmem>>
    %dma_start3A_564 = arith.constant 0 : i32
    %dma_start3A_565 = tpu.memref_slice %arg11[%add3A_557, %dma_start3A_564] : memref<16384x64xf32, #tpu.memory_space<hbm>> -> memref<128x64xf32, #tpu.memory_space<hbm>>
    %dma_start3A_566 = tpu.memref_slice %arg22[%dma_start3A_559] : memref<6x!tpu.dma_semaphore, #tpu.memory_space<semaphore_mem>> -> memref<1x!tpu.dma_semaphore, #tpu.memory_space<semaphore_mem>>
    %dma_start3A_567 = tpu.memref_squeeze %dma_start3A_566 : memref<1x!tpu.dma_semaphore, #tpu.memory_space<semaphore_mem>> -> memref<!tpu.dma_semaphore, #tpu.memory_space<semaphore_mem>>
    %dma_start3A_568 = arith.constant 0 : i32
    %dma_start3A_569 = tpu.memref_slice %arg11[%add3A_557, %dma_start3A_568] : memref<16384x64xf32, #tpu.memory_space<hbm>> -> memref<128x64xf32, #tpu.memory_space<hbm>>
    %dma_start3A_570 = arith.constant 0 : i32
    %dma_start3A_571 = arith.constant 0 : i32
    %dma_start3A_572 = tpu.memref_slice %arg20[%dma_start3A_558, %dma_start3A_570, %dma_start3A_571] : memref<6x128x64xf32, #tpu.memory_space<vmem>> -> memref<1x128x64xf32, #tpu.memory_space<vmem>>
    %dma_start3A_573 = tpu.memref_squeeze %dma_start3A_572 : memref<1x128x64xf32, #tpu.memory_space<vmem>> -> memref<128x64xf32, #tpu.memory_space<vmem>>
    tpu.enqueue_dma source(%dma_start3A_573 : memref<128x64xf32, #tpu.memory_space<vmem>>) target(%dma_start3A_569 : memref<128x64xf32, #tpu.memory_space<hbm>>) target_semaphore(%dma_start3A_567 : memref<!tpu.dma_semaphore, #tpu.memory_space<semaphore_mem>>)
    %dma_wait3A_574 = arith.constant 0 : i32
    %dma_wait3A_575 = arith.constant 0 : i32
    %dma_wait3A_576 = arith.constant 0 : i32
    %dma_wait3A_577 = arith.constant 0 : i32
    %dma_wait3A_578 = tpu.memref_slice %arg20[%dma_wait3A_574, %dma_wait3A_576, %dma_wait3A_577] : memref<6x128x64xf32, #tpu.memory_space<vmem>> -> memref<1x128x64xf32, #tpu.memory_space<vmem>>
    %dma_wait3A_579 = tpu.memref_squeeze %dma_wait3A_578 : memref<1x128x64xf32, #tpu.memory_space<vmem>> -> memref<128x64xf32, #tpu.memory_space<vmem>>
    %dma_wait3A_580 = arith.constant 0 : i32
    %dma_wait3A_581 = tpu.memref_slice %arg10[%add3A_429, %dma_wait3A_580] : memref<16384x64xf32, #tpu.memory_space<hbm>> -> memref<128x64xf32, #tpu.memory_space<hbm>>
    %dma_wait3A_582 = tpu.memref_slice %arg22[%dma_wait3A_575] : memref<6x!tpu.dma_semaphore, #tpu.memory_space<semaphore_mem>> -> memref<1x!tpu.dma_semaphore, #tpu.memory_space<semaphore_mem>>
    %dma_wait3A_583 = tpu.memref_squeeze %dma_wait3A_582 : memref<1x!tpu.dma_semaphore, #tpu.memory_space<semaphore_mem>> -> memref<!tpu.dma_semaphore, #tpu.memory_space<semaphore_mem>>
    %dma_wait3A_584 = arith.constant 0 : i32
    %dma_wait3A_585 = tpu.memref_slice %arg10[%add3A_429, %dma_wait3A_584] : memref<16384x64xf32, #tpu.memory_space<hbm>> -> memref<128x64xf32, #tpu.memory_space<hbm>>
    %dma_wait3A_586 = arith.constant 0 : i32
    %dma_wait3A_587 = arith.constant 0 : i32
    %dma_wait3A_588 = tpu.memref_slice %arg20[%dma_wait3A_574, %dma_wait3A_586, %dma_wait3A_587] : memref<6x128x64xf32, #tpu.memory_space<vmem>> -> memref<1x128x64xf32, #tpu.memory_space<vmem>>
    %dma_wait3A_589 = tpu.memref_squeeze %dma_wait3A_588 : memref<1x128x64xf32, #tpu.memory_space<vmem>> -> memref<128x64xf32, #tpu.memory_space<vmem>>
    tpu.wait_dma2 semaphore(%dma_wait3A_583 : memref<!tpu.dma_semaphore, #tpu.memory_space<semaphore_mem>>) src(%dma_wait3A_589 : memref<128x64xf32, #tpu.memory_space<vmem>>) dst(%dma_wait3A_585 : memref<128x64xf32, #tpu.memory_space<hbm>>)
    %dma_start3A_590 = arith.constant 0 : i32
    %dma_start3A_591 = arith.constant 0 : i32
    %dma_start3A_592 = arith.constant 0 : i32
    %dma_start3A_593 = arith.constant 0 : i32
    %dma_start3A_594 = arith.constant 0 : i32
    %dma_start3A_595 = tpu.memref_slice %arg20[%dma_start3A_591, %dma_start3A_593, %dma_start3A_594] : memref<6x128x64xf32, #tpu.memory_space<vmem>> -> memref<1x128x64xf32, #tpu.memory_space<vmem>>
    %dma_start3A_596 = tpu.memref_squeeze %dma_start3A_595 : memref<1x128x64xf32, #tpu.memory_space<vmem>> -> memref<128x64xf32, #tpu.memory_space<vmem>>
    %dma_start3A_597 = arith.constant 0 : i32
    %dma_start3A_598 = tpu.memref_slice %arg18[%dma_start3A_590, %dma_start3A_597] : memref<4x128xi32, #tpu.memory_space<vmem>> -> memref<1x128xi32, #tpu.memory_space<vmem>>
    %dma_start3A_599 = tpu.memref_squeeze %dma_start3A_598 : memref<1x128xi32, #tpu.memory_space<vmem>> -> memref<128xi32, #tpu.memory_space<vmem>>
    %dma_start3A_600 = arith.constant 0 : i32
    %dma_start3A_601 = arith.constant 0 : i32
    %dma_start3A_602 = tpu.memref_slice %arg3[%dma_start3A_600, %dma_start3A_601] : memref<1000000x64xf32, #tpu.memory_space<hbm>> -> memref<1000000x64xf32, #tpu.memory_space<hbm>>
    %dma_start3A_603 = tpu.memref_slice %arg21[%dma_start3A_592] : memref<6x!tpu.dma_semaphore, #tpu.memory_space<semaphore_mem>> -> memref<1x!tpu.dma_semaphore, #tpu.memory_space<semaphore_mem>>
    %dma_start3A_604 = tpu.memref_squeeze %dma_start3A_603 : memref<1x!tpu.dma_semaphore, #tpu.memory_space<semaphore_mem>> -> memref<!tpu.dma_semaphore, #tpu.memory_space<semaphore_mem>>
    tpu.enqueue_indirect_dma source(%dma_start3A_602 : memref<1000000x64xf32, #tpu.memory_space<hbm>>) target(%dma_start3A_596 : memref<128x64xf32, #tpu.memory_space<vmem>>) offsets(%dma_start3A_599 : memref<128xi32, #tpu.memory_space<vmem>>) semaphore(%dma_start3A_604 : memref<!tpu.dma_semaphore, #tpu.memory_space<semaphore_mem>>)
    %dma_wait3A_605 = arith.constant 1 : i32
    %dma_wait3A_606 = arith.constant 3 : i32
    %dma_wait3A_607 = arith.constant 3 : i32
    %dma_wait3A_608 = arith.constant 0 : i32
    %dma_wait3A_609 = arith.constant 0 : i32
    %dma_wait3A_610 = tpu.memref_slice %arg20[%dma_wait3A_606, %dma_wait3A_608, %dma_wait3A_609] : memref<6x128x64xf32, #tpu.memory_space<vmem>> -> memref<1x128x64xf32, #tpu.memory_space<vmem>>
    %dma_wait3A_611 = tpu.memref_squeeze %dma_wait3A_610 : memref<1x128x64xf32, #tpu.memory_space<vmem>> -> memref<128x64xf32, #tpu.memory_space<vmem>>
    %dma_wait3A_612 = arith.constant 0 : i32
    %dma_wait3A_613 = tpu.memref_slice %arg18[%dma_wait3A_605, %dma_wait3A_612] : memref<4x128xi32, #tpu.memory_space<vmem>> -> memref<1x128xi32, #tpu.memory_space<vmem>>
    %dma_wait3A_614 = tpu.memref_squeeze %dma_wait3A_613 : memref<1x128xi32, #tpu.memory_space<vmem>> -> memref<128xi32, #tpu.memory_space<vmem>>
    %dma_wait3A_615 = arith.constant 0 : i32
    %dma_wait3A_616 = arith.constant 0 : i32
    %dma_wait3A_617 = tpu.memref_slice %arg2[%dma_wait3A_615, %dma_wait3A_616] : memref<1000000x64xf32, #tpu.memory_space<hbm>> -> memref<1000000x64xf32, #tpu.memory_space<hbm>>
    %dma_wait3A_618 = tpu.memref_slice %arg21[%dma_wait3A_607] : memref<6x!tpu.dma_semaphore, #tpu.memory_space<semaphore_mem>> -> memref<1x!tpu.dma_semaphore, #tpu.memory_space<semaphore_mem>>
    %dma_wait3A_619 = tpu.memref_squeeze %dma_wait3A_618 : memref<1x!tpu.dma_semaphore, #tpu.memory_space<semaphore_mem>> -> memref<!tpu.dma_semaphore, #tpu.memory_space<semaphore_mem>>
    tpu.wait_indirect_dma semaphore(%dma_wait3A_619 : memref<!tpu.dma_semaphore, #tpu.memory_space<semaphore_mem>>) src(%dma_wait3A_617 : memref<1000000x64xf32, #tpu.memory_space<hbm>>) dst(%dma_wait3A_611 : memref<128x64xf32, #tpu.memory_space<vmem>>)
    %add3A_620 = arith.constant 128 : i32
    %add3A_621 = arith.addi %mul3A_2, %add3A_620 : i32
    %dma_start3A_622 = arith.constant 3 : i32
    %dma_start3A_623 = arith.constant 3 : i32
    %dma_start3A_624 = arith.constant 0 : i32
    %dma_start3A_625 = arith.constant 0 : i32
    %dma_start3A_626 = tpu.memref_slice %arg20[%dma_start3A_622, %dma_start3A_624, %dma_start3A_625] : memref<6x128x64xf32, #tpu.memory_space<vmem>> -> memref<1x128x64xf32, #tpu.memory_space<vmem>>
    %dma_start3A_627 = tpu.memref_squeeze %dma_start3A_626 : memref<1x128x64xf32, #tpu.memory_space<vmem>> -> memref<128x64xf32, #tpu.memory_space<vmem>>
    %dma_start3A_628 = arith.constant 0 : i32
    %dma_start3A_629 = tpu.memref_slice %arg11[%add3A_621, %dma_start3A_628] : memref<16384x64xf32, #tpu.memory_space<hbm>> -> memref<128x64xf32, #tpu.memory_space<hbm>>
    %dma_start3A_630 = tpu.memref_slice %arg22[%dma_start3A_623] : memref<6x!tpu.dma_semaphore, #tpu.memory_space<semaphore_mem>> -> memref<1x!tpu.dma_semaphore, #tpu.memory_space<semaphore_mem>>
    %dma_start3A_631 = tpu.memref_squeeze %dma_start3A_630 : memref<1x!tpu.dma_semaphore, #tpu.memory_space<semaphore_mem>> -> memref<!tpu.dma_semaphore, #tpu.memory_space<semaphore_mem>>
    %dma_start3A_632 = arith.constant 0 : i32
    %dma_start3A_633 = tpu.memref_slice %arg11[%add3A_621, %dma_start3A_632] : memref<16384x64xf32, #tpu.memory_space<hbm>> -> memref<128x64xf32, #tpu.memory_space<hbm>>
    %dma_start3A_634 = arith.constant 0 : i32
    %dma_start3A_635 = arith.constant 0 : i32
    %dma_start3A_636 = tpu.memref_slice %arg20[%dma_start3A_622, %dma_start3A_634, %dma_start3A_635] : memref<6x128x64xf32, #tpu.memory_space<vmem>> -> memref<1x128x64xf32, #tpu.memory_space<vmem>>
    %dma_start3A_637 = tpu.memref_squeeze %dma_start3A_636 : memref<1x128x64xf32, #tpu.memory_space<vmem>> -> memref<128x64xf32, #tpu.memory_space<vmem>>
    tpu.enqueue_dma source(%dma_start3A_637 : memref<128x64xf32, #tpu.memory_space<vmem>>) target(%dma_start3A_633 : memref<128x64xf32, #tpu.memory_space<hbm>>) target_semaphore(%dma_start3A_631 : memref<!tpu.dma_semaphore, #tpu.memory_space<semaphore_mem>>)
    %dma_wait3A_638 = arith.constant 1 : i32
    %dma_wait3A_639 = arith.constant 1 : i32
    %dma_wait3A_640 = arith.constant 0 : i32
    %dma_wait3A_641 = arith.constant 0 : i32
    %dma_wait3A_642 = tpu.memref_slice %arg20[%dma_wait3A_638, %dma_wait3A_640, %dma_wait3A_641] : memref<6x128x64xf32, #tpu.memory_space<vmem>> -> memref<1x128x64xf32, #tpu.memory_space<vmem>>
    %dma_wait3A_643 = tpu.memref_squeeze %dma_wait3A_642 : memref<1x128x64xf32, #tpu.memory_space<vmem>> -> memref<128x64xf32, #tpu.memory_space<vmem>>
    %dma_wait3A_644 = arith.constant 0 : i32
    %dma_wait3A_645 = tpu.memref_slice %arg10[%add3A_493, %dma_wait3A_644] : memref<16384x64xf32, #tpu.memory_space<hbm>> -> memref<128x64xf32, #tpu.memory_space<hbm>>
    %dma_wait3A_646 = tpu.memref_slice %arg22[%dma_wait3A_639] : memref<6x!tpu.dma_semaphore, #tpu.memory_space<semaphore_mem>> -> memref<1x!tpu.dma_semaphore, #tpu.memory_space<semaphore_mem>>
    %dma_wait3A_647 = tpu.memref_squeeze %dma_wait3A_646 : memref<1x!tpu.dma_semaphore, #tpu.memory_space<semaphore_mem>> -> memref<!tpu.dma_semaphore, #tpu.memory_space<semaphore_mem>>
    %dma_wait3A_648 = arith.constant 0 : i32
    %dma_wait3A_649 = tpu.memref_slice %arg10[%add3A_493, %dma_wait3A_648] : memref<16384x64xf32, #tpu.memory_space<hbm>> -> memref<128x64xf32, #tpu.memory_space<hbm>>
    %dma_wait3A_650 = arith.constant 0 : i32
    %dma_wait3A_651 = arith.constant 0 : i32
    %dma_wait3A_652 = tpu.memref_slice %arg20[%dma_wait3A_638, %dma_wait3A_650, %dma_wait3A_651] : memref<6x128x64xf32, #tpu.memory_space<vmem>> -> memref<1x128x64xf32, #tpu.memory_space<vmem>>
    %dma_wait3A_653 = tpu.memref_squeeze %dma_wait3A_652 : memref<1x128x64xf32, #tpu.memory_space<vmem>> -> memref<128x64xf32, #tpu.memory_space<vmem>>
    tpu.wait_dma2 semaphore(%dma_wait3A_647 : memref<!tpu.dma_semaphore, #tpu.memory_space<semaphore_mem>>) src(%dma_wait3A_653 : memref<128x64xf32, #tpu.memory_space<vmem>>) dst(%dma_wait3A_649 : memref<128x64xf32, #tpu.memory_space<hbm>>)
    %dma_start3A_654 = arith.constant 1 : i32
    %dma_start3A_655 = arith.constant 1 : i32
    %dma_start3A_656 = arith.constant 1 : i32
    %dma_start3A_657 = arith.constant 0 : i32
    %dma_start3A_658 = arith.constant 0 : i32
    %dma_start3A_659 = tpu.memref_slice %arg20[%dma_start3A_655, %dma_start3A_657, %dma_start3A_658] : memref<6x128x64xf32, #tpu.memory_space<vmem>> -> memref<1x128x64xf32, #tpu.memory_space<vmem>>
    %dma_start3A_660 = tpu.memref_squeeze %dma_start3A_659 : memref<1x128x64xf32, #tpu.memory_space<vmem>> -> memref<128x64xf32, #tpu.memory_space<vmem>>
    %dma_start3A_661 = arith.constant 0 : i32
    %dma_start3A_662 = tpu.memref_slice %arg18[%dma_start3A_654, %dma_start3A_661] : memref<4x128xi32, #tpu.memory_space<vmem>> -> memref<1x128xi32, #tpu.memory_space<vmem>>
    %dma_start3A_663 = tpu.memref_squeeze %dma_start3A_662 : memref<1x128xi32, #tpu.memory_space<vmem>> -> memref<128xi32, #tpu.memory_space<vmem>>
    %dma_start3A_664 = arith.constant 0 : i32
    %dma_start3A_665 = arith.constant 0 : i32
    %dma_start3A_666 = tpu.memref_slice %arg3[%dma_start3A_664, %dma_start3A_665] : memref<1000000x64xf32, #tpu.memory_space<hbm>> -> memref<1000000x64xf32, #tpu.memory_space<hbm>>
    %dma_start3A_667 = tpu.memref_slice %arg21[%dma_start3A_656] : memref<6x!tpu.dma_semaphore, #tpu.memory_space<semaphore_mem>> -> memref<1x!tpu.dma_semaphore, #tpu.memory_space<semaphore_mem>>
    %dma_start3A_668 = tpu.memref_squeeze %dma_start3A_667 : memref<1x!tpu.dma_semaphore, #tpu.memory_space<semaphore_mem>> -> memref<!tpu.dma_semaphore, #tpu.memory_space<semaphore_mem>>
    tpu.enqueue_indirect_dma source(%dma_start3A_666 : memref<1000000x64xf32, #tpu.memory_space<hbm>>) target(%dma_start3A_660 : memref<128x64xf32, #tpu.memory_space<vmem>>) offsets(%dma_start3A_663 : memref<128xi32, #tpu.memory_space<vmem>>) semaphore(%dma_start3A_668 : memref<!tpu.dma_semaphore, #tpu.memory_space<semaphore_mem>>)
    %dma_wait3A_669 = arith.constant 2 : i32
    %dma_wait3A_670 = arith.constant 4 : i32
    %dma_wait3A_671 = arith.constant 4 : i32
    %dma_wait3A_672 = arith.constant 0 : i32
    %dma_wait3A_673 = arith.constant 0 : i32
    %dma_wait3A_674 = tpu.memref_slice %arg20[%dma_wait3A_670, %dma_wait3A_672, %dma_wait3A_673] : memref<6x128x64xf32, #tpu.memory_space<vmem>> -> memref<1x128x64xf32, #tpu.memory_space<vmem>>
    %dma_wait3A_675 = tpu.memref_squeeze %dma_wait3A_674 : memref<1x128x64xf32, #tpu.memory_space<vmem>> -> memref<128x64xf32, #tpu.memory_space<vmem>>
    %dma_wait3A_676 = arith.constant 0 : i32
    %dma_wait3A_677 = tpu.memref_slice %arg18[%dma_wait3A_669, %dma_wait3A_676] : memref<4x128xi32, #tpu.memory_space<vmem>> -> memref<1x128xi32, #tpu.memory_space<vmem>>
    %dma_wait3A_678 = tpu.memref_squeeze %dma_wait3A_677 : memref<1x128xi32, #tpu.memory_space<vmem>> -> memref<128xi32, #tpu.memory_space<vmem>>
    %dma_wait3A_679 = arith.constant 0 : i32
    %dma_wait3A_680 = arith.constant 0 : i32
    %dma_wait3A_681 = tpu.memref_slice %arg2[%dma_wait3A_679, %dma_wait3A_680] : memref<1000000x64xf32, #tpu.memory_space<hbm>> -> memref<1000000x64xf32, #tpu.memory_space<hbm>>
    %dma_wait3A_682 = tpu.memref_slice %arg21[%dma_wait3A_671] : memref<6x!tpu.dma_semaphore, #tpu.memory_space<semaphore_mem>> -> memref<1x!tpu.dma_semaphore, #tpu.memory_space<semaphore_mem>>
    %dma_wait3A_683 = tpu.memref_squeeze %dma_wait3A_682 : memref<1x!tpu.dma_semaphore, #tpu.memory_space<semaphore_mem>> -> memref<!tpu.dma_semaphore, #tpu.memory_space<semaphore_mem>>
    tpu.wait_indirect_dma semaphore(%dma_wait3A_683 : memref<!tpu.dma_semaphore, #tpu.memory_space<semaphore_mem>>) src(%dma_wait3A_681 : memref<1000000x64xf32, #tpu.memory_space<hbm>>) dst(%dma_wait3A_675 : memref<128x64xf32, #tpu.memory_space<vmem>>)
    %add3A_684 = arith.constant 256 : i32
    %add3A_685 = arith.addi %mul3A_2, %add3A_684 : i32
    %dma_start3A_686 = arith.constant 4 : i32
    %dma_start3A_687 = arith.constant 4 : i32
    %dma_start3A_688 = arith.constant 0 : i32
    %dma_start3A_689 = arith.constant 0 : i32
    %dma_start3A_690 = tpu.memref_slice %arg20[%dma_start3A_686, %dma_start3A_688, %dma_start3A_689] : memref<6x128x64xf32, #tpu.memory_space<vmem>> -> memref<1x128x64xf32, #tpu.memory_space<vmem>>
    %dma_start3A_691 = tpu.memref_squeeze %dma_start3A_690 : memref<1x128x64xf32, #tpu.memory_space<vmem>> -> memref<128x64xf32, #tpu.memory_space<vmem>>
    %dma_start3A_692 = arith.constant 0 : i32
    %dma_start3A_693 = tpu.memref_slice %arg11[%add3A_685, %dma_start3A_692] : memref<16384x64xf32, #tpu.memory_space<hbm>> -> memref<128x64xf32, #tpu.memory_space<hbm>>
    %dma_start3A_694 = tpu.memref_slice %arg22[%dma_start3A_687] : memref<6x!tpu.dma_semaphore, #tpu.memory_space<semaphore_mem>> -> memref<1x!tpu.dma_semaphore, #tpu.memory_space<semaphore_mem>>
    %dma_start3A_695 = tpu.memref_squeeze %dma_start3A_694 : memref<1x!tpu.dma_semaphore, #tpu.memory_space<semaphore_mem>> -> memref<!tpu.dma_semaphore, #tpu.memory_space<semaphore_mem>>
    %dma_start3A_696 = arith.constant 0 : i32
    %dma_start3A_697 = tpu.memref_slice %arg11[%add3A_685, %dma_start3A_696] : memref<16384x64xf32, #tpu.memory_space<hbm>> -> memref<128x64xf32, #tpu.memory_space<hbm>>
    %dma_start3A_698 = arith.constant 0 : i32
    %dma_start3A_699 = arith.constant 0 : i32
    %dma_start3A_700 = tpu.memref_slice %arg20[%dma_start3A_686, %dma_start3A_698, %dma_start3A_699] : memref<6x128x64xf32, #tpu.memory_space<vmem>> -> memref<1x128x64xf32, #tpu.memory_space<vmem>>
    %dma_start3A_701 = tpu.memref_squeeze %dma_start3A_700 : memref<1x128x64xf32, #tpu.memory_space<vmem>> -> memref<128x64xf32, #tpu.memory_space<vmem>>
    tpu.enqueue_dma source(%dma_start3A_701 : memref<128x64xf32, #tpu.memory_space<vmem>>) target(%dma_start3A_697 : memref<128x64xf32, #tpu.memory_space<hbm>>) target_semaphore(%dma_start3A_695 : memref<!tpu.dma_semaphore, #tpu.memory_space<semaphore_mem>>)
    %dma_wait3A_702 = arith.constant 2 : i32
    %dma_wait3A_703 = arith.constant 2 : i32
    %dma_wait3A_704 = arith.constant 0 : i32
    %dma_wait3A_705 = arith.constant 0 : i32
    %dma_wait3A_706 = tpu.memref_slice %arg20[%dma_wait3A_702, %dma_wait3A_704, %dma_wait3A_705] : memref<6x128x64xf32, #tpu.memory_space<vmem>> -> memref<1x128x64xf32, #tpu.memory_space<vmem>>
    %dma_wait3A_707 = tpu.memref_squeeze %dma_wait3A_706 : memref<1x128x64xf32, #tpu.memory_space<vmem>> -> memref<128x64xf32, #tpu.memory_space<vmem>>
    %dma_wait3A_708 = arith.constant 0 : i32
    %dma_wait3A_709 = tpu.memref_slice %arg11[%add3A_557, %dma_wait3A_708] : memref<16384x64xf32, #tpu.memory_space<hbm>> -> memref<128x64xf32, #tpu.memory_space<hbm>>
    %dma_wait3A_710 = tpu.memref_slice %arg22[%dma_wait3A_703] : memref<6x!tpu.dma_semaphore, #tpu.memory_space<semaphore_mem>> -> memref<1x!tpu.dma_semaphore, #tpu.memory_space<semaphore_mem>>
    %dma_wait3A_711 = tpu.memref_squeeze %dma_wait3A_710 : memref<1x!tpu.dma_semaphore, #tpu.memory_space<semaphore_mem>> -> memref<!tpu.dma_semaphore, #tpu.memory_space<semaphore_mem>>
    %dma_wait3A_712 = arith.constant 0 : i32
    %dma_wait3A_713 = tpu.memref_slice %arg11[%add3A_557, %dma_wait3A_712] : memref<16384x64xf32, #tpu.memory_space<hbm>> -> memref<128x64xf32, #tpu.memory_space<hbm>>
    %dma_wait3A_714 = arith.constant 0 : i32
    %dma_wait3A_715 = arith.constant 0 : i32
    %dma_wait3A_716 = tpu.memref_slice %arg20[%dma_wait3A_702, %dma_wait3A_714, %dma_wait3A_715] : memref<6x128x64xf32, #tpu.memory_space<vmem>> -> memref<1x128x64xf32, #tpu.memory_space<vmem>>
    %dma_wait3A_717 = tpu.memref_squeeze %dma_wait3A_716 : memref<1x128x64xf32, #tpu.memory_space<vmem>> -> memref<128x64xf32, #tpu.memory_space<vmem>>
    tpu.wait_dma2 semaphore(%dma_wait3A_711 : memref<!tpu.dma_semaphore, #tpu.memory_space<semaphore_mem>>) src(%dma_wait3A_717 : memref<128x64xf32, #tpu.memory_space<vmem>>) dst(%dma_wait3A_713 : memref<128x64xf32, #tpu.memory_space<hbm>>)
    %dma_start3A_718 = arith.constant 2 : i32
    %dma_start3A_719 = arith.constant 2 : i32
    %dma_start3A_720 = arith.constant 2 : i32
    %dma_start3A_721 = arith.constant 0 : i32
    %dma_start3A_722 = arith.constant 0 : i32
    %dma_start3A_723 = tpu.memref_slice %arg20[%dma_start3A_719, %dma_start3A_721, %dma_start3A_722] : memref<6x128x64xf32, #tpu.memory_space<vmem>> -> memref<1x128x64xf32, #tpu.memory_space<vmem>>
    %dma_start3A_724 = tpu.memref_squeeze %dma_start3A_723 : memref<1x128x64xf32, #tpu.memory_space<vmem>> -> memref<128x64xf32, #tpu.memory_space<vmem>>
    %dma_start3A_725 = arith.constant 0 : i32
    %dma_start3A_726 = tpu.memref_slice %arg18[%dma_start3A_718, %dma_start3A_725] : memref<4x128xi32, #tpu.memory_space<vmem>> -> memref<1x128xi32, #tpu.memory_space<vmem>>
    %dma_start3A_727 = tpu.memref_squeeze %dma_start3A_726 : memref<1x128xi32, #tpu.memory_space<vmem>> -> memref<128xi32, #tpu.memory_space<vmem>>
    %dma_start3A_728 = arith.constant 0 : i32
    %dma_start3A_729 = arith.constant 0 : i32
    %dma_start3A_730 = tpu.memref_slice %arg3[%dma_start3A_728, %dma_start3A_729] : memref<1000000x64xf32, #tpu.memory_space<hbm>> -> memref<1000000x64xf32, #tpu.memory_space<hbm>>
    %dma_start3A_731 = tpu.memref_slice %arg21[%dma_start3A_720] : memref<6x!tpu.dma_semaphore, #tpu.memory_space<semaphore_mem>> -> memref<1x!tpu.dma_semaphore, #tpu.memory_space<semaphore_mem>>
    %dma_start3A_732 = tpu.memref_squeeze %dma_start3A_731 : memref<1x!tpu.dma_semaphore, #tpu.memory_space<semaphore_mem>> -> memref<!tpu.dma_semaphore, #tpu.memory_space<semaphore_mem>>
    tpu.enqueue_indirect_dma source(%dma_start3A_730 : memref<1000000x64xf32, #tpu.memory_space<hbm>>) target(%dma_start3A_724 : memref<128x64xf32, #tpu.memory_space<vmem>>) offsets(%dma_start3A_727 : memref<128xi32, #tpu.memory_space<vmem>>) semaphore(%dma_start3A_732 : memref<!tpu.dma_semaphore, #tpu.memory_space<semaphore_mem>>)
    %dma_wait3A_733 = arith.constant 3 : i32
    %dma_wait3A_734 = arith.constant 5 : i32
    %dma_wait3A_735 = arith.constant 5 : i32
    %dma_wait3A_736 = arith.constant 0 : i32
    %dma_wait3A_737 = arith.constant 0 : i32
    %dma_wait3A_738 = tpu.memref_slice %arg20[%dma_wait3A_734, %dma_wait3A_736, %dma_wait3A_737] : memref<6x128x64xf32, #tpu.memory_space<vmem>> -> memref<1x128x64xf32, #tpu.memory_space<vmem>>
    %dma_wait3A_739 = tpu.memref_squeeze %dma_wait3A_738 : memref<1x128x64xf32, #tpu.memory_space<vmem>> -> memref<128x64xf32, #tpu.memory_space<vmem>>
    %dma_wait3A_740 = arith.constant 0 : i32
    %dma_wait3A_741 = tpu.memref_slice %arg18[%dma_wait3A_733, %dma_wait3A_740] : memref<4x128xi32, #tpu.memory_space<vmem>> -> memref<1x128xi32, #tpu.memory_space<vmem>>
    %dma_wait3A_742 = tpu.memref_squeeze %dma_wait3A_741 : memref<1x128xi32, #tpu.memory_space<vmem>> -> memref<128xi32, #tpu.memory_space<vmem>>
    %dma_wait3A_743 = arith.constant 0 : i32
    %dma_wait3A_744 = arith.constant 0 : i32
    %dma_wait3A_745 = tpu.memref_slice %arg2[%dma_wait3A_743, %dma_wait3A_744] : memref<1000000x64xf32, #tpu.memory_space<hbm>> -> memref<1000000x64xf32, #tpu.memory_space<hbm>>
    %dma_wait3A_746 = tpu.memref_slice %arg21[%dma_wait3A_735] : memref<6x!tpu.dma_semaphore, #tpu.memory_space<semaphore_mem>> -> memref<1x!tpu.dma_semaphore, #tpu.memory_space<semaphore_mem>>
    %dma_wait3A_747 = tpu.memref_squeeze %dma_wait3A_746 : memref<1x!tpu.dma_semaphore, #tpu.memory_space<semaphore_mem>> -> memref<!tpu.dma_semaphore, #tpu.memory_space<semaphore_mem>>
    tpu.wait_indirect_dma semaphore(%dma_wait3A_747 : memref<!tpu.dma_semaphore, #tpu.memory_space<semaphore_mem>>) src(%dma_wait3A_745 : memref<1000000x64xf32, #tpu.memory_space<hbm>>) dst(%dma_wait3A_739 : memref<128x64xf32, #tpu.memory_space<vmem>>)
    %add3A_748 = arith.constant 384 : i32
    %add3A_749 = arith.addi %mul3A_2, %add3A_748 : i32
    %dma_start3A_750 = arith.constant 5 : i32
    %dma_start3A_751 = arith.constant 5 : i32
    %dma_start3A_752 = arith.constant 0 : i32
    %dma_start3A_753 = arith.constant 0 : i32
    %dma_start3A_754 = tpu.memref_slice %arg20[%dma_start3A_750, %dma_start3A_752, %dma_start3A_753] : memref<6x128x64xf32, #tpu.memory_space<vmem>> -> memref<1x128x64xf32, #tpu.memory_space<vmem>>
    %dma_start3A_755 = tpu.memref_squeeze %dma_start3A_754 : memref<1x128x64xf32, #tpu.memory_space<vmem>> -> memref<128x64xf32, #tpu.memory_space<vmem>>
    %dma_start3A_756 = arith.constant 0 : i32
    %dma_start3A_757 = tpu.memref_slice %arg11[%add3A_749, %dma_start3A_756] : memref<16384x64xf32, #tpu.memory_space<hbm>> -> memref<128x64xf32, #tpu.memory_space<hbm>>
    %dma_start3A_758 = tpu.memref_slice %arg22[%dma_start3A_751] : memref<6x!tpu.dma_semaphore, #tpu.memory_space<semaphore_mem>> -> memref<1x!tpu.dma_semaphore, #tpu.memory_space<semaphore_mem>>
    %dma_start3A_759 = tpu.memref_squeeze %dma_start3A_758 : memref<1x!tpu.dma_semaphore, #tpu.memory_space<semaphore_mem>> -> memref<!tpu.dma_semaphore, #tpu.memory_space<semaphore_mem>>
    %dma_start3A_760 = arith.constant 0 : i32
    %dma_start3A_761 = tpu.memref_slice %arg11[%add3A_749, %dma_start3A_760] : memref<16384x64xf32, #tpu.memory_space<hbm>> -> memref<128x64xf32, #tpu.memory_space<hbm>>
    %dma_start3A_762 = arith.constant 0 : i32
    %dma_start3A_763 = arith.constant 0 : i32
    %dma_start3A_764 = tpu.memref_slice %arg20[%dma_start3A_750, %dma_start3A_762, %dma_start3A_763] : memref<6x128x64xf32, #tpu.memory_space<vmem>> -> memref<1x128x64xf32, #tpu.memory_space<vmem>>
    %dma_start3A_765 = tpu.memref_squeeze %dma_start3A_764 : memref<1x128x64xf32, #tpu.memory_space<vmem>> -> memref<128x64xf32, #tpu.memory_space<vmem>>
    tpu.enqueue_dma source(%dma_start3A_765 : memref<128x64xf32, #tpu.memory_space<vmem>>) target(%dma_start3A_761 : memref<128x64xf32, #tpu.memory_space<hbm>>) target_semaphore(%dma_start3A_759 : memref<!tpu.dma_semaphore, #tpu.memory_space<semaphore_mem>>)
    %dma_wait3A_766 = arith.constant 3 : i32
    %dma_wait3A_767 = arith.constant 3 : i32
    %dma_wait3A_768 = arith.constant 0 : i32
    %dma_wait3A_769 = arith.constant 0 : i32
    %dma_wait3A_770 = tpu.memref_slice %arg20[%dma_wait3A_766, %dma_wait3A_768, %dma_wait3A_769] : memref<6x128x64xf32, #tpu.memory_space<vmem>> -> memref<1x128x64xf32, #tpu.memory_space<vmem>>
    %dma_wait3A_771 = tpu.memref_squeeze %dma_wait3A_770 : memref<1x128x64xf32, #tpu.memory_space<vmem>> -> memref<128x64xf32, #tpu.memory_space<vmem>>
    %dma_wait3A_772 = arith.constant 0 : i32
    %dma_wait3A_773 = tpu.memref_slice %arg11[%add3A_621, %dma_wait3A_772] : memref<16384x64xf32, #tpu.memory_space<hbm>> -> memref<128x64xf32, #tpu.memory_space<hbm>>
    %dma_wait3A_774 = tpu.memref_slice %arg22[%dma_wait3A_767] : memref<6x!tpu.dma_semaphore, #tpu.memory_space<semaphore_mem>> -> memref<1x!tpu.dma_semaphore, #tpu.memory_space<semaphore_mem>>
    %dma_wait3A_775 = tpu.memref_squeeze %dma_wait3A_774 : memref<1x!tpu.dma_semaphore, #tpu.memory_space<semaphore_mem>> -> memref<!tpu.dma_semaphore, #tpu.memory_space<semaphore_mem>>
    %dma_wait3A_776 = arith.constant 0 : i32
    %dma_wait3A_777 = tpu.memref_slice %arg11[%add3A_621, %dma_wait3A_776] : memref<16384x64xf32, #tpu.memory_space<hbm>> -> memref<128x64xf32, #tpu.memory_space<hbm>>
    %dma_wait3A_778 = arith.constant 0 : i32
    %dma_wait3A_779 = arith.constant 0 : i32
    %dma_wait3A_780 = tpu.memref_slice %arg20[%dma_wait3A_766, %dma_wait3A_778, %dma_wait3A_779] : memref<6x128x64xf32, #tpu.memory_space<vmem>> -> memref<1x128x64xf32, #tpu.memory_space<vmem>>
    %dma_wait3A_781 = tpu.memref_squeeze %dma_wait3A_780 : memref<1x128x64xf32, #tpu.memory_space<vmem>> -> memref<128x64xf32, #tpu.memory_space<vmem>>
    tpu.wait_dma2 semaphore(%dma_wait3A_775 : memref<!tpu.dma_semaphore, #tpu.memory_space<semaphore_mem>>) src(%dma_wait3A_781 : memref<128x64xf32, #tpu.memory_space<vmem>>) dst(%dma_wait3A_777 : memref<128x64xf32, #tpu.memory_space<hbm>>)
    %dma_start3A_782 = arith.constant 3 : i32
    %dma_start3A_783 = arith.constant 3 : i32
    %dma_start3A_784 = arith.constant 3 : i32
    %dma_start3A_785 = arith.constant 0 : i32
    %dma_start3A_786 = arith.constant 0 : i32
    %dma_start3A_787 = tpu.memref_slice %arg20[%dma_start3A_783, %dma_start3A_785, %dma_start3A_786] : memref<6x128x64xf32, #tpu.memory_space<vmem>> -> memref<1x128x64xf32, #tpu.memory_space<vmem>>
    %dma_start3A_788 = tpu.memref_squeeze %dma_start3A_787 : memref<1x128x64xf32, #tpu.memory_space<vmem>> -> memref<128x64xf32, #tpu.memory_space<vmem>>
    %dma_start3A_789 = arith.constant 0 : i32
    %dma_start3A_790 = tpu.memref_slice %arg18[%dma_start3A_782, %dma_start3A_789] : memref<4x128xi32, #tpu.memory_space<vmem>> -> memref<1x128xi32, #tpu.memory_space<vmem>>
    %dma_start3A_791 = tpu.memref_squeeze %dma_start3A_790 : memref<1x128xi32, #tpu.memory_space<vmem>> -> memref<128xi32, #tpu.memory_space<vmem>>
    %dma_start3A_792 = arith.constant 0 : i32
    %dma_start3A_793 = arith.constant 0 : i32
    %dma_start3A_794 = tpu.memref_slice %arg3[%dma_start3A_792, %dma_start3A_793] : memref<1000000x64xf32, #tpu.memory_space<hbm>> -> memref<1000000x64xf32, #tpu.memory_space<hbm>>
    %dma_start3A_795 = tpu.memref_slice %arg21[%dma_start3A_784] : memref<6x!tpu.dma_semaphore, #tpu.memory_space<semaphore_mem>> -> memref<1x!tpu.dma_semaphore, #tpu.memory_space<semaphore_mem>>
    %dma_start3A_796 = tpu.memref_squeeze %dma_start3A_795 : memref<1x!tpu.dma_semaphore, #tpu.memory_space<semaphore_mem>> -> memref<!tpu.dma_semaphore, #tpu.memory_space<semaphore_mem>>
    tpu.enqueue_indirect_dma source(%dma_start3A_794 : memref<1000000x64xf32, #tpu.memory_space<hbm>>) target(%dma_start3A_788 : memref<128x64xf32, #tpu.memory_space<vmem>>) offsets(%dma_start3A_791 : memref<128xi32, #tpu.memory_space<vmem>>) semaphore(%dma_start3A_796 : memref<!tpu.dma_semaphore, #tpu.memory_space<semaphore_mem>>)
    %dma_wait3A_797 = arith.constant 0 : i32
    %dma_wait3A_798 = arith.constant 0 : i32
    %dma_wait3A_799 = arith.constant 0 : i32
    %dma_wait3A_800 = arith.constant 0 : i32
    %dma_wait3A_801 = arith.constant 0 : i32
    %dma_wait3A_802 = tpu.memref_slice %arg20[%dma_wait3A_798, %dma_wait3A_800, %dma_wait3A_801] : memref<6x128x64xf32, #tpu.memory_space<vmem>> -> memref<1x128x64xf32, #tpu.memory_space<vmem>>
    %dma_wait3A_803 = tpu.memref_squeeze %dma_wait3A_802 : memref<1x128x64xf32, #tpu.memory_space<vmem>> -> memref<128x64xf32, #tpu.memory_space<vmem>>
    %dma_wait3A_804 = arith.constant 0 : i32
    %dma_wait3A_805 = tpu.memref_slice %arg18[%dma_wait3A_797, %dma_wait3A_804] : memref<4x128xi32, #tpu.memory_space<vmem>> -> memref<1x128xi32, #tpu.memory_space<vmem>>
    %dma_wait3A_806 = tpu.memref_squeeze %dma_wait3A_805 : memref<1x128xi32, #tpu.memory_space<vmem>> -> memref<128xi32, #tpu.memory_space<vmem>>
    %dma_wait3A_807 = arith.constant 0 : i32
    %dma_wait3A_808 = arith.constant 0 : i32
    %dma_wait3A_809 = tpu.memref_slice %arg3[%dma_wait3A_807, %dma_wait3A_808] : memref<1000000x64xf32, #tpu.memory_space<hbm>> -> memref<1000000x64xf32, #tpu.memory_space<hbm>>
    %dma_wait3A_810 = tpu.memref_slice %arg21[%dma_wait3A_799] : memref<6x!tpu.dma_semaphore, #tpu.memory_space<semaphore_mem>> -> memref<1x!tpu.dma_semaphore, #tpu.memory_space<semaphore_mem>>
    %dma_wait3A_811 = tpu.memref_squeeze %dma_wait3A_810 : memref<1x!tpu.dma_semaphore, #tpu.memory_space<semaphore_mem>> -> memref<!tpu.dma_semaphore, #tpu.memory_space<semaphore_mem>>
    tpu.wait_indirect_dma semaphore(%dma_wait3A_811 : memref<!tpu.dma_semaphore, #tpu.memory_space<semaphore_mem>>) src(%dma_wait3A_809 : memref<1000000x64xf32, #tpu.memory_space<hbm>>) dst(%dma_wait3A_803 : memref<128x64xf32, #tpu.memory_space<vmem>>)
    %add3A_812 = arith.constant 0 : i32
    %add3A_813 = arith.addi %mul3A_2, %add3A_812 : i32
    %dma_start3A_814 = arith.constant 0 : i32
    %dma_start3A_815 = arith.constant 0 : i32
    %dma_start3A_816 = arith.constant 0 : i32
    %dma_start3A_817 = arith.constant 0 : i32
    %dma_start3A_818 = tpu.memref_slice %arg20[%dma_start3A_814, %dma_start3A_816, %dma_start3A_817] : memref<6x128x64xf32, #tpu.memory_space<vmem>> -> memref<1x128x64xf32, #tpu.memory_space<vmem>>
    %dma_start3A_819 = tpu.memref_squeeze %dma_start3A_818 : memref<1x128x64xf32, #tpu.memory_space<vmem>> -> memref<128x64xf32, #tpu.memory_space<vmem>>
    %dma_start3A_820 = arith.constant 0 : i32
    %dma_start3A_821 = tpu.memref_slice %arg12[%add3A_813, %dma_start3A_820] : memref<16384x64xf32, #tpu.memory_space<hbm>> -> memref<128x64xf32, #tpu.memory_space<hbm>>
    %dma_start3A_822 = tpu.memref_slice %arg22[%dma_start3A_815] : memref<6x!tpu.dma_semaphore, #tpu.memory_space<semaphore_mem>> -> memref<1x!tpu.dma_semaphore, #tpu.memory_space<semaphore_mem>>
    %dma_start3A_823 = tpu.memref_squeeze %dma_start3A_822 : memref<1x!tpu.dma_semaphore, #tpu.memory_space<semaphore_mem>> -> memref<!tpu.dma_semaphore, #tpu.memory_space<semaphore_mem>>
    %dma_start3A_824 = arith.constant 0 : i32
    %dma_start3A_825 = tpu.memref_slice %arg12[%add3A_813, %dma_start3A_824] : memref<16384x64xf32, #tpu.memory_space<hbm>> -> memref<128x64xf32, #tpu.memory_space<hbm>>
    %dma_start3A_826 = arith.constant 0 : i32
    %dma_start3A_827 = arith.constant 0 : i32
    %dma_start3A_828 = tpu.memref_slice %arg20[%dma_start3A_814, %dma_start3A_826, %dma_start3A_827] : memref<6x128x64xf32, #tpu.memory_space<vmem>> -> memref<1x128x64xf32, #tpu.memory_space<vmem>>
    %dma_start3A_829 = tpu.memref_squeeze %dma_start3A_828 : memref<1x128x64xf32, #tpu.memory_space<vmem>> -> memref<128x64xf32, #tpu.memory_space<vmem>>
    tpu.enqueue_dma source(%dma_start3A_829 : memref<128x64xf32, #tpu.memory_space<vmem>>) target(%dma_start3A_825 : memref<128x64xf32, #tpu.memory_space<hbm>>) target_semaphore(%dma_start3A_823 : memref<!tpu.dma_semaphore, #tpu.memory_space<semaphore_mem>>)
    %dma_wait3A_830 = arith.constant 4 : i32
    %dma_wait3A_831 = arith.constant 4 : i32
    %dma_wait3A_832 = arith.constant 0 : i32
    %dma_wait3A_833 = arith.constant 0 : i32
    %dma_wait3A_834 = tpu.memref_slice %arg20[%dma_wait3A_830, %dma_wait3A_832, %dma_wait3A_833] : memref<6x128x64xf32, #tpu.memory_space<vmem>> -> memref<1x128x64xf32, #tpu.memory_space<vmem>>
    %dma_wait3A_835 = tpu.memref_squeeze %dma_wait3A_834 : memref<1x128x64xf32, #tpu.memory_space<vmem>> -> memref<128x64xf32, #tpu.memory_space<vmem>>
    %dma_wait3A_836 = arith.constant 0 : i32
    %dma_wait3A_837 = tpu.memref_slice %arg11[%add3A_685, %dma_wait3A_836] : memref<16384x64xf32, #tpu.memory_space<hbm>> -> memref<128x64xf32, #tpu.memory_space<hbm>>
    %dma_wait3A_838 = tpu.memref_slice %arg22[%dma_wait3A_831] : memref<6x!tpu.dma_semaphore, #tpu.memory_space<semaphore_mem>> -> memref<1x!tpu.dma_semaphore, #tpu.memory_space<semaphore_mem>>
    %dma_wait3A_839 = tpu.memref_squeeze %dma_wait3A_838 : memref<1x!tpu.dma_semaphore, #tpu.memory_space<semaphore_mem>> -> memref<!tpu.dma_semaphore, #tpu.memory_space<semaphore_mem>>
    %dma_wait3A_840 = arith.constant 0 : i32
    %dma_wait3A_841 = tpu.memref_slice %arg11[%add3A_685, %dma_wait3A_840] : memref<16384x64xf32, #tpu.memory_space<hbm>> -> memref<128x64xf32, #tpu.memory_space<hbm>>
    %dma_wait3A_842 = arith.constant 0 : i32
    %dma_wait3A_843 = arith.constant 0 : i32
    %dma_wait3A_844 = tpu.memref_slice %arg20[%dma_wait3A_830, %dma_wait3A_842, %dma_wait3A_843] : memref<6x128x64xf32, #tpu.memory_space<vmem>> -> memref<1x128x64xf32, #tpu.memory_space<vmem>>
    %dma_wait3A_845 = tpu.memref_squeeze %dma_wait3A_844 : memref<1x128x64xf32, #tpu.memory_space<vmem>> -> memref<128x64xf32, #tpu.memory_space<vmem>>
    tpu.wait_dma2 semaphore(%dma_wait3A_839 : memref<!tpu.dma_semaphore, #tpu.memory_space<semaphore_mem>>) src(%dma_wait3A_845 : memref<128x64xf32, #tpu.memory_space<vmem>>) dst(%dma_wait3A_841 : memref<128x64xf32, #tpu.memory_space<hbm>>)
    %dma_start3A_846 = arith.constant 0 : i32
    %dma_start3A_847 = arith.constant 4 : i32
    %dma_start3A_848 = arith.constant 4 : i32
    %dma_start3A_849 = arith.constant 0 : i32
    %dma_start3A_850 = arith.constant 0 : i32
    %dma_start3A_851 = tpu.memref_slice %arg20[%dma_start3A_847, %dma_start3A_849, %dma_start3A_850] : memref<6x128x64xf32, #tpu.memory_space<vmem>> -> memref<1x128x64xf32, #tpu.memory_space<vmem>>
    %dma_start3A_852 = tpu.memref_squeeze %dma_start3A_851 : memref<1x128x64xf32, #tpu.memory_space<vmem>> -> memref<128x64xf32, #tpu.memory_space<vmem>>
    %dma_start3A_853 = arith.constant 0 : i32
    %dma_start3A_854 = tpu.memref_slice %arg17[%dma_start3A_846, %dma_start3A_853] : memref<4x128xi32, #tpu.memory_space<vmem>> -> memref<1x128xi32, #tpu.memory_space<vmem>>
    %dma_start3A_855 = tpu.memref_squeeze %dma_start3A_854 : memref<1x128xi32, #tpu.memory_space<vmem>> -> memref<128xi32, #tpu.memory_space<vmem>>
    %dma_start3A_856 = arith.constant 0 : i32
    %dma_start3A_857 = arith.constant 0 : i32
    %dma_start3A_858 = tpu.memref_slice %arg4[%dma_start3A_856, %dma_start3A_857] : memref<500000x64xf32, #tpu.memory_space<hbm>> -> memref<500000x64xf32, #tpu.memory_space<hbm>>
    %dma_start3A_859 = tpu.memref_slice %arg21[%dma_start3A_848] : memref<6x!tpu.dma_semaphore, #tpu.memory_space<semaphore_mem>> -> memref<1x!tpu.dma_semaphore, #tpu.memory_space<semaphore_mem>>
    %dma_start3A_860 = tpu.memref_squeeze %dma_start3A_859 : memref<1x!tpu.dma_semaphore, #tpu.memory_space<semaphore_mem>> -> memref<!tpu.dma_semaphore, #tpu.memory_space<semaphore_mem>>
    tpu.enqueue_indirect_dma source(%dma_start3A_858 : memref<500000x64xf32, #tpu.memory_space<hbm>>) target(%dma_start3A_852 : memref<128x64xf32, #tpu.memory_space<vmem>>) offsets(%dma_start3A_855 : memref<128xi32, #tpu.memory_space<vmem>>) semaphore(%dma_start3A_860 : memref<!tpu.dma_semaphore, #tpu.memory_space<semaphore_mem>>)
    %dma_wait3A_861 = arith.constant 1 : i32
    %dma_wait3A_862 = arith.constant 1 : i32
    %dma_wait3A_863 = arith.constant 1 : i32
    %dma_wait3A_864 = arith.constant 0 : i32
    %dma_wait3A_865 = arith.constant 0 : i32
    %dma_wait3A_866 = tpu.memref_slice %arg20[%dma_wait3A_862, %dma_wait3A_864, %dma_wait3A_865] : memref<6x128x64xf32, #tpu.memory_space<vmem>> -> memref<1x128x64xf32, #tpu.memory_space<vmem>>
    %dma_wait3A_867 = tpu.memref_squeeze %dma_wait3A_866 : memref<1x128x64xf32, #tpu.memory_space<vmem>> -> memref<128x64xf32, #tpu.memory_space<vmem>>
    %dma_wait3A_868 = arith.constant 0 : i32
    %dma_wait3A_869 = tpu.memref_slice %arg18[%dma_wait3A_861, %dma_wait3A_868] : memref<4x128xi32, #tpu.memory_space<vmem>> -> memref<1x128xi32, #tpu.memory_space<vmem>>
    %dma_wait3A_870 = tpu.memref_squeeze %dma_wait3A_869 : memref<1x128xi32, #tpu.memory_space<vmem>> -> memref<128xi32, #tpu.memory_space<vmem>>
    %dma_wait3A_871 = arith.constant 0 : i32
    %dma_wait3A_872 = arith.constant 0 : i32
    %dma_wait3A_873 = tpu.memref_slice %arg3[%dma_wait3A_871, %dma_wait3A_872] : memref<1000000x64xf32, #tpu.memory_space<hbm>> -> memref<1000000x64xf32, #tpu.memory_space<hbm>>
    %dma_wait3A_874 = tpu.memref_slice %arg21[%dma_wait3A_863] : memref<6x!tpu.dma_semaphore, #tpu.memory_space<semaphore_mem>> -> memref<1x!tpu.dma_semaphore, #tpu.memory_space<semaphore_mem>>
    %dma_wait3A_875 = tpu.memref_squeeze %dma_wait3A_874 : memref<1x!tpu.dma_semaphore, #tpu.memory_space<semaphore_mem>> -> memref<!tpu.dma_semaphore, #tpu.memory_space<semaphore_mem>>
    tpu.wait_indirect_dma semaphore(%dma_wait3A_875 : memref<!tpu.dma_semaphore, #tpu.memory_space<semaphore_mem>>) src(%dma_wait3A_873 : memref<1000000x64xf32, #tpu.memory_space<hbm>>) dst(%dma_wait3A_867 : memref<128x64xf32, #tpu.memory_space<vmem>>)
    %add3A_876 = arith.constant 128 : i32
    %add3A_877 = arith.addi %mul3A_2, %add3A_876 : i32
    %dma_start3A_878 = arith.constant 1 : i32
    %dma_start3A_879 = arith.constant 1 : i32
    %dma_start3A_880 = arith.constant 0 : i32
    %dma_start3A_881 = arith.constant 0 : i32
    %dma_start3A_882 = tpu.memref_slice %arg20[%dma_start3A_878, %dma_start3A_880, %dma_start3A_881] : memref<6x128x64xf32, #tpu.memory_space<vmem>> -> memref<1x128x64xf32, #tpu.memory_space<vmem>>
    %dma_start3A_883 = tpu.memref_squeeze %dma_start3A_882 : memref<1x128x64xf32, #tpu.memory_space<vmem>> -> memref<128x64xf32, #tpu.memory_space<vmem>>
    %dma_start3A_884 = arith.constant 0 : i32
    %dma_start3A_885 = tpu.memref_slice %arg12[%add3A_877, %dma_start3A_884] : memref<16384x64xf32, #tpu.memory_space<hbm>> -> memref<128x64xf32, #tpu.memory_space<hbm>>
    %dma_start3A_886 = tpu.memref_slice %arg22[%dma_start3A_879] : memref<6x!tpu.dma_semaphore, #tpu.memory_space<semaphore_mem>> -> memref<1x!tpu.dma_semaphore, #tpu.memory_space<semaphore_mem>>
    %dma_start3A_887 = tpu.memref_squeeze %dma_start3A_886 : memref<1x!tpu.dma_semaphore, #tpu.memory_space<semaphore_mem>> -> memref<!tpu.dma_semaphore, #tpu.memory_space<semaphore_mem>>
    %dma_start3A_888 = arith.constant 0 : i32
    %dma_start3A_889 = tpu.memref_slice %arg12[%add3A_877, %dma_start3A_888] : memref<16384x64xf32, #tpu.memory_space<hbm>> -> memref<128x64xf32, #tpu.memory_space<hbm>>
    %dma_start3A_890 = arith.constant 0 : i32
    %dma_start3A_891 = arith.constant 0 : i32
    %dma_start3A_892 = tpu.memref_slice %arg20[%dma_start3A_878, %dma_start3A_890, %dma_start3A_891] : memref<6x128x64xf32, #tpu.memory_space<vmem>> -> memref<1x128x64xf32, #tpu.memory_space<vmem>>
    %dma_start3A_893 = tpu.memref_squeeze %dma_start3A_892 : memref<1x128x64xf32, #tpu.memory_space<vmem>> -> memref<128x64xf32, #tpu.memory_space<vmem>>
    tpu.enqueue_dma source(%dma_start3A_893 : memref<128x64xf32, #tpu.memory_space<vmem>>) target(%dma_start3A_889 : memref<128x64xf32, #tpu.memory_space<hbm>>) target_semaphore(%dma_start3A_887 : memref<!tpu.dma_semaphore, #tpu.memory_space<semaphore_mem>>)
    %dma_wait3A_894 = arith.constant 5 : i32
    %dma_wait3A_895 = arith.constant 5 : i32
    %dma_wait3A_896 = arith.constant 0 : i32
    %dma_wait3A_897 = arith.constant 0 : i32
    %dma_wait3A_898 = tpu.memref_slice %arg20[%dma_wait3A_894, %dma_wait3A_896, %dma_wait3A_897] : memref<6x128x64xf32, #tpu.memory_space<vmem>> -> memref<1x128x64xf32, #tpu.memory_space<vmem>>
    %dma_wait3A_899 = tpu.memref_squeeze %dma_wait3A_898 : memref<1x128x64xf32, #tpu.memory_space<vmem>> -> memref<128x64xf32, #tpu.memory_space<vmem>>
    %dma_wait3A_900 = arith.constant 0 : i32
    %dma_wait3A_901 = tpu.memref_slice %arg11[%add3A_749, %dma_wait3A_900] : memref<16384x64xf32, #tpu.memory_space<hbm>> -> memref<128x64xf32, #tpu.memory_space<hbm>>
    %dma_wait3A_902 = tpu.memref_slice %arg22[%dma_wait3A_895] : memref<6x!tpu.dma_semaphore, #tpu.memory_space<semaphore_mem>> -> memref<1x!tpu.dma_semaphore, #tpu.memory_space<semaphore_mem>>
    %dma_wait3A_903 = tpu.memref_squeeze %dma_wait3A_902 : memref<1x!tpu.dma_semaphore, #tpu.memory_space<semaphore_mem>> -> memref<!tpu.dma_semaphore, #tpu.memory_space<semaphore_mem>>
    %dma_wait3A_904 = arith.constant 0 : i32
    %dma_wait3A_905 = tpu.memref_slice %arg11[%add3A_749, %dma_wait3A_904] : memref<16384x64xf32, #tpu.memory_space<hbm>> -> memref<128x64xf32, #tpu.memory_space<hbm>>
    %dma_wait3A_906 = arith.constant 0 : i32
    %dma_wait3A_907 = arith.constant 0 : i32
    %dma_wait3A_908 = tpu.memref_slice %arg20[%dma_wait3A_894, %dma_wait3A_906, %dma_wait3A_907] : memref<6x128x64xf32, #tpu.memory_space<vmem>> -> memref<1x128x64xf32, #tpu.memory_space<vmem>>
    %dma_wait3A_909 = tpu.memref_squeeze %dma_wait3A_908 : memref<1x128x64xf32, #tpu.memory_space<vmem>> -> memref<128x64xf32, #tpu.memory_space<vmem>>
    tpu.wait_dma2 semaphore(%dma_wait3A_903 : memref<!tpu.dma_semaphore, #tpu.memory_space<semaphore_mem>>) src(%dma_wait3A_909 : memref<128x64xf32, #tpu.memory_space<vmem>>) dst(%dma_wait3A_905 : memref<128x64xf32, #tpu.memory_space<hbm>>)
    %dma_start3A_910 = arith.constant 1 : i32
    %dma_start3A_911 = arith.constant 5 : i32
    %dma_start3A_912 = arith.constant 5 : i32
    %dma_start3A_913 = arith.constant 0 : i32
    %dma_start3A_914 = arith.constant 0 : i32
    %dma_start3A_915 = tpu.memref_slice %arg20[%dma_start3A_911, %dma_start3A_913, %dma_start3A_914] : memref<6x128x64xf32, #tpu.memory_space<vmem>> -> memref<1x128x64xf32, #tpu.memory_space<vmem>>
    %dma_start3A_916 = tpu.memref_squeeze %dma_start3A_915 : memref<1x128x64xf32, #tpu.memory_space<vmem>> -> memref<128x64xf32, #tpu.memory_space<vmem>>
    %dma_start3A_917 = arith.constant 0 : i32
    %dma_start3A_918 = tpu.memref_slice %arg17[%dma_start3A_910, %dma_start3A_917] : memref<4x128xi32, #tpu.memory_space<vmem>> -> memref<1x128xi32, #tpu.memory_space<vmem>>
    %dma_start3A_919 = tpu.memref_squeeze %dma_start3A_918 : memref<1x128xi32, #tpu.memory_space<vmem>> -> memref<128xi32, #tpu.memory_space<vmem>>
    %dma_start3A_920 = arith.constant 0 : i32
    %dma_start3A_921 = arith.constant 0 : i32
    %dma_start3A_922 = tpu.memref_slice %arg4[%dma_start3A_920, %dma_start3A_921] : memref<500000x64xf32, #tpu.memory_space<hbm>> -> memref<500000x64xf32, #tpu.memory_space<hbm>>
    %dma_start3A_923 = tpu.memref_slice %arg21[%dma_start3A_912] : memref<6x!tpu.dma_semaphore, #tpu.memory_space<semaphore_mem>> -> memref<1x!tpu.dma_semaphore, #tpu.memory_space<semaphore_mem>>
    %dma_start3A_924 = tpu.memref_squeeze %dma_start3A_923 : memref<1x!tpu.dma_semaphore, #tpu.memory_space<semaphore_mem>> -> memref<!tpu.dma_semaphore, #tpu.memory_space<semaphore_mem>>
    tpu.enqueue_indirect_dma source(%dma_start3A_922 : memref<500000x64xf32, #tpu.memory_space<hbm>>) target(%dma_start3A_916 : memref<128x64xf32, #tpu.memory_space<vmem>>) offsets(%dma_start3A_919 : memref<128xi32, #tpu.memory_space<vmem>>) semaphore(%dma_start3A_924 : memref<!tpu.dma_semaphore, #tpu.memory_space<semaphore_mem>>)
    %dma_wait3A_925 = arith.constant 2 : i32
    %dma_wait3A_926 = arith.constant 2 : i32
    %dma_wait3A_927 = arith.constant 2 : i32
    %dma_wait3A_928 = arith.constant 0 : i32
    %dma_wait3A_929 = arith.constant 0 : i32
    %dma_wait3A_930 = tpu.memref_slice %arg20[%dma_wait3A_926, %dma_wait3A_928, %dma_wait3A_929] : memref<6x128x64xf32, #tpu.memory_space<vmem>> -> memref<1x128x64xf32, #tpu.memory_space<vmem>>
    %dma_wait3A_931 = tpu.memref_squeeze %dma_wait3A_930 : memref<1x128x64xf32, #tpu.memory_space<vmem>> -> memref<128x64xf32, #tpu.memory_space<vmem>>
    %dma_wait3A_932 = arith.constant 0 : i32
    %dma_wait3A_933 = tpu.memref_slice %arg18[%dma_wait3A_925, %dma_wait3A_932] : memref<4x128xi32, #tpu.memory_space<vmem>> -> memref<1x128xi32, #tpu.memory_space<vmem>>
    %dma_wait3A_934 = tpu.memref_squeeze %dma_wait3A_933 : memref<1x128xi32, #tpu.memory_space<vmem>> -> memref<128xi32, #tpu.memory_space<vmem>>
    %dma_wait3A_935 = arith.constant 0 : i32
    %dma_wait3A_936 = arith.constant 0 : i32
    %dma_wait3A_937 = tpu.memref_slice %arg3[%dma_wait3A_935, %dma_wait3A_936] : memref<1000000x64xf32, #tpu.memory_space<hbm>> -> memref<1000000x64xf32, #tpu.memory_space<hbm>>
    %dma_wait3A_938 = tpu.memref_slice %arg21[%dma_wait3A_927] : memref<6x!tpu.dma_semaphore, #tpu.memory_space<semaphore_mem>> -> memref<1x!tpu.dma_semaphore, #tpu.memory_space<semaphore_mem>>
    %dma_wait3A_939 = tpu.memref_squeeze %dma_wait3A_938 : memref<1x!tpu.dma_semaphore, #tpu.memory_space<semaphore_mem>> -> memref<!tpu.dma_semaphore, #tpu.memory_space<semaphore_mem>>
    tpu.wait_indirect_dma semaphore(%dma_wait3A_939 : memref<!tpu.dma_semaphore, #tpu.memory_space<semaphore_mem>>) src(%dma_wait3A_937 : memref<1000000x64xf32, #tpu.memory_space<hbm>>) dst(%dma_wait3A_931 : memref<128x64xf32, #tpu.memory_space<vmem>>)
    %add3A_940 = arith.constant 256 : i32
    %add3A_941 = arith.addi %mul3A_2, %add3A_940 : i32
    %dma_start3A_942 = arith.constant 2 : i32
    %dma_start3A_943 = arith.constant 2 : i32
    %dma_start3A_944 = arith.constant 0 : i32
    %dma_start3A_945 = arith.constant 0 : i32
    %dma_start3A_946 = tpu.memref_slice %arg20[%dma_start3A_942, %dma_start3A_944, %dma_start3A_945] : memref<6x128x64xf32, #tpu.memory_space<vmem>> -> memref<1x128x64xf32, #tpu.memory_space<vmem>>
    %dma_start3A_947 = tpu.memref_squeeze %dma_start3A_946 : memref<1x128x64xf32, #tpu.memory_space<vmem>> -> memref<128x64xf32, #tpu.memory_space<vmem>>
    %dma_start3A_948 = arith.constant 0 : i32
    %dma_start3A_949 = tpu.memref_slice %arg12[%add3A_941, %dma_start3A_948] : memref<16384x64xf32, #tpu.memory_space<hbm>> -> memref<128x64xf32, #tpu.memory_space<hbm>>
    %dma_start3A_950 = tpu.memref_slice %arg22[%dma_start3A_943] : memref<6x!tpu.dma_semaphore, #tpu.memory_space<semaphore_mem>> -> memref<1x!tpu.dma_semaphore, #tpu.memory_space<semaphore_mem>>
    %dma_start3A_951 = tpu.memref_squeeze %dma_start3A_950 : memref<1x!tpu.dma_semaphore, #tpu.memory_space<semaphore_mem>> -> memref<!tpu.dma_semaphore, #tpu.memory_space<semaphore_mem>>
    %dma_start3A_952 = arith.constant 0 : i32
    %dma_start3A_953 = tpu.memref_slice %arg12[%add3A_941, %dma_start3A_952] : memref<16384x64xf32, #tpu.memory_space<hbm>> -> memref<128x64xf32, #tpu.memory_space<hbm>>
    %dma_start3A_954 = arith.constant 0 : i32
    %dma_start3A_955 = arith.constant 0 : i32
    %dma_start3A_956 = tpu.memref_slice %arg20[%dma_start3A_942, %dma_start3A_954, %dma_start3A_955] : memref<6x128x64xf32, #tpu.memory_space<vmem>> -> memref<1x128x64xf32, #tpu.memory_space<vmem>>
    %dma_start3A_957 = tpu.memref_squeeze %dma_start3A_956 : memref<1x128x64xf32, #tpu.memory_space<vmem>> -> memref<128x64xf32, #tpu.memory_space<vmem>>
    tpu.enqueue_dma source(%dma_start3A_957 : memref<128x64xf32, #tpu.memory_space<vmem>>) target(%dma_start3A_953 : memref<128x64xf32, #tpu.memory_space<hbm>>) target_semaphore(%dma_start3A_951 : memref<!tpu.dma_semaphore, #tpu.memory_space<semaphore_mem>>)
    %dma_wait3A_958 = arith.constant 0 : i32
    %dma_wait3A_959 = arith.constant 0 : i32
    %dma_wait3A_960 = arith.constant 0 : i32
    %dma_wait3A_961 = arith.constant 0 : i32
    %dma_wait3A_962 = tpu.memref_slice %arg20[%dma_wait3A_958, %dma_wait3A_960, %dma_wait3A_961] : memref<6x128x64xf32, #tpu.memory_space<vmem>> -> memref<1x128x64xf32, #tpu.memory_space<vmem>>
    %dma_wait3A_963 = tpu.memref_squeeze %dma_wait3A_962 : memref<1x128x64xf32, #tpu.memory_space<vmem>> -> memref<128x64xf32, #tpu.memory_space<vmem>>
    %dma_wait3A_964 = arith.constant 0 : i32
    %dma_wait3A_965 = tpu.memref_slice %arg12[%add3A_813, %dma_wait3A_964] : memref<16384x64xf32, #tpu.memory_space<hbm>> -> memref<128x64xf32, #tpu.memory_space<hbm>>
    %dma_wait3A_966 = tpu.memref_slice %arg22[%dma_wait3A_959] : memref<6x!tpu.dma_semaphore, #tpu.memory_space<semaphore_mem>> -> memref<1x!tpu.dma_semaphore, #tpu.memory_space<semaphore_mem>>
    %dma_wait3A_967 = tpu.memref_squeeze %dma_wait3A_966 : memref<1x!tpu.dma_semaphore, #tpu.memory_space<semaphore_mem>> -> memref<!tpu.dma_semaphore, #tpu.memory_space<semaphore_mem>>
    %dma_wait3A_968 = arith.constant 0 : i32
    %dma_wait3A_969 = tpu.memref_slice %arg12[%add3A_813, %dma_wait3A_968] : memref<16384x64xf32, #tpu.memory_space<hbm>> -> memref<128x64xf32, #tpu.memory_space<hbm>>
    %dma_wait3A_970 = arith.constant 0 : i32
    %dma_wait3A_971 = arith.constant 0 : i32
    %dma_wait3A_972 = tpu.memref_slice %arg20[%dma_wait3A_958, %dma_wait3A_970, %dma_wait3A_971] : memref<6x128x64xf32, #tpu.memory_space<vmem>> -> memref<1x128x64xf32, #tpu.memory_space<vmem>>
    %dma_wait3A_973 = tpu.memref_squeeze %dma_wait3A_972 : memref<1x128x64xf32, #tpu.memory_space<vmem>> -> memref<128x64xf32, #tpu.memory_space<vmem>>
    tpu.wait_dma2 semaphore(%dma_wait3A_967 : memref<!tpu.dma_semaphore, #tpu.memory_space<semaphore_mem>>) src(%dma_wait3A_973 : memref<128x64xf32, #tpu.memory_space<vmem>>) dst(%dma_wait3A_969 : memref<128x64xf32, #tpu.memory_space<hbm>>)
    %dma_start3A_974 = arith.constant 2 : i32
    %dma_start3A_975 = arith.constant 0 : i32
    %dma_start3A_976 = arith.constant 0 : i32
    %dma_start3A_977 = arith.constant 0 : i32
    %dma_start3A_978 = arith.constant 0 : i32
    %dma_start3A_979 = tpu.memref_slice %arg20[%dma_start3A_975, %dma_start3A_977, %dma_start3A_978] : memref<6x128x64xf32, #tpu.memory_space<vmem>> -> memref<1x128x64xf32, #tpu.memory_space<vmem>>
    %dma_start3A_980 = tpu.memref_squeeze %dma_start3A_979 : memref<1x128x64xf32, #tpu.memory_space<vmem>> -> memref<128x64xf32, #tpu.memory_space<vmem>>
    %dma_start3A_981 = arith.constant 0 : i32
    %dma_start3A_982 = tpu.memref_slice %arg17[%dma_start3A_974, %dma_start3A_981] : memref<4x128xi32, #tpu.memory_space<vmem>> -> memref<1x128xi32, #tpu.memory_space<vmem>>
    %dma_start3A_983 = tpu.memref_squeeze %dma_start3A_982 : memref<1x128xi32, #tpu.memory_space<vmem>> -> memref<128xi32, #tpu.memory_space<vmem>>
    %dma_start3A_984 = arith.constant 0 : i32
    %dma_start3A_985 = arith.constant 0 : i32
    %dma_start3A_986 = tpu.memref_slice %arg4[%dma_start3A_984, %dma_start3A_985] : memref<500000x64xf32, #tpu.memory_space<hbm>> -> memref<500000x64xf32, #tpu.memory_space<hbm>>
    %dma_start3A_987 = tpu.memref_slice %arg21[%dma_start3A_976] : memref<6x!tpu.dma_semaphore, #tpu.memory_space<semaphore_mem>> -> memref<1x!tpu.dma_semaphore, #tpu.memory_space<semaphore_mem>>
    %dma_start3A_988 = tpu.memref_squeeze %dma_start3A_987 : memref<1x!tpu.dma_semaphore, #tpu.memory_space<semaphore_mem>> -> memref<!tpu.dma_semaphore, #tpu.memory_space<semaphore_mem>>
    tpu.enqueue_indirect_dma source(%dma_start3A_986 : memref<500000x64xf32, #tpu.memory_space<hbm>>) target(%dma_start3A_980 : memref<128x64xf32, #tpu.memory_space<vmem>>) offsets(%dma_start3A_983 : memref<128xi32, #tpu.memory_space<vmem>>) semaphore(%dma_start3A_988 : memref<!tpu.dma_semaphore, #tpu.memory_space<semaphore_mem>>)
    %dma_wait3A_989 = arith.constant 3 : i32
    %dma_wait3A_990 = arith.constant 3 : i32
    %dma_wait3A_991 = arith.constant 3 : i32
    %dma_wait3A_992 = arith.constant 0 : i32
    %dma_wait3A_993 = arith.constant 0 : i32
    %dma_wait3A_994 = tpu.memref_slice %arg20[%dma_wait3A_990, %dma_wait3A_992, %dma_wait3A_993] : memref<6x128x64xf32, #tpu.memory_space<vmem>> -> memref<1x128x64xf32, #tpu.memory_space<vmem>>
    %dma_wait3A_995 = tpu.memref_squeeze %dma_wait3A_994 : memref<1x128x64xf32, #tpu.memory_space<vmem>> -> memref<128x64xf32, #tpu.memory_space<vmem>>
    %dma_wait3A_996 = arith.constant 0 : i32
    %dma_wait3A_997 = tpu.memref_slice %arg18[%dma_wait3A_989, %dma_wait3A_996] : memref<4x128xi32, #tpu.memory_space<vmem>> -> memref<1x128xi32, #tpu.memory_space<vmem>>
    %dma_wait3A_998 = tpu.memref_squeeze %dma_wait3A_997 : memref<1x128xi32, #tpu.memory_space<vmem>> -> memref<128xi32, #tpu.memory_space<vmem>>
    %dma_wait3A_999 = arith.constant 0 : i32
    %dma_wait3A_1000 = arith.constant 0 : i32
    %dma_wait3A_1001 = tpu.memref_slice %arg3[%dma_wait3A_999, %dma_wait3A_1000] : memref<1000000x64xf32, #tpu.memory_space<hbm>> -> memref<1000000x64xf32, #tpu.memory_space<hbm>>
    %dma_wait3A_1002 = tpu.memref_slice %arg21[%dma_wait3A_991] : memref<6x!tpu.dma_semaphore, #tpu.memory_space<semaphore_mem>> -> memref<1x!tpu.dma_semaphore, #tpu.memory_space<semaphore_mem>>
    %dma_wait3A_1003 = tpu.memref_squeeze %dma_wait3A_1002 : memref<1x!tpu.dma_semaphore, #tpu.memory_space<semaphore_mem>> -> memref<!tpu.dma_semaphore, #tpu.memory_space<semaphore_mem>>
    tpu.wait_indirect_dma semaphore(%dma_wait3A_1003 : memref<!tpu.dma_semaphore, #tpu.memory_space<semaphore_mem>>) src(%dma_wait3A_1001 : memref<1000000x64xf32, #tpu.memory_space<hbm>>) dst(%dma_wait3A_995 : memref<128x64xf32, #tpu.memory_space<vmem>>)
    %add3A_1004 = arith.constant 384 : i32
    %add3A_1005 = arith.addi %mul3A_2, %add3A_1004 : i32
    %dma_start3A_1006 = arith.constant 3 : i32
    %dma_start3A_1007 = arith.constant 3 : i32
    %dma_start3A_1008 = arith.constant 0 : i32
    %dma_start3A_1009 = arith.constant 0 : i32
    %dma_start3A_1010 = tpu.memref_slice %arg20[%dma_start3A_1006, %dma_start3A_1008, %dma_start3A_1009] : memref<6x128x64xf32, #tpu.memory_space<vmem>> -> memref<1x128x64xf32, #tpu.memory_space<vmem>>
    %dma_start3A_1011 = tpu.memref_squeeze %dma_start3A_1010 : memref<1x128x64xf32, #tpu.memory_space<vmem>> -> memref<128x64xf32, #tpu.memory_space<vmem>>
    %dma_start3A_1012 = arith.constant 0 : i32
    %dma_start3A_1013 = tpu.memref_slice %arg12[%add3A_1005, %dma_start3A_1012] : memref<16384x64xf32, #tpu.memory_space<hbm>> -> memref<128x64xf32, #tpu.memory_space<hbm>>
    %dma_start3A_1014 = tpu.memref_slice %arg22[%dma_start3A_1007] : memref<6x!tpu.dma_semaphore, #tpu.memory_space<semaphore_mem>> -> memref<1x!tpu.dma_semaphore, #tpu.memory_space<semaphore_mem>>
    %dma_start3A_1015 = tpu.memref_squeeze %dma_start3A_1014 : memref<1x!tpu.dma_semaphore, #tpu.memory_space<semaphore_mem>> -> memref<!tpu.dma_semaphore, #tpu.memory_space<semaphore_mem>>
    %dma_start3A_1016 = arith.constant 0 : i32
    %dma_start3A_1017 = tpu.memref_slice %arg12[%add3A_1005, %dma_start3A_1016] : memref<16384x64xf32, #tpu.memory_space<hbm>> -> memref<128x64xf32, #tpu.memory_space<hbm>>
    %dma_start3A_1018 = arith.constant 0 : i32
    %dma_start3A_1019 = arith.constant 0 : i32
    %dma_start3A_1020 = tpu.memref_slice %arg20[%dma_start3A_1006, %dma_start3A_1018, %dma_start3A_1019] : memref<6x128x64xf32, #tpu.memory_space<vmem>> -> memref<1x128x64xf32, #tpu.memory_space<vmem>>
    %dma_start3A_1021 = tpu.memref_squeeze %dma_start3A_1020 : memref<1x128x64xf32, #tpu.memory_space<vmem>> -> memref<128x64xf32, #tpu.memory_space<vmem>>
    tpu.enqueue_dma source(%dma_start3A_1021 : memref<128x64xf32, #tpu.memory_space<vmem>>) target(%dma_start3A_1017 : memref<128x64xf32, #tpu.memory_space<hbm>>) target_semaphore(%dma_start3A_1015 : memref<!tpu.dma_semaphore, #tpu.memory_space<semaphore_mem>>)
    %dma_wait3A_1022 = arith.constant 1 : i32
    %dma_wait3A_1023 = arith.constant 1 : i32
    %dma_wait3A_1024 = arith.constant 0 : i32
    %dma_wait3A_1025 = arith.constant 0 : i32
    %dma_wait3A_1026 = tpu.memref_slice %arg20[%dma_wait3A_1022, %dma_wait3A_1024, %dma_wait3A_1025] : memref<6x128x64xf32, #tpu.memory_space<vmem>> -> memref<1x128x64xf32, #tpu.memory_space<vmem>>
    %dma_wait3A_1027 = tpu.memref_squeeze %dma_wait3A_1026 : memref<1x128x64xf32, #tpu.memory_space<vmem>> -> memref<128x64xf32, #tpu.memory_space<vmem>>
    %dma_wait3A_1028 = arith.constant 0 : i32
    %dma_wait3A_1029 = tpu.memref_slice %arg12[%add3A_877, %dma_wait3A_1028] : memref<16384x64xf32, #tpu.memory_space<hbm>> -> memref<128x64xf32, #tpu.memory_space<hbm>>
    %dma_wait3A_1030 = tpu.memref_slice %arg22[%dma_wait3A_1023] : memref<6x!tpu.dma_semaphore, #tpu.memory_space<semaphore_mem>> -> memref<1x!tpu.dma_semaphore, #tpu.memory_space<semaphore_mem>>
    %dma_wait3A_1031 = tpu.memref_squeeze %dma_wait3A_1030 : memref<1x!tpu.dma_semaphore, #tpu.memory_space<semaphore_mem>> -> memref<!tpu.dma_semaphore, #tpu.memory_space<semaphore_mem>>
    %dma_wait3A_1032 = arith.constant 0 : i32
    %dma_wait3A_1033 = tpu.memref_slice %arg12[%add3A_877, %dma_wait3A_1032] : memref<16384x64xf32, #tpu.memory_space<hbm>> -> memref<128x64xf32, #tpu.memory_space<hbm>>
    %dma_wait3A_1034 = arith.constant 0 : i32
    %dma_wait3A_1035 = arith.constant 0 : i32
    %dma_wait3A_1036 = tpu.memref_slice %arg20[%dma_wait3A_1022, %dma_wait3A_1034, %dma_wait3A_1035] : memref<6x128x64xf32, #tpu.memory_space<vmem>> -> memref<1x128x64xf32, #tpu.memory_space<vmem>>
    %dma_wait3A_1037 = tpu.memref_squeeze %dma_wait3A_1036 : memref<1x128x64xf32, #tpu.memory_space<vmem>> -> memref<128x64xf32, #tpu.memory_space<vmem>>
    tpu.wait_dma2 semaphore(%dma_wait3A_1031 : memref<!tpu.dma_semaphore, #tpu.memory_space<semaphore_mem>>) src(%dma_wait3A_1037 : memref<128x64xf32, #tpu.memory_space<vmem>>) dst(%dma_wait3A_1033 : memref<128x64xf32, #tpu.memory_space<hbm>>)
    %dma_start3A_1038 = arith.constant 3 : i32
    %dma_start3A_1039 = arith.constant 1 : i32
    %dma_start3A_1040 = arith.constant 1 : i32
    %dma_start3A_1041 = arith.constant 0 : i32
    %dma_start3A_1042 = arith.constant 0 : i32
    %dma_start3A_1043 = tpu.memref_slice %arg20[%dma_start3A_1039, %dma_start3A_1041, %dma_start3A_1042] : memref<6x128x64xf32, #tpu.memory_space<vmem>> -> memref<1x128x64xf32, #tpu.memory_space<vmem>>
    %dma_start3A_1044 = tpu.memref_squeeze %dma_start3A_1043 : memref<1x128x64xf32, #tpu.memory_space<vmem>> -> memref<128x64xf32, #tpu.memory_space<vmem>>
    %dma_start3A_1045 = arith.constant 0 : i32
    %dma_start3A_1046 = tpu.memref_slice %arg17[%dma_start3A_1038, %dma_start3A_1045] : memref<4x128xi32, #tpu.memory_space<vmem>> -> memref<1x128xi32, #tpu.memory_space<vmem>>
    %dma_start3A_1047 = tpu.memref_squeeze %dma_start3A_1046 : memref<1x128xi32, #tpu.memory_space<vmem>> -> memref<128xi32, #tpu.memory_space<vmem>>
    %dma_start3A_1048 = arith.constant 0 : i32
    %dma_start3A_1049 = arith.constant 0 : i32
    %dma_start3A_1050 = tpu.memref_slice %arg4[%dma_start3A_1048, %dma_start3A_1049] : memref<500000x64xf32, #tpu.memory_space<hbm>> -> memref<500000x64xf32, #tpu.memory_space<hbm>>
    %dma_start3A_1051 = tpu.memref_slice %arg21[%dma_start3A_1040] : memref<6x!tpu.dma_semaphore, #tpu.memory_space<semaphore_mem>> -> memref<1x!tpu.dma_semaphore, #tpu.memory_space<semaphore_mem>>
    %dma_start3A_1052 = tpu.memref_squeeze %dma_start3A_1051 : memref<1x!tpu.dma_semaphore, #tpu.memory_space<semaphore_mem>> -> memref<!tpu.dma_semaphore, #tpu.memory_space<semaphore_mem>>
    tpu.enqueue_indirect_dma source(%dma_start3A_1050 : memref<500000x64xf32, #tpu.memory_space<hbm>>) target(%dma_start3A_1044 : memref<128x64xf32, #tpu.memory_space<vmem>>) offsets(%dma_start3A_1047 : memref<128xi32, #tpu.memory_space<vmem>>) semaphore(%dma_start3A_1052 : memref<!tpu.dma_semaphore, #tpu.memory_space<semaphore_mem>>)
    %dma_wait3A_1053 = arith.constant 0 : i32
    %dma_wait3A_1054 = arith.constant 4 : i32
    %dma_wait3A_1055 = arith.constant 4 : i32
    %dma_wait3A_1056 = arith.constant 0 : i32
    %dma_wait3A_1057 = arith.constant 0 : i32
    %dma_wait3A_1058 = tpu.memref_slice %arg20[%dma_wait3A_1054, %dma_wait3A_1056, %dma_wait3A_1057] : memref<6x128x64xf32, #tpu.memory_space<vmem>> -> memref<1x128x64xf32, #tpu.memory_space<vmem>>
    %dma_wait3A_1059 = tpu.memref_squeeze %dma_wait3A_1058 : memref<1x128x64xf32, #tpu.memory_space<vmem>> -> memref<128x64xf32, #tpu.memory_space<vmem>>
    %dma_wait3A_1060 = arith.constant 0 : i32
    %dma_wait3A_1061 = tpu.memref_slice %arg17[%dma_wait3A_1053, %dma_wait3A_1060] : memref<4x128xi32, #tpu.memory_space<vmem>> -> memref<1x128xi32, #tpu.memory_space<vmem>>
    %dma_wait3A_1062 = tpu.memref_squeeze %dma_wait3A_1061 : memref<1x128xi32, #tpu.memory_space<vmem>> -> memref<128xi32, #tpu.memory_space<vmem>>
    %dma_wait3A_1063 = arith.constant 0 : i32
    %dma_wait3A_1064 = arith.constant 0 : i32
    %dma_wait3A_1065 = tpu.memref_slice %arg4[%dma_wait3A_1063, %dma_wait3A_1064] : memref<500000x64xf32, #tpu.memory_space<hbm>> -> memref<500000x64xf32, #tpu.memory_space<hbm>>
    %dma_wait3A_1066 = tpu.memref_slice %arg21[%dma_wait3A_1055] : memref<6x!tpu.dma_semaphore, #tpu.memory_space<semaphore_mem>> -> memref<1x!tpu.dma_semaphore, #tpu.memory_space<semaphore_mem>>
    %dma_wait3A_1067 = tpu.memref_squeeze %dma_wait3A_1066 : memref<1x!tpu.dma_semaphore, #tpu.memory_space<semaphore_mem>> -> memref<!tpu.dma_semaphore, #tpu.memory_space<semaphore_mem>>
    tpu.wait_indirect_dma semaphore(%dma_wait3A_1067 : memref<!tpu.dma_semaphore, #tpu.memory_space<semaphore_mem>>) src(%dma_wait3A_1065 : memref<500000x64xf32, #tpu.memory_space<hbm>>) dst(%dma_wait3A_1059 : memref<128x64xf32, #tpu.memory_space<vmem>>)
    %add3A_1068 = arith.constant 0 : i32
    %add3A_1069 = arith.addi %mul3A_2, %add3A_1068 : i32
    %dma_start3A_1070 = arith.constant 4 : i32
    %dma_start3A_1071 = arith.constant 4 : i32
    %dma_start3A_1072 = arith.constant 0 : i32
    %dma_start3A_1073 = arith.constant 0 : i32
    %dma_start3A_1074 = tpu.memref_slice %arg20[%dma_start3A_1070, %dma_start3A_1072, %dma_start3A_1073] : memref<6x128x64xf32, #tpu.memory_space<vmem>> -> memref<1x128x64xf32, #tpu.memory_space<vmem>>
    %dma_start3A_1075 = tpu.memref_squeeze %dma_start3A_1074 : memref<1x128x64xf32, #tpu.memory_space<vmem>> -> memref<128x64xf32, #tpu.memory_space<vmem>>
    %dma_start3A_1076 = arith.constant 0 : i32
    %dma_start3A_1077 = tpu.memref_slice %arg13[%add3A_1069, %dma_start3A_1076] : memref<16384x64xf32, #tpu.memory_space<hbm>> -> memref<128x64xf32, #tpu.memory_space<hbm>>
    %dma_start3A_1078 = tpu.memref_slice %arg22[%dma_start3A_1071] : memref<6x!tpu.dma_semaphore, #tpu.memory_space<semaphore_mem>> -> memref<1x!tpu.dma_semaphore, #tpu.memory_space<semaphore_mem>>
    %dma_start3A_1079 = tpu.memref_squeeze %dma_start3A_1078 : memref<1x!tpu.dma_semaphore, #tpu.memory_space<semaphore_mem>> -> memref<!tpu.dma_semaphore, #tpu.memory_space<semaphore_mem>>
    %dma_start3A_1080 = arith.constant 0 : i32
    %dma_start3A_1081 = tpu.memref_slice %arg13[%add3A_1069, %dma_start3A_1080] : memref<16384x64xf32, #tpu.memory_space<hbm>> -> memref<128x64xf32, #tpu.memory_space<hbm>>
    %dma_start3A_1082 = arith.constant 0 : i32
    %dma_start3A_1083 = arith.constant 0 : i32
    %dma_start3A_1084 = tpu.memref_slice %arg20[%dma_start3A_1070, %dma_start3A_1082, %dma_start3A_1083] : memref<6x128x64xf32, #tpu.memory_space<vmem>> -> memref<1x128x64xf32, #tpu.memory_space<vmem>>
    %dma_start3A_1085 = tpu.memref_squeeze %dma_start3A_1084 : memref<1x128x64xf32, #tpu.memory_space<vmem>> -> memref<128x64xf32, #tpu.memory_space<vmem>>
    tpu.enqueue_dma source(%dma_start3A_1085 : memref<128x64xf32, #tpu.memory_space<vmem>>) target(%dma_start3A_1081 : memref<128x64xf32, #tpu.memory_space<hbm>>) target_semaphore(%dma_start3A_1079 : memref<!tpu.dma_semaphore, #tpu.memory_space<semaphore_mem>>)
    %dma_wait3A_1086 = arith.constant 2 : i32
    %dma_wait3A_1087 = arith.constant 2 : i32
    %dma_wait3A_1088 = arith.constant 0 : i32
    %dma_wait3A_1089 = arith.constant 0 : i32
    %dma_wait3A_1090 = tpu.memref_slice %arg20[%dma_wait3A_1086, %dma_wait3A_1088, %dma_wait3A_1089] : memref<6x128x64xf32, #tpu.memory_space<vmem>> -> memref<1x128x64xf32, #tpu.memory_space<vmem>>
    %dma_wait3A_1091 = tpu.memref_squeeze %dma_wait3A_1090 : memref<1x128x64xf32, #tpu.memory_space<vmem>> -> memref<128x64xf32, #tpu.memory_space<vmem>>
    %dma_wait3A_1092 = arith.constant 0 : i32
    %dma_wait3A_1093 = tpu.memref_slice %arg12[%add3A_941, %dma_wait3A_1092] : memref<16384x64xf32, #tpu.memory_space<hbm>> -> memref<128x64xf32, #tpu.memory_space<hbm>>
    %dma_wait3A_1094 = tpu.memref_slice %arg22[%dma_wait3A_1087] : memref<6x!tpu.dma_semaphore, #tpu.memory_space<semaphore_mem>> -> memref<1x!tpu.dma_semaphore, #tpu.memory_space<semaphore_mem>>
    %dma_wait3A_1095 = tpu.memref_squeeze %dma_wait3A_1094 : memref<1x!tpu.dma_semaphore, #tpu.memory_space<semaphore_mem>> -> memref<!tpu.dma_semaphore, #tpu.memory_space<semaphore_mem>>
    %dma_wait3A_1096 = arith.constant 0 : i32
    %dma_wait3A_1097 = tpu.memref_slice %arg12[%add3A_941, %dma_wait3A_1096] : memref<16384x64xf32, #tpu.memory_space<hbm>> -> memref<128x64xf32, #tpu.memory_space<hbm>>
    %dma_wait3A_1098 = arith.constant 0 : i32
    %dma_wait3A_1099 = arith.constant 0 : i32
    %dma_wait3A_1100 = tpu.memref_slice %arg20[%dma_wait3A_1086, %dma_wait3A_1098, %dma_wait3A_1099] : memref<6x128x64xf32, #tpu.memory_space<vmem>> -> memref<1x128x64xf32, #tpu.memory_space<vmem>>
    %dma_wait3A_1101 = tpu.memref_squeeze %dma_wait3A_1100 : memref<1x128x64xf32, #tpu.memory_space<vmem>> -> memref<128x64xf32, #tpu.memory_space<vmem>>
    tpu.wait_dma2 semaphore(%dma_wait3A_1095 : memref<!tpu.dma_semaphore, #tpu.memory_space<semaphore_mem>>) src(%dma_wait3A_1101 : memref<128x64xf32, #tpu.memory_space<vmem>>) dst(%dma_wait3A_1097 : memref<128x64xf32, #tpu.memory_space<hbm>>)
    %dma_start3A_1102 = arith.constant 0 : i32
    %dma_start3A_1103 = arith.constant 2 : i32
    %dma_start3A_1104 = arith.constant 2 : i32
    %dma_start3A_1105 = arith.constant 0 : i32
    %dma_start3A_1106 = arith.constant 0 : i32
    %dma_start3A_1107 = tpu.memref_slice %arg20[%dma_start3A_1103, %dma_start3A_1105, %dma_start3A_1106] : memref<6x128x64xf32, #tpu.memory_space<vmem>> -> memref<1x128x64xf32, #tpu.memory_space<vmem>>
    %dma_start3A_1108 = tpu.memref_squeeze %dma_start3A_1107 : memref<1x128x64xf32, #tpu.memory_space<vmem>> -> memref<128x64xf32, #tpu.memory_space<vmem>>
    %dma_start3A_1109 = arith.constant 0 : i32
    %dma_start3A_1110 = tpu.memref_slice %arg17[%dma_start3A_1102, %dma_start3A_1109] : memref<4x128xi32, #tpu.memory_space<vmem>> -> memref<1x128xi32, #tpu.memory_space<vmem>>
    %dma_start3A_1111 = tpu.memref_squeeze %dma_start3A_1110 : memref<1x128xi32, #tpu.memory_space<vmem>> -> memref<128xi32, #tpu.memory_space<vmem>>
    %dma_start3A_1112 = arith.constant 0 : i32
    %dma_start3A_1113 = arith.constant 0 : i32
    %dma_start3A_1114 = tpu.memref_slice %arg5[%dma_start3A_1112, %dma_start3A_1113] : memref<500000x64xf32, #tpu.memory_space<hbm>> -> memref<500000x64xf32, #tpu.memory_space<hbm>>
    %dma_start3A_1115 = tpu.memref_slice %arg21[%dma_start3A_1104] : memref<6x!tpu.dma_semaphore, #tpu.memory_space<semaphore_mem>> -> memref<1x!tpu.dma_semaphore, #tpu.memory_space<semaphore_mem>>
    %dma_start3A_1116 = tpu.memref_squeeze %dma_start3A_1115 : memref<1x!tpu.dma_semaphore, #tpu.memory_space<semaphore_mem>> -> memref<!tpu.dma_semaphore, #tpu.memory_space<semaphore_mem>>
    tpu.enqueue_indirect_dma source(%dma_start3A_1114 : memref<500000x64xf32, #tpu.memory_space<hbm>>) target(%dma_start3A_1108 : memref<128x64xf32, #tpu.memory_space<vmem>>) offsets(%dma_start3A_1111 : memref<128xi32, #tpu.memory_space<vmem>>) semaphore(%dma_start3A_1116 : memref<!tpu.dma_semaphore, #tpu.memory_space<semaphore_mem>>)
    %dma_wait3A_1117 = arith.constant 1 : i32
    %dma_wait3A_1118 = arith.constant 5 : i32
    %dma_wait3A_1119 = arith.constant 5 : i32
    %dma_wait3A_1120 = arith.constant 0 : i32
    %dma_wait3A_1121 = arith.constant 0 : i32
    %dma_wait3A_1122 = tpu.memref_slice %arg20[%dma_wait3A_1118, %dma_wait3A_1120, %dma_wait3A_1121] : memref<6x128x64xf32, #tpu.memory_space<vmem>> -> memref<1x128x64xf32, #tpu.memory_space<vmem>>
    %dma_wait3A_1123 = tpu.memref_squeeze %dma_wait3A_1122 : memref<1x128x64xf32, #tpu.memory_space<vmem>> -> memref<128x64xf32, #tpu.memory_space<vmem>>
    %dma_wait3A_1124 = arith.constant 0 : i32
    %dma_wait3A_1125 = tpu.memref_slice %arg17[%dma_wait3A_1117, %dma_wait3A_1124] : memref<4x128xi32, #tpu.memory_space<vmem>> -> memref<1x128xi32, #tpu.memory_space<vmem>>
    %dma_wait3A_1126 = tpu.memref_squeeze %dma_wait3A_1125 : memref<1x128xi32, #tpu.memory_space<vmem>> -> memref<128xi32, #tpu.memory_space<vmem>>
    %dma_wait3A_1127 = arith.constant 0 : i32
    %dma_wait3A_1128 = arith.constant 0 : i32
    %dma_wait3A_1129 = tpu.memref_slice %arg4[%dma_wait3A_1127, %dma_wait3A_1128] : memref<500000x64xf32, #tpu.memory_space<hbm>> -> memref<500000x64xf32, #tpu.memory_space<hbm>>
    %dma_wait3A_1130 = tpu.memref_slice %arg21[%dma_wait3A_1119] : memref<6x!tpu.dma_semaphore, #tpu.memory_space<semaphore_mem>> -> memref<1x!tpu.dma_semaphore, #tpu.memory_space<semaphore_mem>>
    %dma_wait3A_1131 = tpu.memref_squeeze %dma_wait3A_1130 : memref<1x!tpu.dma_semaphore, #tpu.memory_space<semaphore_mem>> -> memref<!tpu.dma_semaphore, #tpu.memory_space<semaphore_mem>>
    tpu.wait_indirect_dma semaphore(%dma_wait3A_1131 : memref<!tpu.dma_semaphore, #tpu.memory_space<semaphore_mem>>) src(%dma_wait3A_1129 : memref<500000x64xf32, #tpu.memory_space<hbm>>) dst(%dma_wait3A_1123 : memref<128x64xf32, #tpu.memory_space<vmem>>)
    %add3A_1132 = arith.constant 128 : i32
    %add3A_1133 = arith.addi %mul3A_2, %add3A_1132 : i32
    %dma_start3A_1134 = arith.constant 5 : i32
    %dma_start3A_1135 = arith.constant 5 : i32
    %dma_start3A_1136 = arith.constant 0 : i32
    %dma_start3A_1137 = arith.constant 0 : i32
    %dma_start3A_1138 = tpu.memref_slice %arg20[%dma_start3A_1134, %dma_start3A_1136, %dma_start3A_1137] : memref<6x128x64xf32, #tpu.memory_space<vmem>> -> memref<1x128x64xf32, #tpu.memory_space<vmem>>
    %dma_start3A_1139 = tpu.memref_squeeze %dma_start3A_1138 : memref<1x128x64xf32, #tpu.memory_space<vmem>> -> memref<128x64xf32, #tpu.memory_space<vmem>>
    %dma_start3A_1140 = arith.constant 0 : i32
    %dma_start3A_1141 = tpu.memref_slice %arg13[%add3A_1133, %dma_start3A_1140] : memref<16384x64xf32, #tpu.memory_space<hbm>> -> memref<128x64xf32, #tpu.memory_space<hbm>>
    %dma_start3A_1142 = tpu.memref_slice %arg22[%dma_start3A_1135] : memref<6x!tpu.dma_semaphore, #tpu.memory_space<semaphore_mem>> -> memref<1x!tpu.dma_semaphore, #tpu.memory_space<semaphore_mem>>
    %dma_start3A_1143 = tpu.memref_squeeze %dma_start3A_1142 : memref<1x!tpu.dma_semaphore, #tpu.memory_space<semaphore_mem>> -> memref<!tpu.dma_semaphore, #tpu.memory_space<semaphore_mem>>
    %dma_start3A_1144 = arith.constant 0 : i32
    %dma_start3A_1145 = tpu.memref_slice %arg13[%add3A_1133, %dma_start3A_1144] : memref<16384x64xf32, #tpu.memory_space<hbm>> -> memref<128x64xf32, #tpu.memory_space<hbm>>
    %dma_start3A_1146 = arith.constant 0 : i32
    %dma_start3A_1147 = arith.constant 0 : i32
    %dma_start3A_1148 = tpu.memref_slice %arg20[%dma_start3A_1134, %dma_start3A_1146, %dma_start3A_1147] : memref<6x128x64xf32, #tpu.memory_space<vmem>> -> memref<1x128x64xf32, #tpu.memory_space<vmem>>
    %dma_start3A_1149 = tpu.memref_squeeze %dma_start3A_1148 : memref<1x128x64xf32, #tpu.memory_space<vmem>> -> memref<128x64xf32, #tpu.memory_space<vmem>>
    tpu.enqueue_dma source(%dma_start3A_1149 : memref<128x64xf32, #tpu.memory_space<vmem>>) target(%dma_start3A_1145 : memref<128x64xf32, #tpu.memory_space<hbm>>) target_semaphore(%dma_start3A_1143 : memref<!tpu.dma_semaphore, #tpu.memory_space<semaphore_mem>>)
    %dma_wait3A_1150 = arith.constant 3 : i32
    %dma_wait3A_1151 = arith.constant 3 : i32
    %dma_wait3A_1152 = arith.constant 0 : i32
    %dma_wait3A_1153 = arith.constant 0 : i32
    %dma_wait3A_1154 = tpu.memref_slice %arg20[%dma_wait3A_1150, %dma_wait3A_1152, %dma_wait3A_1153] : memref<6x128x64xf32, #tpu.memory_space<vmem>> -> memref<1x128x64xf32, #tpu.memory_space<vmem>>
    %dma_wait3A_1155 = tpu.memref_squeeze %dma_wait3A_1154 : memref<1x128x64xf32, #tpu.memory_space<vmem>> -> memref<128x64xf32, #tpu.memory_space<vmem>>
    %dma_wait3A_1156 = arith.constant 0 : i32
    %dma_wait3A_1157 = tpu.memref_slice %arg12[%add3A_1005, %dma_wait3A_1156] : memref<16384x64xf32, #tpu.memory_space<hbm>> -> memref<128x64xf32, #tpu.memory_space<hbm>>
    %dma_wait3A_1158 = tpu.memref_slice %arg22[%dma_wait3A_1151] : memref<6x!tpu.dma_semaphore, #tpu.memory_space<semaphore_mem>> -> memref<1x!tpu.dma_semaphore, #tpu.memory_space<semaphore_mem>>
    %dma_wait3A_1159 = tpu.memref_squeeze %dma_wait3A_1158 : memref<1x!tpu.dma_semaphore, #tpu.memory_space<semaphore_mem>> -> memref<!tpu.dma_semaphore, #tpu.memory_space<semaphore_mem>>
    %dma_wait3A_1160 = arith.constant 0 : i32
    %dma_wait3A_1161 = tpu.memref_slice %arg12[%add3A_1005, %dma_wait3A_1160] : memref<16384x64xf32, #tpu.memory_space<hbm>> -> memref<128x64xf32, #tpu.memory_space<hbm>>
    %dma_wait3A_1162 = arith.constant 0 : i32
    %dma_wait3A_1163 = arith.constant 0 : i32
    %dma_wait3A_1164 = tpu.memref_slice %arg20[%dma_wait3A_1150, %dma_wait3A_1162, %dma_wait3A_1163] : memref<6x128x64xf32, #tpu.memory_space<vmem>> -> memref<1x128x64xf32, #tpu.memory_space<vmem>>
    %dma_wait3A_1165 = tpu.memref_squeeze %dma_wait3A_1164 : memref<1x128x64xf32, #tpu.memory_space<vmem>> -> memref<128x64xf32, #tpu.memory_space<vmem>>
    tpu.wait_dma2 semaphore(%dma_wait3A_1159 : memref<!tpu.dma_semaphore, #tpu.memory_space<semaphore_mem>>) src(%dma_wait3A_1165 : memref<128x64xf32, #tpu.memory_space<vmem>>) dst(%dma_wait3A_1161 : memref<128x64xf32, #tpu.memory_space<hbm>>)
    %dma_start3A_1166 = arith.constant 1 : i32
    %dma_start3A_1167 = arith.constant 3 : i32
    %dma_start3A_1168 = arith.constant 3 : i32
    %dma_start3A_1169 = arith.constant 0 : i32
    %dma_start3A_1170 = arith.constant 0 : i32
    %dma_start3A_1171 = tpu.memref_slice %arg20[%dma_start3A_1167, %dma_start3A_1169, %dma_start3A_1170] : memref<6x128x64xf32, #tpu.memory_space<vmem>> -> memref<1x128x64xf32, #tpu.memory_space<vmem>>
    %dma_start3A_1172 = tpu.memref_squeeze %dma_start3A_1171 : memref<1x128x64xf32, #tpu.memory_space<vmem>> -> memref<128x64xf32, #tpu.memory_space<vmem>>
    %dma_start3A_1173 = arith.constant 0 : i32
    %dma_start3A_1174 = tpu.memref_slice %arg17[%dma_start3A_1166, %dma_start3A_1173] : memref<4x128xi32, #tpu.memory_space<vmem>> -> memref<1x128xi32, #tpu.memory_space<vmem>>
    %dma_start3A_1175 = tpu.memref_squeeze %dma_start3A_1174 : memref<1x128xi32, #tpu.memory_space<vmem>> -> memref<128xi32, #tpu.memory_space<vmem>>
    %dma_start3A_1176 = arith.constant 0 : i32
    %dma_start3A_1177 = arith.constant 0 : i32
    %dma_start3A_1178 = tpu.memref_slice %arg5[%dma_start3A_1176, %dma_start3A_1177] : memref<500000x64xf32, #tpu.memory_space<hbm>> -> memref<500000x64xf32, #tpu.memory_space<hbm>>
    %dma_start3A_1179 = tpu.memref_slice %arg21[%dma_start3A_1168] : memref<6x!tpu.dma_semaphore, #tpu.memory_space<semaphore_mem>> -> memref<1x!tpu.dma_semaphore, #tpu.memory_space<semaphore_mem>>
    %dma_start3A_1180 = tpu.memref_squeeze %dma_start3A_1179 : memref<1x!tpu.dma_semaphore, #tpu.memory_space<semaphore_mem>> -> memref<!tpu.dma_semaphore, #tpu.memory_space<semaphore_mem>>
    tpu.enqueue_indirect_dma source(%dma_start3A_1178 : memref<500000x64xf32, #tpu.memory_space<hbm>>) target(%dma_start3A_1172 : memref<128x64xf32, #tpu.memory_space<vmem>>) offsets(%dma_start3A_1175 : memref<128xi32, #tpu.memory_space<vmem>>) semaphore(%dma_start3A_1180 : memref<!tpu.dma_semaphore, #tpu.memory_space<semaphore_mem>>)
    %dma_wait3A_1181 = arith.constant 2 : i32
    %dma_wait3A_1182 = arith.constant 0 : i32
    %dma_wait3A_1183 = arith.constant 0 : i32
    %dma_wait3A_1184 = arith.constant 0 : i32
    %dma_wait3A_1185 = arith.constant 0 : i32
    %dma_wait3A_1186 = tpu.memref_slice %arg20[%dma_wait3A_1182, %dma_wait3A_1184, %dma_wait3A_1185] : memref<6x128x64xf32, #tpu.memory_space<vmem>> -> memref<1x128x64xf32, #tpu.memory_space<vmem>>
    %dma_wait3A_1187 = tpu.memref_squeeze %dma_wait3A_1186 : memref<1x128x64xf32, #tpu.memory_space<vmem>> -> memref<128x64xf32, #tpu.memory_space<vmem>>
    %dma_wait3A_1188 = arith.constant 0 : i32
    %dma_wait3A_1189 = tpu.memref_slice %arg17[%dma_wait3A_1181, %dma_wait3A_1188] : memref<4x128xi32, #tpu.memory_space<vmem>> -> memref<1x128xi32, #tpu.memory_space<vmem>>
    %dma_wait3A_1190 = tpu.memref_squeeze %dma_wait3A_1189 : memref<1x128xi32, #tpu.memory_space<vmem>> -> memref<128xi32, #tpu.memory_space<vmem>>
    %dma_wait3A_1191 = arith.constant 0 : i32
    %dma_wait3A_1192 = arith.constant 0 : i32
    %dma_wait3A_1193 = tpu.memref_slice %arg4[%dma_wait3A_1191, %dma_wait3A_1192] : memref<500000x64xf32, #tpu.memory_space<hbm>> -> memref<500000x64xf32, #tpu.memory_space<hbm>>
    %dma_wait3A_1194 = tpu.memref_slice %arg21[%dma_wait3A_1183] : memref<6x!tpu.dma_semaphore, #tpu.memory_space<semaphore_mem>> -> memref<1x!tpu.dma_semaphore, #tpu.memory_space<semaphore_mem>>
    %dma_wait3A_1195 = tpu.memref_squeeze %dma_wait3A_1194 : memref<1x!tpu.dma_semaphore, #tpu.memory_space<semaphore_mem>> -> memref<!tpu.dma_semaphore, #tpu.memory_space<semaphore_mem>>
    tpu.wait_indirect_dma semaphore(%dma_wait3A_1195 : memref<!tpu.dma_semaphore, #tpu.memory_space<semaphore_mem>>) src(%dma_wait3A_1193 : memref<500000x64xf32, #tpu.memory_space<hbm>>) dst(%dma_wait3A_1187 : memref<128x64xf32, #tpu.memory_space<vmem>>)
    %add3A_1196 = arith.constant 256 : i32
    %add3A_1197 = arith.addi %mul3A_2, %add3A_1196 : i32
    %dma_start3A_1198 = arith.constant 0 : i32
    %dma_start3A_1199 = arith.constant 0 : i32
    %dma_start3A_1200 = arith.constant 0 : i32
    %dma_start3A_1201 = arith.constant 0 : i32
    %dma_start3A_1202 = tpu.memref_slice %arg20[%dma_start3A_1198, %dma_start3A_1200, %dma_start3A_1201] : memref<6x128x64xf32, #tpu.memory_space<vmem>> -> memref<1x128x64xf32, #tpu.memory_space<vmem>>
    %dma_start3A_1203 = tpu.memref_squeeze %dma_start3A_1202 : memref<1x128x64xf32, #tpu.memory_space<vmem>> -> memref<128x64xf32, #tpu.memory_space<vmem>>
    %dma_start3A_1204 = arith.constant 0 : i32
    %dma_start3A_1205 = tpu.memref_slice %arg13[%add3A_1197, %dma_start3A_1204] : memref<16384x64xf32, #tpu.memory_space<hbm>> -> memref<128x64xf32, #tpu.memory_space<hbm>>
    %dma_start3A_1206 = tpu.memref_slice %arg22[%dma_start3A_1199] : memref<6x!tpu.dma_semaphore, #tpu.memory_space<semaphore_mem>> -> memref<1x!tpu.dma_semaphore, #tpu.memory_space<semaphore_mem>>
    %dma_start3A_1207 = tpu.memref_squeeze %dma_start3A_1206 : memref<1x!tpu.dma_semaphore, #tpu.memory_space<semaphore_mem>> -> memref<!tpu.dma_semaphore, #tpu.memory_space<semaphore_mem>>
    %dma_start3A_1208 = arith.constant 0 : i32
    %dma_start3A_1209 = tpu.memref_slice %arg13[%add3A_1197, %dma_start3A_1208] : memref<16384x64xf32, #tpu.memory_space<hbm>> -> memref<128x64xf32, #tpu.memory_space<hbm>>
    %dma_start3A_1210 = arith.constant 0 : i32
    %dma_start3A_1211 = arith.constant 0 : i32
    %dma_start3A_1212 = tpu.memref_slice %arg20[%dma_start3A_1198, %dma_start3A_1210, %dma_start3A_1211] : memref<6x128x64xf32, #tpu.memory_space<vmem>> -> memref<1x128x64xf32, #tpu.memory_space<vmem>>
    %dma_start3A_1213 = tpu.memref_squeeze %dma_start3A_1212 : memref<1x128x64xf32, #tpu.memory_space<vmem>> -> memref<128x64xf32, #tpu.memory_space<vmem>>
    tpu.enqueue_dma source(%dma_start3A_1213 : memref<128x64xf32, #tpu.memory_space<vmem>>) target(%dma_start3A_1209 : memref<128x64xf32, #tpu.memory_space<hbm>>) target_semaphore(%dma_start3A_1207 : memref<!tpu.dma_semaphore, #tpu.memory_space<semaphore_mem>>)
    %dma_wait3A_1214 = arith.constant 4 : i32
    %dma_wait3A_1215 = arith.constant 4 : i32
    %dma_wait3A_1216 = arith.constant 0 : i32
    %dma_wait3A_1217 = arith.constant 0 : i32
    %dma_wait3A_1218 = tpu.memref_slice %arg20[%dma_wait3A_1214, %dma_wait3A_1216, %dma_wait3A_1217] : memref<6x128x64xf32, #tpu.memory_space<vmem>> -> memref<1x128x64xf32, #tpu.memory_space<vmem>>
    %dma_wait3A_1219 = tpu.memref_squeeze %dma_wait3A_1218 : memref<1x128x64xf32, #tpu.memory_space<vmem>> -> memref<128x64xf32, #tpu.memory_space<vmem>>
    %dma_wait3A_1220 = arith.constant 0 : i32
    %dma_wait3A_1221 = tpu.memref_slice %arg13[%add3A_1069, %dma_wait3A_1220] : memref<16384x64xf32, #tpu.memory_space<hbm>> -> memref<128x64xf32, #tpu.memory_space<hbm>>
    %dma_wait3A_1222 = tpu.memref_slice %arg22[%dma_wait3A_1215] : memref<6x!tpu.dma_semaphore, #tpu.memory_space<semaphore_mem>> -> memref<1x!tpu.dma_semaphore, #tpu.memory_space<semaphore_mem>>
    %dma_wait3A_1223 = tpu.memref_squeeze %dma_wait3A_1222 : memref<1x!tpu.dma_semaphore, #tpu.memory_space<semaphore_mem>> -> memref<!tpu.dma_semaphore, #tpu.memory_space<semaphore_mem>>
    %dma_wait3A_1224 = arith.constant 0 : i32
    %dma_wait3A_1225 = tpu.memref_slice %arg13[%add3A_1069, %dma_wait3A_1224] : memref<16384x64xf32, #tpu.memory_space<hbm>> -> memref<128x64xf32, #tpu.memory_space<hbm>>
    %dma_wait3A_1226 = arith.constant 0 : i32
    %dma_wait3A_1227 = arith.constant 0 : i32
    %dma_wait3A_1228 = tpu.memref_slice %arg20[%dma_wait3A_1214, %dma_wait3A_1226, %dma_wait3A_1227] : memref<6x128x64xf32, #tpu.memory_space<vmem>> -> memref<1x128x64xf32, #tpu.memory_space<vmem>>
    %dma_wait3A_1229 = tpu.memref_squeeze %dma_wait3A_1228 : memref<1x128x64xf32, #tpu.memory_space<vmem>> -> memref<128x64xf32, #tpu.memory_space<vmem>>
    tpu.wait_dma2 semaphore(%dma_wait3A_1223 : memref<!tpu.dma_semaphore, #tpu.memory_space<semaphore_mem>>) src(%dma_wait3A_1229 : memref<128x64xf32, #tpu.memory_space<vmem>>) dst(%dma_wait3A_1225 : memref<128x64xf32, #tpu.memory_space<hbm>>)
    %dma_start3A_1230 = arith.constant 2 : i32
    %dma_start3A_1231 = arith.constant 4 : i32
    %dma_start3A_1232 = arith.constant 4 : i32
    %dma_start3A_1233 = arith.constant 0 : i32
    %dma_start3A_1234 = arith.constant 0 : i32
    %dma_start3A_1235 = tpu.memref_slice %arg20[%dma_start3A_1231, %dma_start3A_1233, %dma_start3A_1234] : memref<6x128x64xf32, #tpu.memory_space<vmem>> -> memref<1x128x64xf32, #tpu.memory_space<vmem>>
    %dma_start3A_1236 = tpu.memref_squeeze %dma_start3A_1235 : memref<1x128x64xf32, #tpu.memory_space<vmem>> -> memref<128x64xf32, #tpu.memory_space<vmem>>
    %dma_start3A_1237 = arith.constant 0 : i32
    %dma_start3A_1238 = tpu.memref_slice %arg17[%dma_start3A_1230, %dma_start3A_1237] : memref<4x128xi32, #tpu.memory_space<vmem>> -> memref<1x128xi32, #tpu.memory_space<vmem>>
    %dma_start3A_1239 = tpu.memref_squeeze %dma_start3A_1238 : memref<1x128xi32, #tpu.memory_space<vmem>> -> memref<128xi32, #tpu.memory_space<vmem>>
    %dma_start3A_1240 = arith.constant 0 : i32
    %dma_start3A_1241 = arith.constant 0 : i32
    %dma_start3A_1242 = tpu.memref_slice %arg5[%dma_start3A_1240, %dma_start3A_1241] : memref<500000x64xf32, #tpu.memory_space<hbm>> -> memref<500000x64xf32, #tpu.memory_space<hbm>>
    %dma_start3A_1243 = tpu.memref_slice %arg21[%dma_start3A_1232] : memref<6x!tpu.dma_semaphore, #tpu.memory_space<semaphore_mem>> -> memref<1x!tpu.dma_semaphore, #tpu.memory_space<semaphore_mem>>
    %dma_start3A_1244 = tpu.memref_squeeze %dma_start3A_1243 : memref<1x!tpu.dma_semaphore, #tpu.memory_space<semaphore_mem>> -> memref<!tpu.dma_semaphore, #tpu.memory_space<semaphore_mem>>
    tpu.enqueue_indirect_dma source(%dma_start3A_1242 : memref<500000x64xf32, #tpu.memory_space<hbm>>) target(%dma_start3A_1236 : memref<128x64xf32, #tpu.memory_space<vmem>>) offsets(%dma_start3A_1239 : memref<128xi32, #tpu.memory_space<vmem>>) semaphore(%dma_start3A_1244 : memref<!tpu.dma_semaphore, #tpu.memory_space<semaphore_mem>>)
    %dma_wait3A_1245 = arith.constant 3 : i32
    %dma_wait3A_1246 = arith.constant 1 : i32
    %dma_wait3A_1247 = arith.constant 1 : i32
    %dma_wait3A_1248 = arith.constant 0 : i32
    %dma_wait3A_1249 = arith.constant 0 : i32
    %dma_wait3A_1250 = tpu.memref_slice %arg20[%dma_wait3A_1246, %dma_wait3A_1248, %dma_wait3A_1249] : memref<6x128x64xf32, #tpu.memory_space<vmem>> -> memref<1x128x64xf32, #tpu.memory_space<vmem>>
    %dma_wait3A_1251 = tpu.memref_squeeze %dma_wait3A_1250 : memref<1x128x64xf32, #tpu.memory_space<vmem>> -> memref<128x64xf32, #tpu.memory_space<vmem>>
    %dma_wait3A_1252 = arith.constant 0 : i32
    %dma_wait3A_1253 = tpu.memref_slice %arg17[%dma_wait3A_1245, %dma_wait3A_1252] : memref<4x128xi32, #tpu.memory_space<vmem>> -> memref<1x128xi32, #tpu.memory_space<vmem>>
    %dma_wait3A_1254 = tpu.memref_squeeze %dma_wait3A_1253 : memref<1x128xi32, #tpu.memory_space<vmem>> -> memref<128xi32, #tpu.memory_space<vmem>>
    %dma_wait3A_1255 = arith.constant 0 : i32
    %dma_wait3A_1256 = arith.constant 0 : i32
    %dma_wait3A_1257 = tpu.memref_slice %arg4[%dma_wait3A_1255, %dma_wait3A_1256] : memref<500000x64xf32, #tpu.memory_space<hbm>> -> memref<500000x64xf32, #tpu.memory_space<hbm>>
    %dma_wait3A_1258 = tpu.memref_slice %arg21[%dma_wait3A_1247] : memref<6x!tpu.dma_semaphore, #tpu.memory_space<semaphore_mem>> -> memref<1x!tpu.dma_semaphore, #tpu.memory_space<semaphore_mem>>
    %dma_wait3A_1259 = tpu.memref_squeeze %dma_wait3A_1258 : memref<1x!tpu.dma_semaphore, #tpu.memory_space<semaphore_mem>> -> memref<!tpu.dma_semaphore, #tpu.memory_space<semaphore_mem>>
    tpu.wait_indirect_dma semaphore(%dma_wait3A_1259 : memref<!tpu.dma_semaphore, #tpu.memory_space<semaphore_mem>>) src(%dma_wait3A_1257 : memref<500000x64xf32, #tpu.memory_space<hbm>>) dst(%dma_wait3A_1251 : memref<128x64xf32, #tpu.memory_space<vmem>>)
    %add3A_1260 = arith.constant 384 : i32
    %add3A_1261 = arith.addi %mul3A_2, %add3A_1260 : i32
    %dma_start3A_1262 = arith.constant 1 : i32
    %dma_start3A_1263 = arith.constant 1 : i32
    %dma_start3A_1264 = arith.constant 0 : i32
    %dma_start3A_1265 = arith.constant 0 : i32
    %dma_start3A_1266 = tpu.memref_slice %arg20[%dma_start3A_1262, %dma_start3A_1264, %dma_start3A_1265] : memref<6x128x64xf32, #tpu.memory_space<vmem>> -> memref<1x128x64xf32, #tpu.memory_space<vmem>>
    %dma_start3A_1267 = tpu.memref_squeeze %dma_start3A_1266 : memref<1x128x64xf32, #tpu.memory_space<vmem>> -> memref<128x64xf32, #tpu.memory_space<vmem>>
    %dma_start3A_1268 = arith.constant 0 : i32
    %dma_start3A_1269 = tpu.memref_slice %arg13[%add3A_1261, %dma_start3A_1268] : memref<16384x64xf32, #tpu.memory_space<hbm>> -> memref<128x64xf32, #tpu.memory_space<hbm>>
    %dma_start3A_1270 = tpu.memref_slice %arg22[%dma_start3A_1263] : memref<6x!tpu.dma_semaphore, #tpu.memory_space<semaphore_mem>> -> memref<1x!tpu.dma_semaphore, #tpu.memory_space<semaphore_mem>>
    %dma_start3A_1271 = tpu.memref_squeeze %dma_start3A_1270 : memref<1x!tpu.dma_semaphore, #tpu.memory_space<semaphore_mem>> -> memref<!tpu.dma_semaphore, #tpu.memory_space<semaphore_mem>>
    %dma_start3A_1272 = arith.constant 0 : i32
    %dma_start3A_1273 = tpu.memref_slice %arg13[%add3A_1261, %dma_start3A_1272] : memref<16384x64xf32, #tpu.memory_space<hbm>> -> memref<128x64xf32, #tpu.memory_space<hbm>>
    %dma_start3A_1274 = arith.constant 0 : i32
    %dma_start3A_1275 = arith.constant 0 : i32
    %dma_start3A_1276 = tpu.memref_slice %arg20[%dma_start3A_1262, %dma_start3A_1274, %dma_start3A_1275] : memref<6x128x64xf32, #tpu.memory_space<vmem>> -> memref<1x128x64xf32, #tpu.memory_space<vmem>>
    %dma_start3A_1277 = tpu.memref_squeeze %dma_start3A_1276 : memref<1x128x64xf32, #tpu.memory_space<vmem>> -> memref<128x64xf32, #tpu.memory_space<vmem>>
    tpu.enqueue_dma source(%dma_start3A_1277 : memref<128x64xf32, #tpu.memory_space<vmem>>) target(%dma_start3A_1273 : memref<128x64xf32, #tpu.memory_space<hbm>>) target_semaphore(%dma_start3A_1271 : memref<!tpu.dma_semaphore, #tpu.memory_space<semaphore_mem>>)
    %dma_wait3A_1278 = arith.constant 5 : i32
    %dma_wait3A_1279 = arith.constant 5 : i32
    %dma_wait3A_1280 = arith.constant 0 : i32
    %dma_wait3A_1281 = arith.constant 0 : i32
    %dma_wait3A_1282 = tpu.memref_slice %arg20[%dma_wait3A_1278, %dma_wait3A_1280, %dma_wait3A_1281] : memref<6x128x64xf32, #tpu.memory_space<vmem>> -> memref<1x128x64xf32, #tpu.memory_space<vmem>>
    %dma_wait3A_1283 = tpu.memref_squeeze %dma_wait3A_1282 : memref<1x128x64xf32, #tpu.memory_space<vmem>> -> memref<128x64xf32, #tpu.memory_space<vmem>>
    %dma_wait3A_1284 = arith.constant 0 : i32
    %dma_wait3A_1285 = tpu.memref_slice %arg13[%add3A_1133, %dma_wait3A_1284] : memref<16384x64xf32, #tpu.memory_space<hbm>> -> memref<128x64xf32, #tpu.memory_space<hbm>>
    %dma_wait3A_1286 = tpu.memref_slice %arg22[%dma_wait3A_1279] : memref<6x!tpu.dma_semaphore, #tpu.memory_space<semaphore_mem>> -> memref<1x!tpu.dma_semaphore, #tpu.memory_space<semaphore_mem>>
    %dma_wait3A_1287 = tpu.memref_squeeze %dma_wait3A_1286 : memref<1x!tpu.dma_semaphore, #tpu.memory_space<semaphore_mem>> -> memref<!tpu.dma_semaphore, #tpu.memory_space<semaphore_mem>>
    %dma_wait3A_1288 = arith.constant 0 : i32
    %dma_wait3A_1289 = tpu.memref_slice %arg13[%add3A_1133, %dma_wait3A_1288] : memref<16384x64xf32, #tpu.memory_space<hbm>> -> memref<128x64xf32, #tpu.memory_space<hbm>>
    %dma_wait3A_1290 = arith.constant 0 : i32
    %dma_wait3A_1291 = arith.constant 0 : i32
    %dma_wait3A_1292 = tpu.memref_slice %arg20[%dma_wait3A_1278, %dma_wait3A_1290, %dma_wait3A_1291] : memref<6x128x64xf32, #tpu.memory_space<vmem>> -> memref<1x128x64xf32, #tpu.memory_space<vmem>>
    %dma_wait3A_1293 = tpu.memref_squeeze %dma_wait3A_1292 : memref<1x128x64xf32, #tpu.memory_space<vmem>> -> memref<128x64xf32, #tpu.memory_space<vmem>>
    tpu.wait_dma2 semaphore(%dma_wait3A_1287 : memref<!tpu.dma_semaphore, #tpu.memory_space<semaphore_mem>>) src(%dma_wait3A_1293 : memref<128x64xf32, #tpu.memory_space<vmem>>) dst(%dma_wait3A_1289 : memref<128x64xf32, #tpu.memory_space<hbm>>)
    %dma_start3A_1294 = arith.constant 3 : i32
    %dma_start3A_1295 = arith.constant 5 : i32
    %dma_start3A_1296 = arith.constant 5 : i32
    %dma_start3A_1297 = arith.constant 0 : i32
    %dma_start3A_1298 = arith.constant 0 : i32
    %dma_start3A_1299 = tpu.memref_slice %arg20[%dma_start3A_1295, %dma_start3A_1297, %dma_start3A_1298] : memref<6x128x64xf32, #tpu.memory_space<vmem>> -> memref<1x128x64xf32, #tpu.memory_space<vmem>>
    %dma_start3A_1300 = tpu.memref_squeeze %dma_start3A_1299 : memref<1x128x64xf32, #tpu.memory_space<vmem>> -> memref<128x64xf32, #tpu.memory_space<vmem>>
    %dma_start3A_1301 = arith.constant 0 : i32
    %dma_start3A_1302 = tpu.memref_slice %arg17[%dma_start3A_1294, %dma_start3A_1301] : memref<4x128xi32, #tpu.memory_space<vmem>> -> memref<1x128xi32, #tpu.memory_space<vmem>>
    %dma_start3A_1303 = tpu.memref_squeeze %dma_start3A_1302 : memref<1x128xi32, #tpu.memory_space<vmem>> -> memref<128xi32, #tpu.memory_space<vmem>>
    %dma_start3A_1304 = arith.constant 0 : i32
    %dma_start3A_1305 = arith.constant 0 : i32
    %dma_start3A_1306 = tpu.memref_slice %arg5[%dma_start3A_1304, %dma_start3A_1305] : memref<500000x64xf32, #tpu.memory_space<hbm>> -> memref<500000x64xf32, #tpu.memory_space<hbm>>
    %dma_start3A_1307 = tpu.memref_slice %arg21[%dma_start3A_1296] : memref<6x!tpu.dma_semaphore, #tpu.memory_space<semaphore_mem>> -> memref<1x!tpu.dma_semaphore, #tpu.memory_space<semaphore_mem>>
    %dma_start3A_1308 = tpu.memref_squeeze %dma_start3A_1307 : memref<1x!tpu.dma_semaphore, #tpu.memory_space<semaphore_mem>> -> memref<!tpu.dma_semaphore, #tpu.memory_space<semaphore_mem>>
    tpu.enqueue_indirect_dma source(%dma_start3A_1306 : memref<500000x64xf32, #tpu.memory_space<hbm>>) target(%dma_start3A_1300 : memref<128x64xf32, #tpu.memory_space<vmem>>) offsets(%dma_start3A_1303 : memref<128xi32, #tpu.memory_space<vmem>>) semaphore(%dma_start3A_1308 : memref<!tpu.dma_semaphore, #tpu.memory_space<semaphore_mem>>)
    %dma_wait3A_1309 = arith.constant 0 : i32
    %dma_wait3A_1310 = arith.constant 2 : i32
    %dma_wait3A_1311 = arith.constant 2 : i32
    %dma_wait3A_1312 = arith.constant 0 : i32
    %dma_wait3A_1313 = arith.constant 0 : i32
    %dma_wait3A_1314 = tpu.memref_slice %arg20[%dma_wait3A_1310, %dma_wait3A_1312, %dma_wait3A_1313] : memref<6x128x64xf32, #tpu.memory_space<vmem>> -> memref<1x128x64xf32, #tpu.memory_space<vmem>>
    %dma_wait3A_1315 = tpu.memref_squeeze %dma_wait3A_1314 : memref<1x128x64xf32, #tpu.memory_space<vmem>> -> memref<128x64xf32, #tpu.memory_space<vmem>>
    %dma_wait3A_1316 = arith.constant 0 : i32
    %dma_wait3A_1317 = tpu.memref_slice %arg17[%dma_wait3A_1309, %dma_wait3A_1316] : memref<4x128xi32, #tpu.memory_space<vmem>> -> memref<1x128xi32, #tpu.memory_space<vmem>>
    %dma_wait3A_1318 = tpu.memref_squeeze %dma_wait3A_1317 : memref<1x128xi32, #tpu.memory_space<vmem>> -> memref<128xi32, #tpu.memory_space<vmem>>
    %dma_wait3A_1319 = arith.constant 0 : i32
    %dma_wait3A_1320 = arith.constant 0 : i32
    %dma_wait3A_1321 = tpu.memref_slice %arg5[%dma_wait3A_1319, %dma_wait3A_1320] : memref<500000x64xf32, #tpu.memory_space<hbm>> -> memref<500000x64xf32, #tpu.memory_space<hbm>>
    %dma_wait3A_1322 = tpu.memref_slice %arg21[%dma_wait3A_1311] : memref<6x!tpu.dma_semaphore, #tpu.memory_space<semaphore_mem>> -> memref<1x!tpu.dma_semaphore, #tpu.memory_space<semaphore_mem>>
    %dma_wait3A_1323 = tpu.memref_squeeze %dma_wait3A_1322 : memref<1x!tpu.dma_semaphore, #tpu.memory_space<semaphore_mem>> -> memref<!tpu.dma_semaphore, #tpu.memory_space<semaphore_mem>>
    tpu.wait_indirect_dma semaphore(%dma_wait3A_1323 : memref<!tpu.dma_semaphore, #tpu.memory_space<semaphore_mem>>) src(%dma_wait3A_1321 : memref<500000x64xf32, #tpu.memory_space<hbm>>) dst(%dma_wait3A_1315 : memref<128x64xf32, #tpu.memory_space<vmem>>)
    %add3A_1324 = arith.constant 0 : i32
    %add3A_1325 = arith.addi %mul3A_2, %add3A_1324 : i32
    %dma_start3A_1326 = arith.constant 2 : i32
    %dma_start3A_1327 = arith.constant 2 : i32
    %dma_start3A_1328 = arith.constant 0 : i32
    %dma_start3A_1329 = arith.constant 0 : i32
    %dma_start3A_1330 = tpu.memref_slice %arg20[%dma_start3A_1326, %dma_start3A_1328, %dma_start3A_1329] : memref<6x128x64xf32, #tpu.memory_space<vmem>> -> memref<1x128x64xf32, #tpu.memory_space<vmem>>
    %dma_start3A_1331 = tpu.memref_squeeze %dma_start3A_1330 : memref<1x128x64xf32, #tpu.memory_space<vmem>> -> memref<128x64xf32, #tpu.memory_space<vmem>>
    %dma_start3A_1332 = arith.constant 0 : i32
    %dma_start3A_1333 = tpu.memref_slice %arg14[%add3A_1325, %dma_start3A_1332] : memref<16384x64xf32, #tpu.memory_space<hbm>> -> memref<128x64xf32, #tpu.memory_space<hbm>>
    %dma_start3A_1334 = tpu.memref_slice %arg22[%dma_start3A_1327] : memref<6x!tpu.dma_semaphore, #tpu.memory_space<semaphore_mem>> -> memref<1x!tpu.dma_semaphore, #tpu.memory_space<semaphore_mem>>
    %dma_start3A_1335 = tpu.memref_squeeze %dma_start3A_1334 : memref<1x!tpu.dma_semaphore, #tpu.memory_space<semaphore_mem>> -> memref<!tpu.dma_semaphore, #tpu.memory_space<semaphore_mem>>
    %dma_start3A_1336 = arith.constant 0 : i32
    %dma_start3A_1337 = tpu.memref_slice %arg14[%add3A_1325, %dma_start3A_1336] : memref<16384x64xf32, #tpu.memory_space<hbm>> -> memref<128x64xf32, #tpu.memory_space<hbm>>
    %dma_start3A_1338 = arith.constant 0 : i32
    %dma_start3A_1339 = arith.constant 0 : i32
    %dma_start3A_1340 = tpu.memref_slice %arg20[%dma_start3A_1326, %dma_start3A_1338, %dma_start3A_1339] : memref<6x128x64xf32, #tpu.memory_space<vmem>> -> memref<1x128x64xf32, #tpu.memory_space<vmem>>
    %dma_start3A_1341 = tpu.memref_squeeze %dma_start3A_1340 : memref<1x128x64xf32, #tpu.memory_space<vmem>> -> memref<128x64xf32, #tpu.memory_space<vmem>>
    tpu.enqueue_dma source(%dma_start3A_1341 : memref<128x64xf32, #tpu.memory_space<vmem>>) target(%dma_start3A_1337 : memref<128x64xf32, #tpu.memory_space<hbm>>) target_semaphore(%dma_start3A_1335 : memref<!tpu.dma_semaphore, #tpu.memory_space<semaphore_mem>>)
    %dma_wait3A_1342 = arith.constant 0 : i32
    %dma_wait3A_1343 = arith.constant 0 : i32
    %dma_wait3A_1344 = arith.constant 0 : i32
    %dma_wait3A_1345 = arith.constant 0 : i32
    %dma_wait3A_1346 = tpu.memref_slice %arg20[%dma_wait3A_1342, %dma_wait3A_1344, %dma_wait3A_1345] : memref<6x128x64xf32, #tpu.memory_space<vmem>> -> memref<1x128x64xf32, #tpu.memory_space<vmem>>
    %dma_wait3A_1347 = tpu.memref_squeeze %dma_wait3A_1346 : memref<1x128x64xf32, #tpu.memory_space<vmem>> -> memref<128x64xf32, #tpu.memory_space<vmem>>
    %dma_wait3A_1348 = arith.constant 0 : i32
    %dma_wait3A_1349 = tpu.memref_slice %arg13[%add3A_1197, %dma_wait3A_1348] : memref<16384x64xf32, #tpu.memory_space<hbm>> -> memref<128x64xf32, #tpu.memory_space<hbm>>
    %dma_wait3A_1350 = tpu.memref_slice %arg22[%dma_wait3A_1343] : memref<6x!tpu.dma_semaphore, #tpu.memory_space<semaphore_mem>> -> memref<1x!tpu.dma_semaphore, #tpu.memory_space<semaphore_mem>>
    %dma_wait3A_1351 = tpu.memref_squeeze %dma_wait3A_1350 : memref<1x!tpu.dma_semaphore, #tpu.memory_space<semaphore_mem>> -> memref<!tpu.dma_semaphore, #tpu.memory_space<semaphore_mem>>
    %dma_wait3A_1352 = arith.constant 0 : i32
    %dma_wait3A_1353 = tpu.memref_slice %arg13[%add3A_1197, %dma_wait3A_1352] : memref<16384x64xf32, #tpu.memory_space<hbm>> -> memref<128x64xf32, #tpu.memory_space<hbm>>
    %dma_wait3A_1354 = arith.constant 0 : i32
    %dma_wait3A_1355 = arith.constant 0 : i32
    %dma_wait3A_1356 = tpu.memref_slice %arg20[%dma_wait3A_1342, %dma_wait3A_1354, %dma_wait3A_1355] : memref<6x128x64xf32, #tpu.memory_space<vmem>> -> memref<1x128x64xf32, #tpu.memory_space<vmem>>
    %dma_wait3A_1357 = tpu.memref_squeeze %dma_wait3A_1356 : memref<1x128x64xf32, #tpu.memory_space<vmem>> -> memref<128x64xf32, #tpu.memory_space<vmem>>
    tpu.wait_dma2 semaphore(%dma_wait3A_1351 : memref<!tpu.dma_semaphore, #tpu.memory_space<semaphore_mem>>) src(%dma_wait3A_1357 : memref<128x64xf32, #tpu.memory_space<vmem>>) dst(%dma_wait3A_1353 : memref<128x64xf32, #tpu.memory_space<hbm>>)
    %dma_start3A_1358 = arith.constant 0 : i32
    %dma_start3A_1359 = arith.constant 0 : i32
    %dma_start3A_1360 = arith.constant 0 : i32
    %dma_start3A_1361 = arith.constant 0 : i32
    %dma_start3A_1362 = arith.constant 0 : i32
    %dma_start3A_1363 = tpu.memref_slice %arg20[%dma_start3A_1359, %dma_start3A_1361, %dma_start3A_1362] : memref<6x128x64xf32, #tpu.memory_space<vmem>> -> memref<1x128x64xf32, #tpu.memory_space<vmem>>
    %dma_start3A_1364 = tpu.memref_squeeze %dma_start3A_1363 : memref<1x128x64xf32, #tpu.memory_space<vmem>> -> memref<128x64xf32, #tpu.memory_space<vmem>>
    %dma_start3A_1365 = arith.constant 0 : i32
    %dma_start3A_1366 = tpu.memref_slice %arg19[%dma_start3A_1358, %dma_start3A_1365] : memref<4x128xi32, #tpu.memory_space<vmem>> -> memref<1x128xi32, #tpu.memory_space<vmem>>
    %dma_start3A_1367 = tpu.memref_squeeze %dma_start3A_1366 : memref<1x128xi32, #tpu.memory_space<vmem>> -> memref<128xi32, #tpu.memory_space<vmem>>
    %dma_start3A_1368 = arith.constant 0 : i32
    %dma_start3A_1369 = arith.constant 0 : i32
    %dma_start3A_1370 = tpu.memref_slice %arg2[%dma_start3A_1368, %dma_start3A_1369] : memref<1000000x64xf32, #tpu.memory_space<hbm>> -> memref<1000000x64xf32, #tpu.memory_space<hbm>>
    %dma_start3A_1371 = tpu.memref_slice %arg21[%dma_start3A_1360] : memref<6x!tpu.dma_semaphore, #tpu.memory_space<semaphore_mem>> -> memref<1x!tpu.dma_semaphore, #tpu.memory_space<semaphore_mem>>
    %dma_start3A_1372 = tpu.memref_squeeze %dma_start3A_1371 : memref<1x!tpu.dma_semaphore, #tpu.memory_space<semaphore_mem>> -> memref<!tpu.dma_semaphore, #tpu.memory_space<semaphore_mem>>
    tpu.enqueue_indirect_dma source(%dma_start3A_1370 : memref<1000000x64xf32, #tpu.memory_space<hbm>>) target(%dma_start3A_1364 : memref<128x64xf32, #tpu.memory_space<vmem>>) offsets(%dma_start3A_1367 : memref<128xi32, #tpu.memory_space<vmem>>) semaphore(%dma_start3A_1372 : memref<!tpu.dma_semaphore, #tpu.memory_space<semaphore_mem>>)
    %dma_wait3A_1373 = arith.constant 1 : i32
    %dma_wait3A_1374 = arith.constant 3 : i32
    %dma_wait3A_1375 = arith.constant 3 : i32
    %dma_wait3A_1376 = arith.constant 0 : i32
    %dma_wait3A_1377 = arith.constant 0 : i32
    %dma_wait3A_1378 = tpu.memref_slice %arg20[%dma_wait3A_1374, %dma_wait3A_1376, %dma_wait3A_1377] : memref<6x128x64xf32, #tpu.memory_space<vmem>> -> memref<1x128x64xf32, #tpu.memory_space<vmem>>
    %dma_wait3A_1379 = tpu.memref_squeeze %dma_wait3A_1378 : memref<1x128x64xf32, #tpu.memory_space<vmem>> -> memref<128x64xf32, #tpu.memory_space<vmem>>
    %dma_wait3A_1380 = arith.constant 0 : i32
    %dma_wait3A_1381 = tpu.memref_slice %arg17[%dma_wait3A_1373, %dma_wait3A_1380] : memref<4x128xi32, #tpu.memory_space<vmem>> -> memref<1x128xi32, #tpu.memory_space<vmem>>
    %dma_wait3A_1382 = tpu.memref_squeeze %dma_wait3A_1381 : memref<1x128xi32, #tpu.memory_space<vmem>> -> memref<128xi32, #tpu.memory_space<vmem>>
    %dma_wait3A_1383 = arith.constant 0 : i32
    %dma_wait3A_1384 = arith.constant 0 : i32
    %dma_wait3A_1385 = tpu.memref_slice %arg5[%dma_wait3A_1383, %dma_wait3A_1384] : memref<500000x64xf32, #tpu.memory_space<hbm>> -> memref<500000x64xf32, #tpu.memory_space<hbm>>
    %dma_wait3A_1386 = tpu.memref_slice %arg21[%dma_wait3A_1375] : memref<6x!tpu.dma_semaphore, #tpu.memory_space<semaphore_mem>> -> memref<1x!tpu.dma_semaphore, #tpu.memory_space<semaphore_mem>>
    %dma_wait3A_1387 = tpu.memref_squeeze %dma_wait3A_1386 : memref<1x!tpu.dma_semaphore, #tpu.memory_space<semaphore_mem>> -> memref<!tpu.dma_semaphore, #tpu.memory_space<semaphore_mem>>
    tpu.wait_indirect_dma semaphore(%dma_wait3A_1387 : memref<!tpu.dma_semaphore, #tpu.memory_space<semaphore_mem>>) src(%dma_wait3A_1385 : memref<500000x64xf32, #tpu.memory_space<hbm>>) dst(%dma_wait3A_1379 : memref<128x64xf32, #tpu.memory_space<vmem>>)
    %add3A_1388 = arith.constant 128 : i32
    %add3A_1389 = arith.addi %mul3A_2, %add3A_1388 : i32
    %dma_start3A_1390 = arith.constant 3 : i32
    %dma_start3A_1391 = arith.constant 3 : i32
    %dma_start3A_1392 = arith.constant 0 : i32
    %dma_start3A_1393 = arith.constant 0 : i32
    %dma_start3A_1394 = tpu.memref_slice %arg20[%dma_start3A_1390, %dma_start3A_1392, %dma_start3A_1393] : memref<6x128x64xf32, #tpu.memory_space<vmem>> -> memref<1x128x64xf32, #tpu.memory_space<vmem>>
    %dma_start3A_1395 = tpu.memref_squeeze %dma_start3A_1394 : memref<1x128x64xf32, #tpu.memory_space<vmem>> -> memref<128x64xf32, #tpu.memory_space<vmem>>
    %dma_start3A_1396 = arith.constant 0 : i32
    %dma_start3A_1397 = tpu.memref_slice %arg14[%add3A_1389, %dma_start3A_1396] : memref<16384x64xf32, #tpu.memory_space<hbm>> -> memref<128x64xf32, #tpu.memory_space<hbm>>
    %dma_start3A_1398 = tpu.memref_slice %arg22[%dma_start3A_1391] : memref<6x!tpu.dma_semaphore, #tpu.memory_space<semaphore_mem>> -> memref<1x!tpu.dma_semaphore, #tpu.memory_space<semaphore_mem>>
    %dma_start3A_1399 = tpu.memref_squeeze %dma_start3A_1398 : memref<1x!tpu.dma_semaphore, #tpu.memory_space<semaphore_mem>> -> memref<!tpu.dma_semaphore, #tpu.memory_space<semaphore_mem>>
    %dma_start3A_1400 = arith.constant 0 : i32
    %dma_start3A_1401 = tpu.memref_slice %arg14[%add3A_1389, %dma_start3A_1400] : memref<16384x64xf32, #tpu.memory_space<hbm>> -> memref<128x64xf32, #tpu.memory_space<hbm>>
    %dma_start3A_1402 = arith.constant 0 : i32
    %dma_start3A_1403 = arith.constant 0 : i32
    %dma_start3A_1404 = tpu.memref_slice %arg20[%dma_start3A_1390, %dma_start3A_1402, %dma_start3A_1403] : memref<6x128x64xf32, #tpu.memory_space<vmem>> -> memref<1x128x64xf32, #tpu.memory_space<vmem>>
    %dma_start3A_1405 = tpu.memref_squeeze %dma_start3A_1404 : memref<1x128x64xf32, #tpu.memory_space<vmem>> -> memref<128x64xf32, #tpu.memory_space<vmem>>
    tpu.enqueue_dma source(%dma_start3A_1405 : memref<128x64xf32, #tpu.memory_space<vmem>>) target(%dma_start3A_1401 : memref<128x64xf32, #tpu.memory_space<hbm>>) target_semaphore(%dma_start3A_1399 : memref<!tpu.dma_semaphore, #tpu.memory_space<semaphore_mem>>)
    %dma_wait3A_1406 = arith.constant 1 : i32
    %dma_wait3A_1407 = arith.constant 1 : i32
    %dma_wait3A_1408 = arith.constant 0 : i32
    %dma_wait3A_1409 = arith.constant 0 : i32
    %dma_wait3A_1410 = tpu.memref_slice %arg20[%dma_wait3A_1406, %dma_wait3A_1408, %dma_wait3A_1409] : memref<6x128x64xf32, #tpu.memory_space<vmem>> -> memref<1x128x64xf32, #tpu.memory_space<vmem>>
    %dma_wait3A_1411 = tpu.memref_squeeze %dma_wait3A_1410 : memref<1x128x64xf32, #tpu.memory_space<vmem>> -> memref<128x64xf32, #tpu.memory_space<vmem>>
    %dma_wait3A_1412 = arith.constant 0 : i32
    %dma_wait3A_1413 = tpu.memref_slice %arg13[%add3A_1261, %dma_wait3A_1412] : memref<16384x64xf32, #tpu.memory_space<hbm>> -> memref<128x64xf32, #tpu.memory_space<hbm>>
    %dma_wait3A_1414 = tpu.memref_slice %arg22[%dma_wait3A_1407] : memref<6x!tpu.dma_semaphore, #tpu.memory_space<semaphore_mem>> -> memref<1x!tpu.dma_semaphore, #tpu.memory_space<semaphore_mem>>
    %dma_wait3A_1415 = tpu.memref_squeeze %dma_wait3A_1414 : memref<1x!tpu.dma_semaphore, #tpu.memory_space<semaphore_mem>> -> memref<!tpu.dma_semaphore, #tpu.memory_space<semaphore_mem>>
    %dma_wait3A_1416 = arith.constant 0 : i32
    %dma_wait3A_1417 = tpu.memref_slice %arg13[%add3A_1261, %dma_wait3A_1416] : memref<16384x64xf32, #tpu.memory_space<hbm>> -> memref<128x64xf32, #tpu.memory_space<hbm>>
    %dma_wait3A_1418 = arith.constant 0 : i32
    %dma_wait3A_1419 = arith.constant 0 : i32
    %dma_wait3A_1420 = tpu.memref_slice %arg20[%dma_wait3A_1406, %dma_wait3A_1418, %dma_wait3A_1419] : memref<6x128x64xf32, #tpu.memory_space<vmem>> -> memref<1x128x64xf32, #tpu.memory_space<vmem>>
    %dma_wait3A_1421 = tpu.memref_squeeze %dma_wait3A_1420 : memref<1x128x64xf32, #tpu.memory_space<vmem>> -> memref<128x64xf32, #tpu.memory_space<vmem>>
    tpu.wait_dma2 semaphore(%dma_wait3A_1415 : memref<!tpu.dma_semaphore, #tpu.memory_space<semaphore_mem>>) src(%dma_wait3A_1421 : memref<128x64xf32, #tpu.memory_space<vmem>>) dst(%dma_wait3A_1417 : memref<128x64xf32, #tpu.memory_space<hbm>>)
    %dma_start3A_1422 = arith.constant 1 : i32
    %dma_start3A_1423 = arith.constant 1 : i32
    %dma_start3A_1424 = arith.constant 1 : i32
    %dma_start3A_1425 = arith.constant 0 : i32
    %dma_start3A_1426 = arith.constant 0 : i32
    %dma_start3A_1427 = tpu.memref_slice %arg20[%dma_start3A_1423, %dma_start3A_1425, %dma_start3A_1426] : memref<6x128x64xf32, #tpu.memory_space<vmem>> -> memref<1x128x64xf32, #tpu.memory_space<vmem>>
    %dma_start3A_1428 = tpu.memref_squeeze %dma_start3A_1427 : memref<1x128x64xf32, #tpu.memory_space<vmem>> -> memref<128x64xf32, #tpu.memory_space<vmem>>
    %dma_start3A_1429 = arith.constant 0 : i32
    %dma_start3A_1430 = tpu.memref_slice %arg19[%dma_start3A_1422, %dma_start3A_1429] : memref<4x128xi32, #tpu.memory_space<vmem>> -> memref<1x128xi32, #tpu.memory_space<vmem>>
    %dma_start3A_1431 = tpu.memref_squeeze %dma_start3A_1430 : memref<1x128xi32, #tpu.memory_space<vmem>> -> memref<128xi32, #tpu.memory_space<vmem>>
    %dma_start3A_1432 = arith.constant 0 : i32
    %dma_start3A_1433 = arith.constant 0 : i32
    %dma_start3A_1434 = tpu.memref_slice %arg2[%dma_start3A_1432, %dma_start3A_1433] : memref<1000000x64xf32, #tpu.memory_space<hbm>> -> memref<1000000x64xf32, #tpu.memory_space<hbm>>
    %dma_start3A_1435 = tpu.memref_slice %arg21[%dma_start3A_1424] : memref<6x!tpu.dma_semaphore, #tpu.memory_space<semaphore_mem>> -> memref<1x!tpu.dma_semaphore, #tpu.memory_space<semaphore_mem>>
    %dma_start3A_1436 = tpu.memref_squeeze %dma_start3A_1435 : memref<1x!tpu.dma_semaphore, #tpu.memory_space<semaphore_mem>> -> memref<!tpu.dma_semaphore, #tpu.memory_space<semaphore_mem>>
    tpu.enqueue_indirect_dma source(%dma_start3A_1434 : memref<1000000x64xf32, #tpu.memory_space<hbm>>) target(%dma_start3A_1428 : memref<128x64xf32, #tpu.memory_space<vmem>>) offsets(%dma_start3A_1431 : memref<128xi32, #tpu.memory_space<vmem>>) semaphore(%dma_start3A_1436 : memref<!tpu.dma_semaphore, #tpu.memory_space<semaphore_mem>>)
    %dma_wait3A_1437 = arith.constant 2 : i32
    %dma_wait3A_1438 = arith.constant 4 : i32
    %dma_wait3A_1439 = arith.constant 4 : i32
    %dma_wait3A_1440 = arith.constant 0 : i32
    %dma_wait3A_1441 = arith.constant 0 : i32
    %dma_wait3A_1442 = tpu.memref_slice %arg20[%dma_wait3A_1438, %dma_wait3A_1440, %dma_wait3A_1441] : memref<6x128x64xf32, #tpu.memory_space<vmem>> -> memref<1x128x64xf32, #tpu.memory_space<vmem>>
    %dma_wait3A_1443 = tpu.memref_squeeze %dma_wait3A_1442 : memref<1x128x64xf32, #tpu.memory_space<vmem>> -> memref<128x64xf32, #tpu.memory_space<vmem>>
    %dma_wait3A_1444 = arith.constant 0 : i32
    %dma_wait3A_1445 = tpu.memref_slice %arg17[%dma_wait3A_1437, %dma_wait3A_1444] : memref<4x128xi32, #tpu.memory_space<vmem>> -> memref<1x128xi32, #tpu.memory_space<vmem>>
    %dma_wait3A_1446 = tpu.memref_squeeze %dma_wait3A_1445 : memref<1x128xi32, #tpu.memory_space<vmem>> -> memref<128xi32, #tpu.memory_space<vmem>>
    %dma_wait3A_1447 = arith.constant 0 : i32
    %dma_wait3A_1448 = arith.constant 0 : i32
    %dma_wait3A_1449 = tpu.memref_slice %arg5[%dma_wait3A_1447, %dma_wait3A_1448] : memref<500000x64xf32, #tpu.memory_space<hbm>> -> memref<500000x64xf32, #tpu.memory_space<hbm>>
    %dma_wait3A_1450 = tpu.memref_slice %arg21[%dma_wait3A_1439] : memref<6x!tpu.dma_semaphore, #tpu.memory_space<semaphore_mem>> -> memref<1x!tpu.dma_semaphore, #tpu.memory_space<semaphore_mem>>
    %dma_wait3A_1451 = tpu.memref_squeeze %dma_wait3A_1450 : memref<1x!tpu.dma_semaphore, #tpu.memory_space<semaphore_mem>> -> memref<!tpu.dma_semaphore, #tpu.memory_space<semaphore_mem>>
    tpu.wait_indirect_dma semaphore(%dma_wait3A_1451 : memref<!tpu.dma_semaphore, #tpu.memory_space<semaphore_mem>>) src(%dma_wait3A_1449 : memref<500000x64xf32, #tpu.memory_space<hbm>>) dst(%dma_wait3A_1443 : memref<128x64xf32, #tpu.memory_space<vmem>>)
    %add3A_1452 = arith.constant 256 : i32
    %add3A_1453 = arith.addi %mul3A_2, %add3A_1452 : i32
    %dma_start3A_1454 = arith.constant 4 : i32
    %dma_start3A_1455 = arith.constant 4 : i32
    %dma_start3A_1456 = arith.constant 0 : i32
    %dma_start3A_1457 = arith.constant 0 : i32
    %dma_start3A_1458 = tpu.memref_slice %arg20[%dma_start3A_1454, %dma_start3A_1456, %dma_start3A_1457] : memref<6x128x64xf32, #tpu.memory_space<vmem>> -> memref<1x128x64xf32, #tpu.memory_space<vmem>>
    %dma_start3A_1459 = tpu.memref_squeeze %dma_start3A_1458 : memref<1x128x64xf32, #tpu.memory_space<vmem>> -> memref<128x64xf32, #tpu.memory_space<vmem>>
    %dma_start3A_1460 = arith.constant 0 : i32
    %dma_start3A_1461 = tpu.memref_slice %arg14[%add3A_1453, %dma_start3A_1460] : memref<16384x64xf32, #tpu.memory_space<hbm>> -> memref<128x64xf32, #tpu.memory_space<hbm>>
    %dma_start3A_1462 = tpu.memref_slice %arg22[%dma_start3A_1455] : memref<6x!tpu.dma_semaphore, #tpu.memory_space<semaphore_mem>> -> memref<1x!tpu.dma_semaphore, #tpu.memory_space<semaphore_mem>>
    %dma_start3A_1463 = tpu.memref_squeeze %dma_start3A_1462 : memref<1x!tpu.dma_semaphore, #tpu.memory_space<semaphore_mem>> -> memref<!tpu.dma_semaphore, #tpu.memory_space<semaphore_mem>>
    %dma_start3A_1464 = arith.constant 0 : i32
    %dma_start3A_1465 = tpu.memref_slice %arg14[%add3A_1453, %dma_start3A_1464] : memref<16384x64xf32, #tpu.memory_space<hbm>> -> memref<128x64xf32, #tpu.memory_space<hbm>>
    %dma_start3A_1466 = arith.constant 0 : i32
    %dma_start3A_1467 = arith.constant 0 : i32
    %dma_start3A_1468 = tpu.memref_slice %arg20[%dma_start3A_1454, %dma_start3A_1466, %dma_start3A_1467] : memref<6x128x64xf32, #tpu.memory_space<vmem>> -> memref<1x128x64xf32, #tpu.memory_space<vmem>>
    %dma_start3A_1469 = tpu.memref_squeeze %dma_start3A_1468 : memref<1x128x64xf32, #tpu.memory_space<vmem>> -> memref<128x64xf32, #tpu.memory_space<vmem>>
    tpu.enqueue_dma source(%dma_start3A_1469 : memref<128x64xf32, #tpu.memory_space<vmem>>) target(%dma_start3A_1465 : memref<128x64xf32, #tpu.memory_space<hbm>>) target_semaphore(%dma_start3A_1463 : memref<!tpu.dma_semaphore, #tpu.memory_space<semaphore_mem>>)
    %dma_wait3A_1470 = arith.constant 2 : i32
    %dma_wait3A_1471 = arith.constant 2 : i32
    %dma_wait3A_1472 = arith.constant 0 : i32
    %dma_wait3A_1473 = arith.constant 0 : i32
    %dma_wait3A_1474 = tpu.memref_slice %arg20[%dma_wait3A_1470, %dma_wait3A_1472, %dma_wait3A_1473] : memref<6x128x64xf32, #tpu.memory_space<vmem>> -> memref<1x128x64xf32, #tpu.memory_space<vmem>>
    %dma_wait3A_1475 = tpu.memref_squeeze %dma_wait3A_1474 : memref<1x128x64xf32, #tpu.memory_space<vmem>> -> memref<128x64xf32, #tpu.memory_space<vmem>>
    %dma_wait3A_1476 = arith.constant 0 : i32
    %dma_wait3A_1477 = tpu.memref_slice %arg14[%add3A_1325, %dma_wait3A_1476] : memref<16384x64xf32, #tpu.memory_space<hbm>> -> memref<128x64xf32, #tpu.memory_space<hbm>>
    %dma_wait3A_1478 = tpu.memref_slice %arg22[%dma_wait3A_1471] : memref<6x!tpu.dma_semaphore, #tpu.memory_space<semaphore_mem>> -> memref<1x!tpu.dma_semaphore, #tpu.memory_space<semaphore_mem>>
    %dma_wait3A_1479 = tpu.memref_squeeze %dma_wait3A_1478 : memref<1x!tpu.dma_semaphore, #tpu.memory_space<semaphore_mem>> -> memref<!tpu.dma_semaphore, #tpu.memory_space<semaphore_mem>>
    %dma_wait3A_1480 = arith.constant 0 : i32
    %dma_wait3A_1481 = tpu.memref_slice %arg14[%add3A_1325, %dma_wait3A_1480] : memref<16384x64xf32, #tpu.memory_space<hbm>> -> memref<128x64xf32, #tpu.memory_space<hbm>>
    %dma_wait3A_1482 = arith.constant 0 : i32
    %dma_wait3A_1483 = arith.constant 0 : i32
    %dma_wait3A_1484 = tpu.memref_slice %arg20[%dma_wait3A_1470, %dma_wait3A_1482, %dma_wait3A_1483] : memref<6x128x64xf32, #tpu.memory_space<vmem>> -> memref<1x128x64xf32, #tpu.memory_space<vmem>>
    %dma_wait3A_1485 = tpu.memref_squeeze %dma_wait3A_1484 : memref<1x128x64xf32, #tpu.memory_space<vmem>> -> memref<128x64xf32, #tpu.memory_space<vmem>>
    tpu.wait_dma2 semaphore(%dma_wait3A_1479 : memref<!tpu.dma_semaphore, #tpu.memory_space<semaphore_mem>>) src(%dma_wait3A_1485 : memref<128x64xf32, #tpu.memory_space<vmem>>) dst(%dma_wait3A_1481 : memref<128x64xf32, #tpu.memory_space<hbm>>)
    %dma_start3A_1486 = arith.constant 2 : i32
    %dma_start3A_1487 = arith.constant 2 : i32
    %dma_start3A_1488 = arith.constant 2 : i32
    %dma_start3A_1489 = arith.constant 0 : i32
    %dma_start3A_1490 = arith.constant 0 : i32
    %dma_start3A_1491 = tpu.memref_slice %arg20[%dma_start3A_1487, %dma_start3A_1489, %dma_start3A_1490] : memref<6x128x64xf32, #tpu.memory_space<vmem>> -> memref<1x128x64xf32, #tpu.memory_space<vmem>>
    %dma_start3A_1492 = tpu.memref_squeeze %dma_start3A_1491 : memref<1x128x64xf32, #tpu.memory_space<vmem>> -> memref<128x64xf32, #tpu.memory_space<vmem>>
    %dma_start3A_1493 = arith.constant 0 : i32
    %dma_start3A_1494 = tpu.memref_slice %arg19[%dma_start3A_1486, %dma_start3A_1493] : memref<4x128xi32, #tpu.memory_space<vmem>> -> memref<1x128xi32, #tpu.memory_space<vmem>>
    %dma_start3A_1495 = tpu.memref_squeeze %dma_start3A_1494 : memref<1x128xi32, #tpu.memory_space<vmem>> -> memref<128xi32, #tpu.memory_space<vmem>>
    %dma_start3A_1496 = arith.constant 0 : i32
    %dma_start3A_1497 = arith.constant 0 : i32
    %dma_start3A_1498 = tpu.memref_slice %arg2[%dma_start3A_1496, %dma_start3A_1497] : memref<1000000x64xf32, #tpu.memory_space<hbm>> -> memref<1000000x64xf32, #tpu.memory_space<hbm>>
    %dma_start3A_1499 = tpu.memref_slice %arg21[%dma_start3A_1488] : memref<6x!tpu.dma_semaphore, #tpu.memory_space<semaphore_mem>> -> memref<1x!tpu.dma_semaphore, #tpu.memory_space<semaphore_mem>>
    %dma_start3A_1500 = tpu.memref_squeeze %dma_start3A_1499 : memref<1x!tpu.dma_semaphore, #tpu.memory_space<semaphore_mem>> -> memref<!tpu.dma_semaphore, #tpu.memory_space<semaphore_mem>>
    tpu.enqueue_indirect_dma source(%dma_start3A_1498 : memref<1000000x64xf32, #tpu.memory_space<hbm>>) target(%dma_start3A_1492 : memref<128x64xf32, #tpu.memory_space<vmem>>) offsets(%dma_start3A_1495 : memref<128xi32, #tpu.memory_space<vmem>>) semaphore(%dma_start3A_1500 : memref<!tpu.dma_semaphore, #tpu.memory_space<semaphore_mem>>)
    %dma_wait3A_1501 = arith.constant 3 : i32
    %dma_wait3A_1502 = arith.constant 5 : i32
    %dma_wait3A_1503 = arith.constant 5 : i32
    %dma_wait3A_1504 = arith.constant 0 : i32
    %dma_wait3A_1505 = arith.constant 0 : i32
    %dma_wait3A_1506 = tpu.memref_slice %arg20[%dma_wait3A_1502, %dma_wait3A_1504, %dma_wait3A_1505] : memref<6x128x64xf32, #tpu.memory_space<vmem>> -> memref<1x128x64xf32, #tpu.memory_space<vmem>>
    %dma_wait3A_1507 = tpu.memref_squeeze %dma_wait3A_1506 : memref<1x128x64xf32, #tpu.memory_space<vmem>> -> memref<128x64xf32, #tpu.memory_space<vmem>>
    %dma_wait3A_1508 = arith.constant 0 : i32
    %dma_wait3A_1509 = tpu.memref_slice %arg17[%dma_wait3A_1501, %dma_wait3A_1508] : memref<4x128xi32, #tpu.memory_space<vmem>> -> memref<1x128xi32, #tpu.memory_space<vmem>>
    %dma_wait3A_1510 = tpu.memref_squeeze %dma_wait3A_1509 : memref<1x128xi32, #tpu.memory_space<vmem>> -> memref<128xi32, #tpu.memory_space<vmem>>
    %dma_wait3A_1511 = arith.constant 0 : i32
    %dma_wait3A_1512 = arith.constant 0 : i32
    %dma_wait3A_1513 = tpu.memref_slice %arg5[%dma_wait3A_1511, %dma_wait3A_1512] : memref<500000x64xf32, #tpu.memory_space<hbm>> -> memref<500000x64xf32, #tpu.memory_space<hbm>>
    %dma_wait3A_1514 = tpu.memref_slice %arg21[%dma_wait3A_1503] : memref<6x!tpu.dma_semaphore, #tpu.memory_space<semaphore_mem>> -> memref<1x!tpu.dma_semaphore, #tpu.memory_space<semaphore_mem>>
    %dma_wait3A_1515 = tpu.memref_squeeze %dma_wait3A_1514 : memref<1x!tpu.dma_semaphore, #tpu.memory_space<semaphore_mem>> -> memref<!tpu.dma_semaphore, #tpu.memory_space<semaphore_mem>>
    tpu.wait_indirect_dma semaphore(%dma_wait3A_1515 : memref<!tpu.dma_semaphore, #tpu.memory_space<semaphore_mem>>) src(%dma_wait3A_1513 : memref<500000x64xf32, #tpu.memory_space<hbm>>) dst(%dma_wait3A_1507 : memref<128x64xf32, #tpu.memory_space<vmem>>)
    %add3A_1516 = arith.constant 384 : i32
    %add3A_1517 = arith.addi %mul3A_2, %add3A_1516 : i32
    %dma_start3A_1518 = arith.constant 5 : i32
    %dma_start3A_1519 = arith.constant 5 : i32
    %dma_start3A_1520 = arith.constant 0 : i32
    %dma_start3A_1521 = arith.constant 0 : i32
    %dma_start3A_1522 = tpu.memref_slice %arg20[%dma_start3A_1518, %dma_start3A_1520, %dma_start3A_1521] : memref<6x128x64xf32, #tpu.memory_space<vmem>> -> memref<1x128x64xf32, #tpu.memory_space<vmem>>
    %dma_start3A_1523 = tpu.memref_squeeze %dma_start3A_1522 : memref<1x128x64xf32, #tpu.memory_space<vmem>> -> memref<128x64xf32, #tpu.memory_space<vmem>>
    %dma_start3A_1524 = arith.constant 0 : i32
    %dma_start3A_1525 = tpu.memref_slice %arg14[%add3A_1517, %dma_start3A_1524] : memref<16384x64xf32, #tpu.memory_space<hbm>> -> memref<128x64xf32, #tpu.memory_space<hbm>>
    %dma_start3A_1526 = tpu.memref_slice %arg22[%dma_start3A_1519] : memref<6x!tpu.dma_semaphore, #tpu.memory_space<semaphore_mem>> -> memref<1x!tpu.dma_semaphore, #tpu.memory_space<semaphore_mem>>
    %dma_start3A_1527 = tpu.memref_squeeze %dma_start3A_1526 : memref<1x!tpu.dma_semaphore, #tpu.memory_space<semaphore_mem>> -> memref<!tpu.dma_semaphore, #tpu.memory_space<semaphore_mem>>
    %dma_start3A_1528 = arith.constant 0 : i32
    %dma_start3A_1529 = tpu.memref_slice %arg14[%add3A_1517, %dma_start3A_1528] : memref<16384x64xf32, #tpu.memory_space<hbm>> -> memref<128x64xf32, #tpu.memory_space<hbm>>
    %dma_start3A_1530 = arith.constant 0 : i32
    %dma_start3A_1531 = arith.constant 0 : i32
    %dma_start3A_1532 = tpu.memref_slice %arg20[%dma_start3A_1518, %dma_start3A_1530, %dma_start3A_1531] : memref<6x128x64xf32, #tpu.memory_space<vmem>> -> memref<1x128x64xf32, #tpu.memory_space<vmem>>
    %dma_start3A_1533 = tpu.memref_squeeze %dma_start3A_1532 : memref<1x128x64xf32, #tpu.memory_space<vmem>> -> memref<128x64xf32, #tpu.memory_space<vmem>>
    tpu.enqueue_dma source(%dma_start3A_1533 : memref<128x64xf32, #tpu.memory_space<vmem>>) target(%dma_start3A_1529 : memref<128x64xf32, #tpu.memory_space<hbm>>) target_semaphore(%dma_start3A_1527 : memref<!tpu.dma_semaphore, #tpu.memory_space<semaphore_mem>>)
    %dma_wait3A_1534 = arith.constant 3 : i32
    %dma_wait3A_1535 = arith.constant 3 : i32
    %dma_wait3A_1536 = arith.constant 0 : i32
    %dma_wait3A_1537 = arith.constant 0 : i32
    %dma_wait3A_1538 = tpu.memref_slice %arg20[%dma_wait3A_1534, %dma_wait3A_1536, %dma_wait3A_1537] : memref<6x128x64xf32, #tpu.memory_space<vmem>> -> memref<1x128x64xf32, #tpu.memory_space<vmem>>
    %dma_wait3A_1539 = tpu.memref_squeeze %dma_wait3A_1538 : memref<1x128x64xf32, #tpu.memory_space<vmem>> -> memref<128x64xf32, #tpu.memory_space<vmem>>
    %dma_wait3A_1540 = arith.constant 0 : i32
    %dma_wait3A_1541 = tpu.memref_slice %arg14[%add3A_1389, %dma_wait3A_1540] : memref<16384x64xf32, #tpu.memory_space<hbm>> -> memref<128x64xf32, #tpu.memory_space<hbm>>
    %dma_wait3A_1542 = tpu.memref_slice %arg22[%dma_wait3A_1535] : memref<6x!tpu.dma_semaphore, #tpu.memory_space<semaphore_mem>> -> memref<1x!tpu.dma_semaphore, #tpu.memory_space<semaphore_mem>>
    %dma_wait3A_1543 = tpu.memref_squeeze %dma_wait3A_1542 : memref<1x!tpu.dma_semaphore, #tpu.memory_space<semaphore_mem>> -> memref<!tpu.dma_semaphore, #tpu.memory_space<semaphore_mem>>
    %dma_wait3A_1544 = arith.constant 0 : i32
    %dma_wait3A_1545 = tpu.memref_slice %arg14[%add3A_1389, %dma_wait3A_1544] : memref<16384x64xf32, #tpu.memory_space<hbm>> -> memref<128x64xf32, #tpu.memory_space<hbm>>
    %dma_wait3A_1546 = arith.constant 0 : i32
    %dma_wait3A_1547 = arith.constant 0 : i32
    %dma_wait3A_1548 = tpu.memref_slice %arg20[%dma_wait3A_1534, %dma_wait3A_1546, %dma_wait3A_1547] : memref<6x128x64xf32, #tpu.memory_space<vmem>> -> memref<1x128x64xf32, #tpu.memory_space<vmem>>
    %dma_wait3A_1549 = tpu.memref_squeeze %dma_wait3A_1548 : memref<1x128x64xf32, #tpu.memory_space<vmem>> -> memref<128x64xf32, #tpu.memory_space<vmem>>
    tpu.wait_dma2 semaphore(%dma_wait3A_1543 : memref<!tpu.dma_semaphore, #tpu.memory_space<semaphore_mem>>) src(%dma_wait3A_1549 : memref<128x64xf32, #tpu.memory_space<vmem>>) dst(%dma_wait3A_1545 : memref<128x64xf32, #tpu.memory_space<hbm>>)
    %dma_start3A_1550 = arith.constant 3 : i32
    %dma_start3A_1551 = arith.constant 3 : i32
    %dma_start3A_1552 = arith.constant 3 : i32
    %dma_start3A_1553 = arith.constant 0 : i32
    %dma_start3A_1554 = arith.constant 0 : i32
    %dma_start3A_1555 = tpu.memref_slice %arg20[%dma_start3A_1551, %dma_start3A_1553, %dma_start3A_1554] : memref<6x128x64xf32, #tpu.memory_space<vmem>> -> memref<1x128x64xf32, #tpu.memory_space<vmem>>
    %dma_start3A_1556 = tpu.memref_squeeze %dma_start3A_1555 : memref<1x128x64xf32, #tpu.memory_space<vmem>> -> memref<128x64xf32, #tpu.memory_space<vmem>>
    %dma_start3A_1557 = arith.constant 0 : i32
    %dma_start3A_1558 = tpu.memref_slice %arg19[%dma_start3A_1550, %dma_start3A_1557] : memref<4x128xi32, #tpu.memory_space<vmem>> -> memref<1x128xi32, #tpu.memory_space<vmem>>
    %dma_start3A_1559 = tpu.memref_squeeze %dma_start3A_1558 : memref<1x128xi32, #tpu.memory_space<vmem>> -> memref<128xi32, #tpu.memory_space<vmem>>
    %dma_start3A_1560 = arith.constant 0 : i32
    %dma_start3A_1561 = arith.constant 0 : i32
    %dma_start3A_1562 = tpu.memref_slice %arg2[%dma_start3A_1560, %dma_start3A_1561] : memref<1000000x64xf32, #tpu.memory_space<hbm>> -> memref<1000000x64xf32, #tpu.memory_space<hbm>>
    %dma_start3A_1563 = tpu.memref_slice %arg21[%dma_start3A_1552] : memref<6x!tpu.dma_semaphore, #tpu.memory_space<semaphore_mem>> -> memref<1x!tpu.dma_semaphore, #tpu.memory_space<semaphore_mem>>
    %dma_start3A_1564 = tpu.memref_squeeze %dma_start3A_1563 : memref<1x!tpu.dma_semaphore, #tpu.memory_space<semaphore_mem>> -> memref<!tpu.dma_semaphore, #tpu.memory_space<semaphore_mem>>
    tpu.enqueue_indirect_dma source(%dma_start3A_1562 : memref<1000000x64xf32, #tpu.memory_space<hbm>>) target(%dma_start3A_1556 : memref<128x64xf32, #tpu.memory_space<vmem>>) offsets(%dma_start3A_1559 : memref<128xi32, #tpu.memory_space<vmem>>) semaphore(%dma_start3A_1564 : memref<!tpu.dma_semaphore, #tpu.memory_space<semaphore_mem>>)
    %dma_wait3A_1565 = arith.constant 0 : i32
    %dma_wait3A_1566 = arith.constant 0 : i32
    %dma_wait3A_1567 = arith.constant 0 : i32
    %dma_wait3A_1568 = arith.constant 0 : i32
    %dma_wait3A_1569 = arith.constant 0 : i32
    %dma_wait3A_1570 = tpu.memref_slice %arg20[%dma_wait3A_1566, %dma_wait3A_1568, %dma_wait3A_1569] : memref<6x128x64xf32, #tpu.memory_space<vmem>> -> memref<1x128x64xf32, #tpu.memory_space<vmem>>
    %dma_wait3A_1571 = tpu.memref_squeeze %dma_wait3A_1570 : memref<1x128x64xf32, #tpu.memory_space<vmem>> -> memref<128x64xf32, #tpu.memory_space<vmem>>
    %dma_wait3A_1572 = arith.constant 0 : i32
    %dma_wait3A_1573 = tpu.memref_slice %arg19[%dma_wait3A_1565, %dma_wait3A_1572] : memref<4x128xi32, #tpu.memory_space<vmem>> -> memref<1x128xi32, #tpu.memory_space<vmem>>
    %dma_wait3A_1574 = tpu.memref_squeeze %dma_wait3A_1573 : memref<1x128xi32, #tpu.memory_space<vmem>> -> memref<128xi32, #tpu.memory_space<vmem>>
    %dma_wait3A_1575 = arith.constant 0 : i32
    %dma_wait3A_1576 = arith.constant 0 : i32
    %dma_wait3A_1577 = tpu.memref_slice %arg2[%dma_wait3A_1575, %dma_wait3A_1576] : memref<1000000x64xf32, #tpu.memory_space<hbm>> -> memref<1000000x64xf32, #tpu.memory_space<hbm>>
    %dma_wait3A_1578 = tpu.memref_slice %arg21[%dma_wait3A_1567] : memref<6x!tpu.dma_semaphore, #tpu.memory_space<semaphore_mem>> -> memref<1x!tpu.dma_semaphore, #tpu.memory_space<semaphore_mem>>
    %dma_wait3A_1579 = tpu.memref_squeeze %dma_wait3A_1578 : memref<1x!tpu.dma_semaphore, #tpu.memory_space<semaphore_mem>> -> memref<!tpu.dma_semaphore, #tpu.memory_space<semaphore_mem>>
    tpu.wait_indirect_dma semaphore(%dma_wait3A_1579 : memref<!tpu.dma_semaphore, #tpu.memory_space<semaphore_mem>>) src(%dma_wait3A_1577 : memref<1000000x64xf32, #tpu.memory_space<hbm>>) dst(%dma_wait3A_1571 : memref<128x64xf32, #tpu.memory_space<vmem>>)
    %add3A_1580 = arith.constant 0 : i32
    %add3A_1581 = arith.addi %mul3A_2, %add3A_1580 : i32
    %dma_start3A_1582 = arith.constant 0 : i32
    %dma_start3A_1583 = arith.constant 0 : i32
    %dma_start3A_1584 = arith.constant 0 : i32
    %dma_start3A_1585 = arith.constant 0 : i32
    %dma_start3A_1586 = tpu.memref_slice %arg20[%dma_start3A_1582, %dma_start3A_1584, %dma_start3A_1585] : memref<6x128x64xf32, #tpu.memory_space<vmem>> -> memref<1x128x64xf32, #tpu.memory_space<vmem>>
    %dma_start3A_1587 = tpu.memref_squeeze %dma_start3A_1586 : memref<1x128x64xf32, #tpu.memory_space<vmem>> -> memref<128x64xf32, #tpu.memory_space<vmem>>
    %dma_start3A_1588 = arith.constant 0 : i32
    %dma_start3A_1589 = tpu.memref_slice %arg15[%add3A_1581, %dma_start3A_1588] : memref<16384x64xf32, #tpu.memory_space<hbm>> -> memref<128x64xf32, #tpu.memory_space<hbm>>
    %dma_start3A_1590 = tpu.memref_slice %arg22[%dma_start3A_1583] : memref<6x!tpu.dma_semaphore, #tpu.memory_space<semaphore_mem>> -> memref<1x!tpu.dma_semaphore, #tpu.memory_space<semaphore_mem>>
    %dma_start3A_1591 = tpu.memref_squeeze %dma_start3A_1590 : memref<1x!tpu.dma_semaphore, #tpu.memory_space<semaphore_mem>> -> memref<!tpu.dma_semaphore, #tpu.memory_space<semaphore_mem>>
    %dma_start3A_1592 = arith.constant 0 : i32
    %dma_start3A_1593 = tpu.memref_slice %arg15[%add3A_1581, %dma_start3A_1592] : memref<16384x64xf32, #tpu.memory_space<hbm>> -> memref<128x64xf32, #tpu.memory_space<hbm>>
    %dma_start3A_1594 = arith.constant 0 : i32
    %dma_start3A_1595 = arith.constant 0 : i32
    %dma_start3A_1596 = tpu.memref_slice %arg20[%dma_start3A_1582, %dma_start3A_1594, %dma_start3A_1595] : memref<6x128x64xf32, #tpu.memory_space<vmem>> -> memref<1x128x64xf32, #tpu.memory_space<vmem>>
    %dma_start3A_1597 = tpu.memref_squeeze %dma_start3A_1596 : memref<1x128x64xf32, #tpu.memory_space<vmem>> -> memref<128x64xf32, #tpu.memory_space<vmem>>
    tpu.enqueue_dma source(%dma_start3A_1597 : memref<128x64xf32, #tpu.memory_space<vmem>>) target(%dma_start3A_1593 : memref<128x64xf32, #tpu.memory_space<hbm>>) target_semaphore(%dma_start3A_1591 : memref<!tpu.dma_semaphore, #tpu.memory_space<semaphore_mem>>)
    %dma_wait3A_1598 = arith.constant 4 : i32
    %dma_wait3A_1599 = arith.constant 4 : i32
    %dma_wait3A_1600 = arith.constant 0 : i32
    %dma_wait3A_1601 = arith.constant 0 : i32
    %dma_wait3A_1602 = tpu.memref_slice %arg20[%dma_wait3A_1598, %dma_wait3A_1600, %dma_wait3A_1601] : memref<6x128x64xf32, #tpu.memory_space<vmem>> -> memref<1x128x64xf32, #tpu.memory_space<vmem>>
    %dma_wait3A_1603 = tpu.memref_squeeze %dma_wait3A_1602 : memref<1x128x64xf32, #tpu.memory_space<vmem>> -> memref<128x64xf32, #tpu.memory_space<vmem>>
    %dma_wait3A_1604 = arith.constant 0 : i32
    %dma_wait3A_1605 = tpu.memref_slice %arg14[%add3A_1453, %dma_wait3A_1604] : memref<16384x64xf32, #tpu.memory_space<hbm>> -> memref<128x64xf32, #tpu.memory_space<hbm>>
    %dma_wait3A_1606 = tpu.memref_slice %arg22[%dma_wait3A_1599] : memref<6x!tpu.dma_semaphore, #tpu.memory_space<semaphore_mem>> -> memref<1x!tpu.dma_semaphore, #tpu.memory_space<semaphore_mem>>
    %dma_wait3A_1607 = tpu.memref_squeeze %dma_wait3A_1606 : memref<1x!tpu.dma_semaphore, #tpu.memory_space<semaphore_mem>> -> memref<!tpu.dma_semaphore, #tpu.memory_space<semaphore_mem>>
    %dma_wait3A_1608 = arith.constant 0 : i32
    %dma_wait3A_1609 = tpu.memref_slice %arg14[%add3A_1453, %dma_wait3A_1608] : memref<16384x64xf32, #tpu.memory_space<hbm>> -> memref<128x64xf32, #tpu.memory_space<hbm>>
    %dma_wait3A_1610 = arith.constant 0 : i32
    %dma_wait3A_1611 = arith.constant 0 : i32
    %dma_wait3A_1612 = tpu.memref_slice %arg20[%dma_wait3A_1598, %dma_wait3A_1610, %dma_wait3A_1611] : memref<6x128x64xf32, #tpu.memory_space<vmem>> -> memref<1x128x64xf32, #tpu.memory_space<vmem>>
    %dma_wait3A_1613 = tpu.memref_squeeze %dma_wait3A_1612 : memref<1x128x64xf32, #tpu.memory_space<vmem>> -> memref<128x64xf32, #tpu.memory_space<vmem>>
    tpu.wait_dma2 semaphore(%dma_wait3A_1607 : memref<!tpu.dma_semaphore, #tpu.memory_space<semaphore_mem>>) src(%dma_wait3A_1613 : memref<128x64xf32, #tpu.memory_space<vmem>>) dst(%dma_wait3A_1609 : memref<128x64xf32, #tpu.memory_space<hbm>>)
    %dma_start3A_1614 = arith.constant 0 : i32
    %dma_start3A_1615 = arith.constant 4 : i32
    %dma_start3A_1616 = arith.constant 4 : i32
    %dma_start3A_1617 = arith.constant 0 : i32
    %dma_start3A_1618 = arith.constant 0 : i32
    %dma_start3A_1619 = tpu.memref_slice %arg20[%dma_start3A_1615, %dma_start3A_1617, %dma_start3A_1618] : memref<6x128x64xf32, #tpu.memory_space<vmem>> -> memref<1x128x64xf32, #tpu.memory_space<vmem>>
    %dma_start3A_1620 = tpu.memref_squeeze %dma_start3A_1619 : memref<1x128x64xf32, #tpu.memory_space<vmem>> -> memref<128x64xf32, #tpu.memory_space<vmem>>
    %dma_start3A_1621 = arith.constant 0 : i32
    %dma_start3A_1622 = tpu.memref_slice %arg19[%dma_start3A_1614, %dma_start3A_1621] : memref<4x128xi32, #tpu.memory_space<vmem>> -> memref<1x128xi32, #tpu.memory_space<vmem>>
    %dma_start3A_1623 = tpu.memref_squeeze %dma_start3A_1622 : memref<1x128xi32, #tpu.memory_space<vmem>> -> memref<128xi32, #tpu.memory_space<vmem>>
    %dma_start3A_1624 = arith.constant 0 : i32
    %dma_start3A_1625 = arith.constant 0 : i32
    %dma_start3A_1626 = tpu.memref_slice %arg3[%dma_start3A_1624, %dma_start3A_1625] : memref<1000000x64xf32, #tpu.memory_space<hbm>> -> memref<1000000x64xf32, #tpu.memory_space<hbm>>
    %dma_start3A_1627 = tpu.memref_slice %arg21[%dma_start3A_1616] : memref<6x!tpu.dma_semaphore, #tpu.memory_space<semaphore_mem>> -> memref<1x!tpu.dma_semaphore, #tpu.memory_space<semaphore_mem>>
    %dma_start3A_1628 = tpu.memref_squeeze %dma_start3A_1627 : memref<1x!tpu.dma_semaphore, #tpu.memory_space<semaphore_mem>> -> memref<!tpu.dma_semaphore, #tpu.memory_space<semaphore_mem>>
    tpu.enqueue_indirect_dma source(%dma_start3A_1626 : memref<1000000x64xf32, #tpu.memory_space<hbm>>) target(%dma_start3A_1620 : memref<128x64xf32, #tpu.memory_space<vmem>>) offsets(%dma_start3A_1623 : memref<128xi32, #tpu.memory_space<vmem>>) semaphore(%dma_start3A_1628 : memref<!tpu.dma_semaphore, #tpu.memory_space<semaphore_mem>>)
    %dma_wait3A_1629 = arith.constant 1 : i32
    %dma_wait3A_1630 = arith.constant 1 : i32
    %dma_wait3A_1631 = arith.constant 1 : i32
    %dma_wait3A_1632 = arith.constant 0 : i32
    %dma_wait3A_1633 = arith.constant 0 : i32
    %dma_wait3A_1634 = tpu.memref_slice %arg20[%dma_wait3A_1630, %dma_wait3A_1632, %dma_wait3A_1633] : memref<6x128x64xf32, #tpu.memory_space<vmem>> -> memref<1x128x64xf32, #tpu.memory_space<vmem>>
    %dma_wait3A_1635 = tpu.memref_squeeze %dma_wait3A_1634 : memref<1x128x64xf32, #tpu.memory_space<vmem>> -> memref<128x64xf32, #tpu.memory_space<vmem>>
    %dma_wait3A_1636 = arith.constant 0 : i32
    %dma_wait3A_1637 = tpu.memref_slice %arg19[%dma_wait3A_1629, %dma_wait3A_1636] : memref<4x128xi32, #tpu.memory_space<vmem>> -> memref<1x128xi32, #tpu.memory_space<vmem>>
    %dma_wait3A_1638 = tpu.memref_squeeze %dma_wait3A_1637 : memref<1x128xi32, #tpu.memory_space<vmem>> -> memref<128xi32, #tpu.memory_space<vmem>>
    %dma_wait3A_1639 = arith.constant 0 : i32
    %dma_wait3A_1640 = arith.constant 0 : i32
    %dma_wait3A_1641 = tpu.memref_slice %arg2[%dma_wait3A_1639, %dma_wait3A_1640] : memref<1000000x64xf32, #tpu.memory_space<hbm>> -> memref<1000000x64xf32, #tpu.memory_space<hbm>>
    %dma_wait3A_1642 = tpu.memref_slice %arg21[%dma_wait3A_1631] : memref<6x!tpu.dma_semaphore, #tpu.memory_space<semaphore_mem>> -> memref<1x!tpu.dma_semaphore, #tpu.memory_space<semaphore_mem>>
    %dma_wait3A_1643 = tpu.memref_squeeze %dma_wait3A_1642 : memref<1x!tpu.dma_semaphore, #tpu.memory_space<semaphore_mem>> -> memref<!tpu.dma_semaphore, #tpu.memory_space<semaphore_mem>>
    tpu.wait_indirect_dma semaphore(%dma_wait3A_1643 : memref<!tpu.dma_semaphore, #tpu.memory_space<semaphore_mem>>) src(%dma_wait3A_1641 : memref<1000000x64xf32, #tpu.memory_space<hbm>>) dst(%dma_wait3A_1635 : memref<128x64xf32, #tpu.memory_space<vmem>>)
    %add3A_1644 = arith.constant 128 : i32
    %add3A_1645 = arith.addi %mul3A_2, %add3A_1644 : i32
    %dma_start3A_1646 = arith.constant 1 : i32
    %dma_start3A_1647 = arith.constant 1 : i32
    %dma_start3A_1648 = arith.constant 0 : i32
    %dma_start3A_1649 = arith.constant 0 : i32
    %dma_start3A_1650 = tpu.memref_slice %arg20[%dma_start3A_1646, %dma_start3A_1648, %dma_start3A_1649] : memref<6x128x64xf32, #tpu.memory_space<vmem>> -> memref<1x128x64xf32, #tpu.memory_space<vmem>>
    %dma_start3A_1651 = tpu.memref_squeeze %dma_start3A_1650 : memref<1x128x64xf32, #tpu.memory_space<vmem>> -> memref<128x64xf32, #tpu.memory_space<vmem>>
    %dma_start3A_1652 = arith.constant 0 : i32
    %dma_start3A_1653 = tpu.memref_slice %arg15[%add3A_1645, %dma_start3A_1652] : memref<16384x64xf32, #tpu.memory_space<hbm>> -> memref<128x64xf32, #tpu.memory_space<hbm>>
    %dma_start3A_1654 = tpu.memref_slice %arg22[%dma_start3A_1647] : memref<6x!tpu.dma_semaphore, #tpu.memory_space<semaphore_mem>> -> memref<1x!tpu.dma_semaphore, #tpu.memory_space<semaphore_mem>>
    %dma_start3A_1655 = tpu.memref_squeeze %dma_start3A_1654 : memref<1x!tpu.dma_semaphore, #tpu.memory_space<semaphore_mem>> -> memref<!tpu.dma_semaphore, #tpu.memory_space<semaphore_mem>>
    %dma_start3A_1656 = arith.constant 0 : i32
    %dma_start3A_1657 = tpu.memref_slice %arg15[%add3A_1645, %dma_start3A_1656] : memref<16384x64xf32, #tpu.memory_space<hbm>> -> memref<128x64xf32, #tpu.memory_space<hbm>>
    %dma_start3A_1658 = arith.constant 0 : i32
    %dma_start3A_1659 = arith.constant 0 : i32
    %dma_start3A_1660 = tpu.memref_slice %arg20[%dma_start3A_1646, %dma_start3A_1658, %dma_start3A_1659] : memref<6x128x64xf32, #tpu.memory_space<vmem>> -> memref<1x128x64xf32, #tpu.memory_space<vmem>>
    %dma_start3A_1661 = tpu.memref_squeeze %dma_start3A_1660 : memref<1x128x64xf32, #tpu.memory_space<vmem>> -> memref<128x64xf32, #tpu.memory_space<vmem>>
    tpu.enqueue_dma source(%dma_start3A_1661 : memref<128x64xf32, #tpu.memory_space<vmem>>) target(%dma_start3A_1657 : memref<128x64xf32, #tpu.memory_space<hbm>>) target_semaphore(%dma_start3A_1655 : memref<!tpu.dma_semaphore, #tpu.memory_space<semaphore_mem>>)
    %dma_wait3A_1662 = arith.constant 5 : i32
    %dma_wait3A_1663 = arith.constant 5 : i32
    %dma_wait3A_1664 = arith.constant 0 : i32
    %dma_wait3A_1665 = arith.constant 0 : i32
    %dma_wait3A_1666 = tpu.memref_slice %arg20[%dma_wait3A_1662, %dma_wait3A_1664, %dma_wait3A_1665] : memref<6x128x64xf32, #tpu.memory_space<vmem>> -> memref<1x128x64xf32, #tpu.memory_space<vmem>>
    %dma_wait3A_1667 = tpu.memref_squeeze %dma_wait3A_1666 : memref<1x128x64xf32, #tpu.memory_space<vmem>> -> memref<128x64xf32, #tpu.memory_space<vmem>>
    %dma_wait3A_1668 = arith.constant 0 : i32
    %dma_wait3A_1669 = tpu.memref_slice %arg14[%add3A_1517, %dma_wait3A_1668] : memref<16384x64xf32, #tpu.memory_space<hbm>> -> memref<128x64xf32, #tpu.memory_space<hbm>>
    %dma_wait3A_1670 = tpu.memref_slice %arg22[%dma_wait3A_1663] : memref<6x!tpu.dma_semaphore, #tpu.memory_space<semaphore_mem>> -> memref<1x!tpu.dma_semaphore, #tpu.memory_space<semaphore_mem>>
    %dma_wait3A_1671 = tpu.memref_squeeze %dma_wait3A_1670 : memref<1x!tpu.dma_semaphore, #tpu.memory_space<semaphore_mem>> -> memref<!tpu.dma_semaphore, #tpu.memory_space<semaphore_mem>>
    %dma_wait3A_1672 = arith.constant 0 : i32
    %dma_wait3A_1673 = tpu.memref_slice %arg14[%add3A_1517, %dma_wait3A_1672] : memref<16384x64xf32, #tpu.memory_space<hbm>> -> memref<128x64xf32, #tpu.memory_space<hbm>>
    %dma_wait3A_1674 = arith.constant 0 : i32
    %dma_wait3A_1675 = arith.constant 0 : i32
    %dma_wait3A_1676 = tpu.memref_slice %arg20[%dma_wait3A_1662, %dma_wait3A_1674, %dma_wait3A_1675] : memref<6x128x64xf32, #tpu.memory_space<vmem>> -> memref<1x128x64xf32, #tpu.memory_space<vmem>>
    %dma_wait3A_1677 = tpu.memref_squeeze %dma_wait3A_1676 : memref<1x128x64xf32, #tpu.memory_space<vmem>> -> memref<128x64xf32, #tpu.memory_space<vmem>>
    tpu.wait_dma2 semaphore(%dma_wait3A_1671 : memref<!tpu.dma_semaphore, #tpu.memory_space<semaphore_mem>>) src(%dma_wait3A_1677 : memref<128x64xf32, #tpu.memory_space<vmem>>) dst(%dma_wait3A_1673 : memref<128x64xf32, #tpu.memory_space<hbm>>)
    %dma_start3A_1678 = arith.constant 1 : i32
    %dma_start3A_1679 = arith.constant 5 : i32
    %dma_start3A_1680 = arith.constant 5 : i32
    %dma_start3A_1681 = arith.constant 0 : i32
    %dma_start3A_1682 = arith.constant 0 : i32
    %dma_start3A_1683 = tpu.memref_slice %arg20[%dma_start3A_1679, %dma_start3A_1681, %dma_start3A_1682] : memref<6x128x64xf32, #tpu.memory_space<vmem>> -> memref<1x128x64xf32, #tpu.memory_space<vmem>>
    %dma_start3A_1684 = tpu.memref_squeeze %dma_start3A_1683 : memref<1x128x64xf32, #tpu.memory_space<vmem>> -> memref<128x64xf32, #tpu.memory_space<vmem>>
    %dma_start3A_1685 = arith.constant 0 : i32
    %dma_start3A_1686 = tpu.memref_slice %arg19[%dma_start3A_1678, %dma_start3A_1685] : memref<4x128xi32, #tpu.memory_space<vmem>> -> memref<1x128xi32, #tpu.memory_space<vmem>>
    %dma_start3A_1687 = tpu.memref_squeeze %dma_start3A_1686 : memref<1x128xi32, #tpu.memory_space<vmem>> -> memref<128xi32, #tpu.memory_space<vmem>>
    %dma_start3A_1688 = arith.constant 0 : i32
    %dma_start3A_1689 = arith.constant 0 : i32
    %dma_start3A_1690 = tpu.memref_slice %arg3[%dma_start3A_1688, %dma_start3A_1689] : memref<1000000x64xf32, #tpu.memory_space<hbm>> -> memref<1000000x64xf32, #tpu.memory_space<hbm>>
    %dma_start3A_1691 = tpu.memref_slice %arg21[%dma_start3A_1680] : memref<6x!tpu.dma_semaphore, #tpu.memory_space<semaphore_mem>> -> memref<1x!tpu.dma_semaphore, #tpu.memory_space<semaphore_mem>>
    %dma_start3A_1692 = tpu.memref_squeeze %dma_start3A_1691 : memref<1x!tpu.dma_semaphore, #tpu.memory_space<semaphore_mem>> -> memref<!tpu.dma_semaphore, #tpu.memory_space<semaphore_mem>>
    tpu.enqueue_indirect_dma source(%dma_start3A_1690 : memref<1000000x64xf32, #tpu.memory_space<hbm>>) target(%dma_start3A_1684 : memref<128x64xf32, #tpu.memory_space<vmem>>) offsets(%dma_start3A_1687 : memref<128xi32, #tpu.memory_space<vmem>>) semaphore(%dma_start3A_1692 : memref<!tpu.dma_semaphore, #tpu.memory_space<semaphore_mem>>)
    %dma_wait3A_1693 = arith.constant 2 : i32
    %dma_wait3A_1694 = arith.constant 2 : i32
    %dma_wait3A_1695 = arith.constant 2 : i32
    %dma_wait3A_1696 = arith.constant 0 : i32
    %dma_wait3A_1697 = arith.constant 0 : i32
    %dma_wait3A_1698 = tpu.memref_slice %arg20[%dma_wait3A_1694, %dma_wait3A_1696, %dma_wait3A_1697] : memref<6x128x64xf32, #tpu.memory_space<vmem>> -> memref<1x128x64xf32, #tpu.memory_space<vmem>>
    %dma_wait3A_1699 = tpu.memref_squeeze %dma_wait3A_1698 : memref<1x128x64xf32, #tpu.memory_space<vmem>> -> memref<128x64xf32, #tpu.memory_space<vmem>>
    %dma_wait3A_1700 = arith.constant 0 : i32
    %dma_wait3A_1701 = tpu.memref_slice %arg19[%dma_wait3A_1693, %dma_wait3A_1700] : memref<4x128xi32, #tpu.memory_space<vmem>> -> memref<1x128xi32, #tpu.memory_space<vmem>>
    %dma_wait3A_1702 = tpu.memref_squeeze %dma_wait3A_1701 : memref<1x128xi32, #tpu.memory_space<vmem>> -> memref<128xi32, #tpu.memory_space<vmem>>
    %dma_wait3A_1703 = arith.constant 0 : i32
    %dma_wait3A_1704 = arith.constant 0 : i32
    %dma_wait3A_1705 = tpu.memref_slice %arg2[%dma_wait3A_1703, %dma_wait3A_1704] : memref<1000000x64xf32, #tpu.memory_space<hbm>> -> memref<1000000x64xf32, #tpu.memory_space<hbm>>
    %dma_wait3A_1706 = tpu.memref_slice %arg21[%dma_wait3A_1695] : memref<6x!tpu.dma_semaphore, #tpu.memory_space<semaphore_mem>> -> memref<1x!tpu.dma_semaphore, #tpu.memory_space<semaphore_mem>>
    %dma_wait3A_1707 = tpu.memref_squeeze %dma_wait3A_1706 : memref<1x!tpu.dma_semaphore, #tpu.memory_space<semaphore_mem>> -> memref<!tpu.dma_semaphore, #tpu.memory_space<semaphore_mem>>
    tpu.wait_indirect_dma semaphore(%dma_wait3A_1707 : memref<!tpu.dma_semaphore, #tpu.memory_space<semaphore_mem>>) src(%dma_wait3A_1705 : memref<1000000x64xf32, #tpu.memory_space<hbm>>) dst(%dma_wait3A_1699 : memref<128x64xf32, #tpu.memory_space<vmem>>)
    %add3A_1708 = arith.constant 256 : i32
    %add3A_1709 = arith.addi %mul3A_2, %add3A_1708 : i32
    %dma_start3A_1710 = arith.constant 2 : i32
    %dma_start3A_1711 = arith.constant 2 : i32
    %dma_start3A_1712 = arith.constant 0 : i32
    %dma_start3A_1713 = arith.constant 0 : i32
    %dma_start3A_1714 = tpu.memref_slice %arg20[%dma_start3A_1710, %dma_start3A_1712, %dma_start3A_1713] : memref<6x128x64xf32, #tpu.memory_space<vmem>> -> memref<1x128x64xf32, #tpu.memory_space<vmem>>
    %dma_start3A_1715 = tpu.memref_squeeze %dma_start3A_1714 : memref<1x128x64xf32, #tpu.memory_space<vmem>> -> memref<128x64xf32, #tpu.memory_space<vmem>>
    %dma_start3A_1716 = arith.constant 0 : i32
    %dma_start3A_1717 = tpu.memref_slice %arg15[%add3A_1709, %dma_start3A_1716] : memref<16384x64xf32, #tpu.memory_space<hbm>> -> memref<128x64xf32, #tpu.memory_space<hbm>>
    %dma_start3A_1718 = tpu.memref_slice %arg22[%dma_start3A_1711] : memref<6x!tpu.dma_semaphore, #tpu.memory_space<semaphore_mem>> -> memref<1x!tpu.dma_semaphore, #tpu.memory_space<semaphore_mem>>
    %dma_start3A_1719 = tpu.memref_squeeze %dma_start3A_1718 : memref<1x!tpu.dma_semaphore, #tpu.memory_space<semaphore_mem>> -> memref<!tpu.dma_semaphore, #tpu.memory_space<semaphore_mem>>
    %dma_start3A_1720 = arith.constant 0 : i32
    %dma_start3A_1721 = tpu.memref_slice %arg15[%add3A_1709, %dma_start3A_1720] : memref<16384x64xf32, #tpu.memory_space<hbm>> -> memref<128x64xf32, #tpu.memory_space<hbm>>
    %dma_start3A_1722 = arith.constant 0 : i32
    %dma_start3A_1723 = arith.constant 0 : i32
    %dma_start3A_1724 = tpu.memref_slice %arg20[%dma_start3A_1710, %dma_start3A_1722, %dma_start3A_1723] : memref<6x128x64xf32, #tpu.memory_space<vmem>> -> memref<1x128x64xf32, #tpu.memory_space<vmem>>
    %dma_start3A_1725 = tpu.memref_squeeze %dma_start3A_1724 : memref<1x128x64xf32, #tpu.memory_space<vmem>> -> memref<128x64xf32, #tpu.memory_space<vmem>>
    tpu.enqueue_dma source(%dma_start3A_1725 : memref<128x64xf32, #tpu.memory_space<vmem>>) target(%dma_start3A_1721 : memref<128x64xf32, #tpu.memory_space<hbm>>) target_semaphore(%dma_start3A_1719 : memref<!tpu.dma_semaphore, #tpu.memory_space<semaphore_mem>>)
    %dma_wait3A_1726 = arith.constant 0 : i32
    %dma_wait3A_1727 = arith.constant 0 : i32
    %dma_wait3A_1728 = arith.constant 0 : i32
    %dma_wait3A_1729 = arith.constant 0 : i32
    %dma_wait3A_1730 = tpu.memref_slice %arg20[%dma_wait3A_1726, %dma_wait3A_1728, %dma_wait3A_1729] : memref<6x128x64xf32, #tpu.memory_space<vmem>> -> memref<1x128x64xf32, #tpu.memory_space<vmem>>
    %dma_wait3A_1731 = tpu.memref_squeeze %dma_wait3A_1730 : memref<1x128x64xf32, #tpu.memory_space<vmem>> -> memref<128x64xf32, #tpu.memory_space<vmem>>
    %dma_wait3A_1732 = arith.constant 0 : i32
    %dma_wait3A_1733 = tpu.memref_slice %arg15[%add3A_1581, %dma_wait3A_1732] : memref<16384x64xf32, #tpu.memory_space<hbm>> -> memref<128x64xf32, #tpu.memory_space<hbm>>
    %dma_wait3A_1734 = tpu.memref_slice %arg22[%dma_wait3A_1727] : memref<6x!tpu.dma_semaphore, #tpu.memory_space<semaphore_mem>> -> memref<1x!tpu.dma_semaphore, #tpu.memory_space<semaphore_mem>>
    %dma_wait3A_1735 = tpu.memref_squeeze %dma_wait3A_1734 : memref<1x!tpu.dma_semaphore, #tpu.memory_space<semaphore_mem>> -> memref<!tpu.dma_semaphore, #tpu.memory_space<semaphore_mem>>
    %dma_wait3A_1736 = arith.constant 0 : i32
    %dma_wait3A_1737 = tpu.memref_slice %arg15[%add3A_1581, %dma_wait3A_1736] : memref<16384x64xf32, #tpu.memory_space<hbm>> -> memref<128x64xf32, #tpu.memory_space<hbm>>
    %dma_wait3A_1738 = arith.constant 0 : i32
    %dma_wait3A_1739 = arith.constant 0 : i32
    %dma_wait3A_1740 = tpu.memref_slice %arg20[%dma_wait3A_1726, %dma_wait3A_1738, %dma_wait3A_1739] : memref<6x128x64xf32, #tpu.memory_space<vmem>> -> memref<1x128x64xf32, #tpu.memory_space<vmem>>
    %dma_wait3A_1741 = tpu.memref_squeeze %dma_wait3A_1740 : memref<1x128x64xf32, #tpu.memory_space<vmem>> -> memref<128x64xf32, #tpu.memory_space<vmem>>
    tpu.wait_dma2 semaphore(%dma_wait3A_1735 : memref<!tpu.dma_semaphore, #tpu.memory_space<semaphore_mem>>) src(%dma_wait3A_1741 : memref<128x64xf32, #tpu.memory_space<vmem>>) dst(%dma_wait3A_1737 : memref<128x64xf32, #tpu.memory_space<hbm>>)
    %dma_start3A_1742 = arith.constant 2 : i32
    %dma_start3A_1743 = arith.constant 0 : i32
    %dma_start3A_1744 = arith.constant 0 : i32
    %dma_start3A_1745 = arith.constant 0 : i32
    %dma_start3A_1746 = arith.constant 0 : i32
    %dma_start3A_1747 = tpu.memref_slice %arg20[%dma_start3A_1743, %dma_start3A_1745, %dma_start3A_1746] : memref<6x128x64xf32, #tpu.memory_space<vmem>> -> memref<1x128x64xf32, #tpu.memory_space<vmem>>
    %dma_start3A_1748 = tpu.memref_squeeze %dma_start3A_1747 : memref<1x128x64xf32, #tpu.memory_space<vmem>> -> memref<128x64xf32, #tpu.memory_space<vmem>>
    %dma_start3A_1749 = arith.constant 0 : i32
    %dma_start3A_1750 = tpu.memref_slice %arg19[%dma_start3A_1742, %dma_start3A_1749] : memref<4x128xi32, #tpu.memory_space<vmem>> -> memref<1x128xi32, #tpu.memory_space<vmem>>
    %dma_start3A_1751 = tpu.memref_squeeze %dma_start3A_1750 : memref<1x128xi32, #tpu.memory_space<vmem>> -> memref<128xi32, #tpu.memory_space<vmem>>
    %dma_start3A_1752 = arith.constant 0 : i32
    %dma_start3A_1753 = arith.constant 0 : i32
    %dma_start3A_1754 = tpu.memref_slice %arg3[%dma_start3A_1752, %dma_start3A_1753] : memref<1000000x64xf32, #tpu.memory_space<hbm>> -> memref<1000000x64xf32, #tpu.memory_space<hbm>>
    %dma_start3A_1755 = tpu.memref_slice %arg21[%dma_start3A_1744] : memref<6x!tpu.dma_semaphore, #tpu.memory_space<semaphore_mem>> -> memref<1x!tpu.dma_semaphore, #tpu.memory_space<semaphore_mem>>
    %dma_start3A_1756 = tpu.memref_squeeze %dma_start3A_1755 : memref<1x!tpu.dma_semaphore, #tpu.memory_space<semaphore_mem>> -> memref<!tpu.dma_semaphore, #tpu.memory_space<semaphore_mem>>
    tpu.enqueue_indirect_dma source(%dma_start3A_1754 : memref<1000000x64xf32, #tpu.memory_space<hbm>>) target(%dma_start3A_1748 : memref<128x64xf32, #tpu.memory_space<vmem>>) offsets(%dma_start3A_1751 : memref<128xi32, #tpu.memory_space<vmem>>) semaphore(%dma_start3A_1756 : memref<!tpu.dma_semaphore, #tpu.memory_space<semaphore_mem>>)
    %dma_wait3A_1757 = arith.constant 3 : i32
    %dma_wait3A_1758 = arith.constant 3 : i32
    %dma_wait3A_1759 = arith.constant 3 : i32
    %dma_wait3A_1760 = arith.constant 0 : i32
    %dma_wait3A_1761 = arith.constant 0 : i32
    %dma_wait3A_1762 = tpu.memref_slice %arg20[%dma_wait3A_1758, %dma_wait3A_1760, %dma_wait3A_1761] : memref<6x128x64xf32, #tpu.memory_space<vmem>> -> memref<1x128x64xf32, #tpu.memory_space<vmem>>
    %dma_wait3A_1763 = tpu.memref_squeeze %dma_wait3A_1762 : memref<1x128x64xf32, #tpu.memory_space<vmem>> -> memref<128x64xf32, #tpu.memory_space<vmem>>
    %dma_wait3A_1764 = arith.constant 0 : i32
    %dma_wait3A_1765 = tpu.memref_slice %arg19[%dma_wait3A_1757, %dma_wait3A_1764] : memref<4x128xi32, #tpu.memory_space<vmem>> -> memref<1x128xi32, #tpu.memory_space<vmem>>
    %dma_wait3A_1766 = tpu.memref_squeeze %dma_wait3A_1765 : memref<1x128xi32, #tpu.memory_space<vmem>> -> memref<128xi32, #tpu.memory_space<vmem>>
    %dma_wait3A_1767 = arith.constant 0 : i32
    %dma_wait3A_1768 = arith.constant 0 : i32
    %dma_wait3A_1769 = tpu.memref_slice %arg2[%dma_wait3A_1767, %dma_wait3A_1768] : memref<1000000x64xf32, #tpu.memory_space<hbm>> -> memref<1000000x64xf32, #tpu.memory_space<hbm>>
    %dma_wait3A_1770 = tpu.memref_slice %arg21[%dma_wait3A_1759] : memref<6x!tpu.dma_semaphore, #tpu.memory_space<semaphore_mem>> -> memref<1x!tpu.dma_semaphore, #tpu.memory_space<semaphore_mem>>
    %dma_wait3A_1771 = tpu.memref_squeeze %dma_wait3A_1770 : memref<1x!tpu.dma_semaphore, #tpu.memory_space<semaphore_mem>> -> memref<!tpu.dma_semaphore, #tpu.memory_space<semaphore_mem>>
    tpu.wait_indirect_dma semaphore(%dma_wait3A_1771 : memref<!tpu.dma_semaphore, #tpu.memory_space<semaphore_mem>>) src(%dma_wait3A_1769 : memref<1000000x64xf32, #tpu.memory_space<hbm>>) dst(%dma_wait3A_1763 : memref<128x64xf32, #tpu.memory_space<vmem>>)
    %add3A_1772 = arith.constant 384 : i32
    %add3A_1773 = arith.addi %mul3A_2, %add3A_1772 : i32
    %dma_start3A_1774 = arith.constant 3 : i32
    %dma_start3A_1775 = arith.constant 3 : i32
    %dma_start3A_1776 = arith.constant 0 : i32
    %dma_start3A_1777 = arith.constant 0 : i32
    %dma_start3A_1778 = tpu.memref_slice %arg20[%dma_start3A_1774, %dma_start3A_1776, %dma_start3A_1777] : memref<6x128x64xf32, #tpu.memory_space<vmem>> -> memref<1x128x64xf32, #tpu.memory_space<vmem>>
    %dma_start3A_1779 = tpu.memref_squeeze %dma_start3A_1778 : memref<1x128x64xf32, #tpu.memory_space<vmem>> -> memref<128x64xf32, #tpu.memory_space<vmem>>
    %dma_start3A_1780 = arith.constant 0 : i32
    %dma_start3A_1781 = tpu.memref_slice %arg15[%add3A_1773, %dma_start3A_1780] : memref<16384x64xf32, #tpu.memory_space<hbm>> -> memref<128x64xf32, #tpu.memory_space<hbm>>
    %dma_start3A_1782 = tpu.memref_slice %arg22[%dma_start3A_1775] : memref<6x!tpu.dma_semaphore, #tpu.memory_space<semaphore_mem>> -> memref<1x!tpu.dma_semaphore, #tpu.memory_space<semaphore_mem>>
    %dma_start3A_1783 = tpu.memref_squeeze %dma_start3A_1782 : memref<1x!tpu.dma_semaphore, #tpu.memory_space<semaphore_mem>> -> memref<!tpu.dma_semaphore, #tpu.memory_space<semaphore_mem>>
    %dma_start3A_1784 = arith.constant 0 : i32
    %dma_start3A_1785 = tpu.memref_slice %arg15[%add3A_1773, %dma_start3A_1784] : memref<16384x64xf32, #tpu.memory_space<hbm>> -> memref<128x64xf32, #tpu.memory_space<hbm>>
    %dma_start3A_1786 = arith.constant 0 : i32
    %dma_start3A_1787 = arith.constant 0 : i32
    %dma_start3A_1788 = tpu.memref_slice %arg20[%dma_start3A_1774, %dma_start3A_1786, %dma_start3A_1787] : memref<6x128x64xf32, #tpu.memory_space<vmem>> -> memref<1x128x64xf32, #tpu.memory_space<vmem>>
    %dma_start3A_1789 = tpu.memref_squeeze %dma_start3A_1788 : memref<1x128x64xf32, #tpu.memory_space<vmem>> -> memref<128x64xf32, #tpu.memory_space<vmem>>
    tpu.enqueue_dma source(%dma_start3A_1789 : memref<128x64xf32, #tpu.memory_space<vmem>>) target(%dma_start3A_1785 : memref<128x64xf32, #tpu.memory_space<hbm>>) target_semaphore(%dma_start3A_1783 : memref<!tpu.dma_semaphore, #tpu.memory_space<semaphore_mem>>)
    %dma_wait3A_1790 = arith.constant 1 : i32
    %dma_wait3A_1791 = arith.constant 1 : i32
    %dma_wait3A_1792 = arith.constant 0 : i32
    %dma_wait3A_1793 = arith.constant 0 : i32
    %dma_wait3A_1794 = tpu.memref_slice %arg20[%dma_wait3A_1790, %dma_wait3A_1792, %dma_wait3A_1793] : memref<6x128x64xf32, #tpu.memory_space<vmem>> -> memref<1x128x64xf32, #tpu.memory_space<vmem>>
    %dma_wait3A_1795 = tpu.memref_squeeze %dma_wait3A_1794 : memref<1x128x64xf32, #tpu.memory_space<vmem>> -> memref<128x64xf32, #tpu.memory_space<vmem>>
    %dma_wait3A_1796 = arith.constant 0 : i32
    %dma_wait3A_1797 = tpu.memref_slice %arg15[%add3A_1645, %dma_wait3A_1796] : memref<16384x64xf32, #tpu.memory_space<hbm>> -> memref<128x64xf32, #tpu.memory_space<hbm>>
    %dma_wait3A_1798 = tpu.memref_slice %arg22[%dma_wait3A_1791] : memref<6x!tpu.dma_semaphore, #tpu.memory_space<semaphore_mem>> -> memref<1x!tpu.dma_semaphore, #tpu.memory_space<semaphore_mem>>
    %dma_wait3A_1799 = tpu.memref_squeeze %dma_wait3A_1798 : memref<1x!tpu.dma_semaphore, #tpu.memory_space<semaphore_mem>> -> memref<!tpu.dma_semaphore, #tpu.memory_space<semaphore_mem>>
    %dma_wait3A_1800 = arith.constant 0 : i32
    %dma_wait3A_1801 = tpu.memref_slice %arg15[%add3A_1645, %dma_wait3A_1800] : memref<16384x64xf32, #tpu.memory_space<hbm>> -> memref<128x64xf32, #tpu.memory_space<hbm>>
    %dma_wait3A_1802 = arith.constant 0 : i32
    %dma_wait3A_1803 = arith.constant 0 : i32
    %dma_wait3A_1804 = tpu.memref_slice %arg20[%dma_wait3A_1790, %dma_wait3A_1802, %dma_wait3A_1803] : memref<6x128x64xf32, #tpu.memory_space<vmem>> -> memref<1x128x64xf32, #tpu.memory_space<vmem>>
    %dma_wait3A_1805 = tpu.memref_squeeze %dma_wait3A_1804 : memref<1x128x64xf32, #tpu.memory_space<vmem>> -> memref<128x64xf32, #tpu.memory_space<vmem>>
    tpu.wait_dma2 semaphore(%dma_wait3A_1799 : memref<!tpu.dma_semaphore, #tpu.memory_space<semaphore_mem>>) src(%dma_wait3A_1805 : memref<128x64xf32, #tpu.memory_space<vmem>>) dst(%dma_wait3A_1801 : memref<128x64xf32, #tpu.memory_space<hbm>>)
    %dma_start3A_1806 = arith.constant 3 : i32
    %dma_start3A_1807 = arith.constant 1 : i32
    %dma_start3A_1808 = arith.constant 1 : i32
    %dma_start3A_1809 = arith.constant 0 : i32
    %dma_start3A_1810 = arith.constant 0 : i32
    %dma_start3A_1811 = tpu.memref_slice %arg20[%dma_start3A_1807, %dma_start3A_1809, %dma_start3A_1810] : memref<6x128x64xf32, #tpu.memory_space<vmem>> -> memref<1x128x64xf32, #tpu.memory_space<vmem>>
    %dma_start3A_1812 = tpu.memref_squeeze %dma_start3A_1811 : memref<1x128x64xf32, #tpu.memory_space<vmem>> -> memref<128x64xf32, #tpu.memory_space<vmem>>
    %dma_start3A_1813 = arith.constant 0 : i32
    %dma_start3A_1814 = tpu.memref_slice %arg19[%dma_start3A_1806, %dma_start3A_1813] : memref<4x128xi32, #tpu.memory_space<vmem>> -> memref<1x128xi32, #tpu.memory_space<vmem>>
    %dma_start3A_1815 = tpu.memref_squeeze %dma_start3A_1814 : memref<1x128xi32, #tpu.memory_space<vmem>> -> memref<128xi32, #tpu.memory_space<vmem>>
    %dma_start3A_1816 = arith.constant 0 : i32
    %dma_start3A_1817 = arith.constant 0 : i32
    %dma_start3A_1818 = tpu.memref_slice %arg3[%dma_start3A_1816, %dma_start3A_1817] : memref<1000000x64xf32, #tpu.memory_space<hbm>> -> memref<1000000x64xf32, #tpu.memory_space<hbm>>
    %dma_start3A_1819 = tpu.memref_slice %arg21[%dma_start3A_1808] : memref<6x!tpu.dma_semaphore, #tpu.memory_space<semaphore_mem>> -> memref<1x!tpu.dma_semaphore, #tpu.memory_space<semaphore_mem>>
    %dma_start3A_1820 = tpu.memref_squeeze %dma_start3A_1819 : memref<1x!tpu.dma_semaphore, #tpu.memory_space<semaphore_mem>> -> memref<!tpu.dma_semaphore, #tpu.memory_space<semaphore_mem>>
    tpu.enqueue_indirect_dma source(%dma_start3A_1818 : memref<1000000x64xf32, #tpu.memory_space<hbm>>) target(%dma_start3A_1812 : memref<128x64xf32, #tpu.memory_space<vmem>>) offsets(%dma_start3A_1815 : memref<128xi32, #tpu.memory_space<vmem>>) semaphore(%dma_start3A_1820 : memref<!tpu.dma_semaphore, #tpu.memory_space<semaphore_mem>>)
    %dma_wait3A_1821 = arith.constant 0 : i32
    %dma_wait3A_1822 = arith.constant 4 : i32
    %dma_wait3A_1823 = arith.constant 4 : i32
    %dma_wait3A_1824 = arith.constant 0 : i32
    %dma_wait3A_1825 = arith.constant 0 : i32
    %dma_wait3A_1826 = tpu.memref_slice %arg20[%dma_wait3A_1822, %dma_wait3A_1824, %dma_wait3A_1825] : memref<6x128x64xf32, #tpu.memory_space<vmem>> -> memref<1x128x64xf32, #tpu.memory_space<vmem>>
    %dma_wait3A_1827 = tpu.memref_squeeze %dma_wait3A_1826 : memref<1x128x64xf32, #tpu.memory_space<vmem>> -> memref<128x64xf32, #tpu.memory_space<vmem>>
    %dma_wait3A_1828 = arith.constant 0 : i32
    %dma_wait3A_1829 = tpu.memref_slice %arg19[%dma_wait3A_1821, %dma_wait3A_1828] : memref<4x128xi32, #tpu.memory_space<vmem>> -> memref<1x128xi32, #tpu.memory_space<vmem>>
    %dma_wait3A_1830 = tpu.memref_squeeze %dma_wait3A_1829 : memref<1x128xi32, #tpu.memory_space<vmem>> -> memref<128xi32, #tpu.memory_space<vmem>>
    %dma_wait3A_1831 = arith.constant 0 : i32
    %dma_wait3A_1832 = arith.constant 0 : i32
    %dma_wait3A_1833 = tpu.memref_slice %arg3[%dma_wait3A_1831, %dma_wait3A_1832] : memref<1000000x64xf32, #tpu.memory_space<hbm>> -> memref<1000000x64xf32, #tpu.memory_space<hbm>>
    %dma_wait3A_1834 = tpu.memref_slice %arg21[%dma_wait3A_1823] : memref<6x!tpu.dma_semaphore, #tpu.memory_space<semaphore_mem>> -> memref<1x!tpu.dma_semaphore, #tpu.memory_space<semaphore_mem>>
    %dma_wait3A_1835 = tpu.memref_squeeze %dma_wait3A_1834 : memref<1x!tpu.dma_semaphore, #tpu.memory_space<semaphore_mem>> -> memref<!tpu.dma_semaphore, #tpu.memory_space<semaphore_mem>>
    tpu.wait_indirect_dma semaphore(%dma_wait3A_1835 : memref<!tpu.dma_semaphore, #tpu.memory_space<semaphore_mem>>) src(%dma_wait3A_1833 : memref<1000000x64xf32, #tpu.memory_space<hbm>>) dst(%dma_wait3A_1827 : memref<128x64xf32, #tpu.memory_space<vmem>>)
    %add3A_1836 = arith.constant 0 : i32
    %add3A_1837 = arith.addi %mul3A_2, %add3A_1836 : i32
    %dma_start3A_1838 = arith.constant 4 : i32
    %dma_start3A_1839 = arith.constant 4 : i32
    %dma_start3A_1840 = arith.constant 0 : i32
    %dma_start3A_1841 = arith.constant 0 : i32
    %dma_start3A_1842 = tpu.memref_slice %arg20[%dma_start3A_1838, %dma_start3A_1840, %dma_start3A_1841] : memref<6x128x64xf32, #tpu.memory_space<vmem>> -> memref<1x128x64xf32, #tpu.memory_space<vmem>>
    %dma_start3A_1843 = tpu.memref_squeeze %dma_start3A_1842 : memref<1x128x64xf32, #tpu.memory_space<vmem>> -> memref<128x64xf32, #tpu.memory_space<vmem>>
    %dma_start3A_1844 = arith.constant 0 : i32
    %dma_start3A_1845 = tpu.memref_slice %arg16[%add3A_1837, %dma_start3A_1844] : memref<16384x64xf32, #tpu.memory_space<hbm>> -> memref<128x64xf32, #tpu.memory_space<hbm>>
    %dma_start3A_1846 = tpu.memref_slice %arg22[%dma_start3A_1839] : memref<6x!tpu.dma_semaphore, #tpu.memory_space<semaphore_mem>> -> memref<1x!tpu.dma_semaphore, #tpu.memory_space<semaphore_mem>>
    %dma_start3A_1847 = tpu.memref_squeeze %dma_start3A_1846 : memref<1x!tpu.dma_semaphore, #tpu.memory_space<semaphore_mem>> -> memref<!tpu.dma_semaphore, #tpu.memory_space<semaphore_mem>>
    %dma_start3A_1848 = arith.constant 0 : i32
    %dma_start3A_1849 = tpu.memref_slice %arg16[%add3A_1837, %dma_start3A_1848] : memref<16384x64xf32, #tpu.memory_space<hbm>> -> memref<128x64xf32, #tpu.memory_space<hbm>>
    %dma_start3A_1850 = arith.constant 0 : i32
    %dma_start3A_1851 = arith.constant 0 : i32
    %dma_start3A_1852 = tpu.memref_slice %arg20[%dma_start3A_1838, %dma_start3A_1850, %dma_start3A_1851] : memref<6x128x64xf32, #tpu.memory_space<vmem>> -> memref<1x128x64xf32, #tpu.memory_space<vmem>>
    %dma_start3A_1853 = tpu.memref_squeeze %dma_start3A_1852 : memref<1x128x64xf32, #tpu.memory_space<vmem>> -> memref<128x64xf32, #tpu.memory_space<vmem>>
    tpu.enqueue_dma source(%dma_start3A_1853 : memref<128x64xf32, #tpu.memory_space<vmem>>) target(%dma_start3A_1849 : memref<128x64xf32, #tpu.memory_space<hbm>>) target_semaphore(%dma_start3A_1847 : memref<!tpu.dma_semaphore, #tpu.memory_space<semaphore_mem>>)
    %dma_wait3A_1854 = arith.constant 1 : i32
    %dma_wait3A_1855 = arith.constant 5 : i32
    %dma_wait3A_1856 = arith.constant 5 : i32
    %dma_wait3A_1857 = arith.constant 0 : i32
    %dma_wait3A_1858 = arith.constant 0 : i32
    %dma_wait3A_1859 = tpu.memref_slice %arg20[%dma_wait3A_1855, %dma_wait3A_1857, %dma_wait3A_1858] : memref<6x128x64xf32, #tpu.memory_space<vmem>> -> memref<1x128x64xf32, #tpu.memory_space<vmem>>
    %dma_wait3A_1860 = tpu.memref_squeeze %dma_wait3A_1859 : memref<1x128x64xf32, #tpu.memory_space<vmem>> -> memref<128x64xf32, #tpu.memory_space<vmem>>
    %dma_wait3A_1861 = arith.constant 0 : i32
    %dma_wait3A_1862 = tpu.memref_slice %arg19[%dma_wait3A_1854, %dma_wait3A_1861] : memref<4x128xi32, #tpu.memory_space<vmem>> -> memref<1x128xi32, #tpu.memory_space<vmem>>
    %dma_wait3A_1863 = tpu.memref_squeeze %dma_wait3A_1862 : memref<1x128xi32, #tpu.memory_space<vmem>> -> memref<128xi32, #tpu.memory_space<vmem>>
    %dma_wait3A_1864 = arith.constant 0 : i32
    %dma_wait3A_1865 = arith.constant 0 : i32
    %dma_wait3A_1866 = tpu.memref_slice %arg3[%dma_wait3A_1864, %dma_wait3A_1865] : memref<1000000x64xf32, #tpu.memory_space<hbm>> -> memref<1000000x64xf32, #tpu.memory_space<hbm>>
    %dma_wait3A_1867 = tpu.memref_slice %arg21[%dma_wait3A_1856] : memref<6x!tpu.dma_semaphore, #tpu.memory_space<semaphore_mem>> -> memref<1x!tpu.dma_semaphore, #tpu.memory_space<semaphore_mem>>
    %dma_wait3A_1868 = tpu.memref_squeeze %dma_wait3A_1867 : memref<1x!tpu.dma_semaphore, #tpu.memory_space<semaphore_mem>> -> memref<!tpu.dma_semaphore, #tpu.memory_space<semaphore_mem>>
    tpu.wait_indirect_dma semaphore(%dma_wait3A_1868 : memref<!tpu.dma_semaphore, #tpu.memory_space<semaphore_mem>>) src(%dma_wait3A_1866 : memref<1000000x64xf32, #tpu.memory_space<hbm>>) dst(%dma_wait3A_1860 : memref<128x64xf32, #tpu.memory_space<vmem>>)
    %add3A_1869 = arith.constant 128 : i32
    %add3A_1870 = arith.addi %mul3A_2, %add3A_1869 : i32
    %dma_start3A_1871 = arith.constant 5 : i32
    %dma_start3A_1872 = arith.constant 5 : i32
    %dma_start3A_1873 = arith.constant 0 : i32
    %dma_start3A_1874 = arith.constant 0 : i32
    %dma_start3A_1875 = tpu.memref_slice %arg20[%dma_start3A_1871, %dma_start3A_1873, %dma_start3A_1874] : memref<6x128x64xf32, #tpu.memory_space<vmem>> -> memref<1x128x64xf32, #tpu.memory_space<vmem>>
    %dma_start3A_1876 = tpu.memref_squeeze %dma_start3A_1875 : memref<1x128x64xf32, #tpu.memory_space<vmem>> -> memref<128x64xf32, #tpu.memory_space<vmem>>
    %dma_start3A_1877 = arith.constant 0 : i32
    %dma_start3A_1878 = tpu.memref_slice %arg16[%add3A_1870, %dma_start3A_1877] : memref<16384x64xf32, #tpu.memory_space<hbm>> -> memref<128x64xf32, #tpu.memory_space<hbm>>
    %dma_start3A_1879 = tpu.memref_slice %arg22[%dma_start3A_1872] : memref<6x!tpu.dma_semaphore, #tpu.memory_space<semaphore_mem>> -> memref<1x!tpu.dma_semaphore, #tpu.memory_space<semaphore_mem>>
    %dma_start3A_1880 = tpu.memref_squeeze %dma_start3A_1879 : memref<1x!tpu.dma_semaphore, #tpu.memory_space<semaphore_mem>> -> memref<!tpu.dma_semaphore, #tpu.memory_space<semaphore_mem>>
    %dma_start3A_1881 = arith.constant 0 : i32
    %dma_start3A_1882 = tpu.memref_slice %arg16[%add3A_1870, %dma_start3A_1881] : memref<16384x64xf32, #tpu.memory_space<hbm>> -> memref<128x64xf32, #tpu.memory_space<hbm>>
    %dma_start3A_1883 = arith.constant 0 : i32
    %dma_start3A_1884 = arith.constant 0 : i32
    %dma_start3A_1885 = tpu.memref_slice %arg20[%dma_start3A_1871, %dma_start3A_1883, %dma_start3A_1884] : memref<6x128x64xf32, #tpu.memory_space<vmem>> -> memref<1x128x64xf32, #tpu.memory_space<vmem>>
    %dma_start3A_1886 = tpu.memref_squeeze %dma_start3A_1885 : memref<1x128x64xf32, #tpu.memory_space<vmem>> -> memref<128x64xf32, #tpu.memory_space<vmem>>
    tpu.enqueue_dma source(%dma_start3A_1886 : memref<128x64xf32, #tpu.memory_space<vmem>>) target(%dma_start3A_1882 : memref<128x64xf32, #tpu.memory_space<hbm>>) target_semaphore(%dma_start3A_1880 : memref<!tpu.dma_semaphore, #tpu.memory_space<semaphore_mem>>)
    %dma_wait3A_1887 = arith.constant 2 : i32
    %dma_wait3A_1888 = arith.constant 0 : i32
    %dma_wait3A_1889 = arith.constant 0 : i32
    %dma_wait3A_1890 = arith.constant 0 : i32
    %dma_wait3A_1891 = arith.constant 0 : i32
    %dma_wait3A_1892 = tpu.memref_slice %arg20[%dma_wait3A_1888, %dma_wait3A_1890, %dma_wait3A_1891] : memref<6x128x64xf32, #tpu.memory_space<vmem>> -> memref<1x128x64xf32, #tpu.memory_space<vmem>>
    %dma_wait3A_1893 = tpu.memref_squeeze %dma_wait3A_1892 : memref<1x128x64xf32, #tpu.memory_space<vmem>> -> memref<128x64xf32, #tpu.memory_space<vmem>>
    %dma_wait3A_1894 = arith.constant 0 : i32
    %dma_wait3A_1895 = tpu.memref_slice %arg19[%dma_wait3A_1887, %dma_wait3A_1894] : memref<4x128xi32, #tpu.memory_space<vmem>> -> memref<1x128xi32, #tpu.memory_space<vmem>>
    %dma_wait3A_1896 = tpu.memref_squeeze %dma_wait3A_1895 : memref<1x128xi32, #tpu.memory_space<vmem>> -> memref<128xi32, #tpu.memory_space<vmem>>
    %dma_wait3A_1897 = arith.constant 0 : i32
    %dma_wait3A_1898 = arith.constant 0 : i32
    %dma_wait3A_1899 = tpu.memref_slice %arg3[%dma_wait3A_1897, %dma_wait3A_1898] : memref<1000000x64xf32, #tpu.memory_space<hbm>> -> memref<1000000x64xf32, #tpu.memory_space<hbm>>
    %dma_wait3A_1900 = tpu.memref_slice %arg21[%dma_wait3A_1889] : memref<6x!tpu.dma_semaphore, #tpu.memory_space<semaphore_mem>> -> memref<1x!tpu.dma_semaphore, #tpu.memory_space<semaphore_mem>>
    %dma_wait3A_1901 = tpu.memref_squeeze %dma_wait3A_1900 : memref<1x!tpu.dma_semaphore, #tpu.memory_space<semaphore_mem>> -> memref<!tpu.dma_semaphore, #tpu.memory_space<semaphore_mem>>
    tpu.wait_indirect_dma semaphore(%dma_wait3A_1901 : memref<!tpu.dma_semaphore, #tpu.memory_space<semaphore_mem>>) src(%dma_wait3A_1899 : memref<1000000x64xf32, #tpu.memory_space<hbm>>) dst(%dma_wait3A_1893 : memref<128x64xf32, #tpu.memory_space<vmem>>)
    %add3A_1902 = arith.constant 256 : i32
    %add3A_1903 = arith.addi %mul3A_2, %add3A_1902 : i32
    %dma_start3A_1904 = arith.constant 0 : i32
    %dma_start3A_1905 = arith.constant 0 : i32
    %dma_start3A_1906 = arith.constant 0 : i32
    %dma_start3A_1907 = arith.constant 0 : i32
    %dma_start3A_1908 = tpu.memref_slice %arg20[%dma_start3A_1904, %dma_start3A_1906, %dma_start3A_1907] : memref<6x128x64xf32, #tpu.memory_space<vmem>> -> memref<1x128x64xf32, #tpu.memory_space<vmem>>
    %dma_start3A_1909 = tpu.memref_squeeze %dma_start3A_1908 : memref<1x128x64xf32, #tpu.memory_space<vmem>> -> memref<128x64xf32, #tpu.memory_space<vmem>>
    %dma_start3A_1910 = arith.constant 0 : i32
    %dma_start3A_1911 = tpu.memref_slice %arg16[%add3A_1903, %dma_start3A_1910] : memref<16384x64xf32, #tpu.memory_space<hbm>> -> memref<128x64xf32, #tpu.memory_space<hbm>>
    %dma_start3A_1912 = tpu.memref_slice %arg22[%dma_start3A_1905] : memref<6x!tpu.dma_semaphore, #tpu.memory_space<semaphore_mem>> -> memref<1x!tpu.dma_semaphore, #tpu.memory_space<semaphore_mem>>
    %dma_start3A_1913 = tpu.memref_squeeze %dma_start3A_1912 : memref<1x!tpu.dma_semaphore, #tpu.memory_space<semaphore_mem>> -> memref<!tpu.dma_semaphore, #tpu.memory_space<semaphore_mem>>
    %dma_start3A_1914 = arith.constant 0 : i32
    %dma_start3A_1915 = tpu.memref_slice %arg16[%add3A_1903, %dma_start3A_1914] : memref<16384x64xf32, #tpu.memory_space<hbm>> -> memref<128x64xf32, #tpu.memory_space<hbm>>
    %dma_start3A_1916 = arith.constant 0 : i32
    %dma_start3A_1917 = arith.constant 0 : i32
    %dma_start3A_1918 = tpu.memref_slice %arg20[%dma_start3A_1904, %dma_start3A_1916, %dma_start3A_1917] : memref<6x128x64xf32, #tpu.memory_space<vmem>> -> memref<1x128x64xf32, #tpu.memory_space<vmem>>
    %dma_start3A_1919 = tpu.memref_squeeze %dma_start3A_1918 : memref<1x128x64xf32, #tpu.memory_space<vmem>> -> memref<128x64xf32, #tpu.memory_space<vmem>>
    tpu.enqueue_dma source(%dma_start3A_1919 : memref<128x64xf32, #tpu.memory_space<vmem>>) target(%dma_start3A_1915 : memref<128x64xf32, #tpu.memory_space<hbm>>) target_semaphore(%dma_start3A_1913 : memref<!tpu.dma_semaphore, #tpu.memory_space<semaphore_mem>>)
    %dma_wait3A_1920 = arith.constant 3 : i32
    %dma_wait3A_1921 = arith.constant 1 : i32
    %dma_wait3A_1922 = arith.constant 1 : i32
    %dma_wait3A_1923 = arith.constant 0 : i32
    %dma_wait3A_1924 = arith.constant 0 : i32
    %dma_wait3A_1925 = tpu.memref_slice %arg20[%dma_wait3A_1921, %dma_wait3A_1923, %dma_wait3A_1924] : memref<6x128x64xf32, #tpu.memory_space<vmem>> -> memref<1x128x64xf32, #tpu.memory_space<vmem>>
    %dma_wait3A_1926 = tpu.memref_squeeze %dma_wait3A_1925 : memref<1x128x64xf32, #tpu.memory_space<vmem>> -> memref<128x64xf32, #tpu.memory_space<vmem>>
    %dma_wait3A_1927 = arith.constant 0 : i32
    %dma_wait3A_1928 = tpu.memref_slice %arg19[%dma_wait3A_1920, %dma_wait3A_1927] : memref<4x128xi32, #tpu.memory_space<vmem>> -> memref<1x128xi32, #tpu.memory_space<vmem>>
    %dma_wait3A_1929 = tpu.memref_squeeze %dma_wait3A_1928 : memref<1x128xi32, #tpu.memory_space<vmem>> -> memref<128xi32, #tpu.memory_space<vmem>>
    %dma_wait3A_1930 = arith.constant 0 : i32
    %dma_wait3A_1931 = arith.constant 0 : i32
    %dma_wait3A_1932 = tpu.memref_slice %arg3[%dma_wait3A_1930, %dma_wait3A_1931] : memref<1000000x64xf32, #tpu.memory_space<hbm>> -> memref<1000000x64xf32, #tpu.memory_space<hbm>>
    %dma_wait3A_1933 = tpu.memref_slice %arg21[%dma_wait3A_1922] : memref<6x!tpu.dma_semaphore, #tpu.memory_space<semaphore_mem>> -> memref<1x!tpu.dma_semaphore, #tpu.memory_space<semaphore_mem>>
    %dma_wait3A_1934 = tpu.memref_squeeze %dma_wait3A_1933 : memref<1x!tpu.dma_semaphore, #tpu.memory_space<semaphore_mem>> -> memref<!tpu.dma_semaphore, #tpu.memory_space<semaphore_mem>>
    tpu.wait_indirect_dma semaphore(%dma_wait3A_1934 : memref<!tpu.dma_semaphore, #tpu.memory_space<semaphore_mem>>) src(%dma_wait3A_1932 : memref<1000000x64xf32, #tpu.memory_space<hbm>>) dst(%dma_wait3A_1926 : memref<128x64xf32, #tpu.memory_space<vmem>>)
    %add3A_1935 = arith.constant 384 : i32
    %add3A_1936 = arith.addi %mul3A_2, %add3A_1935 : i32
    %dma_start3A_1937 = arith.constant 1 : i32
    %dma_start3A_1938 = arith.constant 1 : i32
    %dma_start3A_1939 = arith.constant 0 : i32
    %dma_start3A_1940 = arith.constant 0 : i32
    %dma_start3A_1941 = tpu.memref_slice %arg20[%dma_start3A_1937, %dma_start3A_1939, %dma_start3A_1940] : memref<6x128x64xf32, #tpu.memory_space<vmem>> -> memref<1x128x64xf32, #tpu.memory_space<vmem>>
    %dma_start3A_1942 = tpu.memref_squeeze %dma_start3A_1941 : memref<1x128x64xf32, #tpu.memory_space<vmem>> -> memref<128x64xf32, #tpu.memory_space<vmem>>
    %dma_start3A_1943 = arith.constant 0 : i32
    %dma_start3A_1944 = tpu.memref_slice %arg16[%add3A_1936, %dma_start3A_1943] : memref<16384x64xf32, #tpu.memory_space<hbm>> -> memref<128x64xf32, #tpu.memory_space<hbm>>
    %dma_start3A_1945 = tpu.memref_slice %arg22[%dma_start3A_1938] : memref<6x!tpu.dma_semaphore, #tpu.memory_space<semaphore_mem>> -> memref<1x!tpu.dma_semaphore, #tpu.memory_space<semaphore_mem>>
    %dma_start3A_1946 = tpu.memref_squeeze %dma_start3A_1945 : memref<1x!tpu.dma_semaphore, #tpu.memory_space<semaphore_mem>> -> memref<!tpu.dma_semaphore, #tpu.memory_space<semaphore_mem>>
    %dma_start3A_1947 = arith.constant 0 : i32
    %dma_start3A_1948 = tpu.memref_slice %arg16[%add3A_1936, %dma_start3A_1947] : memref<16384x64xf32, #tpu.memory_space<hbm>> -> memref<128x64xf32, #tpu.memory_space<hbm>>
    %dma_start3A_1949 = arith.constant 0 : i32
    %dma_start3A_1950 = arith.constant 0 : i32
    %dma_start3A_1951 = tpu.memref_slice %arg20[%dma_start3A_1937, %dma_start3A_1949, %dma_start3A_1950] : memref<6x128x64xf32, #tpu.memory_space<vmem>> -> memref<1x128x64xf32, #tpu.memory_space<vmem>>
    %dma_start3A_1952 = tpu.memref_squeeze %dma_start3A_1951 : memref<1x128x64xf32, #tpu.memory_space<vmem>> -> memref<128x64xf32, #tpu.memory_space<vmem>>
    tpu.enqueue_dma source(%dma_start3A_1952 : memref<128x64xf32, #tpu.memory_space<vmem>>) target(%dma_start3A_1948 : memref<128x64xf32, #tpu.memory_space<hbm>>) target_semaphore(%dma_start3A_1946 : memref<!tpu.dma_semaphore, #tpu.memory_space<semaphore_mem>>)
    %dma_wait3A_1953 = arith.constant 2 : i32
    %dma_wait3A_1954 = arith.constant 2 : i32
    %dma_wait3A_1955 = arith.constant 0 : i32
    %dma_wait3A_1956 = arith.constant 0 : i32
    %dma_wait3A_1957 = tpu.memref_slice %arg20[%dma_wait3A_1953, %dma_wait3A_1955, %dma_wait3A_1956] : memref<6x128x64xf32, #tpu.memory_space<vmem>> -> memref<1x128x64xf32, #tpu.memory_space<vmem>>
    %dma_wait3A_1958 = tpu.memref_squeeze %dma_wait3A_1957 : memref<1x128x64xf32, #tpu.memory_space<vmem>> -> memref<128x64xf32, #tpu.memory_space<vmem>>
    %dma_wait3A_1959 = arith.constant 0 : i32
    %dma_wait3A_1960 = tpu.memref_slice %arg15[%add3A_1709, %dma_wait3A_1959] : memref<16384x64xf32, #tpu.memory_space<hbm>> -> memref<128x64xf32, #tpu.memory_space<hbm>>
    %dma_wait3A_1961 = tpu.memref_slice %arg22[%dma_wait3A_1954] : memref<6x!tpu.dma_semaphore, #tpu.memory_space<semaphore_mem>> -> memref<1x!tpu.dma_semaphore, #tpu.memory_space<semaphore_mem>>
    %dma_wait3A_1962 = tpu.memref_squeeze %dma_wait3A_1961 : memref<1x!tpu.dma_semaphore, #tpu.memory_space<semaphore_mem>> -> memref<!tpu.dma_semaphore, #tpu.memory_space<semaphore_mem>>
    %dma_wait3A_1963 = arith.constant 0 : i32
    %dma_wait3A_1964 = tpu.memref_slice %arg15[%add3A_1709, %dma_wait3A_1963] : memref<16384x64xf32, #tpu.memory_space<hbm>> -> memref<128x64xf32, #tpu.memory_space<hbm>>
    %dma_wait3A_1965 = arith.constant 0 : i32
    %dma_wait3A_1966 = arith.constant 0 : i32
    %dma_wait3A_1967 = tpu.memref_slice %arg20[%dma_wait3A_1953, %dma_wait3A_1965, %dma_wait3A_1966] : memref<6x128x64xf32, #tpu.memory_space<vmem>> -> memref<1x128x64xf32, #tpu.memory_space<vmem>>
    %dma_wait3A_1968 = tpu.memref_squeeze %dma_wait3A_1967 : memref<1x128x64xf32, #tpu.memory_space<vmem>> -> memref<128x64xf32, #tpu.memory_space<vmem>>
    tpu.wait_dma2 semaphore(%dma_wait3A_1962 : memref<!tpu.dma_semaphore, #tpu.memory_space<semaphore_mem>>) src(%dma_wait3A_1968 : memref<128x64xf32, #tpu.memory_space<vmem>>) dst(%dma_wait3A_1964 : memref<128x64xf32, #tpu.memory_space<hbm>>)
    %dma_wait3A_1969 = arith.constant 3 : i32
    %dma_wait3A_1970 = arith.constant 3 : i32
    %dma_wait3A_1971 = arith.constant 0 : i32
    %dma_wait3A_1972 = arith.constant 0 : i32
    %dma_wait3A_1973 = tpu.memref_slice %arg20[%dma_wait3A_1969, %dma_wait3A_1971, %dma_wait3A_1972] : memref<6x128x64xf32, #tpu.memory_space<vmem>> -> memref<1x128x64xf32, #tpu.memory_space<vmem>>
    %dma_wait3A_1974 = tpu.memref_squeeze %dma_wait3A_1973 : memref<1x128x64xf32, #tpu.memory_space<vmem>> -> memref<128x64xf32, #tpu.memory_space<vmem>>
    %dma_wait3A_1975 = arith.constant 0 : i32
    %dma_wait3A_1976 = tpu.memref_slice %arg15[%add3A_1773, %dma_wait3A_1975] : memref<16384x64xf32, #tpu.memory_space<hbm>> -> memref<128x64xf32, #tpu.memory_space<hbm>>
    %dma_wait3A_1977 = tpu.memref_slice %arg22[%dma_wait3A_1970] : memref<6x!tpu.dma_semaphore, #tpu.memory_space<semaphore_mem>> -> memref<1x!tpu.dma_semaphore, #tpu.memory_space<semaphore_mem>>
    %dma_wait3A_1978 = tpu.memref_squeeze %dma_wait3A_1977 : memref<1x!tpu.dma_semaphore, #tpu.memory_space<semaphore_mem>> -> memref<!tpu.dma_semaphore, #tpu.memory_space<semaphore_mem>>
    %dma_wait3A_1979 = arith.constant 0 : i32
    %dma_wait3A_1980 = tpu.memref_slice %arg15[%add3A_1773, %dma_wait3A_1979] : memref<16384x64xf32, #tpu.memory_space<hbm>> -> memref<128x64xf32, #tpu.memory_space<hbm>>
    %dma_wait3A_1981 = arith.constant 0 : i32
    %dma_wait3A_1982 = arith.constant 0 : i32
    %dma_wait3A_1983 = tpu.memref_slice %arg20[%dma_wait3A_1969, %dma_wait3A_1981, %dma_wait3A_1982] : memref<6x128x64xf32, #tpu.memory_space<vmem>> -> memref<1x128x64xf32, #tpu.memory_space<vmem>>
    %dma_wait3A_1984 = tpu.memref_squeeze %dma_wait3A_1983 : memref<1x128x64xf32, #tpu.memory_space<vmem>> -> memref<128x64xf32, #tpu.memory_space<vmem>>
    tpu.wait_dma2 semaphore(%dma_wait3A_1978 : memref<!tpu.dma_semaphore, #tpu.memory_space<semaphore_mem>>) src(%dma_wait3A_1984 : memref<128x64xf32, #tpu.memory_space<vmem>>) dst(%dma_wait3A_1980 : memref<128x64xf32, #tpu.memory_space<hbm>>)
    %dma_wait3A_1985 = arith.constant 4 : i32
    %dma_wait3A_1986 = arith.constant 4 : i32
    %dma_wait3A_1987 = arith.constant 0 : i32
    %dma_wait3A_1988 = arith.constant 0 : i32
    %dma_wait3A_1989 = tpu.memref_slice %arg20[%dma_wait3A_1985, %dma_wait3A_1987, %dma_wait3A_1988] : memref<6x128x64xf32, #tpu.memory_space<vmem>> -> memref<1x128x64xf32, #tpu.memory_space<vmem>>
    %dma_wait3A_1990 = tpu.memref_squeeze %dma_wait3A_1989 : memref<1x128x64xf32, #tpu.memory_space<vmem>> -> memref<128x64xf32, #tpu.memory_space<vmem>>
    %dma_wait3A_1991 = arith.constant 0 : i32
    %dma_wait3A_1992 = tpu.memref_slice %arg16[%add3A_1837, %dma_wait3A_1991] : memref<16384x64xf32, #tpu.memory_space<hbm>> -> memref<128x64xf32, #tpu.memory_space<hbm>>
    %dma_wait3A_1993 = tpu.memref_slice %arg22[%dma_wait3A_1986] : memref<6x!tpu.dma_semaphore, #tpu.memory_space<semaphore_mem>> -> memref<1x!tpu.dma_semaphore, #tpu.memory_space<semaphore_mem>>
    %dma_wait3A_1994 = tpu.memref_squeeze %dma_wait3A_1993 : memref<1x!tpu.dma_semaphore, #tpu.memory_space<semaphore_mem>> -> memref<!tpu.dma_semaphore, #tpu.memory_space<semaphore_mem>>
    %dma_wait3A_1995 = arith.constant 0 : i32
    %dma_wait3A_1996 = tpu.memref_slice %arg16[%add3A_1837, %dma_wait3A_1995] : memref<16384x64xf32, #tpu.memory_space<hbm>> -> memref<128x64xf32, #tpu.memory_space<hbm>>
    %dma_wait3A_1997 = arith.constant 0 : i32
    %dma_wait3A_1998 = arith.constant 0 : i32
    %dma_wait3A_1999 = tpu.memref_slice %arg20[%dma_wait3A_1985, %dma_wait3A_1997, %dma_wait3A_1998] : memref<6x128x64xf32, #tpu.memory_space<vmem>> -> memref<1x128x64xf32, #tpu.memory_space<vmem>>
    %dma_wait3A_2000 = tpu.memref_squeeze %dma_wait3A_1999 : memref<1x128x64xf32, #tpu.memory_space<vmem>> -> memref<128x64xf32, #tpu.memory_space<vmem>>
    tpu.wait_dma2 semaphore(%dma_wait3A_1994 : memref<!tpu.dma_semaphore, #tpu.memory_space<semaphore_mem>>) src(%dma_wait3A_2000 : memref<128x64xf32, #tpu.memory_space<vmem>>) dst(%dma_wait3A_1996 : memref<128x64xf32, #tpu.memory_space<hbm>>)
    %dma_wait3A_2001 = arith.constant 5 : i32
    %dma_wait3A_2002 = arith.constant 5 : i32
    %dma_wait3A_2003 = arith.constant 0 : i32
    %dma_wait3A_2004 = arith.constant 0 : i32
    %dma_wait3A_2005 = tpu.memref_slice %arg20[%dma_wait3A_2001, %dma_wait3A_2003, %dma_wait3A_2004] : memref<6x128x64xf32, #tpu.memory_space<vmem>> -> memref<1x128x64xf32, #tpu.memory_space<vmem>>
    %dma_wait3A_2006 = tpu.memref_squeeze %dma_wait3A_2005 : memref<1x128x64xf32, #tpu.memory_space<vmem>> -> memref<128x64xf32, #tpu.memory_space<vmem>>
    %dma_wait3A_2007 = arith.constant 0 : i32
    %dma_wait3A_2008 = tpu.memref_slice %arg16[%add3A_1870, %dma_wait3A_2007] : memref<16384x64xf32, #tpu.memory_space<hbm>> -> memref<128x64xf32, #tpu.memory_space<hbm>>
    %dma_wait3A_2009 = tpu.memref_slice %arg22[%dma_wait3A_2002] : memref<6x!tpu.dma_semaphore, #tpu.memory_space<semaphore_mem>> -> memref<1x!tpu.dma_semaphore, #tpu.memory_space<semaphore_mem>>
    %dma_wait3A_2010 = tpu.memref_squeeze %dma_wait3A_2009 : memref<1x!tpu.dma_semaphore, #tpu.memory_space<semaphore_mem>> -> memref<!tpu.dma_semaphore, #tpu.memory_space<semaphore_mem>>
    %dma_wait3A_2011 = arith.constant 0 : i32
    %dma_wait3A_2012 = tpu.memref_slice %arg16[%add3A_1870, %dma_wait3A_2011] : memref<16384x64xf32, #tpu.memory_space<hbm>> -> memref<128x64xf32, #tpu.memory_space<hbm>>
    %dma_wait3A_2013 = arith.constant 0 : i32
    %dma_wait3A_2014 = arith.constant 0 : i32
    %dma_wait3A_2015 = tpu.memref_slice %arg20[%dma_wait3A_2001, %dma_wait3A_2013, %dma_wait3A_2014] : memref<6x128x64xf32, #tpu.memory_space<vmem>> -> memref<1x128x64xf32, #tpu.memory_space<vmem>>
    %dma_wait3A_2016 = tpu.memref_squeeze %dma_wait3A_2015 : memref<1x128x64xf32, #tpu.memory_space<vmem>> -> memref<128x64xf32, #tpu.memory_space<vmem>>
    tpu.wait_dma2 semaphore(%dma_wait3A_2010 : memref<!tpu.dma_semaphore, #tpu.memory_space<semaphore_mem>>) src(%dma_wait3A_2016 : memref<128x64xf32, #tpu.memory_space<vmem>>) dst(%dma_wait3A_2012 : memref<128x64xf32, #tpu.memory_space<hbm>>)
    %dma_wait3A_2017 = arith.constant 0 : i32
    %dma_wait3A_2018 = arith.constant 0 : i32
    %dma_wait3A_2019 = arith.constant 0 : i32
    %dma_wait3A_2020 = arith.constant 0 : i32
    %dma_wait3A_2021 = tpu.memref_slice %arg20[%dma_wait3A_2017, %dma_wait3A_2019, %dma_wait3A_2020] : memref<6x128x64xf32, #tpu.memory_space<vmem>> -> memref<1x128x64xf32, #tpu.memory_space<vmem>>
    %dma_wait3A_2022 = tpu.memref_squeeze %dma_wait3A_2021 : memref<1x128x64xf32, #tpu.memory_space<vmem>> -> memref<128x64xf32, #tpu.memory_space<vmem>>
    %dma_wait3A_2023 = arith.constant 0 : i32
    %dma_wait3A_2024 = tpu.memref_slice %arg16[%add3A_1903, %dma_wait3A_2023] : memref<16384x64xf32, #tpu.memory_space<hbm>> -> memref<128x64xf32, #tpu.memory_space<hbm>>
    %dma_wait3A_2025 = tpu.memref_slice %arg22[%dma_wait3A_2018] : memref<6x!tpu.dma_semaphore, #tpu.memory_space<semaphore_mem>> -> memref<1x!tpu.dma_semaphore, #tpu.memory_space<semaphore_mem>>
    %dma_wait3A_2026 = tpu.memref_squeeze %dma_wait3A_2025 : memref<1x!tpu.dma_semaphore, #tpu.memory_space<semaphore_mem>> -> memref<!tpu.dma_semaphore, #tpu.memory_space<semaphore_mem>>
    %dma_wait3A_2027 = arith.constant 0 : i32
    %dma_wait3A_2028 = tpu.memref_slice %arg16[%add3A_1903, %dma_wait3A_2027] : memref<16384x64xf32, #tpu.memory_space<hbm>> -> memref<128x64xf32, #tpu.memory_space<hbm>>
    %dma_wait3A_2029 = arith.constant 0 : i32
    %dma_wait3A_2030 = arith.constant 0 : i32
    %dma_wait3A_2031 = tpu.memref_slice %arg20[%dma_wait3A_2017, %dma_wait3A_2029, %dma_wait3A_2030] : memref<6x128x64xf32, #tpu.memory_space<vmem>> -> memref<1x128x64xf32, #tpu.memory_space<vmem>>
    %dma_wait3A_2032 = tpu.memref_squeeze %dma_wait3A_2031 : memref<1x128x64xf32, #tpu.memory_space<vmem>> -> memref<128x64xf32, #tpu.memory_space<vmem>>
    tpu.wait_dma2 semaphore(%dma_wait3A_2026 : memref<!tpu.dma_semaphore, #tpu.memory_space<semaphore_mem>>) src(%dma_wait3A_2032 : memref<128x64xf32, #tpu.memory_space<vmem>>) dst(%dma_wait3A_2028 : memref<128x64xf32, #tpu.memory_space<hbm>>)
    %dma_wait3A_2033 = arith.constant 1 : i32
    %dma_wait3A_2034 = arith.constant 1 : i32
    %dma_wait3A_2035 = arith.constant 0 : i32
    %dma_wait3A_2036 = arith.constant 0 : i32
    %dma_wait3A_2037 = tpu.memref_slice %arg20[%dma_wait3A_2033, %dma_wait3A_2035, %dma_wait3A_2036] : memref<6x128x64xf32, #tpu.memory_space<vmem>> -> memref<1x128x64xf32, #tpu.memory_space<vmem>>
    %dma_wait3A_2038 = tpu.memref_squeeze %dma_wait3A_2037 : memref<1x128x64xf32, #tpu.memory_space<vmem>> -> memref<128x64xf32, #tpu.memory_space<vmem>>
    %dma_wait3A_2039 = arith.constant 0 : i32
    %dma_wait3A_2040 = tpu.memref_slice %arg16[%add3A_1936, %dma_wait3A_2039] : memref<16384x64xf32, #tpu.memory_space<hbm>> -> memref<128x64xf32, #tpu.memory_space<hbm>>
    %dma_wait3A_2041 = tpu.memref_slice %arg22[%dma_wait3A_2034] : memref<6x!tpu.dma_semaphore, #tpu.memory_space<semaphore_mem>> -> memref<1x!tpu.dma_semaphore, #tpu.memory_space<semaphore_mem>>
    %dma_wait3A_2042 = tpu.memref_squeeze %dma_wait3A_2041 : memref<1x!tpu.dma_semaphore, #tpu.memory_space<semaphore_mem>> -> memref<!tpu.dma_semaphore, #tpu.memory_space<semaphore_mem>>
    %dma_wait3A_2043 = arith.constant 0 : i32
    %dma_wait3A_2044 = tpu.memref_slice %arg16[%add3A_1936, %dma_wait3A_2043] : memref<16384x64xf32, #tpu.memory_space<hbm>> -> memref<128x64xf32, #tpu.memory_space<hbm>>
    %dma_wait3A_2045 = arith.constant 0 : i32
    %dma_wait3A_2046 = arith.constant 0 : i32
    %dma_wait3A_2047 = tpu.memref_slice %arg20[%dma_wait3A_2033, %dma_wait3A_2045, %dma_wait3A_2046] : memref<6x128x64xf32, #tpu.memory_space<vmem>> -> memref<1x128x64xf32, #tpu.memory_space<vmem>>
    %dma_wait3A_2048 = tpu.memref_squeeze %dma_wait3A_2047 : memref<1x128x64xf32, #tpu.memory_space<vmem>> -> memref<128x64xf32, #tpu.memory_space<vmem>>
    tpu.wait_dma2 semaphore(%dma_wait3A_2042 : memref<!tpu.dma_semaphore, #tpu.memory_space<semaphore_mem>>) src(%dma_wait3A_2048 : memref<128x64xf32, #tpu.memory_space<vmem>>) dst(%dma_wait3A_2044 : memref<128x64xf32, #tpu.memory_space<hbm>>)
    return
  }
}

</mosaic_0001>

<sc_bundles>
// kernel: _run.3.cloned.1.call-start
scs
__scs_entry_jumppad:
0x0: {  	(pc) =	sbr.rel $0x88, $3  }
0x1: {  	(tag) =	ssettag $0x0;
	lr =	simm.s32 $0x1  }
0x2: {  	[smem:$0x3F9A] =	sst lr;
	_ =	strace $0xD0000000  }
0x3: {  	_ = 	snop  }
0x4: {  	_ = 	snop  }
0x5: {  	_ = 	snop  }
0x6: {  	_ = 	snop  }
0x7: {  	_ = 	snop  }
__scs_overlays_trampoline_lowered:
0x8: {  	[smem:$0x3FA9] =	sst s0  }
0x9: {  	[smem:$0x3FAA] =	sst s1  }
0xa: {  	[smem:$0x3FAB] =	sst s2  }
0xb: {  	[smem:$0x3FAC] =	sst s3  }
0xc: {  	[smem:$0x3FAD] =	sst s4  }
0xd: {  	[smem:$0x3FAE] =	sst s5  }
0xe: {  	[smem:$0x3FAF] =	sst s6  }
0xf: {  	[smem:$0x3FB0] =	sst s7  }
0x10: {  	[smem:$0x3FB1] =	sst s8  }
0x11: {  	[smem:$0x3FB2] =	sst s9;
	s0 =	simm.s32 @!p0 $0x0  }
0x12: {  	s1 =	sld [smem:$0x3F98];
	s0 =	simm.s32 @p0 $0x1  }
0x13: {  	[smem:$0x3FB3] =	sst s0;
	s0 =	simm.s32 @!p1 $0x0  }
0x14: {  	s2 =	sld [smem:$0x3F97];
	s0 =	simm.s32 @p1 $0x1  }
0x15: {  	[smem:$0x3FB4] =	sst s0;
	s0 =	simm.s32 @!p2 $0x0  }
0x16: {  	s3 =	sld [smem:$0x3FDB];
	s0 =	simm.s32 @p2 $0x1  }
0x17: {  	s4 =	simm.s32 $0x1BF5;
	[smem:$0x3FB6] =	sst s0  }
0x18: {  	s0 =	sld [smem:$0x3F99];
	_ =	swait.ge [sflag:s4], $0x0  }
0x19: {  	s7 =	sld [smem:$0x3F9A]  }
0x1a: {  	s8 =	sadd.s32 $0xFFFFE003, lr  }
0x1b: {  	s9 =	sadd.s32 $0xFFFFFEF7, lr;
	s5 =	simm.s32 $0xFFFFFFFF;
	p2 =	slt.u32 s8, $0xFFFFF086  }
0x1c: {  	p1 =	slt.u32 s9, $0xF7A;
	s5 =	simm.s32 @!p2 $0x0  }
0x1d: {  	s5 =	simm.s32 @p1 $0x1;
	p0 =	seq.s32 s7, s2  }
0x1e: {  	s7 =	smul.u32 @!p0 $0xF7A, s2;
	p2 =	seq.s32 @!p0 s5, $0x0  }
0x1f: {  	s9 =	smul.u32 $0xF7A, s1;
	s8 =	simm.s32 @!p0 $0x1BF5;
	p2 =	por !p2, p0  }
0x20: {  	[sflag:s8] =	ssyncset.s32 @!p0 $0xFFFFF086;
	s6 =	sadd.s32 @!p0 s3, s7;
	s7 =	simm.s32 @!p0 $0x108  }
0x21: {  	s3 =	sadd.s32 s3, s9;
	s6 =	sadd.s32 @!p0 $0x88, s6;
	s7 =	simm.s32 @p2 $0x1082  }
0x22: {  	[simem:s7], [sflag:s8] =	dma.local @!p0 [hbm:s6], $0xF7A  }
0x23: {  	s9 =	sor.u32 $0xD0000000, s2;
	s6 =	simm.s32 $0x108;
	_ =	swait.ge @!p0 [sflag:s8], $0x0  }
0x24: {  	s3 =	sadd.s32 $0x88, s3;
	s6 =	simm.s32 @!p1 $0x1082;
	[sflag:s4] =	ssyncset.s32 $0xFFFFF086  }
0x25: {  	[simem:s6], [sflag:s4] =	dma.local [hbm:s3], $0xF7A  }
0x26: {  	[smem:$0x3F9A] =	sst s1;
	(tag) =	ssettag s2;
	_ =	strace s9  }
0x27: {  	s1 =	sld [smem:$0x3FAA]  }
0x28: {  	s2 =	sld [smem:$0x3FAB]  }
0x29: {  	s4 =	sld [smem:$0x3FAD]  }
0x2a: {  	p0 =	seq.s32 s5, $0x0;
	s5 =	sld [smem:$0x3FAE]  }
0x2b: {  	s6 =	sld [smem:$0x3FAF]  }
0x2c: {  	s7 =	sld [smem:$0x3FB0]  }
0x2d: {  	s3 =	simm.s32 $0x108;
	s8 =	sld [smem:$0x3FB1]  }
0x2e: {  	s3 =	simm.s32 @!p0 $0x1082;
	s9 =	sld [smem:$0x3FB2]  }
0x2f: {  	lr =	sadd.s32 s0, s3;
	s0 =	sld [smem:$0x3FA9]  }
0x30: {  	s3 =	sld [smem:$0x3FAC]  }
0x31: {  	[smem:$0x3FB5] =	sst s10  }
0x32: {  	s10 =	sld [smem:$0x3FB3];
	_ =	sdelay $0x3  }
0x33: {  	p0 =	seq.s32 s10, $0x1;
	s10 =	sld [smem:$0x3FB5];
	_ =	sdelay $0x3  }
0x34: {  	[smem:$0x3FB5] =	sst s10  }
0x35: {  	s10 =	sld [smem:$0x3FB4];
	_ =	sdelay $0x3  }
0x36: {  	p1 =	seq.s32 s10, $0x1;
	s10 =	sld [smem:$0x3FB5];
	_ =	sdelay $0x3  }
0x37: {  	[smem:$0x3FB5] =	sst s10  }
0x38: {  	s10 =	sld [smem:$0x3FB6]  }
0x39: {  	_ = 	snop;
	(pc) =	sbr.ind lr, $3  }
0x3a: {  	_ = 	snop  }
0x3b: {  	_ = 	snop  }
0x3c: {  	p2 =	seq.s32 s10, $0x1;
	s10 =	sld [smem:$0x3FB5]  }
0x3d: {  	_ =	shalt  }
0x3e: {  	_ =	shalt  }
0x3f: {  	_ =	shalt  }
0x40: {  	_ =	shalt  }
0x41: {  	_ =	shalt  }
0x42: {  	_ =	shalt  }
0x43: {  	_ =	shalt  }
0x44: {  	_ =	shalt  }
0x45: {  	_ =	shalt  }
0x46: {  	_ =	shalt  }
0x47: {  	_ =	shalt  }
0x48: {  	_ =	shalt  }
0x49: {  	_ =	shalt  }
0x4a: {  	_ =	shalt  }
0x4b: {  	_ =	shalt  }
0x4c: {  	_ =	shalt  }
0x4d: {  	_ =	shalt  }
0x4e: {  	_ =	shalt  }
0x4f: {  	_ =	shalt  }
0x50: {  	_ =	shalt  }
0x51: {  	_ =	shalt  }
0x52: {  	_ =	shalt  }
0x53: {  	_ =	shalt  }
0x54: {  	_ =	shalt  }
0x55: {  	_ =	shalt  }
0x56: {  	_ =	shalt  }
0x57: {  	_ =	shalt  }
0x58: {  	_ =	shalt  }
0x59: {  	_ =	shalt  }
0x5a: {  	_ =	shalt  }
0x5b: {  	_ =	shalt  }
0x5c: {  	_ =	shalt  }
0x5d: {  	_ =	shalt  }
0x5e: {  	_ =	shalt  }
0x5f: {  	_ =	shalt  }
0x60: {  	_ =	shalt  }
0x61: {  	_ =	shalt  }
0x62: {  	_ =	shalt  }
0x63: {  	_ =	shalt  }
0x64: {  	_ =	shalt  }
0x65: {  	_ =	shalt  }
0x66: {  	_ =	shalt  }
0x67: {  	_ =	shalt  }
0x68: {  	_ =	shalt  }
0x69: {  	_ =	shalt  }
0x6a: {  	_ =	shalt  }
0x6b: {  	_ =	shalt  }
0x6c: {  	_ =	shalt  }
0x6d: {  	_ =	shalt  }
0x6e: {  	_ =	shalt  }
0x6f: {  	_ =	shalt  }
0x70: {  	_ =	shalt  }
0x71: {  	_ =	shalt  }
0x72: {  	_ =	shalt  }
0x73: {  	_ =	shalt  }
0x74: {  	_ =	shalt  }
0x75: {  	_ =	shalt  }
0x76: {  	_ =	shalt  }
0x77: {  	_ =	shalt  }
0x78: {  	_ =	shalt  }
0x79: {  	_ =	shalt  }
0x7a: {  	_ =	shalt  }
0x7b: {  	_ =	shalt  }
0x7c: {  	_ =	shalt  }
0x7d: {  	_ =	shalt  }
0x7e: {  	_ =	shalt  }
0x7f: {  	_ =	shalt  }
0x80: {  	_ =	shalt  }
0x81: {  	_ =	shalt  }
0x82: {  	_ =	shalt  }
0x83: {  	_ =	shalt  }
0x84: {  	_ =	shalt  }
0x85: {  	_ =	shalt  }
0x86: {  	_ =	shalt  }
0x87: {  	_ =	shalt  }
.Lfunc_end0:
.L_simem_size_0:
called_computation_lowered:
.L_overlay_start_0:
0x88: {  	s2 =	sld [smem:$0x3FD9]  }
0x89: {  	s3 =	sld [smem:$0x3FFE];
	_ =	sdelay $0x1  }
0x8a: {  	s1 =	srdreg.scid  }
0x8b: {  	s0 =	sand.u32 $0x1, s1  }
0x8c: {  	s14 =	sshll.u32 s0, $0xA;
	s2 =	sadd.s32 s3, s2  }
0x8d: {  	s2 =	sadd.s32 s2, s14  }
0x8e: {  	[smem:$0x3FC1] =	sst s2  }
0x8f: {  	_ = 	snop  }
0x90: {  	s2 =	sld [smem:$0x3FD0]  }
0x91: {  	s15 =	sld [smem:$0x3FC5]  }
0x92: {  	s4 =	sld [smem:$0x3FC4]  }
0x93: {  	s6 =	simm.s32 $0xA;
	s7 =	simm.s32 $0x10;
	s5 =	sld [smem:$0x3FC3]  }
0x94: {  	[smem:s7], [sflag:s6] =	dma.local [hbm:s2], $0x1  }
0x95: {  	_ =	swait.eq [sflag:s6], $0x1  }
0x96: {  	s16 =	sld [smem:$0x12]  }
0x97: {  	s17 =	sld [smem:$0x13]  }
0x98: {  	s8 =	sld [smem:$0x14];
	[sflag:s6] =	ssyncset.done $0x0  }
0x99: {  	s9 =	sld [smem:$0x15];
	[sflag:s6] =	ssyncadd.s32 $0xFFFFFFFF  }
0x9a: {  	s18 =	sld [smem:$0x17];
	(tm) =	ssettm $0x1  }
0x9b: {  	s10 =	sld [smem:$0x3FFB];
	_ =	sdelay $0x3  }
0x9c: {  	_ =	strace s10  }
0x9d: {  	s10 =	sld [smem:$0x3FFC];
	_ =	sdelay $0x3  }
0x9e: {  	_ =	strace s10  }
0x9f: {  	s10 =	sld [smem:$0x3FFD];
	_ =	sdelay $0x3  }
0xa0: {  	_ =	strace s10  }
0xa1: {  	_ =	strace $0x8FFFFFFF  }
0xa2: {  	s19 =	sld [smem:$0x3FDB];
	_ =	sdelay $0x1  }
0xa3: {  	s11 =	simm.s32 $_scs_section_size  }
0xa4: {  	s12 =	simm.s32 $_size__tile_overlayer_lowered;
	s13 =	simm.s32 $_tile_overlayer_lowered  }
0xa5: {  	s22 =	simm.s32 $0x1BFF;
	s21 =	sshll.u32 s13, $0x1;
	s10 =	sadd.s32 s11, s19  }
0xa6: {  	s20 =	sshll.u32 s12, $0x1;
	s14 =	simm.s32 $0x0;
	s12 =	sadd.s32 s21, s10  }
0xa7: {  	[timem:s14], [sflag:s22] =	dma.local [hbm:s12], s20  }
0xa8: {  	_ =	swait.ge [sflag:s22], s20  }
0xa9: {  	s11 =	ssub.s32 $0x0, s20;
	[sflag:s22] =	ssyncset.done $0x0  }
0xaa: {  	[sflag:s22] =	ssyncadd.s32 s11;
	_ =	sdelay $0x1  }
0xab: {  	s23 =	simm.s32 $0x1B8B  }
0xac: {  	_ =	swait.ge [sflag:s23], $0x1  }
0xad: {  	[sflag:s23] =	ssyncset.done $0x0  }
0xae: {  	s25 =	simm.s32 $0x1B8E;
	s24 =	sld [smem:$0x3FFE];
	[sflag:s23] =	ssyncadd.s32 $0xFFFFFFFF  }
0xaf: {  	s26 =	simm.s32 $execute0_lowered;
	[smem:$0x3FD2] =	sst s25  }
0xb0: {  	s12 =	sshll.u32 s26, $0x1;
	_ =	strace $0x80000046;
	[dreg:$0x1] =	wrdreg $0xFFFFFFFF  }
0xb1: {  	s28 =	simm.s32 $_size_execute0_lowered;
	s10 =	sadd.s32 s10, s12;
	[dreg:$0x0] =	wrdreg $0x0  }
0xb2: {  	s12 =	sshll.u32 s28, $0x1;
	[dreg:$0x2] =	wrdreg s10  }
0xb3: {  	[dreg:$0x3] =	wrdreg s12  }
0xb4: {  	[dreg:$0x4] =	wrdreg $0xC0  }
0xb5: {  	_ =	task [dreg:s14], $0x5FFFF  }
0xb6: {  	[dreg:$0x1] =	wrdreg $0xFFFFFFFF  }
0xb7: {  	[dreg:$0x0] =	wrdreg $0x60  }
0xb8: {  	[dreg:$0x2] =	wrdreg s24  }
0xb9: {  	[dreg:$0x3] =	wrdreg s15  }
0xba: {  	[dreg:$0x4] =	wrdreg s4  }
0xbb: {  	[dreg:$0x5] =	wrdreg s5  }
0xbc: {  	[dreg:$0x6] =	wrdreg s9  }
0xbd: {  	[dreg:$0x7] =	wrdreg s8  }
0xbe: {  	[dreg:$0x8] =	wrdreg s17  }
0xbf: {  	[dreg:$0x9] =	wrdreg s18  }
0xc0: {  	[dreg:$0xa] =	wrdreg s16  }
0xc1: {  	[dreg:$0xb] =	wrdreg $0x9  }
0xc2: {  	_ =	task.clear_ibuf [dreg:s14], $0xCFFFF;
	_ =	strace $0x90000046  }
0xc3: {  	s29 =	simm.s32 $0x9;
	_ =	strace $0x80000048  }
0xc4: {  	_ =	swait.ge [sflag:s29], $0x1  }
0xc5: {  	[sflag:s29] =	ssyncadd.s32 $0xFFFFFFFF  }
0xc6: {  	_ =	strace $0x90000048  }
0xc7: {  	_ =	sfence  }
0xc8: {  	s30 =	sld [smem:$0x0];
	_ =	sdelay $0x2  }
0xc9: {  	s31 =	sshll.u32 s1, $0xD;
	s1 =	sshrl.u32 s1, $0x2  }
0xca: {  	s3 =	sand.u32 $0x4000, s31;
	s1 =	sadd.s32 s1, s30  }
0xcb: {  	s0 =	sor.u32 s3, s0;
	s1 =	sshll.u32 s1, $0x11  }
0xcc: {  	s0 =	sor.u32 s1, s0  }
0xcd: {  	s0 =	sadd.s32 $0x8F2B, s0  }
0xce: {  	[sflag:s0] =	ssyncadd.remote.s32 $0x1  }
0xcf: {  	_ =	sfence.sel $0xFFFF  }
0xd0: {  	[dreg:$0x0] =	wrdreg $0xFFFFFFFF;
	(pc) =	sbr.abs _section_cstart, $3  }
0xd1: {  	[dreg:$0x1] =	wrdreg $0xFFFFFFFF  }
0xd2: {  	_ =	task.clear_ibuf [dreg:s14], $0x2FFFF;
	_ =	strace $0x9FFFFFFF  }
0xd3: {  	(tm) =	ssettm $0x7FFFFFFF  }
tec
execute0_lowered:
.L_overlay_start_1:
0x0: {  	(tag) =	ssettag $0x1  }
0x1: {  	s0 =	rddreg [dreg:$0x0]  }
0x2: {  	s1 =	rddreg [dreg:$0x1]  }
0x3: {  	s4 =	rddreg [dreg:$0x2]  }
0x4: {  	s7 =	rddreg [dreg:$0x3]  }
0x5: {  	s11 =	rddreg [dreg:$0x4];
	s2 =	srdreg.scid  }
0x6: {  	s12 =	rddreg [dreg:$0x5];
	s8 =	stileid.u32;
	s5 =	sand.u32 $0x1, s2  }
0x7: {  	s13 =	rddreg [dreg:$0x6];
	s8 =	sshll.u32 s8, $0xA;
	s9 =	sshll.u32 s5, $0x9  }
0x8: {  	s6 =	rddreg [dreg:$0x7];
	s8 =	sor.u32 s9, s8  }
0x9: {  	s3 =	rddreg [dreg:$0x8];
	s2 =	simm.s32 $0x0;
	s9 =	sshrl.u32 s8, $0x3  }
0xa: {  	[smem:$0x7FF] =	sst s2;
	s1 =	sadd.s32 s1, s9  }
0xb: {  	_ =	strace $0x80000047;
	s19 =	sadd.s32 s4, s9;
	[dreg:$0xa] =	wrdreg s1  }
0xc: {  	s20 =	sadd.s32 s7, s9;
	s7 =	sshll.u32 s8, $0x3;
	[dreg:$0xb] =	wrdreg s19  }
0xd: {  	[dreg:$0xc] =	wrdreg s20;
	s21 =	sadd.s32 s11, s7  }
0xe: {  	s16 =	sadd.s32 $0xB73200, s0;
	s25 =	sadd.s32 s12, s7;
	[dreg:$0xd] =	wrdreg s21  }
0xf: {  	s18 =	sadd.s32 s16, s7;
	[dreg:$0x11] =	wrdreg s25  }
0x10: {  	s8 =	sor.u32 $0x400, s7;
	[dreg:$0x19] =	wrdreg s18  }
0x11: {  	s9 =	sor.u32 $0x800, s7;
	s22 =	sadd.s32 s11, s8;
	s28 =	rddreg [dreg:$0xa]  }
0x12: {  	s10 =	sor.u32 $0xC00, s7;
	s23 =	sadd.s32 s11, s9;
	[dreg:$0xe] =	wrdreg s22  }
0x13: {  	s24 =	sadd.s32 s11, s10;
	[dreg:$0xf] =	wrdreg s23  }
0x14: {  	s26 =	sadd.s32 s12, s8;
	[dreg:$0x10] =	wrdreg s24  }
0x15: {  	s4 =	sadd.s32 s12, s9;
	[dreg:$0x12] =	wrdreg s26  }
0x16: {  	s11 =	sadd.s32 s12, s10;
	[dreg:$0x13] =	wrdreg s4  }
0x17: {  	s12 =	sadd.s32 s13, s7;
	[dreg:$0x14] =	wrdreg s11  }
0x18: {  	s14 =	sadd.s32 s13, s8;
	[dreg:$0x15] =	wrdreg s12  }
0x19: {  	s31 =	simm.s32 $0x100;
	s15 =	sadd.s32 s13, s9;
	[dreg:$0x16] =	wrdreg s14  }
0x1a: {  	s30 =	simm.s32 $0x180;
	s17 =	sadd.s32 s13, s10;
	[dreg:$0x17] =	wrdreg s15  }
0x1b: {  	p0 =	por $0x0, $0x0;
	s19 =	sadd.s32 s16, s8;
	[dreg:$0x18] =	wrdreg s17  }
0x1c: {  	s29 =	sadd.s32 $0x7A2800, s0;
	s20 =	sadd.s32 s16, s9;
	[dreg:$0x1a] =	wrdreg s19  }
0x1d: {  	s5 =	ssub.s32 $0x2, s5;
	s18 =	sadd.s32 s6, s8;
	[dreg:$0x1b] =	wrdreg s20  }
0x1e: {  	s21 =	sadd.s32 $0xB93200, s0;
	s22 =	sadd.s32 s16, s10;
	[smem:$0x7F7] =	sst s18  }
0x1f: {  	s1 =	simm.s32 $0xA600;
	s23 =	sadd.s32 s21, s7;
	[dreg:$0x1c] =	wrdreg s22  }
0x20: {  	s24 =	sadd.s32 s21, s8;
	s25 =	sadd.s32 s21, s9;
	[dreg:$0x1d] =	wrdreg s23  }
0x21: {  	s26 =	sadd.s32 $0xBB3200, s0;
	s11 =	sadd.s32 s21, s10;
	[dreg:$0x1e] =	wrdreg s24  }
0x22: {  	s16 =	sadd.s32 s6, s7;
	s17 =	sadd.s32 $0x16E4C00, s0;
	[dreg:$0x1f] =	wrdreg s25  }
0x23: {  	s4 =	sadd.s32 $0xF43A00, s0;
	s19 =	sadd.s32 s6, s9;
	[smem:$0x7F1] =	sst s11  }
0x24: {  	s6 =	sadd.s32 s6, s10;
	s20 =	sadd.s32 s3, s7;
	[smem:$0x7F6] =	sst s16  }
0x25: {  	s21 =	sadd.s32 s3, s8;
	s18 =	simm.s32 $0x6600;
	[smem:$0x7F8] =	sst s19  }
0x26: {  	s12 =	sadd.s32 s26, s7;
	s13 =	sadd.s32 s26, s8;
	[smem:$0x7F9] =	sst s6  }
0x27: {  	s14 =	sadd.s32 s26, s9;
	s15 =	sadd.s32 s26, s10;
	[smem:$0x7FA] =	sst s20  }
0x28: {  	s26 =	sadd.s32 $0x1E85E00, s0;
	s22 =	sshrl.u32 s5, $0x1;
	[smem:$0x7FB] =	sst s21  }
0x29: {  	s23 =	sadd.s32 s3, s9;
	s24 =	sadd.s32 s3, s10;
	s6 =	simm.s32 $0xD  }
0x2a: {  	s0 =	simm.s32 $0x200;
	s7 =	simm.s32 $0x2600;
	s21 =	simm.s32 $0x4600  }
0x2b: {  	s9 =	simm.s32 $0x1;
	s16 =	simm.s32 $0x8600;
	[smem:$0x7F2] =	sst s12  }
0x2c: {  	s8 =	simm.s32 $0x2;
	[smem:$0x7F3] =	sst s13;
	s5 =	ssub.s32 s5, s22  }
0x2d: {  	s3 =	simm.s32 $0x8;
	[smem:$0x7F4] =	sst s14;
	s25 =	smax.u32 s5, $0x1  }
0x2e: {  	s20 =	simm.s32 $0x5;
	[smem:$0x7F5] =	sst s15;
	p1 =	sne.s32 s25, $0x1  }
.Ltmp0:
0x2f: {  	s19 =	simm.s32 $0x6;
	[smem:$0x7FC] =	sst s23;
	(pc) =	sbr.rel @!p1 .LBB2_1-.Ltmp0, $4  }
0x30: {  	s11 =	simm.s32 $0xB;
	s10 =	simm.s32 $0xC;
	[smem:$0x7FD] =	sst s24  }
0x31: {  	s24 =	simm.s32 $0x400;
	s14 =	simm.s32 $0x80;
	s15 =	simm.s32 $0x600  }
0x32: {  	s23 =	simm.s32 $0x3;
	s22 =	simm.s32 $0x4;
	s13 =	simm.s32 $0x9  }
0x33: {  	s12 =	simm.s32 $0xA;
	s5 =	simm.s32 $0x7;
	s25 =	sadd.s32 $0xFFFFFFFF, s25  }
0x34: {  	[tilespmem:s2], [sflag:$0xD] =	stream.linear.gather [hbm4b:s28+s2], $0x200, $0x38;
	[tilespmem:$0xC600] =	vst v63  }
0x35: {  	_ =	swait.ge [sflag:s6], $0x200  }
0x36: {  	[sflag:s6] =	ssyncset.done $0x0  }
0x37: {  	s28 =	rddreg [dreg:$0xb];
	[sflag:s6] =	ssyncadd.s32 $0xFFFFFE00  }
0x38: {  	[tilespmem:s0], [sflag:$0xD] =	stream.linear.gather [hbm4b:s28+s2], $0x200, $0x38;
	[tilespmem:$0xC600] =	vst v63  }
0x39: {  	_ =	swait.ge [sflag:s6], $0x200  }
0x3a: {  	[sflag:s6] =	ssyncset.done $0x0  }
0x3b: {  	s28 =	rddreg [dreg:$0xc];
	[sflag:s6] =	ssyncadd.s32 $0xFFFFFE00  }
0x3c: {  	[tilespmem:s24], [sflag:$0xD] =	stream.linear.gather [hbm4b:s28+s2], $0x200, $0x38;
	[tilespmem:$0xC600] =	vst v63  }
0x3d: {  	_ =	swait.ge [sflag:s6], $0x200  }
0x3e: {  	[sflag:s6] =	ssyncset.done $0x0  }
0x3f: {  	[sflag:s6] =	ssyncadd.s32 $0xFFFFFE00  }
0x40: {  	[tilespmem:s15], [sflag:$0x1] =	stream.indirect.gather [hbm4b:s17+s14], $0x40, s2, s14, $0xb8;
	[tilespmem:$0xC600] =	vst v63  }
0x41: {  	_ = 	snop  }
0x42: {  	[tilespmem:s7], [sflag:$0x2] =	stream.indirect.gather [hbm4b:s17+s14], $0x40, s14, s14, $0xb8;
	[tilespmem:$0xC600] =	vst v63  }
0x43: {  	_ = 	snop  }
0x44: {  	[tilespmem:s21], [sflag:$0x3] =	stream.indirect.gather [hbm4b:s17+s14], $0x40, s31, s14, $0xb8;
	[tilespmem:$0xC600] =	vst v63  }
0x45: {  	_ = 	snop  }
0x46: {  	[tilespmem:s18], [sflag:$0x4] =	stream.indirect.gather [hbm4b:s17+s14], $0x40, s30, s14, $0xb8;
	[tilespmem:$0xC600] =	vst v63  }
0x47: {  	_ =	swait.ge [sflag:s9], $0x2000  }
0x48: {  	[sflag:s9] =	ssyncset.done $0x0  }
0x49: {  	s28 =	rddreg [dreg:$0xd];
	[sflag:s9] =	ssyncadd.s32 $0xFFFFE000  }
0x4a: {  	[hbm4b:s28+s2] =	stream.linear.scatter [tilespmem:s15], [sflag:$0x7], $0x2000, $0x38;
	[tilespmem:$0xC600] =	vst v63  }
0x4b: {  	_ = 	snop  }
0x4c: {  	[tilespmem:s16], [sflag:$0x5] =	stream.indirect.gather [hbm4b:s4+s14], $0x40, s2, s14, $0xb8;
	[tilespmem:$0xC600] =	vst v63  }
0x4d: {  	_ =	swait.ge [sflag:s8], $0x2000  }
0x4e: {  	[sflag:s8] =	ssyncset.done $0x0  }
0x4f: {  	s28 =	rddreg [dreg:$0xe];
	[sflag:s8] =	ssyncadd.s32 $0xFFFFE000  }
0x50: {  	[hbm4b:s28+s2] =	stream.linear.scatter [tilespmem:s7], [sflag:$0x8], $0x2000, $0x38;
	[tilespmem:$0xC600] =	vst v63  }
0x51: {  	_ = 	snop  }
0x52: {  	[tilespmem:s1], [sflag:$0x6] =	stream.indirect.gather [hbm4b:s4+s14], $0x40, s14, s14, $0xb8;
	[tilespmem:$0xC600] =	vst v63  }
0x53: {  	_ =	swait.ge [sflag:s23], $0x2000  }
0x54: {  	[sflag:s23] =	ssyncset.done $0x0  }
0x55: {  	s28 =	rddreg [dreg:$0xf];
	[sflag:s23] =	ssyncadd.s32 $0xFFFFE000  }
0x56: {  	[hbm4b:s28+s2] =	stream.linear.scatter [tilespmem:s21], [sflag:$0x9], $0x2000, $0x38;
	[tilespmem:$0xC600] =	vst v63  }
0x57: {  	_ =	swait.ge [sflag:s5], $0x2000  }
0x58: {  	[sflag:s5] =	ssyncset.done $0x0  }
0x59: {  	[sflag:s5] =	ssyncadd.s32 $0xFFFFE000  }
0x5a: {  	[tilespmem:s15], [sflag:$0x1] =	stream.indirect.gather [hbm4b:s4+s14], $0x40, s31, s14, $0xb8;
	[tilespmem:$0xC600] =	vst v63  }
0x5b: {  	_ =	swait.ge [sflag:s22], $0x2000  }
0x5c: {  	[sflag:s22] =	ssyncset.done $0x0  }
0x5d: {  	s28 =	rddreg [dreg:$0x10];
	[sflag:s22] =	ssyncadd.s32 $0xFFFFE000  }
0x5e: {  	[hbm4b:s28+s2] =	stream.linear.scatter [tilespmem:s18], [sflag:$0xA], $0x2000, $0x38;
	[tilespmem:$0xC600] =	vst v63  }
0x5f: {  	_ =	swait.ge [sflag:s3], $0x2000  }
0x60: {  	[sflag:s3] =	ssyncset.done $0x0  }
0x61: {  	[sflag:s3] =	ssyncadd.s32 $0xFFFFE000  }
0x62: {  	[tilespmem:s7], [sflag:$0x2] =	stream.indirect.gather [hbm4b:s4+s14], $0x40, s30, s14, $0xb8;
	[tilespmem:$0xC600] =	vst v63  }
0x63: {  	_ =	swait.ge [sflag:s20], $0x2000  }
0x64: {  	[sflag:s20] =	ssyncset.done $0x0  }
0x65: {  	s28 =	rddreg [dreg:$0x11];
	[sflag:s20] =	ssyncadd.s32 $0xFFFFE000  }
0x66: {  	[hbm4b:s28+s2] =	stream.linear.scatter [tilespmem:s16], [sflag:$0xB], $0x2000, $0x38;
	[tilespmem:$0xC600] =	vst v63  }
0x67: {  	_ =	swait.ge [sflag:s13], $0x2000  }
0x68: {  	[sflag:s13] =	ssyncset.done $0x0  }
0x69: {  	[sflag:s13] =	ssyncadd.s32 $0xFFFFE000  }
0x6a: {  	[tilespmem:s21], [sflag:$0x3] =	stream.indirect.gather [hbm4b:s17+s14], $0x40, s0, s14, $0xb8;
	[tilespmem:$0xC600] =	vst v63  }
0x6b: {  	_ =	swait.ge [sflag:s19], $0x2000  }
0x6c: {  	[sflag:s19] =	ssyncset.done $0x0  }
0x6d: {  	s28 =	rddreg [dreg:$0x12];
	[sflag:s19] =	ssyncadd.s32 $0xFFFFE000  }
0x6e: {  	[hbm4b:s28+s2] =	stream.linear.scatter [tilespmem:s1], [sflag:$0xC], $0x2000, $0x38;
	[tilespmem:$0xC600] =	vst v63  }
0x6f: {  	_ =	swait.ge [sflag:s12], $0x2000  }
0x70: {  	[sflag:s12] =	ssyncset.done $0x0  }
0x71: {  	s24 =	simm.s32 $0x280;
	[sflag:s12] =	ssyncadd.s32 $0xFFFFE000  }
0x72: {  	[tilespmem:s18], [sflag:$0x4] =	stream.indirect.gather [hbm4b:s17+s14], $0x40, s24, s14, $0xb8;
	[tilespmem:$0xC600] =	vst v63  }
0x73: {  	_ =	swait.ge [sflag:s9], $0x2000  }
0x74: {  	[sflag:s9] =	ssyncset.done $0x0  }
0x75: {  	s28 =	rddreg [dreg:$0x13];
	[sflag:s9] =	ssyncadd.s32 $0xFFFFE000  }
0x76: {  	[hbm4b:s28+s2] =	stream.linear.scatter [tilespmem:s15], [sflag:$0x7], $0x2000, $0x38;
	[tilespmem:$0xC600] =	vst v63  }
0x77: {  	_ =	swait.ge [sflag:s11], $0x2000  }
0x78: {  	[sflag:s11] =	ssyncset.done $0x0  }
0x79: {  	s30 =	simm.s32 $0x300;
	[sflag:s11] =	ssyncadd.s32 $0xFFFFE000  }
0x7a: {  	[tilespmem:s16], [sflag:$0x5] =	stream.indirect.gather [hbm4b:s17+s14], $0x40, s30, s14, $0xb8;
	[tilespmem:$0xC600] =	vst v63  }
0x7b: {  	_ =	swait.ge [sflag:s8], $0x2000  }
0x7c: {  	[sflag:s8] =	ssyncset.done $0x0  }
0x7d: {  	s28 =	rddreg [dreg:$0x14];
	[sflag:s8] =	ssyncadd.s32 $0xFFFFE000  }
0x7e: {  	[hbm4b:s28+s2] =	stream.linear.scatter [tilespmem:s7], [sflag:$0x8], $0x2000, $0x38;
	[tilespmem:$0xC600] =	vst v63  }
0x7f: {  	_ =	swait.ge [sflag:s10], $0x2000  }
0x80: {  	s0 =	simm.s32 $0x380;
	[sflag:s10] =	ssyncset.done $0x0  }
0x81: {  	s16 =	simm.s32 $0xA600;
	[smem:$0x7F0] =	sst s25;
	[sflag:s10] =	ssyncadd.s32 $0xFFFFE000  }
0x82: {  	[tilespmem:s16], [sflag:$0x6] =	stream.indirect.gather [hbm4b:s17+s14], $0x40, s0, s14, $0xb8;
	[tilespmem:$0xC600] =	vst v63  }
0x83: {  	_ =	swait.ge [sflag:s23], $0x2000  }
0x84: {  	[sflag:s23] =	ssyncset.done $0x0  }
0x85: {  	s25 =	simm.s32 $0x4600;
	s28 =	rddreg [dreg:$0x15];
	[sflag:s23] =	ssyncadd.s32 $0xFFFFE000  }
0x86: {  	[hbm4b:s28+s2] =	stream.linear.scatter [tilespmem:s25], [sflag:$0x9], $0x2000, $0x38;
	[tilespmem:$0xC600] =	vst v63  }
0x87: {  	_ =	swait.ge [sflag:s5], $0x2000  }
0x88: {  	[sflag:s5] =	ssyncset.done $0x0  }
0x89: {  	s6 =	simm.s32 $0x600;
	s15 =	simm.s32 $0x200;
	[sflag:s5] =	ssyncadd.s32 $0xFFFFE000  }
0x8a: {  	[tilespmem:s6], [sflag:$0x1] =	stream.indirect.gather [hbm4b:s4+s14], $0x40, s15, s14, $0xb8;
	[tilespmem:$0xC600] =	vst v63  }
0x8b: {  	_ =	swait.ge [sflag:s22], $0x2000  }
0x8c: {  	[sflag:s22] =	ssyncset.done $0x0  }
0x8d: {  	s21 =	simm.s32 $0x6600;
	s28 =	rddreg [dreg:$0x16];
	[sflag:s22] =	ssyncadd.s32 $0xFFFFE000  }
0x8e: {  	[hbm4b:s28+s2] =	stream.linear.scatter [tilespmem:s21], [sflag:$0xA], $0x2000, $0x38;
	[tilespmem:$0xC600] =	vst v63  }
0x8f: {  	_ =	swait.ge [sflag:s3], $0x2000  }
0x90: {  	[sflag:s3] =	ssyncset.done $0x0  }
0x91: {  	s7 =	simm.s32 $0x2600;
	[sflag:s3] =	ssyncadd.s32 $0xFFFFE000  }
0x92: {  	[tilespmem:s7], [sflag:$0x2] =	stream.indirect.gather [hbm4b:s4+s14], $0x40, s24, s14, $0xb8;
	[tilespmem:$0xC600] =	vst v63  }
0x93: {  	_ =	swait.ge [sflag:s20], $0x2000  }
0x94: {  	[sflag:s20] =	ssyncset.done $0x0  }
0x95: {  	s18 =	simm.s32 $0x8600;
	s28 =	rddreg [dreg:$0x17];
	[sflag:s20] =	ssyncadd.s32 $0xFFFFE000  }
0x96: {  	[hbm4b:s28+s2] =	stream.linear.scatter [tilespmem:s18], [sflag:$0xB], $0x2000, $0x38;
	[tilespmem:$0xC600] =	vst v63  }
0x97: {  	_ =	swait.ge [sflag:s13], $0x2000  }
0x98: {  	[sflag:s13] =	ssyncset.done $0x0  }
0x99: {  	[sflag:s13] =	ssyncadd.s32 $0xFFFFE000  }
0x9a: {  	[tilespmem:s25], [sflag:$0x3] =	stream.indirect.gather [hbm4b:s4+s14], $0x40, s30, s14, $0xb8;
	[tilespmem:$0xC600] =	vst v63  }
0x9b: {  	_ =	swait.ge [sflag:s19], $0x2000  }
0x9c: {  	[sflag:s19] =	ssyncset.done $0x0  }
0x9d: {  	s28 =	rddreg [dreg:$0x18];
	[sflag:s19] =	ssyncadd.s32 $0xFFFFE000  }
0x9e: {  	[hbm4b:s28+s2] =	stream.linear.scatter [tilespmem:s16], [sflag:$0xC], $0x2000, $0x38;
	[tilespmem:$0xC600] =	vst v63  }
0x9f: {  	_ =	swait.ge [sflag:s12], $0x2000  }
0xa0: {  	[sflag:s12] =	ssyncset.done $0x0  }
0xa1: {  	[sflag:s12] =	ssyncadd.s32 $0xFFFFE000  }
0xa2: {  	[tilespmem:s21], [sflag:$0x4] =	stream.indirect.gather [hbm4b:s4+s14], $0x40, s0, s14, $0xb8;
	[tilespmem:$0xC600] =	vst v63  }
0xa3: {  	_ =	swait.ge [sflag:s9], $0x2000  }
0xa4: {  	[sflag:s9] =	ssyncset.done $0x0  }
0xa5: {  	s28 =	rddreg [dreg:$0x19];
	[sflag:s9] =	ssyncadd.s32 $0xFFFFE000  }
0xa6: {  	[hbm4b:s28+s2] =	stream.linear.scatter [tilespmem:s6], [sflag:$0x7], $0x2000, $0x38;
	[tilespmem:$0xC600] =	vst v63  }
0xa7: {  	_ =	swait.ge [sflag:s11], $0x2000  }
0xa8: {  	[sflag:s11] =	ssyncset.done $0x0  }
0xa9: {  	[sflag:s11] =	ssyncadd.s32 $0xFFFFE000  }
0xaa: {  	[tilespmem:s18], [sflag:$0x5] =	stream.indirect.gather [hbm4b:s26+s14], $0x40, s2, s14, $0xb8;
	[tilespmem:$0xC600] =	vst v63  }
0xab: {  	_ =	swait.ge [sflag:s8], $0x2000  }
0xac: {  	[sflag:s8] =	ssyncset.done $0x0  }
0xad: {  	s28 =	rddreg [dreg:$0x1a];
	[sflag:s8] =	ssyncadd.s32 $0xFFFFE000  }
0xae: {  	[hbm4b:s28+s2] =	stream.linear.scatter [tilespmem:s7], [sflag:$0x8], $0x2000, $0x38;
	[tilespmem:$0xC600] =	vst v63  }
0xaf: {  	_ =	swait.ge [sflag:s10], $0x2000  }
0xb0: {  	[sflag:s10] =	ssyncset.done $0x0  }
0xb1: {  	[sflag:s10] =	ssyncadd.s32 $0xFFFFE000  }
0xb2: {  	[tilespmem:s16], [sflag:$0x6] =	stream.indirect.gather [hbm4b:s26+s14], $0x40, s14, s14, $0xb8;
	[tilespmem:$0xC600] =	vst v63  }
0xb3: {  	_ =	swait.ge [sflag:s23], $0x2000  }
0xb4: {  	[sflag:s23] =	ssyncset.done $0x0  }
0xb5: {  	s28 =	rddreg [dreg:$0x1b];
	[sflag:s23] =	ssyncadd.s32 $0xFFFFE000  }
0xb6: {  	[hbm4b:s28+s2] =	stream.linear.scatter [tilespmem:s25], [sflag:$0x9], $0x2000, $0x38;
	[tilespmem:$0xC600] =	vst v63  }
0xb7: {  	_ =	swait.ge [sflag:s5], $0x2000  }
0xb8: {  	[sflag:s5] =	ssyncset.done $0x0  }
0xb9: {  	s31 =	simm.s32 $0x100;
	[sflag:s5] =	ssyncadd.s32 $0xFFFFE000  }
0xba: {  	[tilespmem:s6], [sflag:$0x1] =	stream.indirect.gather [hbm4b:s26+s14], $0x40, s31, s14, $0xb8;
	[tilespmem:$0xC600] =	vst v63  }
0xbb: {  	_ =	swait.ge [sflag:s22], $0x2000  }
0xbc: {  	[sflag:s22] =	ssyncset.done $0x0  }
0xbd: {  	s28 =	rddreg [dreg:$0x1c];
	[sflag:s22] =	ssyncadd.s32 $0xFFFFE000  }
0xbe: {  	[hbm4b:s28+s2] =	stream.linear.scatter [tilespmem:s21], [sflag:$0xA], $0x2000, $0x38;
	[tilespmem:$0xC600] =	vst v63  }
0xbf: {  	_ =	swait.ge [sflag:s3], $0x2000  }
0xc0: {  	s1 =	smov.u32 s29;
	[sflag:s3] =	ssyncset.done $0x0  }
0xc1: {  	s29 =	simm.s32 $0x180;
	[smem:$0x7EF] =	sst s26;
	[sflag:s3] =	ssyncadd.s32 $0xFFFFE000  }
0xc2: {  	[tilespmem:s7], [sflag:$0x2] =	stream.indirect.gather [hbm4b:s26+s14], $0x40, s29, s14, $0xb8;
	[tilespmem:$0xC600] =	vst v63  }
0xc3: {  	_ =	swait.ge [sflag:s20], $0x2000  }
0xc4: {  	[sflag:s20] =	ssyncset.done $0x0  }
0xc5: {  	s28 =	rddreg [dreg:$0x1d];
	[sflag:s20] =	ssyncadd.s32 $0xFFFFE000  }
0xc6: {  	[hbm4b:s28+s2] =	stream.linear.scatter [tilespmem:s18], [sflag:$0xB], $0x2000, $0x38;
	[tilespmem:$0xC600] =	vst v63  }
0xc7: {  	_ =	swait.ge [sflag:s13], $0x2000  }
0xc8: {  	[sflag:s13] =	ssyncset.done $0x0  }
0xc9: {  	[sflag:s13] =	ssyncadd.s32 $0xFFFFE000  }
0xca: {  	[tilespmem:s25], [sflag:$0x3] =	stream.indirect.gather [hbm4b:s1+s14], $0x40, s2, s14, $0xb8;
	[tilespmem:$0xC600] =	vst v63  }
0xcb: {  	_ =	swait.ge [sflag:s19], $0x2000  }
0xcc: {  	[sflag:s19] =	ssyncset.done $0x0  }
0xcd: {  	s28 =	rddreg [dreg:$0x1e];
	[sflag:s19] =	ssyncadd.s32 $0xFFFFE000  }
0xce: {  	[hbm4b:s28+s2] =	stream.linear.scatter [tilespmem:s16], [sflag:$0xC], $0x2000, $0x38;
	[tilespmem:$0xC600] =	vst v63  }
0xcf: {  	_ =	swait.ge [sflag:s12], $0x2000  }
0xd0: {  	[sflag:s12] =	ssyncset.done $0x0  }
0xd1: {  	[sflag:s12] =	ssyncadd.s32 $0xFFFFE000  }
0xd2: {  	[tilespmem:s21], [sflag:$0x4] =	stream.indirect.gather [hbm4b:s1+s14], $0x40, s14, s14, $0xb8;
	[tilespmem:$0xC600] =	vst v63  }
0xd3: {  	_ =	swait.ge [sflag:s9], $0x2000  }
0xd4: {  	[sflag:s9] =	ssyncset.done $0x0  }
0xd5: {  	s28 =	rddreg [dreg:$0x1f];
	[sflag:s9] =	ssyncadd.s32 $0xFFFFE000  }
0xd6: {  	[hbm4b:s28+s2] =	stream.linear.scatter [tilespmem:s6], [sflag:$0x7], $0x2000, $0x38;
	[tilespmem:$0xC600] =	vst v63  }
0xd7: {  	_ =	swait.ge [sflag:s11], $0x2000  }
0xd8: {  	[sflag:s11] =	ssyncset.done $0x0  }
0xd9: {  	[sflag:s11] =	ssyncadd.s32 $0xFFFFE000  }
0xda: {  	[tilespmem:s18], [sflag:$0x5] =	stream.indirect.gather [hbm4b:s1+s14], $0x40, s31, s14, $0xb8;
	[tilespmem:$0xC600] =	vst v63  }
0xdb: {  	_ =	swait.ge [sflag:s8], $0x2000  }
0xdc: {  	s28 =	sld [smem:$0x7F1]  }
0xdd: {  	[sflag:s8] =	ssyncset.done $0x0  }
0xde: {  	[sflag:s8] =	ssyncadd.s32 $0xFFFFE000  }
0xdf: {  	[hbm4b:s28+s2] =	stream.linear.scatter [tilespmem:s7], [sflag:$0x8], $0x2000, $0x38;
	[tilespmem:$0xC600] =	vst v63  }
0xe0: {  	_ =	swait.ge [sflag:s10], $0x2000  }
0xe1: {  	[sflag:s10] =	ssyncset.done $0x0  }
0xe2: {  	[sflag:s10] =	ssyncadd.s32 $0xFFFFE000  }
0xe3: {  	[tilespmem:s16], [sflag:$0x6] =	stream.indirect.gather [hbm4b:s1+s14], $0x40, s29, s14, $0xb8;
	[tilespmem:$0xC600] =	vst v63  }
0xe4: {  	_ =	swait.ge [sflag:s23], $0x2000  }
0xe5: {  	s28 =	sld [smem:$0x7F2]  }
0xe6: {  	[sflag:s23] =	ssyncset.done $0x0  }
0xe7: {  	[sflag:s23] =	ssyncadd.s32 $0xFFFFE000  }
0xe8: {  	[hbm4b:s28+s2] =	stream.linear.scatter [tilespmem:s25], [sflag:$0x9], $0x2000, $0x38;
	[tilespmem:$0xC600] =	vst v63  }
0xe9: {  	_ =	swait.ge [sflag:s5], $0x2000  }
0xea: {  	[sflag:s5] =	ssyncset.done $0x0  }
0xeb: {  	s24 =	simm.s32 $0x400;
	[sflag:s5] =	ssyncadd.s32 $0xFFFFE000  }
0xec: {  	[tilespmem:s6], [sflag:$0x1] =	stream.indirect.gather [hbm4b:s17+s14], $0x40, s24, s14, $0xb8;
	[tilespmem:$0xC600] =	vst v63  }
0xed: {  	_ =	swait.ge [sflag:s22], $0x2000  }
0xee: {  	s28 =	sld [smem:$0x7F3]  }
0xef: {  	[sflag:s22] =	ssyncset.done $0x0  }
0xf0: {  	[sflag:s22] =	ssyncadd.s32 $0xFFFFE000  }
0xf1: {  	[hbm4b:s28+s2] =	stream.linear.scatter [tilespmem:s21], [sflag:$0xA], $0x2000, $0x38;
	[tilespmem:$0xC600] =	vst v63  }
0xf2: {  	_ =	swait.ge [sflag:s3], $0x2000  }
0xf3: {  	[sflag:s3] =	ssyncset.done $0x0  }
0xf4: {  	s15 =	simm.s32 $0x480;
	[sflag:s3] =	ssyncadd.s32 $0xFFFFE000  }
0xf5: {  	[tilespmem:s7], [sflag:$0x2] =	stream.indirect.gather [hbm4b:s17+s14], $0x40, s15, s14, $0xb8;
	[tilespmem:$0xC600] =	vst v63  }
0xf6: {  	_ =	swait.ge [sflag:s20], $0x2000  }
0xf7: {  	s28 =	sld [smem:$0x7F4]  }
0xf8: {  	[sflag:s20] =	ssyncset.done $0x0  }
0xf9: {  	[sflag:s20] =	ssyncadd.s32 $0xFFFFE000  }
0xfa: {  	[hbm4b:s28+s2] =	stream.linear.scatter [tilespmem:s18], [sflag:$0xB], $0x2000, $0x38;
	[tilespmem:$0xC600] =	vst v63  }
0xfb: {  	_ =	swait.ge [sflag:s13], $0x2000  }
0xfc: {  	[sflag:s13] =	ssyncset.done $0x0  }
0xfd: {  	s26 =	simm.s32 $0x500;
	[sflag:s13] =	ssyncadd.s32 $0xFFFFE000  }
0xfe: {  	[tilespmem:s25], [sflag:$0x3] =	stream.indirect.gather [hbm4b:s17+s14], $0x40, s26, s14, $0xb8;
	[tilespmem:$0xC600] =	vst v63  }
0xff: {  	_ =	swait.ge [sflag:s19], $0x2000  }
0x100: {  	s28 =	sld [smem:$0x7F5]  }
0x101: {  	[sflag:s19] =	ssyncset.done $0x0  }
0x102: {  	[sflag:s19] =	ssyncadd.s32 $0xFFFFE000  }
0x103: {  	[hbm4b:s28+s2] =	stream.linear.scatter [tilespmem:s16], [sflag:$0xC], $0x2000, $0x38;
	[tilespmem:$0xC600] =	vst v63  }
0x104: {  	_ =	swait.ge [sflag:s12], $0x2000  }
0x105: {  	[sflag:s12] =	ssyncset.done $0x0  }
0x106: {  	s29 =	simm.s32 $0x580;
	[sflag:s12] =	ssyncadd.s32 $0xFFFFE000  }
0x107: {  	[tilespmem:s21], [sflag:$0x4] =	stream.indirect.gather [hbm4b:s17+s14], $0x40, s29, s14, $0xb8;
	[tilespmem:$0xC600] =	vst v63  }
0x108: {  	_ =	swait.ge [sflag:s9], $0x2000  }
0x109: {  	s28 =	sld [smem:$0x7F6]  }
0x10a: {  	[sflag:s9] =	ssyncset.done $0x0  }
0x10b: {  	[sflag:s9] =	ssyncadd.s32 $0xFFFFE000  }
0x10c: {  	[hbm4b:s28+s2] =	stream.linear.scatter [tilespmem:s6], [sflag:$0x7], $0x2000, $0x38;
	[tilespmem:$0xC600] =	vst v63  }
0x10d: {  	_ =	swait.ge [sflag:s11], $0x2000  }
0x10e: {  	[sflag:s11] =	ssyncset.done $0x0  }
0x10f: {  	[sflag:s11] =	ssyncadd.s32 $0xFFFFE000  }
0x110: {  	[tilespmem:s18], [sflag:$0x5] =	stream.indirect.gather [hbm4b:s4+s14], $0x40, s24, s14, $0xb8;
	[tilespmem:$0xC600] =	vst v63  }
0x111: {  	_ =	swait.ge [sflag:s8], $0x2000  }
0x112: {  	s28 =	sld [smem:$0x7F7]  }
0x113: {  	[sflag:s8] =	ssyncset.done $0x0  }
0x114: {  	[sflag:s8] =	ssyncadd.s32 $0xFFFFE000  }
0x115: {  	[hbm4b:s28+s2] =	stream.linear.scatter [tilespmem:s7], [sflag:$0x8], $0x2000, $0x38;
	[tilespmem:$0xC600] =	vst v63  }
0x116: {  	_ =	swait.ge [sflag:s10], $0x2000  }
0x117: {  	[sflag:s10] =	ssyncset.done $0x0  }
0x118: {  	[sflag:s10] =	ssyncadd.s32 $0xFFFFE000  }
0x119: {  	[tilespmem:s16], [sflag:$0x6] =	stream.indirect.gather [hbm4b:s4+s14], $0x40, s15, s14, $0xb8;
	[tilespmem:$0xC600] =	vst v63  }
0x11a: {  	_ =	swait.ge [sflag:s23], $0x2000  }
0x11b: {  	s28 =	sld [smem:$0x7F8]  }
0x11c: {  	[sflag:s23] =	ssyncset.done $0x0  }
0x11d: {  	[sflag:s23] =	ssyncadd.s32 $0xFFFFE000  }
0x11e: {  	[hbm4b:s28+s2] =	stream.linear.scatter [tilespmem:s25], [sflag:$0x9], $0x2000, $0x38;
	[tilespmem:$0xC600] =	vst v63  }
0x11f: {  	_ =	swait.ge [sflag:s5], $0x2000  }
0x120: {  	[sflag:s5] =	ssyncset.done $0x0  }
0x121: {  	[sflag:s5] =	ssyncadd.s32 $0xFFFFE000  }
0x122: {  	[tilespmem:s6], [sflag:$0x1] =	stream.indirect.gather [hbm4b:s4+s14], $0x40, s26, s14, $0xb8;
	[tilespmem:$0xC600] =	vst v63  }
0x123: {  	_ =	swait.ge [sflag:s22], $0x2000  }
0x124: {  	s28 =	sld [smem:$0x7F9]  }
0x125: {  	[sflag:s22] =	ssyncset.done $0x0  }
0x126: {  	[sflag:s22] =	ssyncadd.s32 $0xFFFFE000  }
0x127: {  	[hbm4b:s28+s2] =	stream.linear.scatter [tilespmem:s21], [sflag:$0xA], $0x2000, $0x38;
	[tilespmem:$0xC600] =	vst v63  }
0x128: {  	_ =	swait.ge [sflag:s3], $0x2000  }
0x129: {  	[sflag:s3] =	ssyncset.done $0x0  }
0x12a: {  	[sflag:s3] =	ssyncadd.s32 $0xFFFFE000  }
0x12b: {  	[tilespmem:s7], [sflag:$0x2] =	stream.indirect.gather [hbm4b:s4+s14], $0x40, s29, s14, $0xb8;
	[tilespmem:$0xC600] =	vst v63  }
0x12c: {  	_ =	swait.ge [sflag:s20], $0x2000  }
0x12d: {  	s28 =	sld [smem:$0x7FA]  }
0x12e: {  	[sflag:s20] =	ssyncset.done $0x0  }
0x12f: {  	[sflag:s20] =	ssyncadd.s32 $0xFFFFE000  }
0x130: {  	[hbm4b:s28+s2] =	stream.linear.scatter [tilespmem:s18], [sflag:$0xB], $0x2000, $0x38;
	[tilespmem:$0xC600] =	vst v63  }
0x131: {  	_ =	swait.ge [sflag:s19], $0x2000  }
0x132: {  	s28 =	sld [smem:$0x7FB]  }
0x133: {  	[sflag:s19] =	ssyncset.done $0x0  }
0x134: {  	[sflag:s19] =	ssyncadd.s32 $0xFFFFE000  }
0x135: {  	[hbm4b:s28+s2] =	stream.linear.scatter [tilespmem:s16], [sflag:$0xC], $0x2000, $0x38;
	[tilespmem:$0xC600] =	vst v63  }
0x136: {  	_ =	swait.ge [sflag:s9], $0x2000  }
0x137: {  	s28 =	sld [smem:$0x7FC]  }
0x138: {  	[sflag:s9] =	ssyncset.done $0x0  }
0x139: {  	[sflag:s9] =	ssyncadd.s32 $0xFFFFE000  }
0x13a: {  	[hbm4b:s28+s2] =	stream.linear.scatter [tilespmem:s6], [sflag:$0x7], $0x2000, $0x38;
	[tilespmem:$0xC600] =	vst v63  }
0x13b: {  	_ =	swait.ge [sflag:s8], $0x2000  }
0x13c: {  	s28 =	sld [smem:$0x7FD]  }
0x13d: {  	[sflag:s8] =	ssyncset.done $0x0  }
0x13e: {  	[sflag:s8] =	ssyncadd.s32 $0xFFFFE000  }
0x13f: {  	[hbm4b:s28+s2] =	stream.linear.scatter [tilespmem:s7], [sflag:$0x8], $0x2000, $0x38;
	[tilespmem:$0xC600] =	vst v63  }
0x140: {  	_ =	swait.ge [sflag:s13], $0x2000  }
0x141: {  	[sflag:s13] =	ssyncset.done $0x0  }
0x142: {  	[sflag:s13] =	ssyncadd.s32 $0xFFFFE000  }
0x143: {  	_ =	swait.ge [sflag:s12], $0x2000  }
0x144: {  	[sflag:s12] =	ssyncset.done $0x0  }
0x145: {  	[sflag:s12] =	ssyncadd.s32 $0xFFFFE000  }
0x146: {  	_ =	swait.ge [sflag:s11], $0x2000  }
0x147: {  	[sflag:s11] =	ssyncset.done $0x0  }
0x148: {  	[sflag:s11] =	ssyncadd.s32 $0xFFFFE000  }
0x149: {  	_ =	swait.ge [sflag:s10], $0x2000  }
0x14a: {  	[sflag:s10] =	ssyncset.done $0x0  }
0x14b: {  	[sflag:s10] =	ssyncadd.s32 $0xFFFFE000  }
0x14c: {  	_ =	swait.ge [sflag:s5], $0x2000  }
0x14d: {  	s31 =	sld [smem:$0x7F0];
	_ =	sdelay $0x2  }
0x14e: {  	p1 =	sne.s32 s31, $0x1  }
.Ltmp1:
0x14f: {  	_ = 	snop;
	(pc) =	sbr.rel @!p1 .LBB2_7-.Ltmp1, $4  }
0x150: {  	[sflag:s5] =	ssyncset.done $0x0  }
0x151: {  	[sflag:s5] =	ssyncadd.s32 $0xFFFFE000  }
0x152: {  	p0 =	por $0x1, $0x1;
	_ =	swait.ge [sflag:s3], $0x2000  }
0x153: {  	s26 =	sadd.s32 $0xFFFFFFFF, s31;
	s28 =	rddreg [dreg:$0xa];
	[sflag:s3] =	ssyncset.done $0x0  }
0x154: {  	s15 =	simm.s32 $0x200  }
.LBB2_4:
0x155: {  	[sflag:s3] =	ssyncadd.s32 $0xFFFFE000;
	s0 =	simm.s32 $0xD  }
0x156: {  	[tilespmem:s2], [sflag:$0xD] =	stream.linear.gather [hbm4b:s28+s2], $0x200, $0x38;
	[tilespmem:$0xC600] =	vst v63  }
0x157: {  	_ =	swait.ge [sflag:s0], $0x200  }
0x158: {  	[sflag:s0] =	ssyncset.done $0x0  }
0x159: {  	s28 =	rddreg [dreg:$0xb];
	[sflag:s0] =	ssyncadd.s32 $0xFFFFFE00  }
0x15a: {  	[tilespmem:s15], [sflag:$0xD] =	stream.linear.gather [hbm4b:s28+s2], $0x200, $0x38;
	[tilespmem:$0xC600] =	vst v63  }
0x15b: {  	_ =	swait.ge [sflag:s0], $0x200  }
0x15c: {  	[sflag:s0] =	ssyncset.done $0x0  }
0x15d: {  	s28 =	rddreg [dreg:$0xc];
	[sflag:s0] =	ssyncadd.s32 $0xFFFFFE00  }
0x15e: {  	[tilespmem:s24], [sflag:$0xD] =	stream.linear.gather [hbm4b:s28+s2], $0x200, $0x38;
	[tilespmem:$0xC600] =	vst v63  }
0x15f: {  	_ =	swait.ge [sflag:s0], $0x200  }
0x160: {  	[sflag:s0] =	ssyncset.done $0x0  }
0x161: {  	[sflag:s0] =	ssyncadd.s32 $0xFFFFFE00  }
0x162: {  	[tilespmem:s6], [sflag:$0x1] =	stream.indirect.gather [hbm4b:s17+s14], $0x40, s2, s14, $0xb8;
	[tilespmem:$0xC600] =	vst v63  }
0x163: {  	_ = 	snop  }
0x164: {  	[tilespmem:s7], [sflag:$0x2] =	stream.indirect.gather [hbm4b:s17+s14], $0x40, s14, s14, $0xb8;
	[tilespmem:$0xC600] =	vst v63  }
0x165: {  	s31 =	simm.s32 $0x100  }
0x166: {  	[tilespmem:s25], [sflag:$0x3] =	stream.indirect.gather [hbm4b:s17+s14], $0x40, s31, s14, $0xb8;
	[tilespmem:$0xC600] =	vst v63  }
0x167: {  	s29 =	simm.s32 $0x180  }
0x168: {  	[tilespmem:s21], [sflag:$0x4] =	stream.indirect.gather [hbm4b:s17+s14], $0x40, s29, s14, $0xb8;
	[tilespmem:$0xC600] =	vst v63  }
0x169: {  	_ =	swait.ge [sflag:s9], $0x2000  }
0x16a: {  	[sflag:s9] =	ssyncset.done $0x0  }
0x16b: {  	s28 =	rddreg [dreg:$0xd];
	[sflag:s9] =	ssyncadd.s32 $0xFFFFE000  }
0x16c: {  	[hbm4b:s28+s2] =	stream.linear.scatter [tilespmem:s6], [sflag:$0x7], $0x2000, $0x38;
	[tilespmem:$0xC600] =	vst v63  }
0x16d: {  	_ = 	snop  }
0x16e: {  	[tilespmem:s18], [sflag:$0x5] =	stream.indirect.gather [hbm4b:s4+s14], $0x40, s2, s14, $0xb8;
	[tilespmem:$0xC600] =	vst v63  }
0x16f: {  	_ =	swait.ge [sflag:s8], $0x2000  }
0x170: {  	[sflag:s8] =	ssyncset.done $0x0  }
0x171: {  	s28 =	rddreg [dreg:$0xe];
	[sflag:s8] =	ssyncadd.s32 $0xFFFFE000  }
0x172: {  	[hbm4b:s28+s2] =	stream.linear.scatter [tilespmem:s7], [sflag:$0x8], $0x2000, $0x38;
	[tilespmem:$0xC600] =	vst v63  }
0x173: {  	_ = 	snop  }
0x174: {  	[tilespmem:s16], [sflag:$0x6] =	stream.indirect.gather [hbm4b:s4+s14], $0x40, s14, s14, $0xb8;
	[tilespmem:$0xC600] =	vst v63  }
0x175: {  	_ =	swait.ge [sflag:s23], $0x2000  }
0x176: {  	[sflag:s23] =	ssyncset.done $0x0  }
0x177: {  	s28 =	rddreg [dreg:$0xf];
	[sflag:s23] =	ssyncadd.s32 $0xFFFFE000  }
0x178: {  	[hbm4b:s28+s2] =	stream.linear.scatter [tilespmem:s25], [sflag:$0x9], $0x2000, $0x38;
	[tilespmem:$0xC600] =	vst v63  }
0x179: {  	_ =	swait.ge [sflag:s5], $0x2000  }
0x17a: {  	[sflag:s5] =	ssyncset.done $0x0  }
0x17b: {  	[sflag:s5] =	ssyncadd.s32 $0xFFFFE000  }
0x17c: {  	[tilespmem:s6], [sflag:$0x1] =	stream.indirect.gather [hbm4b:s4+s14], $0x40, s31, s14, $0xb8;
	[tilespmem:$0xC600] =	vst v63  }
0x17d: {  	_ =	swait.ge [sflag:s22], $0x2000  }
0x17e: {  	[sflag:s22] =	ssyncset.done $0x0  }
0x17f: {  	s28 =	rddreg [dreg:$0x10];
	[sflag:s22] =	ssyncadd.s32 $0xFFFFE000  }
0x180: {  	[hbm4b:s28+s2] =	stream.linear.scatter [tilespmem:s21], [sflag:$0xA], $0x2000, $0x38;
	[tilespmem:$0xC600] =	vst v63  }
0x181: {  	_ =	swait.ge [sflag:s3], $0x2000  }
0x182: {  	[sflag:s3] =	ssyncset.done $0x0  }
0x183: {  	[sflag:s3] =	ssyncadd.s32 $0xFFFFE000  }
0x184: {  	[tilespmem:s7], [sflag:$0x2] =	stream.indirect.gather [hbm4b:s4+s14], $0x40, s29, s14, $0xb8;
	[tilespmem:$0xC600] =	vst v63  }
0x185: {  	_ =	swait.ge [sflag:s20], $0x2000  }
0x186: {  	[sflag:s20] =	ssyncset.done $0x0  }
0x187: {  	s28 =	rddreg [dreg:$0x11];
	[sflag:s20] =	ssyncadd.s32 $0xFFFFE000  }
0x188: {  	[hbm4b:s28+s2] =	stream.linear.scatter [tilespmem:s18], [sflag:$0xB], $0x2000, $0x38;
	[tilespmem:$0xC600] =	vst v63  }
0x189: {  	_ =	swait.ge [sflag:s13], $0x2000  }
0x18a: {  	[sflag:s13] =	ssyncset.done $0x0  }
0x18b: {  	[sflag:s13] =	ssyncadd.s32 $0xFFFFE000  }
0x18c: {  	[tilespmem:s25], [sflag:$0x3] =	stream.indirect.gather [hbm4b:s17+s14], $0x40, s15, s14, $0xb8;
	[tilespmem:$0xC600] =	vst v63  }
0x18d: {  	_ =	swait.ge [sflag:s19], $0x2000  }
0x18e: {  	[sflag:s19] =	ssyncset.done $0x0  }
0x18f: {  	s28 =	rddreg [dreg:$0x12];
	[sflag:s19] =	ssyncadd.s32 $0xFFFFE000  }
0x190: {  	[hbm4b:s28+s2] =	stream.linear.scatter [tilespmem:s16], [sflag:$0xC], $0x2000, $0x38;
	[tilespmem:$0xC600] =	vst v63  }
0x191: {  	_ =	swait.ge [sflag:s12], $0x2000  }
0x192: {  	[sflag:s12] =	ssyncset.done $0x0  }
0x193: {  	s24 =	simm.s32 $0x280;
	[sflag:s12] =	ssyncadd.s32 $0xFFFFE000  }
0x194: {  	[tilespmem:s21], [sflag:$0x4] =	stream.indirect.gather [hbm4b:s17+s14], $0x40, s24, s14, $0xb8;
	[tilespmem:$0xC600] =	vst v63  }
0x195: {  	_ =	swait.ge [sflag:s9], $0x2000  }
0x196: {  	[sflag:s9] =	ssyncset.done $0x0  }
0x197: {  	s28 =	rddreg [dreg:$0x13];
	[sflag:s9] =	ssyncadd.s32 $0xFFFFE000  }
0x198: {  	[hbm4b:s28+s2] =	stream.linear.scatter [tilespmem:s6], [sflag:$0x7], $0x2000, $0x38;
	[tilespmem:$0xC600] =	vst v63  }
0x199: {  	_ =	swait.ge [sflag:s11], $0x2000  }
0x19a: {  	[sflag:s11] =	ssyncset.done $0x0  }
0x19b: {  	s30 =	simm.s32 $0x300;
	[sflag:s11] =	ssyncadd.s32 $0xFFFFE000  }
0x19c: {  	[tilespmem:s18], [sflag:$0x5] =	stream.indirect.gather [hbm4b:s17+s14], $0x40, s30, s14, $0xb8;
	[tilespmem:$0xC600] =	vst v63  }
0x19d: {  	_ =	swait.ge [sflag:s8], $0x2000  }
0x19e: {  	[sflag:s8] =	ssyncset.done $0x0  }
0x19f: {  	s28 =	rddreg [dreg:$0x14];
	[sflag:s8] =	ssyncadd.s32 $0xFFFFE000  }
0x1a0: {  	[hbm4b:s28+s2] =	stream.linear.scatter [tilespmem:s7], [sflag:$0x8], $0x2000, $0x38;
	[tilespmem:$0xC600] =	vst v63  }
0x1a1: {  	_ =	swait.ge [sflag:s10], $0x2000  }
0x1a2: {  	[sflag:s10] =	ssyncset.done $0x0  }
0x1a3: {  	s0 =	simm.s32 $0x380;
	[sflag:s10] =	ssyncadd.s32 $0xFFFFE000  }
0x1a4: {  	[tilespmem:s16], [sflag:$0x6] =	stream.indirect.gather [hbm4b:s17+s14], $0x40, s0, s14, $0xb8;
	[tilespmem:$0xC600] =	vst v63  }
0x1a5: {  	_ =	swait.ge [sflag:s23], $0x2000  }
0x1a6: {  	[sflag:s23] =	ssyncset.done $0x0  }
0x1a7: {  	s28 =	rddreg [dreg:$0x15];
	[sflag:s23] =	ssyncadd.s32 $0xFFFFE000  }
0x1a8: {  	[hbm4b:s28+s2] =	stream.linear.scatter [tilespmem:s25], [sflag:$0x9], $0x2000, $0x38;
	[tilespmem:$0xC600] =	vst v63  }
0x1a9: {  	_ =	swait.ge [sflag:s5], $0x2000  }
0x1aa: {  	[sflag:s5] =	ssyncset.done $0x0  }
0x1ab: {  	[sflag:s5] =	ssyncadd.s32 $0xFFFFE000  }
0x1ac: {  	[tilespmem:s6], [sflag:$0x1] =	stream.indirect.gather [hbm4b:s4+s14], $0x40, s15, s14, $0xb8;
	[tilespmem:$0xC600] =	vst v63  }
0x1ad: {  	_ =	swait.ge [sflag:s22], $0x2000  }
0x1ae: {  	[sflag:s22] =	ssyncset.done $0x0  }
0x1af: {  	s28 =	rddreg [dreg:$0x16];
	[sflag:s22] =	ssyncadd.s32 $0xFFFFE000  }
0x1b0: {  	[hbm4b:s28+s2] =	stream.linear.scatter [tilespmem:s21], [sflag:$0xA], $0x2000, $0x38;
	[tilespmem:$0xC600] =	vst v63  }
0x1b1: {  	_ =	swait.ge [sflag:s3], $0x2000  }
0x1b2: {  	[sflag:s3] =	ssyncset.done $0x0  }
0x1b3: {  	[sflag:s3] =	ssyncadd.s32 $0xFFFFE000  }
0x1b4: {  	[tilespmem:s7], [sflag:$0x2] =	stream.indirect.gather [hbm4b:s4+s14], $0x40, s24, s14, $0xb8;
	[tilespmem:$0xC600] =	vst v63  }
0x1b5: {  	_ =	swait.ge [sflag:s20], $0x2000  }
0x1b6: {  	[sflag:s20] =	ssyncset.done $0x0  }
0x1b7: {  	s28 =	rddreg [dreg:$0x17];
	[sflag:s20] =	ssyncadd.s32 $0xFFFFE000  }
0x1b8: {  	[hbm4b:s28+s2] =	stream.linear.scatter [tilespmem:s18], [sflag:$0xB], $0x2000, $0x38;
	[tilespmem:$0xC600] =	vst v63  }
0x1b9: {  	_ =	swait.ge [sflag:s13], $0x2000  }
0x1ba: {  	[sflag:s13] =	ssyncset.done $0x0  }
0x1bb: {  	[sflag:s13] =	ssyncadd.s32 $0xFFFFE000  }
0x1bc: {  	[tilespmem:s25], [sflag:$0x3] =	stream.indirect.gather [hbm4b:s4+s14], $0x40, s30, s14, $0xb8;
	[tilespmem:$0xC600] =	vst v63  }
0x1bd: {  	_ =	swait.ge [sflag:s19], $0x2000  }
0x1be: {  	[sflag:s19] =	ssyncset.done $0x0  }
0x1bf: {  	s28 =	rddreg [dreg:$0x18];
	[sflag:s19] =	ssyncadd.s32 $0xFFFFE000  }
0x1c0: {  	[hbm4b:s28+s2] =	stream.linear.scatter [tilespmem:s16], [sflag:$0xC], $0x2000, $0x38;
	[tilespmem:$0xC600] =	vst v63  }
0x1c1: {  	_ =	swait.ge [sflag:s12], $0x2000  }
0x1c2: {  	[sflag:s12] =	ssyncset.done $0x0  }
0x1c3: {  	[sflag:s12] =	ssyncadd.s32 $0xFFFFE000  }
0x1c4: {  	[tilespmem:s21], [sflag:$0x4] =	stream.indirect.gather [hbm4b:s4+s14], $0x40, s0, s14, $0xb8;
	[tilespmem:$0xC600] =	vst v63  }
0x1c5: {  	_ =	swait.ge [sflag:s9], $0x2000  }
0x1c6: {  	[sflag:s9] =	ssyncset.done $0x0  }
0x1c7: {  	s28 =	rddreg [dreg:$0x19];
	[sflag:s9] =	ssyncadd.s32 $0xFFFFE000  }
0x1c8: {  	[hbm4b:s28+s2] =	stream.linear.scatter [tilespmem:s6], [sflag:$0x7], $0x2000, $0x38;
	[tilespmem:$0xC600] =	vst v63  }
0x1c9: {  	_ =	swait.ge [sflag:s11], $0x2000  }
0x1ca: {  	s30 =	sld [smem:$0x7EF]  }
0x1cb: {  	[sflag:s11] =	ssyncset.done $0x0  }
0x1cc: {  	[sflag:s11] =	ssyncadd.s32 $0xFFFFE000  }
0x1cd: {  	[tilespmem:s18], [sflag:$0x5] =	stream.indirect.gather [hbm4b:s30+s14], $0x40, s2, s14, $0xb8;
	[tilespmem:$0xC600] =	vst v63  }
0x1ce: {  	_ =	swait.ge [sflag:s8], $0x2000  }
0x1cf: {  	[sflag:s8] =	ssyncset.done $0x0  }
0x1d0: {  	s28 =	rddreg [dreg:$0x1a];
	[sflag:s8] =	ssyncadd.s32 $0xFFFFE000  }
0x1d1: {  	[hbm4b:s28+s2] =	stream.linear.scatter [tilespmem:s7], [sflag:$0x8], $0x2000, $0x38;
	[tilespmem:$0xC600] =	vst v63  }
0x1d2: {  	_ =	swait.ge [sflag:s10], $0x2000  }
0x1d3: {  	[sflag:s10] =	ssyncset.done $0x0  }
0x1d4: {  	[sflag:s10] =	ssyncadd.s32 $0xFFFFE000  }
0x1d5: {  	[tilespmem:s16], [sflag:$0x6] =	stream.indirect.gather [hbm4b:s30+s14], $0x40, s14, s14, $0xb8;
	[tilespmem:$0xC600] =	vst v63  }
0x1d6: {  	_ =	swait.ge [sflag:s23], $0x2000  }
0x1d7: {  	[sflag:s23] =	ssyncset.done $0x0  }
0x1d8: {  	s28 =	rddreg [dreg:$0x1b];
	[sflag:s23] =	ssyncadd.s32 $0xFFFFE000  }
0x1d9: {  	[hbm4b:s28+s2] =	stream.linear.scatter [tilespmem:s25], [sflag:$0x9], $0x2000, $0x38;
	[tilespmem:$0xC600] =	vst v63  }
0x1da: {  	_ =	swait.ge [sflag:s5], $0x2000  }
0x1db: {  	[sflag:s5] =	ssyncset.done $0x0  }
0x1dc: {  	[sflag:s5] =	ssyncadd.s32 $0xFFFFE000  }
0x1dd: {  	[tilespmem:s6], [sflag:$0x1] =	stream.indirect.gather [hbm4b:s30+s14], $0x40, s31, s14, $0xb8;
	[tilespmem:$0xC600] =	vst v63  }
0x1de: {  	_ =	swait.ge [sflag:s22], $0x2000  }
0x1df: {  	[sflag:s22] =	ssyncset.done $0x0  }
0x1e0: {  	s28 =	rddreg [dreg:$0x1c];
	[sflag:s22] =	ssyncadd.s32 $0xFFFFE000  }
0x1e1: {  	[hbm4b:s28+s2] =	stream.linear.scatter [tilespmem:s21], [sflag:$0xA], $0x2000, $0x38;
	[tilespmem:$0xC600] =	vst v63  }
0x1e2: {  	_ =	swait.ge [sflag:s3], $0x2000  }
0x1e3: {  	[sflag:s3] =	ssyncset.done $0x0  }
0x1e4: {  	[sflag:s3] =	ssyncadd.s32 $0xFFFFE000  }
0x1e5: {  	[tilespmem:s7], [sflag:$0x2] =	stream.indirect.gather [hbm4b:s30+s14], $0x40, s29, s14, $0xb8;
	[tilespmem:$0xC600] =	vst v63  }
0x1e6: {  	_ =	swait.ge [sflag:s20], $0x2000  }
0x1e7: {  	[sflag:s20] =	ssyncset.done $0x0  }
0x1e8: {  	s28 =	rddreg [dreg:$0x1d];
	[sflag:s20] =	ssyncadd.s32 $0xFFFFE000  }
0x1e9: {  	[hbm4b:s28+s2] =	stream.linear.scatter [tilespmem:s18], [sflag:$0xB], $0x2000, $0x38;
	[tilespmem:$0xC600] =	vst v63  }
0x1ea: {  	_ =	swait.ge [sflag:s13], $0x2000  }
0x1eb: {  	[sflag:s13] =	ssyncset.done $0x0  }
0x1ec: {  	[sflag:s13] =	ssyncadd.s32 $0xFFFFE000  }
0x1ed: {  	[tilespmem:s25], [sflag:$0x3] =	stream.indirect.gather [hbm4b:s1+s14], $0x40, s2, s14, $0xb8;
	[tilespmem:$0xC600] =	vst v63  }
0x1ee: {  	_ =	swait.ge [sflag:s19], $0x2000  }
0x1ef: {  	[sflag:s19] =	ssyncset.done $0x0  }
0x1f0: {  	s28 =	rddreg [dreg:$0x1e];
	[sflag:s19] =	ssyncadd.s32 $0xFFFFE000  }
0x1f1: {  	[hbm4b:s28+s2] =	stream.linear.scatter [tilespmem:s16], [sflag:$0xC], $0x2000, $0x38;
	[tilespmem:$0xC600] =	vst v63  }
0x1f2: {  	_ =	swait.ge [sflag:s12], $0x2000  }
0x1f3: {  	[sflag:s12] =	ssyncset.done $0x0  }
0x1f4: {  	[sflag:s12] =	ssyncadd.s32 $0xFFFFE000  }
0x1f5: {  	[tilespmem:s21], [sflag:$0x4] =	stream.indirect.gather [hbm4b:s1+s14], $0x40, s14, s14, $0xb8;
	[tilespmem:$0xC600] =	vst v63  }
0x1f6: {  	_ =	swait.ge [sflag:s9], $0x2000  }
0x1f7: {  	[sflag:s9] =	ssyncset.done $0x0  }
0x1f8: {  	s28 =	rddreg [dreg:$0x1f];
	[sflag:s9] =	ssyncadd.s32 $0xFFFFE000  }
0x1f9: {  	[hbm4b:s28+s2] =	stream.linear.scatter [tilespmem:s6], [sflag:$0x7], $0x2000, $0x38;
	[tilespmem:$0xC600] =	vst v63  }
0x1fa: {  	_ =	swait.ge [sflag:s11], $0x2000  }
0x1fb: {  	[sflag:s11] =	ssyncset.done $0x0  }
0x1fc: {  	[sflag:s11] =	ssyncadd.s32 $0xFFFFE000  }
0x1fd: {  	[tilespmem:s18], [sflag:$0x5] =	stream.indirect.gather [hbm4b:s1+s14], $0x40, s31, s14, $0xb8;
	[tilespmem:$0xC600] =	vst v63  }
0x1fe: {  	_ =	swait.ge [sflag:s8], $0x2000  }
0x1ff: {  	s28 =	sld [smem:$0x7F1]  }
0x200: {  	[sflag:s8] =	ssyncset.done $0x0  }
0x201: {  	[sflag:s8] =	ssyncadd.s32 $0xFFFFE000  }
0x202: {  	[hbm4b:s28+s2] =	stream.linear.scatter [tilespmem:s7], [sflag:$0x8], $0x2000, $0x38;
	[tilespmem:$0xC600] =	vst v63  }
0x203: {  	_ =	swait.ge [sflag:s10], $0x2000  }
0x204: {  	[sflag:s10] =	ssyncset.done $0x0  }
0x205: {  	[sflag:s10] =	ssyncadd.s32 $0xFFFFE000  }
0x206: {  	[tilespmem:s16], [sflag:$0x6] =	stream.indirect.gather [hbm4b:s1+s14], $0x40, s29, s14, $0xb8;
	[tilespmem:$0xC600] =	vst v63  }
0x207: {  	_ =	swait.ge [sflag:s23], $0x2000  }
0x208: {  	s28 =	sld [smem:$0x7F2]  }
0x209: {  	[sflag:s23] =	ssyncset.done $0x0  }
0x20a: {  	[sflag:s23] =	ssyncadd.s32 $0xFFFFE000  }
0x20b: {  	[hbm4b:s28+s2] =	stream.linear.scatter [tilespmem:s25], [sflag:$0x9], $0x2000, $0x38;
	[tilespmem:$0xC600] =	vst v63  }
0x20c: {  	_ =	swait.ge [sflag:s5], $0x2000  }
0x20d: {  	[sflag:s5] =	ssyncset.done $0x0  }
0x20e: {  	s24 =	simm.s32 $0x400;
	[sflag:s5] =	ssyncadd.s32 $0xFFFFE000  }
0x20f: {  	[tilespmem:s6], [sflag:$0x1] =	stream.indirect.gather [hbm4b:s17+s14], $0x40, s24, s14, $0xb8;
	[tilespmem:$0xC600] =	vst v63  }
0x210: {  	_ =	swait.ge [sflag:s22], $0x2000  }
0x211: {  	s28 =	sld [smem:$0x7F3]  }
0x212: {  	[sflag:s22] =	ssyncset.done $0x0  }
0x213: {  	[sflag:s22] =	ssyncadd.s32 $0xFFFFE000  }
0x214: {  	[hbm4b:s28+s2] =	stream.linear.scatter [tilespmem:s21], [sflag:$0xA], $0x2000, $0x38;
	[tilespmem:$0xC600] =	vst v63  }
0x215: {  	_ =	swait.ge [sflag:s3], $0x2000  }
0x216: {  	[sflag:s3] =	ssyncset.done $0x0  }
0x217: {  	s30 =	simm.s32 $0x480;
	[sflag:s3] =	ssyncadd.s32 $0xFFFFE000  }
0x218: {  	[tilespmem:s7], [sflag:$0x2] =	stream.indirect.gather [hbm4b:s17+s14], $0x40, s30, s14, $0xb8;
	[tilespmem:$0xC600] =	vst v63  }
0x219: {  	_ =	swait.ge [sflag:s20], $0x2000  }
0x21a: {  	s28 =	sld [smem:$0x7F4]  }
0x21b: {  	[sflag:s20] =	ssyncset.done $0x0  }
0x21c: {  	[sflag:s20] =	ssyncadd.s32 $0xFFFFE000  }
0x21d: {  	[hbm4b:s28+s2] =	stream.linear.scatter [tilespmem:s18], [sflag:$0xB], $0x2000, $0x38;
	[tilespmem:$0xC600] =	vst v63  }
0x21e: {  	_ =	swait.ge [sflag:s13], $0x2000  }
0x21f: {  	[sflag:s13] =	ssyncset.done $0x0  }
0x220: {  	s0 =	simm.s32 $0x500;
	[sflag:s13] =	ssyncadd.s32 $0xFFFFE000  }
0x221: {  	[tilespmem:s25], [sflag:$0x3] =	stream.indirect.gather [hbm4b:s17+s14], $0x40, s0, s14, $0xb8;
	[tilespmem:$0xC600] =	vst v63  }
0x222: {  	_ =	swait.ge [sflag:s19], $0x2000  }
0x223: {  	s28 =	sld [smem:$0x7F5]  }
0x224: {  	[sflag:s19] =	ssyncset.done $0x0  }
0x225: {  	[sflag:s19] =	ssyncadd.s32 $0xFFFFE000  }
0x226: {  	[hbm4b:s28+s2] =	stream.linear.scatter [tilespmem:s16], [sflag:$0xC], $0x2000, $0x38;
	[tilespmem:$0xC600] =	vst v63  }
0x227: {  	_ =	swait.ge [sflag:s12], $0x2000  }
0x228: {  	[sflag:s12] =	ssyncset.done $0x0  }
0x229: {  	s29 =	simm.s32 $0x580;
	[sflag:s12] =	ssyncadd.s32 $0xFFFFE000  }
0x22a: {  	[tilespmem:s21], [sflag:$0x4] =	stream.indirect.gather [hbm4b:s17+s14], $0x40, s29, s14, $0xb8;
	[tilespmem:$0xC600] =	vst v63  }
0x22b: {  	_ =	swait.ge [sflag:s9], $0x2000  }
0x22c: {  	s28 =	sld [smem:$0x7F6]  }
0x22d: {  	[sflag:s9] =	ssyncset.done $0x0  }
0x22e: {  	[sflag:s9] =	ssyncadd.s32 $0xFFFFE000  }
0x22f: {  	[hbm4b:s28+s2] =	stream.linear.scatter [tilespmem:s6], [sflag:$0x7], $0x2000, $0x38;
	[tilespmem:$0xC600] =	vst v63  }
0x230: {  	_ =	swait.ge [sflag:s11], $0x2000  }
0x231: {  	[sflag:s11] =	ssyncset.done $0x0  }
0x232: {  	[sflag:s11] =	ssyncadd.s32 $0xFFFFE000  }
0x233: {  	[tilespmem:s18], [sflag:$0x5] =	stream.indirect.gather [hbm4b:s4+s14], $0x40, s24, s14, $0xb8;
	[tilespmem:$0xC600] =	vst v63  }
0x234: {  	_ =	swait.ge [sflag:s8], $0x2000  }
0x235: {  	s28 =	sld [smem:$0x7F7]  }
0x236: {  	[sflag:s8] =	ssyncset.done $0x0  }
0x237: {  	[sflag:s8] =	ssyncadd.s32 $0xFFFFE000  }
0x238: {  	[hbm4b:s28+s2] =	stream.linear.scatter [tilespmem:s7], [sflag:$0x8], $0x2000, $0x38;
	[tilespmem:$0xC600] =	vst v63  }
0x239: {  	_ =	swait.ge [sflag:s10], $0x2000  }
0x23a: {  	[sflag:s10] =	ssyncset.done $0x0  }
0x23b: {  	[sflag:s10] =	ssyncadd.s32 $0xFFFFE000  }
0x23c: {  	[tilespmem:s16], [sflag:$0x6] =	stream.indirect.gather [hbm4b:s4+s14], $0x40, s30, s14, $0xb8;
	[tilespmem:$0xC600] =	vst v63  }
0x23d: {  	_ =	swait.ge [sflag:s23], $0x2000  }
0x23e: {  	s28 =	sld [smem:$0x7F8]  }
0x23f: {  	[sflag:s23] =	ssyncset.done $0x0  }
0x240: {  	[sflag:s23] =	ssyncadd.s32 $0xFFFFE000  }
0x241: {  	[hbm4b:s28+s2] =	stream.linear.scatter [tilespmem:s25], [sflag:$0x9], $0x2000, $0x38;
	[tilespmem:$0xC600] =	vst v63  }
0x242: {  	_ =	swait.ge [sflag:s5], $0x2000  }
0x243: {  	[sflag:s5] =	ssyncset.done $0x0  }
0x244: {  	[sflag:s5] =	ssyncadd.s32 $0xFFFFE000  }
0x245: {  	[tilespmem:s6], [sflag:$0x1] =	stream.indirect.gather [hbm4b:s4+s14], $0x40, s0, s14, $0xb8;
	[tilespmem:$0xC600] =	vst v63  }
0x246: {  	_ =	swait.ge [sflag:s22], $0x2000  }
0x247: {  	s28 =	sld [smem:$0x7F9]  }
0x248: {  	[sflag:s22] =	ssyncset.done $0x0  }
0x249: {  	[sflag:s22] =	ssyncadd.s32 $0xFFFFE000  }
0x24a: {  	[hbm4b:s28+s2] =	stream.linear.scatter [tilespmem:s21], [sflag:$0xA], $0x2000, $0x38;
	[tilespmem:$0xC600] =	vst v63  }
0x24b: {  	_ =	swait.ge [sflag:s3], $0x2000  }
0x24c: {  	[sflag:s3] =	ssyncset.done $0x0  }
0x24d: {  	[sflag:s3] =	ssyncadd.s32 $0xFFFFE000  }
0x24e: {  	[tilespmem:s7], [sflag:$0x2] =	stream.indirect.gather [hbm4b:s4+s14], $0x40, s29, s14, $0xb8;
	[tilespmem:$0xC600] =	vst v63  }
0x24f: {  	_ =	swait.ge [sflag:s20], $0x2000  }
0x250: {  	s28 =	sld [smem:$0x7FA]  }
0x251: {  	[sflag:s20] =	ssyncset.done $0x0  }
0x252: {  	[sflag:s20] =	ssyncadd.s32 $0xFFFFE000  }
0x253: {  	[hbm4b:s28+s2] =	stream.linear.scatter [tilespmem:s18], [sflag:$0xB], $0x2000, $0x38;
	[tilespmem:$0xC600] =	vst v63  }
0x254: {  	_ =	swait.ge [sflag:s19], $0x2000  }
0x255: {  	s28 =	sld [smem:$0x7FB]  }
0x256: {  	[sflag:s19] =	ssyncset.done $0x0  }
0x257: {  	[sflag:s19] =	ssyncadd.s32 $0xFFFFE000  }
0x258: {  	[hbm4b:s28+s2] =	stream.linear.scatter [tilespmem:s16], [sflag:$0xC], $0x2000, $0x38;
	[tilespmem:$0xC600] =	vst v63  }
0x259: {  	_ =	swait.ge [sflag:s9], $0x2000  }
0x25a: {  	s28 =	sld [smem:$0x7FC]  }
0x25b: {  	[sflag:s9] =	ssyncset.done $0x0  }
0x25c: {  	[sflag:s9] =	ssyncadd.s32 $0xFFFFE000  }
0x25d: {  	[hbm4b:s28+s2] =	stream.linear.scatter [tilespmem:s6], [sflag:$0x7], $0x2000, $0x38;
	[tilespmem:$0xC600] =	vst v63  }
0x25e: {  	_ =	swait.ge [sflag:s8], $0x2000  }
0x25f: {  	s28 =	sld [smem:$0x7FD]  }
0x260: {  	[sflag:s8] =	ssyncset.done $0x0  }
0x261: {  	[sflag:s8] =	ssyncadd.s32 $0xFFFFE000  }
0x262: {  	[hbm4b:s28+s2] =	stream.linear.scatter [tilespmem:s7], [sflag:$0x8], $0x2000, $0x38;
	[tilespmem:$0xC600] =	vst v63  }
0x263: {  	_ =	swait.ge [sflag:s13], $0x2000  }
0x264: {  	[sflag:s13] =	ssyncset.done $0x0  }
0x265: {  	[sflag:s13] =	ssyncadd.s32 $0xFFFFE000  }
0x266: {  	_ =	swait.ge [sflag:s12], $0x2000  }
0x267: {  	[sflag:s12] =	ssyncset.done $0x0  }
0x268: {  	[sflag:s12] =	ssyncadd.s32 $0xFFFFE000  }
0x269: {  	_ =	swait.ge [sflag:s11], $0x2000  }
0x26a: {  	[sflag:s11] =	ssyncset.done $0x0  }
0x26b: {  	[sflag:s11] =	ssyncadd.s32 $0xFFFFE000  }
0x26c: {  	_ =	swait.ge [sflag:s10], $0x2000  }
0x26d: {  	[sflag:s10] =	ssyncset.done $0x0  }
0x26e: {  	p1 =	sne.s32 s26, $0x1;
	[sflag:s10] =	ssyncadd.s32 $0xFFFFE000  }
.Ltmp2:
0x26f: {  	_ =	swait.ge [sflag:s5], $0x2000;
	(pc) =	sbr.rel @p1 .LBB2_4-.Ltmp2, $4  }
0x270: {  	[sflag:s5] =	ssyncset.done $0x0  }
0x271: {  	[sflag:s5] =	ssyncadd.s32 $0xFFFFE000  }
0x272: {  	_ =	swait.ge [sflag:s3], $0x2000  }
0x273: {  	s26 =	sadd.s32 $0xFFFFFFFF, s26;
	s28 =	rddreg [dreg:$0xa];
	[sflag:s3] =	ssyncset.done $0x0  }
0x274: {  	s29 =	smov.u32 s1  }
0x275: {  	s0 =	simm.s32 $0x200;
	s30 =	simm.s32 $0x180;
	s31 =	simm.s32 $0x100  }
0x276: {  	s7 =	sld [smem:$0x7EF];
	s1 =	simm.s32 $0xA600;
	s16 =	simm.s32 $0x8600  }
0x277: {  	s18 =	simm.s32 $0x6600;
	s21 =	simm.s32 $0x4600;
	s6 =	simm.s32 $0xD  }
.LBB2_6:
0x278: {  	[sflag:s3] =	ssyncadd.s32 @p0 $0xFFFFE000  }
0x279: {  	[tilespmem:s2], [sflag:$0xD] =	stream.linear.gather [hbm4b:s28+s2], $0x200, $0x38;
	[tilespmem:$0xC600] =	vst v63  }
0x27a: {  	_ =	swait.ge [sflag:s6], $0x200  }
0x27b: {  	[sflag:s6] =	ssyncset.done $0x0  }
0x27c: {  	s26 =	rddreg [dreg:$0xb];
	[sflag:s6] =	ssyncadd.s32 $0xFFFFFE00  }
0x27d: {  	[tilespmem:s0], [sflag:$0xD] =	stream.linear.gather [hbm4b:s26+s2], $0x200, $0x38;
	[tilespmem:$0xC600] =	vst v63  }
0x27e: {  	_ =	swait.ge [sflag:s6], $0x200  }
0x27f: {  	[sflag:s6] =	ssyncset.done $0x0  }
0x280: {  	s25 =	rddreg [dreg:$0xc];
	[sflag:s6] =	ssyncadd.s32 $0xFFFFFE00  }
0x281: {  	[tilespmem:s24], [sflag:$0xD] =	stream.linear.gather [hbm4b:s25+s2], $0x200, $0x38;
	[tilespmem:$0xC600] =	vst v63  }
0x282: {  	_ =	swait.ge [sflag:s6], $0x200  }
0x283: {  	[sflag:s6] =	ssyncset.done $0x0  }
0x284: {  	s15 =	simm.s32 $0x600;
	[sflag:s6] =	ssyncadd.s32 $0xFFFFFE00  }
0x285: {  	[tilespmem:s15], [sflag:$0x1] =	stream.indirect.gather [hbm4b:s17+s14], $0x40, s2, s14, $0xb8;
	[tilespmem:$0xC600] =	vst v63  }
0x286: {  	s6 =	simm.s32 $0x2600  }
0x287: {  	[tilespmem:s6], [sflag:$0x2] =	stream.indirect.gather [hbm4b:s17+s14], $0x40, s14, s14, $0xb8;
	[tilespmem:$0xC600] =	vst v63  }
0x288: {  	_ = 	snop  }
0x289: {  	[tilespmem:s21], [sflag:$0x3] =	stream.indirect.gather [hbm4b:s17+s14], $0x40, s31, s14, $0xb8;
	[tilespmem:$0xC600] =	vst v63  }
0x28a: {  	_ = 	snop  }
0x28b: {  	[tilespmem:s18], [sflag:$0x4] =	stream.indirect.gather [hbm4b:s17+s14], $0x40, s30, s14, $0xb8;
	[tilespmem:$0xC600] =	vst v63  }
0x28c: {  	_ =	swait.ge [sflag:s9], $0x2000  }
0x28d: {  	[sflag:s9] =	ssyncset.done $0x0  }
0x28e: {  	s25 =	rddreg [dreg:$0xd];
	[sflag:s9] =	ssyncadd.s32 $0xFFFFE000  }
0x28f: {  	[hbm4b:s25+s2] =	stream.linear.scatter [tilespmem:s15], [sflag:$0x7], $0x2000, $0x38;
	[tilespmem:$0xC600] =	vst v63  }
0x290: {  	_ = 	snop  }
0x291: {  	[tilespmem:s16], [sflag:$0x5] =	stream.indirect.gather [hbm4b:s4+s14], $0x40, s2, s14, $0xb8;
	[tilespmem:$0xC600] =	vst v63  }
0x292: {  	_ =	swait.ge [sflag:s8], $0x2000  }
0x293: {  	[sflag:s8] =	ssyncset.done $0x0  }
0x294: {  	s28 =	rddreg [dreg:$0xe];
	[sflag:s8] =	ssyncadd.s32 $0xFFFFE000  }
0x295: {  	[hbm4b:s28+s2] =	stream.linear.scatter [tilespmem:s6], [sflag:$0x8], $0x2000, $0x38;
	[tilespmem:$0xC600] =	vst v63  }
0x296: {  	_ = 	snop  }
0x297: {  	[tilespmem:s1], [sflag:$0x6] =	stream.indirect.gather [hbm4b:s4+s14], $0x40, s14, s14, $0xb8;
	[tilespmem:$0xC600] =	vst v63  }
0x298: {  	_ =	swait.ge [sflag:s23], $0x2000  }
0x299: {  	[sflag:s23] =	ssyncset.done $0x0  }
0x29a: {  	s26 =	rddreg [dreg:$0xf];
	[sflag:s23] =	ssyncadd.s32 $0xFFFFE000  }
0x29b: {  	[hbm4b:s26+s2] =	stream.linear.scatter [tilespmem:s21], [sflag:$0x9], $0x2000, $0x38;
	[tilespmem:$0xC600] =	vst v63  }
0x29c: {  	_ =	swait.ge [sflag:s5], $0x2000  }
0x29d: {  	[sflag:s5] =	ssyncset.done $0x0  }
0x29e: {  	[sflag:s5] =	ssyncadd.s32 $0xFFFFE000  }
0x29f: {  	[tilespmem:s15], [sflag:$0x1] =	stream.indirect.gather [hbm4b:s4+s14], $0x40, s31, s14, $0xb8;
	[tilespmem:$0xC600] =	vst v63  }
0x2a0: {  	_ =	swait.ge [sflag:s22], $0x2000  }
0x2a1: {  	[sflag:s22] =	ssyncset.done $0x0  }
0x2a2: {  	s28 =	rddreg [dreg:$0x10];
	[sflag:s22] =	ssyncadd.s32 $0xFFFFE000  }
0x2a3: {  	[hbm4b:s28+s2] =	stream.linear.scatter [tilespmem:s18], [sflag:$0xA], $0x2000, $0x38;
	[tilespmem:$0xC600] =	vst v63  }
0x2a4: {  	_ =	swait.ge [sflag:s3], $0x2000  }
0x2a5: {  	[sflag:s3] =	ssyncset.done $0x0  }
0x2a6: {  	[sflag:s3] =	ssyncadd.s32 $0xFFFFE000  }
0x2a7: {  	[tilespmem:s6], [sflag:$0x2] =	stream.indirect.gather [hbm4b:s4+s14], $0x40, s30, s14, $0xb8;
	[tilespmem:$0xC600] =	vst v63  }
0x2a8: {  	_ =	swait.ge [sflag:s20], $0x2000  }
0x2a9: {  	[sflag:s20] =	ssyncset.done $0x0  }
0x2aa: {  	s26 =	rddreg [dreg:$0x11];
	[sflag:s20] =	ssyncadd.s32 $0xFFFFE000  }
0x2ab: {  	[hbm4b:s26+s2] =	stream.linear.scatter [tilespmem:s16], [sflag:$0xB], $0x2000, $0x38;
	[tilespmem:$0xC600] =	vst v63  }
0x2ac: {  	_ =	swait.ge [sflag:s13], $0x2000  }
0x2ad: {  	[sflag:s13] =	ssyncset.done $0x0  }
0x2ae: {  	[sflag:s13] =	ssyncadd.s32 $0xFFFFE000  }
0x2af: {  	[tilespmem:s21], [sflag:$0x3] =	stream.indirect.gather [hbm4b:s17+s14], $0x40, s0, s14, $0xb8;
	[tilespmem:$0xC600] =	vst v63  }
0x2b0: {  	_ =	swait.ge [sflag:s19], $0x2000  }
0x2b1: {  	[sflag:s19] =	ssyncset.done $0x0  }
0x2b2: {  	s28 =	rddreg [dreg:$0x12];
	[sflag:s19] =	ssyncadd.s32 $0xFFFFE000  }
0x2b3: {  	[hbm4b:s28+s2] =	stream.linear.scatter [tilespmem:s1], [sflag:$0xC], $0x2000, $0x38;
	[tilespmem:$0xC600] =	vst v63  }
0x2b4: {  	_ =	swait.ge [sflag:s12], $0x2000  }
0x2b5: {  	[sflag:s12] =	ssyncset.done $0x0  }
0x2b6: {  	s26 =	simm.s32 $0x280;
	[sflag:s12] =	ssyncadd.s32 $0xFFFFE000  }
0x2b7: {  	[tilespmem:s18], [sflag:$0x4] =	stream.indirect.gather [hbm4b:s17+s14], $0x40, s26, s14, $0xb8;
	[tilespmem:$0xC600] =	vst v63  }
0x2b8: {  	_ =	swait.ge [sflag:s9], $0x2000  }
0x2b9: {  	[sflag:s9] =	ssyncset.done $0x0  }
0x2ba: {  	s28 =	rddreg [dreg:$0x13];
	[sflag:s9] =	ssyncadd.s32 $0xFFFFE000  }
0x2bb: {  	[hbm4b:s28+s2] =	stream.linear.scatter [tilespmem:s15], [sflag:$0x7], $0x2000, $0x38;
	[tilespmem:$0xC600] =	vst v63  }
0x2bc: {  	_ =	swait.ge [sflag:s11], $0x2000  }
0x2bd: {  	[sflag:s11] =	ssyncset.done $0x0  }
0x2be: {  	s28 =	simm.s32 $0x300;
	[sflag:s11] =	ssyncadd.s32 $0xFFFFE000  }
0x2bf: {  	[tilespmem:s16], [sflag:$0x5] =	stream.indirect.gather [hbm4b:s17+s14], $0x40, s28, s14, $0xb8;
	[tilespmem:$0xC600] =	vst v63  }
0x2c0: {  	_ =	swait.ge [sflag:s8], $0x2000  }
0x2c1: {  	[sflag:s8] =	ssyncset.done $0x0  }
0x2c2: {  	s26 =	rddreg [dreg:$0x14];
	[sflag:s8] =	ssyncadd.s32 $0xFFFFE000  }
0x2c3: {  	[hbm4b:s26+s2] =	stream.linear.scatter [tilespmem:s6], [sflag:$0x8], $0x2000, $0x38;
	[tilespmem:$0xC600] =	vst v63  }
0x2c4: {  	_ =	swait.ge [sflag:s10], $0x2000  }
0x2c5: {  	[sflag:s10] =	ssyncset.done $0x0  }
0x2c6: {  	s26 =	simm.s32 $0x380;
	[sflag:s10] =	ssyncadd.s32 $0xFFFFE000  }
0x2c7: {  	[tilespmem:s1], [sflag:$0x6] =	stream.indirect.gather [hbm4b:s17+s14], $0x40, s26, s14, $0xb8;
	[tilespmem:$0xC600] =	vst v63  }
0x2c8: {  	_ =	swait.ge [sflag:s23], $0x2000  }
0x2c9: {  	[sflag:s23] =	ssyncset.done $0x0  }
0x2ca: {  	s25 =	rddreg [dreg:$0x15];
	[sflag:s23] =	ssyncadd.s32 $0xFFFFE000  }
0x2cb: {  	[hbm4b:s25+s2] =	stream.linear.scatter [tilespmem:s21], [sflag:$0x9], $0x2000, $0x38;
	[tilespmem:$0xC600] =	vst v63  }
0x2cc: {  	_ =	swait.ge [sflag:s5], $0x2000  }
0x2cd: {  	[sflag:s5] =	ssyncset.done $0x0  }
0x2ce: {  	[sflag:s5] =	ssyncadd.s32 $0xFFFFE000  }
0x2cf: {  	[tilespmem:s15], [sflag:$0x1] =	stream.indirect.gather [hbm4b:s4+s14], $0x40, s0, s14, $0xb8;
	[tilespmem:$0xC600] =	vst v63  }
0x2d0: {  	_ =	swait.ge [sflag:s22], $0x2000  }
0x2d1: {  	[sflag:s22] =	ssyncset.done $0x0  }
0x2d2: {  	s25 =	rddreg [dreg:$0x16];
	[sflag:s22] =	ssyncadd.s32 $0xFFFFE000  }
0x2d3: {  	[hbm4b:s25+s2] =	stream.linear.scatter [tilespmem:s18], [sflag:$0xA], $0x2000, $0x38;
	[tilespmem:$0xC600] =	vst v63  }
0x2d4: {  	_ =	swait.ge [sflag:s3], $0x2000  }
0x2d5: {  	[sflag:s3] =	ssyncset.done $0x0  }
0x2d6: {  	s25 =	simm.s32 $0x280;
	[sflag:s3] =	ssyncadd.s32 $0xFFFFE000  }
0x2d7: {  	[tilespmem:s6], [sflag:$0x2] =	stream.indirect.gather [hbm4b:s4+s14], $0x40, s25, s14, $0xb8;
	[tilespmem:$0xC600] =	vst v63  }
0x2d8: {  	_ =	swait.ge [sflag:s20], $0x2000  }
0x2d9: {  	[sflag:s20] =	ssyncset.done $0x0  }
0x2da: {  	s25 =	rddreg [dreg:$0x17];
	[sflag:s20] =	ssyncadd.s32 $0xFFFFE000  }
0x2db: {  	[hbm4b:s25+s2] =	stream.linear.scatter [tilespmem:s16], [sflag:$0xB], $0x2000, $0x38;
	[tilespmem:$0xC600] =	vst v63  }
0x2dc: {  	_ =	swait.ge [sflag:s13], $0x2000  }
0x2dd: {  	[sflag:s13] =	ssyncset.done $0x0  }
0x2de: {  	[sflag:s13] =	ssyncadd.s32 $0xFFFFE000  }
0x2df: {  	[tilespmem:s21], [sflag:$0x3] =	stream.indirect.gather [hbm4b:s4+s14], $0x40, s28, s14, $0xb8;
	[tilespmem:$0xC600] =	vst v63  }
0x2e0: {  	_ =	swait.ge [sflag:s19], $0x2000  }
0x2e1: {  	[sflag:s19] =	ssyncset.done $0x0  }
0x2e2: {  	s25 =	rddreg [dreg:$0x18];
	[sflag:s19] =	ssyncadd.s32 $0xFFFFE000  }
0x2e3: {  	[hbm4b:s25+s2] =	stream.linear.scatter [tilespmem:s1], [sflag:$0xC], $0x2000, $0x38;
	[tilespmem:$0xC600] =	vst v63  }
0x2e4: {  	_ =	swait.ge [sflag:s12], $0x2000  }
0x2e5: {  	[sflag:s12] =	ssyncset.done $0x0  }
0x2e6: {  	[sflag:s12] =	ssyncadd.s32 $0xFFFFE000  }
0x2e7: {  	[tilespmem:s18], [sflag:$0x4] =	stream.indirect.gather [hbm4b:s4+s14], $0x40, s26, s14, $0xb8;
	[tilespmem:$0xC600] =	vst v63  }
0x2e8: {  	_ =	swait.ge [sflag:s9], $0x2000  }
0x2e9: {  	[sflag:s9] =	ssyncset.done $0x0  }
0x2ea: {  	s28 =	rddreg [dreg:$0x19];
	[sflag:s9] =	ssyncadd.s32 $0xFFFFE000  }
0x2eb: {  	[hbm4b:s28+s2] =	stream.linear.scatter [tilespmem:s15], [sflag:$0x7], $0x2000, $0x38;
	[tilespmem:$0xC600] =	vst v63  }
0x2ec: {  	_ =	swait.ge [sflag:s11], $0x2000  }
0x2ed: {  	[sflag:s11] =	ssyncset.done $0x0  }
0x2ee: {  	[sflag:s11] =	ssyncadd.s32 $0xFFFFE000  }
0x2ef: {  	[tilespmem:s16], [sflag:$0x5] =	stream.indirect.gather [hbm4b:s7+s14], $0x40, s2, s14, $0xb8;
	[tilespmem:$0xC600] =	vst v63  }
0x2f0: {  	_ =	swait.ge [sflag:s8], $0x2000  }
0x2f1: {  	[sflag:s8] =	ssyncset.done $0x0  }
0x2f2: {  	s25 =	rddreg [dreg:$0x1a];
	[sflag:s8] =	ssyncadd.s32 $0xFFFFE000  }
0x2f3: {  	[hbm4b:s25+s2] =	stream.linear.scatter [tilespmem:s6], [sflag:$0x8], $0x2000, $0x38;
	[tilespmem:$0xC600] =	vst v63  }
0x2f4: {  	_ =	swait.ge [sflag:s10], $0x2000  }
0x2f5: {  	[sflag:s10] =	ssyncset.done $0x0  }
0x2f6: {  	[sflag:s10] =	ssyncadd.s32 $0xFFFFE000  }
0x2f7: {  	[tilespmem:s1], [sflag:$0x6] =	stream.indirect.gather [hbm4b:s7+s14], $0x40, s14, s14, $0xb8;
	[tilespmem:$0xC600] =	vst v63  }
0x2f8: {  	_ =	swait.ge [sflag:s23], $0x2000  }
0x2f9: {  	[sflag:s23] =	ssyncset.done $0x0  }
0x2fa: {  	s26 =	rddreg [dreg:$0x1b];
	[sflag:s23] =	ssyncadd.s32 $0xFFFFE000  }
0x2fb: {  	[hbm4b:s26+s2] =	stream.linear.scatter [tilespmem:s21], [sflag:$0x9], $0x2000, $0x38;
	[tilespmem:$0xC600] =	vst v63  }
0x2fc: {  	_ =	swait.ge [sflag:s5], $0x2000  }
0x2fd: {  	[sflag:s5] =	ssyncset.done $0x0  }
0x2fe: {  	[sflag:s5] =	ssyncadd.s32 $0xFFFFE000  }
0x2ff: {  	[tilespmem:s15], [sflag:$0x1] =	stream.indirect.gather [hbm4b:s7+s14], $0x40, s31, s14, $0xb8;
	[tilespmem:$0xC600] =	vst v63  }
0x300: {  	_ =	swait.ge [sflag:s22], $0x2000  }
0x301: {  	[sflag:s22] =	ssyncset.done $0x0  }
0x302: {  	s28 =	rddreg [dreg:$0x1c];
	[sflag:s22] =	ssyncadd.s32 $0xFFFFE000  }
0x303: {  	[hbm4b:s28+s2] =	stream.linear.scatter [tilespmem:s18], [sflag:$0xA], $0x2000, $0x38;
	[tilespmem:$0xC600] =	vst v63  }
0x304: {  	_ =	swait.ge [sflag:s3], $0x2000  }
0x305: {  	[sflag:s3] =	ssyncset.done $0x0  }
0x306: {  	[sflag:s3] =	ssyncadd.s32 $0xFFFFE000  }
0x307: {  	[tilespmem:s6], [sflag:$0x2] =	stream.indirect.gather [hbm4b:s7+s14], $0x40, s30, s14, $0xb8;
	[tilespmem:$0xC600] =	vst v63  }
0x308: {  	_ =	swait.ge [sflag:s20], $0x2000  }
0x309: {  	[sflag:s20] =	ssyncset.done $0x0  }
0x30a: {  	s7 =	rddreg [dreg:$0x1d];
	[sflag:s20] =	ssyncadd.s32 $0xFFFFE000  }
0x30b: {  	[hbm4b:s7+s2] =	stream.linear.scatter [tilespmem:s16], [sflag:$0xB], $0x2000, $0x38;
	[tilespmem:$0xC600] =	vst v63  }
0x30c: {  	_ =	swait.ge [sflag:s13], $0x2000  }
0x30d: {  	[sflag:s13] =	ssyncset.done $0x0  }
0x30e: {  	[sflag:s13] =	ssyncadd.s32 $0xFFFFE000  }
0x30f: {  	[tilespmem:s21], [sflag:$0x3] =	stream.indirect.gather [hbm4b:s29+s14], $0x40, s2, s14, $0xb8;
	[tilespmem:$0xC600] =	vst v63  }
0x310: {  	_ =	swait.ge [sflag:s19], $0x2000  }
0x311: {  	[sflag:s19] =	ssyncset.done $0x0  }
0x312: {  	s25 =	rddreg [dreg:$0x1e];
	[sflag:s19] =	ssyncadd.s32 $0xFFFFE000  }
0x313: {  	[hbm4b:s25+s2] =	stream.linear.scatter [tilespmem:s1], [sflag:$0xC], $0x2000, $0x38;
	[tilespmem:$0xC600] =	vst v63  }
0x314: {  	_ =	swait.ge [sflag:s12], $0x2000  }
0x315: {  	[sflag:s12] =	ssyncset.done $0x0  }
0x316: {  	[sflag:s12] =	ssyncadd.s32 $0xFFFFE000  }
0x317: {  	[tilespmem:s18], [sflag:$0x4] =	stream.indirect.gather [hbm4b:s29+s14], $0x40, s14, s14, $0xb8;
	[tilespmem:$0xC600] =	vst v63  }
0x318: {  	_ =	swait.ge [sflag:s9], $0x2000  }
0x319: {  	[sflag:s9] =	ssyncset.done $0x0  }
0x31a: {  	s26 =	rddreg [dreg:$0x1f];
	[sflag:s9] =	ssyncadd.s32 $0xFFFFE000  }
0x31b: {  	[hbm4b:s26+s2] =	stream.linear.scatter [tilespmem:s15], [sflag:$0x7], $0x2000, $0x38;
	[tilespmem:$0xC600] =	vst v63  }
0x31c: {  	_ =	swait.ge [sflag:s11], $0x2000  }
0x31d: {  	[sflag:s11] =	ssyncset.done $0x0  }
0x31e: {  	[sflag:s11] =	ssyncadd.s32 $0xFFFFE000  }
0x31f: {  	[tilespmem:s16], [sflag:$0x5] =	stream.indirect.gather [hbm4b:s29+s14], $0x40, s31, s14, $0xb8;
	[tilespmem:$0xC600] =	vst v63  }
0x320: {  	_ =	swait.ge [sflag:s8], $0x2000  }
0x321: {  	s28 =	sld [smem:$0x7F1]  }
0x322: {  	[sflag:s8] =	ssyncset.done $0x0  }
0x323: {  	[sflag:s8] =	ssyncadd.s32 $0xFFFFE000  }
0x324: {  	[hbm4b:s28+s2] =	stream.linear.scatter [tilespmem:s6], [sflag:$0x8], $0x2000, $0x38;
	[tilespmem:$0xC600] =	vst v63  }
0x325: {  	_ =	swait.ge [sflag:s10], $0x2000  }
0x326: {  	[sflag:s10] =	ssyncset.done $0x0  }
0x327: {  	[sflag:s10] =	ssyncadd.s32 $0xFFFFE000  }
0x328: {  	[tilespmem:s1], [sflag:$0x6] =	stream.indirect.gather [hbm4b:s29+s14], $0x40, s30, s14, $0xb8;
	[tilespmem:$0xC600] =	vst v63  }
0x329: {  	_ =	swait.ge [sflag:s23], $0x2000  }
0x32a: {  	s31 =	sld [smem:$0x7F2]  }
0x32b: {  	[sflag:s23] =	ssyncset.done $0x0  }
0x32c: {  	[sflag:s23] =	ssyncadd.s32 $0xFFFFE000  }
0x32d: {  	[hbm4b:s31+s2] =	stream.linear.scatter [tilespmem:s21], [sflag:$0x9], $0x2000, $0x38;
	[tilespmem:$0xC600] =	vst v63  }
0x32e: {  	_ =	swait.ge [sflag:s5], $0x2000  }
0x32f: {  	[sflag:s5] =	ssyncset.done $0x0  }
0x330: {  	[sflag:s5] =	ssyncadd.s32 $0xFFFFE000  }
0x331: {  	[tilespmem:s15], [sflag:$0x1] =	stream.indirect.gather [hbm4b:s17+s14], $0x40, s24, s14, $0xb8;
	[tilespmem:$0xC600] =	vst v63  }
0x332: {  	_ =	swait.ge [sflag:s22], $0x2000  }
0x333: {  	s7 =	sld [smem:$0x7F3]  }
0x334: {  	[sflag:s22] =	ssyncset.done $0x0  }
0x335: {  	[sflag:s22] =	ssyncadd.s32 $0xFFFFE000  }
0x336: {  	[hbm4b:s7+s2] =	stream.linear.scatter [tilespmem:s18], [sflag:$0xA], $0x2000, $0x38;
	[tilespmem:$0xC600] =	vst v63  }
0x337: {  	_ =	swait.ge [sflag:s3], $0x2000  }
0x338: {  	[sflag:s3] =	ssyncset.done $0x0  }
0x339: {  	s25 =	simm.s32 $0x480;
	[sflag:s3] =	ssyncadd.s32 $0xFFFFE000  }
0x33a: {  	[tilespmem:s6], [sflag:$0x2] =	stream.indirect.gather [hbm4b:s17+s14], $0x40, s25, s14, $0xb8;
	[tilespmem:$0xC600] =	vst v63  }
0x33b: {  	_ =	swait.ge [sflag:s20], $0x2000  }
0x33c: {  	s31 =	sld [smem:$0x7F4]  }
0x33d: {  	[sflag:s20] =	ssyncset.done $0x0  }
0x33e: {  	[sflag:s20] =	ssyncadd.s32 $0xFFFFE000  }
0x33f: {  	[hbm4b:s31+s2] =	stream.linear.scatter [tilespmem:s16], [sflag:$0xB], $0x2000, $0x38;
	[tilespmem:$0xC600] =	vst v63  }
0x340: {  	_ =	swait.ge [sflag:s13], $0x2000  }
0x341: {  	[sflag:s13] =	ssyncset.done $0x0  }
0x342: {  	s7 =	simm.s32 $0x500;
	[sflag:s13] =	ssyncadd.s32 $0xFFFFE000  }
0x343: {  	[tilespmem:s21], [sflag:$0x3] =	stream.indirect.gather [hbm4b:s17+s14], $0x40, s7, s14, $0xb8;
	[tilespmem:$0xC600] =	vst v63  }
0x344: {  	_ =	swait.ge [sflag:s19], $0x2000  }
0x345: {  	s28 =	sld [smem:$0x7F5]  }
0x346: {  	[sflag:s19] =	ssyncset.done $0x0  }
0x347: {  	[sflag:s19] =	ssyncadd.s32 $0xFFFFE000  }
0x348: {  	[hbm4b:s28+s2] =	stream.linear.scatter [tilespmem:s1], [sflag:$0xC], $0x2000, $0x38;
	[tilespmem:$0xC600] =	vst v63  }
0x349: {  	_ =	swait.ge [sflag:s12], $0x2000  }
0x34a: {  	[sflag:s12] =	ssyncset.done $0x0  }
0x34b: {  	s30 =	simm.s32 $0x580;
	[sflag:s12] =	ssyncadd.s32 $0xFFFFE000  }
0x34c: {  	[tilespmem:s18], [sflag:$0x4] =	stream.indirect.gather [hbm4b:s17+s14], $0x40, s30, s14, $0xb8;
	[tilespmem:$0xC600] =	vst v63  }
0x34d: {  	_ =	swait.ge [sflag:s9], $0x2000  }
0x34e: {  	s31 =	sld [smem:$0x7F6]  }
0x34f: {  	[sflag:s9] =	ssyncset.done $0x0  }
0x350: {  	[sflag:s9] =	ssyncadd.s32 $0xFFFFE000  }
0x351: {  	[hbm4b:s31+s2] =	stream.linear.scatter [tilespmem:s15], [sflag:$0x7], $0x2000, $0x38;
	[tilespmem:$0xC600] =	vst v63  }
0x352: {  	_ =	swait.ge [sflag:s11], $0x2000  }
0x353: {  	[sflag:s11] =	ssyncset.done $0x0  }
0x354: {  	[sflag:s11] =	ssyncadd.s32 $0xFFFFE000  }
0x355: {  	[tilespmem:s16], [sflag:$0x5] =	stream.indirect.gather [hbm4b:s4+s14], $0x40, s24, s14, $0xb8;
	[tilespmem:$0xC600] =	vst v63  }
0x356: {  	_ =	swait.ge [sflag:s8], $0x2000  }
0x357: {  	s17 =	sld [smem:$0x7F7]  }
0x358: {  	[sflag:s8] =	ssyncset.done $0x0  }
0x359: {  	[sflag:s8] =	ssyncadd.s32 $0xFFFFE000  }
0x35a: {  	[hbm4b:s17+s2] =	stream.linear.scatter [tilespmem:s6], [sflag:$0x8], $0x2000, $0x38;
	[tilespmem:$0xC600] =	vst v63  }
0x35b: {  	_ =	swait.ge [sflag:s10], $0x2000  }
0x35c: {  	[sflag:s10] =	ssyncset.done $0x0  }
0x35d: {  	s29 =	simm.s32 $0xA600;
	[sflag:s10] =	ssyncadd.s32 $0xFFFFE000  }
0x35e: {  	[tilespmem:s29], [sflag:$0x6] =	stream.indirect.gather [hbm4b:s4+s14], $0x40, s25, s14, $0xb8;
	[tilespmem:$0xC600] =	vst v63  }
0x35f: {  	_ =	swait.ge [sflag:s23], $0x2000  }
0x360: {  	s24 =	sld [smem:$0x7F8]  }
0x361: {  	[sflag:s23] =	ssyncset.done $0x0  }
0x362: {  	[sflag:s23] =	ssyncadd.s32 $0xFFFFE000  }
0x363: {  	[hbm4b:s24+s2] =	stream.linear.scatter [tilespmem:s21], [sflag:$0x9], $0x2000, $0x38;
	[tilespmem:$0xC600] =	vst v63  }
0x364: {  	_ =	swait.ge [sflag:s5], $0x2000  }
0x365: {  	[sflag:s5] =	ssyncset.done $0x0  }
0x366: {  	[sflag:s5] =	ssyncadd.s32 $0xFFFFE000  }
0x367: {  	[tilespmem:s15], [sflag:$0x1] =	stream.indirect.gather [hbm4b:s4+s14], $0x40, s7, s14, $0xb8;
	[tilespmem:$0xC600] =	vst v63  }
0x368: {  	_ =	swait.ge [sflag:s22], $0x2000  }
0x369: {  	s25 =	sld [smem:$0x7F9]  }
0x36a: {  	[sflag:s22] =	ssyncset.done $0x0  }
0x36b: {  	[sflag:s22] =	ssyncadd.s32 $0xFFFFE000  }
0x36c: {  	[hbm4b:s25+s2] =	stream.linear.scatter [tilespmem:s18], [sflag:$0xA], $0x2000, $0x38;
	[tilespmem:$0xC600] =	vst v63  }
0x36d: {  	_ =	swait.ge [sflag:s3], $0x2000  }
0x36e: {  	[sflag:s3] =	ssyncset.done $0x0  }
0x36f: {  	[sflag:s3] =	ssyncadd.s32 $0xFFFFE000  }
0x370: {  	[tilespmem:s6], [sflag:$0x2] =	stream.indirect.gather [hbm4b:s4+s14], $0x40, s30, s14, $0xb8;
	[tilespmem:$0xC600] =	vst v63  }
0x371: {  	_ =	swait.ge [sflag:s20], $0x2000  }
0x372: {  	s26 =	sld [smem:$0x7FA]  }
0x373: {  	[sflag:s20] =	ssyncset.done $0x0  }
0x374: {  	[sflag:s20] =	ssyncadd.s32 $0xFFFFE000  }
0x375: {  	[hbm4b:s26+s2] =	stream.linear.scatter [tilespmem:s16], [sflag:$0xB], $0x2000, $0x38;
	[tilespmem:$0xC600] =	vst v63  }
0x376: {  	_ =	swait.ge [sflag:s19], $0x2000  }
0x377: {  	s28 =	sld [smem:$0x7FB]  }
0x378: {  	[sflag:s19] =	ssyncset.done $0x0  }
0x379: {  	[sflag:s19] =	ssyncadd.s32 $0xFFFFE000  }
0x37a: {  	[hbm4b:s28+s2] =	stream.linear.scatter [tilespmem:s29], [sflag:$0xC], $0x2000, $0x38;
	[tilespmem:$0xC600] =	vst v63  }
0x37b: {  	_ =	swait.ge [sflag:s9], $0x2000  }
0x37c: {  	s29 =	sld [smem:$0x7FC]  }
0x37d: {  	[sflag:s9] =	ssyncset.done $0x0  }
0x37e: {  	[sflag:s9] =	ssyncadd.s32 $0xFFFFE000  }
0x37f: {  	[hbm4b:s29+s2] =	stream.linear.scatter [tilespmem:s15], [sflag:$0x7], $0x2000, $0x38;
	[tilespmem:$0xC600] =	vst v63  }
0x380: {  	_ =	swait.ge [sflag:s8], $0x2000  }
0x381: {  	s30 =	sld [smem:$0x7FD]  }
0x382: {  	[sflag:s8] =	ssyncset.done $0x0  }
0x383: {  	[sflag:s8] =	ssyncadd.s32 $0xFFFFE000  }
0x384: {  	[hbm4b:s30+s2] =	stream.linear.scatter [tilespmem:s6], [sflag:$0x8], $0x2000, $0x38;
	[tilespmem:$0xC600] =	vst v63  }
0x385: {  	_ =	swait.ge [sflag:s13], $0x2000  }
0x386: {  	[sflag:s13] =	ssyncset.done $0x0  }
0x387: {  	[sflag:s13] =	ssyncadd.s32 $0xFFFFE000  }
0x388: {  	_ =	swait.ge [sflag:s12], $0x2000  }
0x389: {  	[sflag:s12] =	ssyncset.done $0x0  }
0x38a: {  	[sflag:s12] =	ssyncadd.s32 $0xFFFFE000  }
0x38b: {  	_ =	swait.ge [sflag:s11], $0x2000  }
0x38c: {  	[sflag:s11] =	ssyncset.done $0x0  }
0x38d: {  	[sflag:s11] =	ssyncadd.s32 $0xFFFFE000  }
0x38e: {  	_ =	swait.ge [sflag:s10], $0x2000  }
0x38f: {  	[sflag:s10] =	ssyncset.done $0x0  }
0x390: {  	[sflag:s10] =	ssyncadd.s32 $0xFFFFE000  }
0x391: {  	_ =	swait.ge [sflag:s5], $0x2000  }
0x392: {  	[sflag:s5] =	ssyncset.done $0x0  }
0x393: {  	[sflag:s5] =	ssyncadd.s32 $0xFFFFE000  }
0x394: {  	_ =	swait.ge [sflag:s3], $0x2000  }
0x395: {  	[sflag:s3] =	ssyncset.done $0x0  }
0x396: {  	[sflag:s3] =	ssyncadd.s32 $0xFFFFE000  }
0x397: {  	_ =	sfence.sel $0x180000  }
0x398: {  	[bflag:$0x0] =	sbarrier.arrive $0xFFFF  }
0x399: {  	_ =	strace $0x90000047  }
0x39a: {  	s31 =	stileid.u32;
	[bflag:$0x2] =	sbarrier.arrive $0xFFFF  }
0x39b: {  	p0 =	sne.s32 s31, $0x0;
	s0 =	rddreg [dreg:$0x9]  }
0x39c: {  	s0 =	sadd.s32 @!p0 $0x100000, s0  }
0x39d: {  	[sflag:s0] =	ssyncadd.tile.s32 @!p0 $0x1;
	_ =	shalt  }
.LBB2_1:
.Ltmp3:
0x39e: {  	(pc) =	sbr.rel .LBB2_6-.Ltmp3, $2  }
0x39f: {  	_ =	sdelay $0x2  }
0x3a0: {  	s7 =	smov.u32 s26  }
.LBB2_7:
.Ltmp4:
0x3a1: {  	(pc) =	sbr.rel .LBB2_6-.Ltmp4, $4  }
0x3a2: {  	s29 =	smov.u32 s1  }
0x3a3: {  	s0 =	simm.s32 $0x200;
	s30 =	simm.s32 $0x180;
	s31 =	simm.s32 $0x100  }
0x3a4: {  	s7 =	sld [smem:$0x7EF];
	s1 =	simm.s32 $0xA600;
	s16 =	simm.s32 $0x8600  }
0x3a5: {  	s18 =	simm.s32 $0x6600;
	s21 =	simm.s32 $0x4600;
	s6 =	simm.s32 $0xD  }
.Lfunc_end2:
_tile_overlayer_lowered:
.L_overlay_start_2:
0x3a6: {  	(tag) =	ssettag $0x2  }
0x3a7: {  	s0 =	rddreg [dreg:$0x0];
	s2 =	stileid.u32  }
0x3a8: {  	s1 =	rddreg [dreg:$0x1];
	p0 =	sne.s32 s2, $0x0  }
0x3a9: {  	s3 =	rddreg [dreg:$0x2];
	[bflag:$0x3] =	sbarrier.arrive $0xFFFF;
	s2 =	simm.s32 @!p0 $0x1C0D  }
0x3aa: {  	[timem:s3], [sflag:s2] =	dma.local @!p0 [hbm:s0], s1  }
0x3ab: {  	s0 =	simm.s32 @!p0 $0xD  }
0x3ac: {  	_ =	swait.ge @!p0 [sflag:s0], s1  }
0x3ad: {  	s1 =	ssub.s32 @!p0 $0x0, s1;
	[sflag:s0] =	ssyncset.done @!p0 $0x0  }
0x3ae: {  	[sflag:s0] =	ssyncadd.s32 @!p0 s1  }
0x3af: {  	[bflag:$0x3] =	sbarrier.arrive $0xFFFF  }
0x3b0: {  	_ =	shalt  }

</sc_bundles>
